<compile_context>
chip_gen: v7x
topology: tpu7x:2x2x1
jax: 0.10.2.dev20260603
libtpu: 0.0.44.dev20260713+nightly
codegen_flags: <defaults>
</compile_context>

<pallas_src>
import functools

import jax
import jax.numpy as jnp
from jax import lax
from jax.experimental import pallas as pl
from jax.experimental.pallas import tpu as pltpu
from jax.experimental.pallas import tpu_sc as plsc

B = 4
S = 8192
D = 1024
LANES = 16

SC_SEQ0 = 7168
SC_SEQ = S - SC_SEQ0

NC = 2
NSUB = 16
NW = NC * NSUB
SEQ_PER_W = SC_SEQ // NW
CH = 16
NCHUNK = SEQ_PER_W // CH
NSTEP_SC = NCHUNK * B
VECS = (CH * D) // LANES

R = 1024
NS_BLK = SC_SEQ0 // R
NSTEP_TC = NS_BLK * B
XSLOTS = 4
PSLOTS = 2


def _sc_kernel(x_hbm, pe_hbm, out_hbm, xbuf, pebuf, xsem, psem, osem):
    wid = lax.axis_index("s") * NC + lax.axis_index("c")
    s0 = SC_SEQ0 + wid * SEQ_PER_W

    def row_of(c, b):
        return b * S + s0 + c * CH

    def x_load(c, b, k):
        pltpu.async_copy(
            x_hbm.at[pl.ds(row_of(c, b), CH)], xbuf.at[k], xsem.at[k])

    def x_wait(c, b, k):
        pltpu.make_async_copy(
            x_hbm.at[pl.ds(row_of(c, b), CH)], xbuf.at[k], xsem.at[k]).wait()

    def pe_load(c, p):
        pltpu.async_copy(
            pe_hbm.at[pl.ds(s0 + c * CH, CH)], pebuf.at[p], psem.at[p])

    def pe_wait(c, p):
        pltpu.make_async_copy(
            pe_hbm.at[pl.ds(s0 + c * CH, CH)], pebuf.at[p],
            psem.at[p]).wait()

    def o_store(c, b, k):
        pltpu.async_copy(
            xbuf.at[k], out_hbm.at[pl.ds(row_of(c, b), CH)], osem.at[k])

    def o_wait(c, b, k):
        pltpu.make_async_copy(
            xbuf.at[k], out_hbm.at[pl.ds(row_of(c, b), CH)],
            osem.at[k]).wait()

    def add(k, p):
        xb = xbuf.at[k]
        pb = pebuf.at[p]

        @plsc.parallel_loop(0, VECS, unroll=8)
        def _(j):
            r = lax.shift_right_logical(j, 6)
            o = pl.multiple_of(
                lax.shift_left(lax.bitwise_and(j, 63), 4), LANES)
            plsc.addupdate(
                xb.at[r].at[pl.ds(o, LANES)], pb.at[r][pl.ds(o, LANES)])

    pe_load(0, 0)
    pe_load(1, 1)
    for t in range(3):
        x_load(t // 4, t % 4, t % 4)

    for t in range(NSTEP_SC):
        c, b = divmod(t, 4)
        k = t % 4
        p = c % 2
        x_wait(c, b, k)
        if b == 0:
            pe_wait(c, p)
        add(k, p)
        o_store(c, b, k)
        if b == 3 and c + 2 < NCHUNK:
            pe_load(c + 2, p)
        if t >= 1:
            c1, b1 = divmod(t - 1, 4)
            o_wait(c1, b1, (t - 1) % 4)
        if t + 3 < NSTEP_SC:
            c3, b3 = divmod(t + 3, 4)
            x_load(c3, b3, (t + 3) % 4)
    o_wait(NCHUNK - 1, 3, (NSTEP_SC - 1) % 4)


def _tc_body(sc_hbm, x_hbm, pe_hbm, out_hbm, xb, peb, xsem, psem, osem):
    del sc_hbm

    def x_rows(t):
        s_blk, b = divmod(t, B)
        return b * S + s_blk * R

    def x_load(t):
        k = t % XSLOTS
        pltpu.make_async_copy(
            x_hbm.at[pl.ds(x_rows(t), R)], xb.at[k], xsem.at[k]).start()

    def x_wait(t):
        k = t % XSLOTS
        pltpu.make_async_copy(
            x_hbm.at[pl.ds(x_rows(t), R)], xb.at[k], xsem.at[k]).wait()

    def pe_load(s_blk):
        p = s_blk % PSLOTS
        pltpu.make_async_copy(
            pe_hbm.at[pl.ds(s_blk * R, R)], peb.at[p], psem.at[p]).start()

    def pe_wait(s_blk):
        p = s_blk % PSLOTS
        pltpu.make_async_copy(
            pe_hbm.at[pl.ds(s_blk * R, R)], peb.at[p], psem.at[p]).wait()

    def o_store(t):
        k = t % XSLOTS
        pltpu.make_async_copy(
            xb.at[k], out_hbm.at[pl.ds(x_rows(t), R)], osem.at[k]).start()

    def o_wait(t):
        k = t % XSLOTS
        pltpu.make_async_copy(
            xb.at[k], out_hbm.at[pl.ds(x_rows(t), R)], osem.at[k]).wait()

    pe_load(0)
    pe_load(1)
    for t in range(3):
        x_load(t)

    for t in range(NSTEP_TC):
        s_blk, b = divmod(t, B)
        x_wait(t)
        if b == 0:
            pe_wait(s_blk)
        k = t % XSLOTS
        xb[k] = xb[k] + peb[s_blk % PSLOTS]
        o_store(t)
        if b == B - 1 and s_blk + 2 < NS_BLK:
            pe_load(s_blk + 2)
        if t >= 1:
            o_wait(t - 1)
        if t + 3 < NSTEP_TC:
            x_load(t + 3)
    o_wait(NSTEP_TC - 1)


def kernel(x, pe):
    x2 = x.reshape(B * S, D)

    sc_run = functools.partial(
        pl.kernel,
        mesh=plsc.VectorSubcoreMesh(core_axis_name="c", subcore_axis_name="s"),
        out_type=jax.ShapeDtypeStruct((B * S, D), jnp.float32),
        scratch_types=[
            pltpu.VMEM((4, CH, D), jnp.float32),
            pltpu.VMEM((2, CH, D), jnp.float32),
            pltpu.SemaphoreType.DMA((4,)),
            pltpu.SemaphoreType.DMA((2,)),
            pltpu.SemaphoreType.DMA((4,)),
        ],
    )(_sc_kernel)
    partial_out = sc_run(x2, pe)

    out = pl.pallas_call(
        _tc_body,
        in_specs=[
            pl.BlockSpec(memory_space=pl.ANY),
            pl.BlockSpec(memory_space=pl.ANY),
            pl.BlockSpec(memory_space=pl.ANY),
        ],
        out_specs=pl.BlockSpec(memory_space=pl.ANY),
        out_shape=jax.ShapeDtypeStruct((B * S, D), x.dtype),
        input_output_aliases={0: 0},
        scratch_shapes=[
            pltpu.VMEM((XSLOTS, R, D), jnp.float32),
            pltpu.VMEM((PSLOTS, R, D), jnp.float32),
            pltpu.SemaphoreType.DMA((XSLOTS,)),
            pltpu.SemaphoreType.DMA((PSLOTS,)),
            pltpu.SemaphoreType.DMA((XSLOTS,)),
        ],
    )(partial_out, x2, pe)
    return out.reshape(B, S, D)

# --- scband reference (transcript-rebuilt; emitter-appended) ---
"""Pipeline reference for scband-learnable-pos-encoding-13477607375199 (READ-ONLY COPY).

The authoritative reference and input builder live on the scoring server;
editing this copy changes nothing except your own understanding.
"""

import jax, jax.numpy as jnp
import numpy as np

D_MODEL = 1024
SEQ_LEN = 8192
BATCH = 4

def setup_inputs(seed: int = 0) -> dict:
    key = jax.random.key(seed)
    k1, k2 = jax.random.split(key)
    x = jax.random.normal(k1, (BATCH, SEQ_LEN, D_MODEL), dtype=jnp.float32)
    # learned positional embedding table, like nn.Embedding(seq_len, d_model)
    pe = jax.random.normal(k2, (SEQ_LEN, D_MODEL), dtype=jnp.float32)
    return {"x": x, "pe": pe}

def reference(x, pe):
    seq_len = x.shape[1]
    idx = jnp.arange(seq_len)
    pos = jnp.take(pe, idx, axis=0)  # embedding lookup (gather)
    return x + pos

if __name__ == "__main__":
    import jax
    _d = setup_inputs()
    print(jax.jit(kernel)(*tuple(_d.values())))

</pallas_src>

<mosaic_0001>
#map = affine_map<(d0, d1) -> (0, 0)>
module attributes {stable_mosaic.version = 14 : i64} {
  func.func @_sc_kernel(%arg0: i32, %arg1: i32, %arg2: memref<32768x1024xf32, #tpu.memory_space<hbm>>, %arg3: memref<8192x1024xf32, #tpu.memory_space<hbm>>, %arg4: memref<32768x1024xf32, #tpu.memory_space<hbm>>, %arg5: memref<4x16x1024xf32, #tpu.memory_space<vmem>>, %arg6: memref<2x16x1024xf32, #tpu.memory_space<vmem>>, %arg7: memref<4x!tpu.dma_semaphore, #tpu.memory_space<semaphore_mem>>, %arg8: memref<2x!tpu.dma_semaphore, #tpu.memory_space<semaphore_mem>>, %arg9: memref<4x!tpu.dma_semaphore, #tpu.memory_space<semaphore_mem>>) attributes {dimension_semantics = [#tpu.dimension_semantics<core_parallel>, #tpu.dimension_semantics<subcore_parallel>], iteration_bounds = array<i64: 2, 16>, scalar_prefetch = 0 : i64, scratch_operands = 5 : i64, tpu.core_type = #tpu.core_type<sc_vector_subcore>, window_params = [{transform_indices = #map}, {transform_indices = #map}, {transform_indices = #map}]} {
    %mul3A = arith.constant 2 : i32
    %mul3A_0 = arith.muli %arg1, %mul3A : i32
    %add3A = arith.addi %mul3A_0, %arg0 : i32
    %mul3A_1 = arith.constant 32 : i32
    %mul3A_2 = arith.muli %add3A, %mul3A_1 : i32
    %add3A_3 = arith.constant 7168 : i32
    %add3A_4 = arith.addi %add3A_3, %mul3A_2 : i32
    %add3A_5 = arith.constant 0 : i32
    %add3A_6 = arith.addi %add3A_4, %add3A_5 : i32
    %dma_start3A = arith.constant 0 : i32
    %dma_start3A_7 = arith.constant 0 : i32
    %dma_start3A_8 = arith.constant 0 : i32
    %dma_start3A_9 = arith.constant 0 : i32
    %dma_start3A_10 = tpu.memref_slice %arg6[%dma_start3A, %dma_start3A_8, %dma_start3A_9] : memref<2x16x1024xf32, #tpu.memory_space<vmem>> -> memref<1x16x1024xf32, #tpu.memory_space<vmem>>
    %dma_start3A_11 = tpu.memref_squeeze %dma_start3A_10 : memref<1x16x1024xf32, #tpu.memory_space<vmem>> -> memref<16x1024xf32, #tpu.memory_space<vmem>>
    %dma_start3A_12 = arith.constant 0 : i32
    %dma_start3A_13 = tpu.memref_slice %arg3[%add3A_6, %dma_start3A_12] : memref<8192x1024xf32, #tpu.memory_space<hbm>> -> memref<16x1024xf32, #tpu.memory_space<hbm>>
    %dma_start3A_14 = tpu.memref_slice %arg8[%dma_start3A_7] : memref<2x!tpu.dma_semaphore, #tpu.memory_space<semaphore_mem>> -> memref<1x!tpu.dma_semaphore, #tpu.memory_space<semaphore_mem>>
    %dma_start3A_15 = tpu.memref_squeeze %dma_start3A_14 : memref<1x!tpu.dma_semaphore, #tpu.memory_space<semaphore_mem>> -> memref<!tpu.dma_semaphore, #tpu.memory_space<semaphore_mem>>
    %dma_start3A_16 = arith.constant 0 : i32
    %dma_start3A_17 = arith.constant 0 : i32
    %dma_start3A_18 = tpu.memref_slice %arg6[%dma_start3A, %dma_start3A_16, %dma_start3A_17] : memref<2x16x1024xf32, #tpu.memory_space<vmem>> -> memref<1x16x1024xf32, #tpu.memory_space<vmem>>
    %dma_start3A_19 = tpu.memref_squeeze %dma_start3A_18 : memref<1x16x1024xf32, #tpu.memory_space<vmem>> -> memref<16x1024xf32, #tpu.memory_space<vmem>>
    %dma_start3A_20 = arith.constant 0 : i32
    %dma_start3A_21 = tpu.memref_slice %arg3[%add3A_6, %dma_start3A_20] : memref<8192x1024xf32, #tpu.memory_space<hbm>> -> memref<16x1024xf32, #tpu.memory_space<hbm>>
    tpu.enqueue_dma source(%dma_start3A_21 : memref<16x1024xf32, #tpu.memory_space<hbm>>) target(%dma_start3A_19 : memref<16x1024xf32, #tpu.memory_space<vmem>>) target_semaphore(%dma_start3A_15 : memref<!tpu.dma_semaphore, #tpu.memory_space<semaphore_mem>>)
    %add3A_22 = arith.constant 16 : i32
    %add3A_23 = arith.addi %add3A_4, %add3A_22 : i32
    %dma_start3A_24 = arith.constant 1 : i32
    %dma_start3A_25 = arith.constant 1 : i32
    %dma_start3A_26 = arith.constant 0 : i32
    %dma_start3A_27 = arith.constant 0 : i32
    %dma_start3A_28 = tpu.memref_slice %arg6[%dma_start3A_24, %dma_start3A_26, %dma_start3A_27] : memref<2x16x1024xf32, #tpu.memory_space<vmem>> -> memref<1x16x1024xf32, #tpu.memory_space<vmem>>
    %dma_start3A_29 = tpu.memref_squeeze %dma_start3A_28 : memref<1x16x1024xf32, #tpu.memory_space<vmem>> -> memref<16x1024xf32, #tpu.memory_space<vmem>>
    %dma_start3A_30 = arith.constant 0 : i32
    %dma_start3A_31 = tpu.memref_slice %arg3[%add3A_23, %dma_start3A_30] : memref<8192x1024xf32, #tpu.memory_space<hbm>> -> memref<16x1024xf32, #tpu.memory_space<hbm>>
    %dma_start3A_32 = tpu.memref_slice %arg8[%dma_start3A_25] : memref<2x!tpu.dma_semaphore, #tpu.memory_space<semaphore_mem>> -> memref<1x!tpu.dma_semaphore, #tpu.memory_space<semaphore_mem>>
    %dma_start3A_33 = tpu.memref_squeeze %dma_start3A_32 : memref<1x!tpu.dma_semaphore, #tpu.memory_space<semaphore_mem>> -> memref<!tpu.dma_semaphore, #tpu.memory_space<semaphore_mem>>
    %dma_start3A_34 = arith.constant 0 : i32
    %dma_start3A_35 = arith.constant 0 : i32
    %dma_start3A_36 = tpu.memref_slice %arg6[%dma_start3A_24, %dma_start3A_34, %dma_start3A_35] : memref<2x16x1024xf32, #tpu.memory_space<vmem>> -> memref<1x16x1024xf32, #tpu.memory_space<vmem>>
    %dma_start3A_37 = tpu.memref_squeeze %dma_start3A_36 : memref<1x16x1024xf32, #tpu.memory_space<vmem>> -> memref<16x1024xf32, #tpu.memory_space<vmem>>
    %dma_start3A_38 = arith.constant 0 : i32
    %dma_start3A_39 = tpu.memref_slice %arg3[%add3A_23, %dma_start3A_38] : memref<8192x1024xf32, #tpu.memory_space<hbm>> -> memref<16x1024xf32, #tpu.memory_space<hbm>>
    tpu.enqueue_dma source(%dma_start3A_39 : memref<16x1024xf32, #tpu.memory_space<hbm>>) target(%dma_start3A_37 : memref<16x1024xf32, #tpu.memory_space<vmem>>) target_semaphore(%dma_start3A_33 : memref<!tpu.dma_semaphore, #tpu.memory_space<semaphore_mem>>)
    %add3A_40 = arith.constant 0 : i32
    %add3A_41 = arith.addi %add3A_40, %add3A_4 : i32
    %add3A_42 = arith.constant 0 : i32
    %add3A_43 = arith.addi %add3A_41, %add3A_42 : i32
    %dma_start3A_44 = arith.constant 0 : i32
    %dma_start3A_45 = arith.constant 0 : i32
    %dma_start3A_46 = arith.constant 0 : i32
    %dma_start3A_47 = arith.constant 0 : i32
    %dma_start3A_48 = tpu.memref_slice %arg5[%dma_start3A_44, %dma_start3A_46, %dma_start3A_47] : memref<4x16x1024xf32, #tpu.memory_space<vmem>> -> memref<1x16x1024xf32, #tpu.memory_space<vmem>>
    %dma_start3A_49 = tpu.memref_squeeze %dma_start3A_48 : memref<1x16x1024xf32, #tpu.memory_space<vmem>> -> memref<16x1024xf32, #tpu.memory_space<vmem>>
    %dma_start3A_50 = arith.constant 0 : i32
    %dma_start3A_51 = tpu.memref_slice %arg2[%add3A_43, %dma_start3A_50] : memref<32768x1024xf32, #tpu.memory_space<hbm>> -> memref<16x1024xf32, #tpu.memory_space<hbm>>
    %dma_start3A_52 = tpu.memref_slice %arg7[%dma_start3A_45] : memref<4x!tpu.dma_semaphore, #tpu.memory_space<semaphore_mem>> -> memref<1x!tpu.dma_semaphore, #tpu.memory_space<semaphore_mem>>
    %dma_start3A_53 = tpu.memref_squeeze %dma_start3A_52 : memref<1x!tpu.dma_semaphore, #tpu.memory_space<semaphore_mem>> -> memref<!tpu.dma_semaphore, #tpu.memory_space<semaphore_mem>>
    %dma_start3A_54 = arith.constant 0 : i32
    %dma_start3A_55 = arith.constant 0 : i32
    %dma_start3A_56 = tpu.memref_slice %arg5[%dma_start3A_44, %dma_start3A_54, %dma_start3A_55] : memref<4x16x1024xf32, #tpu.memory_space<vmem>> -> memref<1x16x1024xf32, #tpu.memory_space<vmem>>
    %dma_start3A_57 = tpu.memref_squeeze %dma_start3A_56 : memref<1x16x1024xf32, #tpu.memory_space<vmem>> -> memref<16x1024xf32, #tpu.memory_space<vmem>>
    %dma_start3A_58 = arith.constant 0 : i32
    %dma_start3A_59 = tpu.memref_slice %arg2[%add3A_43, %dma_start3A_58] : memref<32768x1024xf32, #tpu.memory_space<hbm>> -> memref<16x1024xf32, #tpu.memory_space<hbm>>
    tpu.enqueue_dma source(%dma_start3A_59 : memref<16x1024xf32, #tpu.memory_space<hbm>>) target(%dma_start3A_57 : memref<16x1024xf32, #tpu.memory_space<vmem>>) target_semaphore(%dma_start3A_53 : memref<!tpu.dma_semaphore, #tpu.memory_space<semaphore_mem>>)
    %add3A_60 = arith.constant 8192 : i32
    %add3A_61 = arith.addi %add3A_60, %add3A_4 : i32
    %add3A_62 = arith.constant 0 : i32
    %add3A_63 = arith.addi %add3A_61, %add3A_62 : i32
    %dma_start3A_64 = arith.constant 1 : i32
    %dma_start3A_65 = arith.constant 1 : i32
    %dma_start3A_66 = arith.constant 0 : i32
    %dma_start3A_67 = arith.constant 0 : i32
    %dma_start3A_68 = tpu.memref_slice %arg5[%dma_start3A_64, %dma_start3A_66, %dma_start3A_67] : memref<4x16x1024xf32, #tpu.memory_space<vmem>> -> memref<1x16x1024xf32, #tpu.memory_space<vmem>>
    %dma_start3A_69 = tpu.memref_squeeze %dma_start3A_68 : memref<1x16x1024xf32, #tpu.memory_space<vmem>> -> memref<16x1024xf32, #tpu.memory_space<vmem>>
    %dma_start3A_70 = arith.constant 0 : i32
    %dma_start3A_71 = tpu.memref_slice %arg2[%add3A_63, %dma_start3A_70] : memref<32768x1024xf32, #tpu.memory_space<hbm>> -> memref<16x1024xf32, #tpu.memory_space<hbm>>
    %dma_start3A_72 = tpu.memref_slice %arg7[%dma_start3A_65] : memref<4x!tpu.dma_semaphore, #tpu.memory_space<semaphore_mem>> -> memref<1x!tpu.dma_semaphore, #tpu.memory_space<semaphore_mem>>
    %dma_start3A_73 = tpu.memref_squeeze %dma_start3A_72 : memref<1x!tpu.dma_semaphore, #tpu.memory_space<semaphore_mem>> -> memref<!tpu.dma_semaphore, #tpu.memory_space<semaphore_mem>>
    %dma_start3A_74 = arith.constant 0 : i32
    %dma_start3A_75 = arith.constant 0 : i32
    %dma_start3A_76 = tpu.memref_slice %arg5[%dma_start3A_64, %dma_start3A_74, %dma_start3A_75] : memref<4x16x1024xf32, #tpu.memory_space<vmem>> -> memref<1x16x1024xf32, #tpu.memory_space<vmem>>
    %dma_start3A_77 = tpu.memref_squeeze %dma_start3A_76 : memref<1x16x1024xf32, #tpu.memory_space<vmem>> -> memref<16x1024xf32, #tpu.memory_space<vmem>>
    %dma_start3A_78 = arith.constant 0 : i32
    %dma_start3A_79 = tpu.memref_slice %arg2[%add3A_63, %dma_start3A_78] : memref<32768x1024xf32, #tpu.memory_space<hbm>> -> memref<16x1024xf32, #tpu.memory_space<hbm>>
    tpu.enqueue_dma source(%dma_start3A_79 : memref<16x1024xf32, #tpu.memory_space<hbm>>) target(%dma_start3A_77 : memref<16x1024xf32, #tpu.memory_space<vmem>>) target_semaphore(%dma_start3A_73 : memref<!tpu.dma_semaphore, #tpu.memory_space<semaphore_mem>>)
    %add3A_80 = arith.constant 16384 : i32
    %add3A_81 = arith.addi %add3A_80, %add3A_4 : i32
    %add3A_82 = arith.constant 0 : i32
    %add3A_83 = arith.addi %add3A_81, %add3A_82 : i32
    %dma_start3A_84 = arith.constant 2 : i32
    %dma_start3A_85 = arith.constant 2 : i32
    %dma_start3A_86 = arith.constant 0 : i32
    %dma_start3A_87 = arith.constant 0 : i32
    %dma_start3A_88 = tpu.memref_slice %arg5[%dma_start3A_84, %dma_start3A_86, %dma_start3A_87] : memref<4x16x1024xf32, #tpu.memory_space<vmem>> -> memref<1x16x1024xf32, #tpu.memory_space<vmem>>
    %dma_start3A_89 = tpu.memref_squeeze %dma_start3A_88 : memref<1x16x1024xf32, #tpu.memory_space<vmem>> -> memref<16x1024xf32, #tpu.memory_space<vmem>>
    %dma_start3A_90 = arith.constant 0 : i32
    %dma_start3A_91 = tpu.memref_slice %arg2[%add3A_83, %dma_start3A_90] : memref<32768x1024xf32, #tpu.memory_space<hbm>> -> memref<16x1024xf32, #tpu.memory_space<hbm>>
    %dma_start3A_92 = tpu.memref_slice %arg7[%dma_start3A_85] : memref<4x!tpu.dma_semaphore, #tpu.memory_space<semaphore_mem>> -> memref<1x!tpu.dma_semaphore, #tpu.memory_space<semaphore_mem>>
    %dma_start3A_93 = tpu.memref_squeeze %dma_start3A_92 : memref<1x!tpu.dma_semaphore, #tpu.memory_space<semaphore_mem>> -> memref<!tpu.dma_semaphore, #tpu.memory_space<semaphore_mem>>
    %dma_start3A_94 = arith.constant 0 : i32
    %dma_start3A_95 = arith.constant 0 : i32
    %dma_start3A_96 = tpu.memref_slice %arg5[%dma_start3A_84, %dma_start3A_94, %dma_start3A_95] : memref<4x16x1024xf32, #tpu.memory_space<vmem>> -> memref<1x16x1024xf32, #tpu.memory_space<vmem>>
    %dma_start3A_97 = tpu.memref_squeeze %dma_start3A_96 : memref<1x16x1024xf32, #tpu.memory_space<vmem>> -> memref<16x1024xf32, #tpu.memory_space<vmem>>
    %dma_start3A_98 = arith.constant 0 : i32
    %dma_start3A_99 = tpu.memref_slice %arg2[%add3A_83, %dma_start3A_98] : memref<32768x1024xf32, #tpu.memory_space<hbm>> -> memref<16x1024xf32, #tpu.memory_space<hbm>>
    tpu.enqueue_dma source(%dma_start3A_99 : memref<16x1024xf32, #tpu.memory_space<hbm>>) target(%dma_start3A_97 : memref<16x1024xf32, #tpu.memory_space<vmem>>) target_semaphore(%dma_start3A_93 : memref<!tpu.dma_semaphore, #tpu.memory_space<semaphore_mem>>)
    %add3A_100 = arith.constant 0 : i32
    %add3A_101 = arith.addi %add3A_100, %add3A_4 : i32
    %add3A_102 = arith.constant 0 : i32
    %add3A_103 = arith.addi %add3A_101, %add3A_102 : i32
    %dma_wait3A = arith.constant 0 : i32
    %dma_wait3A_104 = arith.constant 0 : i32
    %dma_wait3A_105 = arith.constant 0 : i32
    %dma_wait3A_106 = arith.constant 0 : i32
    %dma_wait3A_107 = tpu.memref_slice %arg5[%dma_wait3A, %dma_wait3A_105, %dma_wait3A_106] : memref<4x16x1024xf32, #tpu.memory_space<vmem>> -> memref<1x16x1024xf32, #tpu.memory_space<vmem>>
    %dma_wait3A_108 = tpu.memref_squeeze %dma_wait3A_107 : memref<1x16x1024xf32, #tpu.memory_space<vmem>> -> memref<16x1024xf32, #tpu.memory_space<vmem>>
    %dma_wait3A_109 = arith.constant 0 : i32
    %dma_wait3A_110 = tpu.memref_slice %arg2[%add3A_103, %dma_wait3A_109] : memref<32768x1024xf32, #tpu.memory_space<hbm>> -> memref<16x1024xf32, #tpu.memory_space<hbm>>
    %dma_wait3A_111 = tpu.memref_slice %arg7[%dma_wait3A_104] : memref<4x!tpu.dma_semaphore, #tpu.memory_space<semaphore_mem>> -> memref<1x!tpu.dma_semaphore, #tpu.memory_space<semaphore_mem>>
    %dma_wait3A_112 = tpu.memref_squeeze %dma_wait3A_111 : memref<1x!tpu.dma_semaphore, #tpu.memory_space<semaphore_mem>> -> memref<!tpu.dma_semaphore, #tpu.memory_space<semaphore_mem>>
    %dma_wait3A_113 = arith.constant 0 : i32
    %dma_wait3A_114 = arith.constant 0 : i32
    %dma_wait3A_115 = tpu.memref_slice %arg5[%dma_wait3A, %dma_wait3A_113, %dma_wait3A_114] : memref<4x16x1024xf32, #tpu.memory_space<vmem>> -> memref<1x16x1024xf32, #tpu.memory_space<vmem>>
    %dma_wait3A_116 = tpu.memref_squeeze %dma_wait3A_115 : memref<1x16x1024xf32, #tpu.memory_space<vmem>> -> memref<16x1024xf32, #tpu.memory_space<vmem>>
    %dma_wait3A_117 = arith.constant 0 : i32
    %dma_wait3A_118 = tpu.memref_slice %arg2[%add3A_103, %dma_wait3A_117] : memref<32768x1024xf32, #tpu.memory_space<hbm>> -> memref<16x1024xf32, #tpu.memory_space<hbm>>
    tpu.wait_dma2 semaphore(%dma_wait3A_112 : memref<!tpu.dma_semaphore, #tpu.memory_space<semaphore_mem>>) src(%dma_wait3A_118 : memref<16x1024xf32, #tpu.memory_space<hbm>>) dst(%dma_wait3A_116 : memref<16x1024xf32, #tpu.memory_space<vmem>>)
    %add3A_119 = arith.constant 0 : i32
    %add3A_120 = arith.addi %add3A_4, %add3A_119 : i32
    %dma_wait3A_121 = arith.constant 0 : i32
    %dma_wait3A_122 = arith.constant 0 : i32
    %dma_wait3A_123 = arith.constant 0 : i32
    %dma_wait3A_124 = arith.constant 0 : i32
    %dma_wait3A_125 = tpu.memref_slice %arg6[%dma_wait3A_121, %dma_wait3A_123, %dma_wait3A_124] : memref<2x16x1024xf32, #tpu.memory_space<vmem>> -> memref<1x16x1024xf32, #tpu.memory_space<vmem>>
    %dma_wait3A_126 = tpu.memref_squeeze %dma_wait3A_125 : memref<1x16x1024xf32, #tpu.memory_space<vmem>> -> memref<16x1024xf32, #tpu.memory_space<vmem>>
    %dma_wait3A_127 = arith.constant 0 : i32
    %dma_wait3A_128 = tpu.memref_slice %arg3[%add3A_120, %dma_wait3A_127] : memref<8192x1024xf32, #tpu.memory_space<hbm>> -> memref<16x1024xf32, #tpu.memory_space<hbm>>
    %dma_wait3A_129 = tpu.memref_slice %arg8[%dma_wait3A_122] : memref<2x!tpu.dma_semaphore, #tpu.memory_space<semaphore_mem>> -> memref<1x!tpu.dma_semaphore, #tpu.memory_space<semaphore_mem>>
    %dma_wait3A_130 = tpu.memref_squeeze %dma_wait3A_129 : memref<1x!tpu.dma_semaphore, #tpu.memory_space<semaphore_mem>> -> memref<!tpu.dma_semaphore, #tpu.memory_space<semaphore_mem>>
    %dma_wait3A_131 = arith.constant 0 : i32
    %dma_wait3A_132 = arith.constant 0 : i32
    %dma_wait3A_133 = tpu.memref_slice %arg6[%dma_wait3A_121, %dma_wait3A_131, %dma_wait3A_132] : memref<2x16x1024xf32, #tpu.memory_space<vmem>> -> memref<1x16x1024xf32, #tpu.memory_space<vmem>>
    %dma_wait3A_134 = tpu.memref_squeeze %dma_wait3A_133 : memref<1x16x1024xf32, #tpu.memory_space<vmem>> -> memref<16x1024xf32, #tpu.memory_space<vmem>>
    %dma_wait3A_135 = arith.constant 0 : i32
    %dma_wait3A_136 = tpu.memref_slice %arg3[%add3A_120, %dma_wait3A_135] : memref<8192x1024xf32, #tpu.memory_space<hbm>> -> memref<16x1024xf32, #tpu.memory_space<hbm>>
    tpu.wait_dma2 semaphore(%dma_wait3A_130 : memref<!tpu.dma_semaphore, #tpu.memory_space<semaphore_mem>>) src(%dma_wait3A_136 : memref<16x1024xf32, #tpu.memory_space<hbm>>) dst(%dma_wait3A_134 : memref<16x1024xf32, #tpu.memory_space<vmem>>)
    %parallel_loop3A = arith.constant 0 : i32
    %parallel_loop3A_137 = arith.constant 1024 : i32
    %parallel_loop3A_138 = arith.constant 1 : i32
    %parallel_loop3A_139 = arith.constant 0 : i32
    %parallel_loop3A_140 = arith.constant 0 : i32
    scf.for %parallel_loop3A_754 = %parallel_loop3A to %parallel_loop3A_137 step %parallel_loop3A_138  : i32 {
      %parallel_loop3A_755 = arith.constant 6 : i32
      %parallel_loop3A_756 = arith.shrui %parallel_loop3A_754, %parallel_loop3A_755 : i32
      %parallel_loop3A_757 = arith.constant 63 : i32
      %parallel_loop3A_758 = arith.andi %parallel_loop3A_754, %parallel_loop3A_757 : i32
      %parallel_loop3A_759 = arith.constant 4 : i32
      %parallel_loop3A_760 = arith.shli %parallel_loop3A_758, %parallel_loop3A_759 : i32
      %parallel_loop3A_761 = tpu.assume_multiple %parallel_loop3A_760, 16 : i32
      %parallel_loop3A_762 = arith.constant 0 : i32
      %parallel_loop3A_763 = arith.constant 0 : i32
      %parallel_loop3A_764 = tpu.memref_slice %arg6[%parallel_loop3A_139, %parallel_loop3A_762, %parallel_loop3A_763] : memref<2x16x1024xf32, #tpu.memory_space<vmem>> -> memref<1x16x1024xf32, #tpu.memory_space<vmem>>
      %parallel_loop3A_765 = tpu.memref_squeeze %parallel_loop3A_764 : memref<1x16x1024xf32, #tpu.memory_space<vmem>> -> memref<16x1024xf32, #tpu.memory_space<vmem>>
      %parallel_loop3A_766 = arith.constant 0 : i32
      %parallel_loop3A_767 = tpu.memref_slice %parallel_loop3A_765[%parallel_loop3A_756, %parallel_loop3A_766] : memref<16x1024xf32, #tpu.memory_space<vmem>> -> memref<1x1024xf32, #tpu.memory_space<vmem>>
      %parallel_loop3A_768 = tpu.memref_squeeze %parallel_loop3A_767 : memref<1x1024xf32, #tpu.memory_space<vmem>> -> memref<1024xf32, #tpu.memory_space<vmem>>
      %parallel_loop3A_769 = arith.index_cast %parallel_loop3A_761 : i32 to index
      %parallel_loop3A_770 = tpu.vector_load %parallel_loop3A_768[%parallel_loop3A_769] {strides = array<i32>} : memref<1024xf32, #tpu.memory_space<vmem>>, vector<16xf32>,
      %parallel_loop3A_771 = vector.shape_cast %parallel_loop3A_770 : vector<16xf32> to vector<16xf32>
      %parallel_loop3A_772 = arith.constant 0 : i32
      %parallel_loop3A_773 = arith.constant 0 : i32
      %parallel_loop3A_774 = tpu.memref_slice %arg5[%parallel_loop3A_140, %parallel_loop3A_772, %parallel_loop3A_773] : memref<4x16x1024xf32, #tpu.memory_space<vmem>> -> memref<1x16x1024xf32, #tpu.memory_space<vmem>>
      %parallel_loop3A_775 = tpu.memref_squeeze %parallel_loop3A_774 : memref<1x16x1024xf32, #tpu.memory_space<vmem>> -> memref<16x1024xf32, #tpu.memory_space<vmem>>
      %parallel_loop3A_776 = arith.constant 0 : i32
      %parallel_loop3A_777 = tpu.memref_slice %parallel_loop3A_775[%parallel_loop3A_756, %parallel_loop3A_776] : memref<16x1024xf32, #tpu.memory_space<vmem>> -> memref<1x1024xf32, #tpu.memory_space<vmem>>
      %parallel_loop3A_778 = tpu.memref_squeeze %parallel_loop3A_777 : memref<1x1024xf32, #tpu.memory_space<vmem>> -> memref<1024xf32, #tpu.memory_space<vmem>>
      %parallel_loop3A_779 = arith.index_cast %parallel_loop3A_761 : i32 to index
      %parallel_loop3A_780 = tpu.vector_load %parallel_loop3A_778[%parallel_loop3A_779] {strides = array<i32>} : memref<1024xf32, #tpu.memory_space<vmem>>, vector<16xf32>,
      %parallel_loop3A_781 = vector.shape_cast %parallel_loop3A_780 : vector<16xf32> to vector<16xf32>
      %parallel_loop3A_782 = vector.shape_cast %parallel_loop3A_771 : vector<16xf32> to vector<16xf32>
      tpu.vector_store %parallel_loop3A_778[%parallel_loop3A_779], %parallel_loop3A_782 {add = true, strides = array<i32>} : memref<1024xf32, #tpu.memory_space<vmem>>, vector<16xf32>,
    } {sc.loop_unroll_factor = 8 : i64, sc.parallel_access}
    %add3A_141 = arith.constant 0 : i32
    %add3A_142 = arith.addi %add3A_141, %add3A_4 : i32
    %add3A_143 = arith.constant 0 : i32
    %add3A_144 = arith.addi %add3A_142, %add3A_143 : i32
    %dma_start3A_145 = arith.constant 0 : i32
    %dma_start3A_146 = arith.constant 0 : i32
    %dma_start3A_147 = arith.constant 0 : i32
    %dma_start3A_148 = arith.constant 0 : i32
    %dma_start3A_149 = tpu.memref_slice %arg5[%dma_start3A_145, %dma_start3A_147, %dma_start3A_148] : memref<4x16x1024xf32, #tpu.memory_space<vmem>> -> memref<1x16x1024xf32, #tpu.memory_space<vmem>>
    %dma_start3A_150 = tpu.memref_squeeze %dma_start3A_149 : memref<1x16x1024xf32, #tpu.memory_space<vmem>> -> memref<16x1024xf32, #tpu.memory_space<vmem>>
    %dma_start3A_151 = arith.constant 0 : i32
    %dma_start3A_152 = tpu.memref_slice %arg4[%add3A_144, %dma_start3A_151] : memref<32768x1024xf32, #tpu.memory_space<hbm>> -> memref<16x1024xf32, #tpu.memory_space<hbm>>
    %dma_start3A_153 = tpu.memref_slice %arg9[%dma_start3A_146] : memref<4x!tpu.dma_semaphore, #tpu.memory_space<semaphore_mem>> -> memref<1x!tpu.dma_semaphore, #tpu.memory_space<semaphore_mem>>
    %dma_start3A_154 = tpu.memref_squeeze %dma_start3A_153 : memref<1x!tpu.dma_semaphore, #tpu.memory_space<semaphore_mem>> -> memref<!tpu.dma_semaphore, #tpu.memory_space<semaphore_mem>>
    %dma_start3A_155 = arith.constant 0 : i32
    %dma_start3A_156 = tpu.memref_slice %arg4[%add3A_144, %dma_start3A_155] : memref<32768x1024xf32, #tpu.memory_space<hbm>> -> memref<16x1024xf32, #tpu.memory_space<hbm>>
    %dma_start3A_157 = arith.constant 0 : i32
    %dma_start3A_158 = arith.constant 0 : i32
    %dma_start3A_159 = tpu.memref_slice %arg5[%dma_start3A_145, %dma_start3A_157, %dma_start3A_158] : memref<4x16x1024xf32, #tpu.memory_space<vmem>> -> memref<1x16x1024xf32, #tpu.memory_space<vmem>>
    %dma_start3A_160 = tpu.memref_squeeze %dma_start3A_159 : memref<1x16x1024xf32, #tpu.memory_space<vmem>> -> memref<16x1024xf32, #tpu.memory_space<vmem>>
    tpu.enqueue_dma source(%dma_start3A_160 : memref<16x1024xf32, #tpu.memory_space<vmem>>) target(%dma_start3A_156 : memref<16x1024xf32, #tpu.memory_space<hbm>>) target_semaphore(%dma_start3A_154 : memref<!tpu.dma_semaphore, #tpu.memory_space<semaphore_mem>>)
    %add3A_161 = arith.constant 24576 : i32
    %add3A_162 = arith.addi %add3A_161, %add3A_4 : i32
    %add3A_163 = arith.constant 0 : i32
    %add3A_164 = arith.addi %add3A_162, %add3A_163 : i32
    %dma_start3A_165 = arith.constant 3 : i32
    %dma_start3A_166 = arith.constant 3 : i32
    %dma_start3A_167 = arith.constant 0 : i32
    %dma_start3A_168 = arith.constant 0 : i32
    %dma_start3A_169 = tpu.memref_slice %arg5[%dma_start3A_165, %dma_start3A_167, %dma_start3A_168] : memref<4x16x1024xf32, #tpu.memory_space<vmem>> -> memref<1x16x1024xf32, #tpu.memory_space<vmem>>
    %dma_start3A_170 = tpu.memref_squeeze %dma_start3A_169 : memref<1x16x1024xf32, #tpu.memory_space<vmem>> -> memref<16x1024xf32, #tpu.memory_space<vmem>>
    %dma_start3A_171 = arith.constant 0 : i32
    %dma_start3A_172 = tpu.memref_slice %arg2[%add3A_164, %dma_start3A_171] : memref<32768x1024xf32, #tpu.memory_space<hbm>> -> memref<16x1024xf32, #tpu.memory_space<hbm>>
    %dma_start3A_173 = tpu.memref_slice %arg7[%dma_start3A_166] : memref<4x!tpu.dma_semaphore, #tpu.memory_space<semaphore_mem>> -> memref<1x!tpu.dma_semaphore, #tpu.memory_space<semaphore_mem>>
    %dma_start3A_174 = tpu.memref_squeeze %dma_start3A_173 : memref<1x!tpu.dma_semaphore, #tpu.memory_space<semaphore_mem>> -> memref<!tpu.dma_semaphore, #tpu.memory_space<semaphore_mem>>
    %dma_start3A_175 = arith.constant 0 : i32
    %dma_start3A_176 = arith.constant 0 : i32
    %dma_start3A_177 = tpu.memref_slice %arg5[%dma_start3A_165, %dma_start3A_175, %dma_start3A_176] : memref<4x16x1024xf32, #tpu.memory_space<vmem>> -> memref<1x16x1024xf32, #tpu.memory_space<vmem>>
    %dma_start3A_178 = tpu.memref_squeeze %dma_start3A_177 : memref<1x16x1024xf32, #tpu.memory_space<vmem>> -> memref<16x1024xf32, #tpu.memory_space<vmem>>
    %dma_start3A_179 = arith.constant 0 : i32
    %dma_start3A_180 = tpu.memref_slice %arg2[%add3A_164, %dma_start3A_179] : memref<32768x1024xf32, #tpu.memory_space<hbm>> -> memref<16x1024xf32, #tpu.memory_space<hbm>>
    tpu.enqueue_dma source(%dma_start3A_180 : memref<16x1024xf32, #tpu.memory_space<hbm>>) target(%dma_start3A_178 : memref<16x1024xf32, #tpu.memory_space<vmem>>) target_semaphore(%dma_start3A_174 : memref<!tpu.dma_semaphore, #tpu.memory_space<semaphore_mem>>)
    %add3A_181 = arith.constant 8192 : i32
    %add3A_182 = arith.addi %add3A_181, %add3A_4 : i32
    %add3A_183 = arith.constant 0 : i32
    %add3A_184 = arith.addi %add3A_182, %add3A_183 : i32
    %dma_wait3A_185 = arith.constant 1 : i32
    %dma_wait3A_186 = arith.constant 1 : i32
    %dma_wait3A_187 = arith.constant 0 : i32
    %dma_wait3A_188 = arith.constant 0 : i32
    %dma_wait3A_189 = tpu.memref_slice %arg5[%dma_wait3A_185, %dma_wait3A_187, %dma_wait3A_188] : memref<4x16x1024xf32, #tpu.memory_space<vmem>> -> memref<1x16x1024xf32, #tpu.memory_space<vmem>>
    %dma_wait3A_190 = tpu.memref_squeeze %dma_wait3A_189 : memref<1x16x1024xf32, #tpu.memory_space<vmem>> -> memref<16x1024xf32, #tpu.memory_space<vmem>>
    %dma_wait3A_191 = arith.constant 0 : i32
    %dma_wait3A_192 = tpu.memref_slice %arg2[%add3A_184, %dma_wait3A_191] : memref<32768x1024xf32, #tpu.memory_space<hbm>> -> memref<16x1024xf32, #tpu.memory_space<hbm>>
    %dma_wait3A_193 = tpu.memref_slice %arg7[%dma_wait3A_186] : memref<4x!tpu.dma_semaphore, #tpu.memory_space<semaphore_mem>> -> memref<1x!tpu.dma_semaphore, #tpu.memory_space<semaphore_mem>>
    %dma_wait3A_194 = tpu.memref_squeeze %dma_wait3A_193 : memref<1x!tpu.dma_semaphore, #tpu.memory_space<semaphore_mem>> -> memref<!tpu.dma_semaphore, #tpu.memory_space<semaphore_mem>>
    %dma_wait3A_195 = arith.constant 0 : i32
    %dma_wait3A_196 = arith.constant 0 : i32
    %dma_wait3A_197 = tpu.memref_slice %arg5[%dma_wait3A_185, %dma_wait3A_195, %dma_wait3A_196] : memref<4x16x1024xf32, #tpu.memory_space<vmem>> -> memref<1x16x1024xf32, #tpu.memory_space<vmem>>
    %dma_wait3A_198 = tpu.memref_squeeze %dma_wait3A_197 : memref<1x16x1024xf32, #tpu.memory_space<vmem>> -> memref<16x1024xf32, #tpu.memory_space<vmem>>
    %dma_wait3A_199 = arith.constant 0 : i32
    %dma_wait3A_200 = tpu.memref_slice %arg2[%add3A_184, %dma_wait3A_199] : memref<32768x1024xf32, #tpu.memory_space<hbm>> -> memref<16x1024xf32, #tpu.memory_space<hbm>>
    tpu.wait_dma2 semaphore(%dma_wait3A_194 : memref<!tpu.dma_semaphore, #tpu.memory_space<semaphore_mem>>) src(%dma_wait3A_200 : memref<16x1024xf32, #tpu.memory_space<hbm>>) dst(%dma_wait3A_198 : memref<16x1024xf32, #tpu.memory_space<vmem>>)
    %parallel_loop3A_201 = arith.constant 0 : i32
    %parallel_loop3A_202 = arith.constant 1024 : i32
    %parallel_loop3A_203 = arith.constant 1 : i32
    %parallel_loop3A_204 = arith.constant 0 : i32
    %parallel_loop3A_205 = arith.constant 1 : i32
    scf.for %parallel_loop3A_754 = %parallel_loop3A_201 to %parallel_loop3A_202 step %parallel_loop3A_203  : i32 {
      %parallel_loop3A_755 = arith.constant 6 : i32
      %parallel_loop3A_756 = arith.shrui %parallel_loop3A_754, %parallel_loop3A_755 : i32
      %parallel_loop3A_757 = arith.constant 63 : i32
      %parallel_loop3A_758 = arith.andi %parallel_loop3A_754, %parallel_loop3A_757 : i32
      %parallel_loop3A_759 = arith.constant 4 : i32
      %parallel_loop3A_760 = arith.shli %parallel_loop3A_758, %parallel_loop3A_759 : i32
      %parallel_loop3A_761 = tpu.assume_multiple %parallel_loop3A_760, 16 : i32
      %parallel_loop3A_762 = arith.constant 0 : i32
      %parallel_loop3A_763 = arith.constant 0 : i32
      %parallel_loop3A_764 = tpu.memref_slice %arg6[%parallel_loop3A_204, %parallel_loop3A_762, %parallel_loop3A_763] : memref<2x16x1024xf32, #tpu.memory_space<vmem>> -> memref<1x16x1024xf32, #tpu.memory_space<vmem>>
      %parallel_loop3A_765 = tpu.memref_squeeze %parallel_loop3A_764 : memref<1x16x1024xf32, #tpu.memory_space<vmem>> -> memref<16x1024xf32, #tpu.memory_space<vmem>>
      %parallel_loop3A_766 = arith.constant 0 : i32
      %parallel_loop3A_767 = tpu.memref_slice %parallel_loop3A_765[%parallel_loop3A_756, %parallel_loop3A_766] : memref<16x1024xf32, #tpu.memory_space<vmem>> -> memref<1x1024xf32, #tpu.memory_space<vmem>>
      %parallel_loop3A_768 = tpu.memref_squeeze %parallel_loop3A_767 : memref<1x1024xf32, #tpu.memory_space<vmem>> -> memref<1024xf32, #tpu.memory_space<vmem>>
      %parallel_loop3A_769 = arith.index_cast %parallel_loop3A_761 : i32 to index
      %parallel_loop3A_770 = tpu.vector_load %parallel_loop3A_768[%parallel_loop3A_769] {strides = array<i32>} : memref<1024xf32, #tpu.memory_space<vmem>>, vector<16xf32>,
      %parallel_loop3A_771 = vector.shape_cast %parallel_loop3A_770 : vector<16xf32> to vector<16xf32>
      %parallel_loop3A_772 = arith.constant 0 : i32
      %parallel_loop3A_773 = arith.constant 0 : i32
      %parallel_loop3A_774 = tpu.memref_slice %arg5[%parallel_loop3A_205, %parallel_loop3A_772, %parallel_loop3A_773] : memref<4x16x1024xf32, #tpu.memory_space<vmem>> -> memref<1x16x1024xf32, #tpu.memory_space<vmem>>
      %parallel_loop3A_775 = tpu.memref_squeeze %parallel_loop3A_774 : memref<1x16x1024xf32, #tpu.memory_space<vmem>> -> memref<16x1024xf32, #tpu.memory_space<vmem>>
      %parallel_loop3A_776 = arith.constant 0 : i32
      %parallel_loop3A_777 = tpu.memref_slice %parallel_loop3A_775[%parallel_loop3A_756, %parallel_loop3A_776] : memref<16x1024xf32, #tpu.memory_space<vmem>> -> memref<1x1024xf32, #tpu.memory_space<vmem>>
      %parallel_loop3A_778 = tpu.memref_squeeze %parallel_loop3A_777 : memref<1x1024xf32, #tpu.memory_space<vmem>> -> memref<1024xf32, #tpu.memory_space<vmem>>
      %parallel_loop3A_779 = arith.index_cast %parallel_loop3A_761 : i32 to index
      %parallel_loop3A_780 = tpu.vector_load %parallel_loop3A_778[%parallel_loop3A_779] {strides = array<i32>} : memref<1024xf32, #tpu.memory_space<vmem>>, vector<16xf32>,
      %parallel_loop3A_781 = vector.shape_cast %parallel_loop3A_780 : vector<16xf32> to vector<16xf32>
      %parallel_loop3A_782 = vector.shape_cast %parallel_loop3A_771 : vector<16xf32> to vector<16xf32>
      tpu.vector_store %parallel_loop3A_778[%parallel_loop3A_779], %parallel_loop3A_782 {add = true, strides = array<i32>} : memref<1024xf32, #tpu.memory_space<vmem>>, vector<16xf32>,
    } {sc.loop_unroll_factor = 8 : i64, sc.parallel_access}
    %add3A_206 = arith.constant 8192 : i32
    %add3A_207 = arith.addi %add3A_206, %add3A_4 : i32
    %add3A_208 = arith.constant 0 : i32
    %add3A_209 = arith.addi %add3A_207, %add3A_208 : i32
    %dma_start3A_210 = arith.constant 1 : i32
    %dma_start3A_211 = arith.constant 1 : i32
    %dma_start3A_212 = arith.constant 0 : i32
    %dma_start3A_213 = arith.constant 0 : i32
    %dma_start3A_214 = tpu.memref_slice %arg5[%dma_start3A_210, %dma_start3A_212, %dma_start3A_213] : memref<4x16x1024xf32, #tpu.memory_space<vmem>> -> memref<1x16x1024xf32, #tpu.memory_space<vmem>>
    %dma_start3A_215 = tpu.memref_squeeze %dma_start3A_214 : memref<1x16x1024xf32, #tpu.memory_space<vmem>> -> memref<16x1024xf32, #tpu.memory_space<vmem>>
    %dma_start3A_216 = arith.constant 0 : i32
    %dma_start3A_217 = tpu.memref_slice %arg4[%add3A_209, %dma_start3A_216] : memref<32768x1024xf32, #tpu.memory_space<hbm>> -> memref<16x1024xf32, #tpu.memory_space<hbm>>
    %dma_start3A_218 = tpu.memref_slice %arg9[%dma_start3A_211] : memref<4x!tpu.dma_semaphore, #tpu.memory_space<semaphore_mem>> -> memref<1x!tpu.dma_semaphore, #tpu.memory_space<semaphore_mem>>
    %dma_start3A_219 = tpu.memref_squeeze %dma_start3A_218 : memref<1x!tpu.dma_semaphore, #tpu.memory_space<semaphore_mem>> -> memref<!tpu.dma_semaphore, #tpu.memory_space<semaphore_mem>>
    %dma_start3A_220 = arith.constant 0 : i32
    %dma_start3A_221 = tpu.memref_slice %arg4[%add3A_209, %dma_start3A_220] : memref<32768x1024xf32, #tpu.memory_space<hbm>> -> memref<16x1024xf32, #tpu.memory_space<hbm>>
    %dma_start3A_222 = arith.constant 0 : i32
    %dma_start3A_223 = arith.constant 0 : i32
    %dma_start3A_224 = tpu.memref_slice %arg5[%dma_start3A_210, %dma_start3A_222, %dma_start3A_223] : memref<4x16x1024xf32, #tpu.memory_space<vmem>> -> memref<1x16x1024xf32, #tpu.memory_space<vmem>>
    %dma_start3A_225 = tpu.memref_squeeze %dma_start3A_224 : memref<1x16x1024xf32, #tpu.memory_space<vmem>> -> memref<16x1024xf32, #tpu.memory_space<vmem>>
    tpu.enqueue_dma source(%dma_start3A_225 : memref<16x1024xf32, #tpu.memory_space<vmem>>) target(%dma_start3A_221 : memref<16x1024xf32, #tpu.memory_space<hbm>>) target_semaphore(%dma_start3A_219 : memref<!tpu.dma_semaphore, #tpu.memory_space<semaphore_mem>>)
    %add3A_226 = arith.constant 0 : i32
    %add3A_227 = arith.addi %add3A_226, %add3A_4 : i32
    %add3A_228 = arith.constant 0 : i32
    %add3A_229 = arith.addi %add3A_227, %add3A_228 : i32
    %dma_wait3A_230 = arith.constant 0 : i32
    %dma_wait3A_231 = arith.constant 0 : i32
    %dma_wait3A_232 = arith.constant 0 : i32
    %dma_wait3A_233 = arith.constant 0 : i32
    %dma_wait3A_234 = tpu.memref_slice %arg5[%dma_wait3A_230, %dma_wait3A_232, %dma_wait3A_233] : memref<4x16x1024xf32, #tpu.memory_space<vmem>> -> memref<1x16x1024xf32, #tpu.memory_space<vmem>>
    %dma_wait3A_235 = tpu.memref_squeeze %dma_wait3A_234 : memref<1x16x1024xf32, #tpu.memory_space<vmem>> -> memref<16x1024xf32, #tpu.memory_space<vmem>>
    %dma_wait3A_236 = arith.constant 0 : i32
    %dma_wait3A_237 = tpu.memref_slice %arg4[%add3A_229, %dma_wait3A_236] : memref<32768x1024xf32, #tpu.memory_space<hbm>> -> memref<16x1024xf32, #tpu.memory_space<hbm>>
    %dma_wait3A_238 = tpu.memref_slice %arg9[%dma_wait3A_231] : memref<4x!tpu.dma_semaphore, #tpu.memory_space<semaphore_mem>> -> memref<1x!tpu.dma_semaphore, #tpu.memory_space<semaphore_mem>>
    %dma_wait3A_239 = tpu.memref_squeeze %dma_wait3A_238 : memref<1x!tpu.dma_semaphore, #tpu.memory_space<semaphore_mem>> -> memref<!tpu.dma_semaphore, #tpu.memory_space<semaphore_mem>>
    %dma_wait3A_240 = arith.constant 0 : i32
    %dma_wait3A_241 = tpu.memref_slice %arg4[%add3A_229, %dma_wait3A_240] : memref<32768x1024xf32, #tpu.memory_space<hbm>> -> memref<16x1024xf32, #tpu.memory_space<hbm>>
    %dma_wait3A_242 = arith.constant 0 : i32
    %dma_wait3A_243 = arith.constant 0 : i32
    %dma_wait3A_244 = tpu.memref_slice %arg5[%dma_wait3A_230, %dma_wait3A_242, %dma_wait3A_243] : memref<4x16x1024xf32, #tpu.memory_space<vmem>> -> memref<1x16x1024xf32, #tpu.memory_space<vmem>>
    %dma_wait3A_245 = tpu.memref_squeeze %dma_wait3A_244 : memref<1x16x1024xf32, #tpu.memory_space<vmem>> -> memref<16x1024xf32, #tpu.memory_space<vmem>>
    tpu.wait_dma2 semaphore(%dma_wait3A_239 : memref<!tpu.dma_semaphore, #tpu.memory_space<semaphore_mem>>) src(%dma_wait3A_245 : memref<16x1024xf32, #tpu.memory_space<vmem>>) dst(%dma_wait3A_241 : memref<16x1024xf32, #tpu.memory_space<hbm>>)
    %add3A_246 = arith.constant 0 : i32
    %add3A_247 = arith.addi %add3A_246, %add3A_4 : i32
    %add3A_248 = arith.constant 16 : i32
    %add3A_249 = arith.addi %add3A_247, %add3A_248 : i32
    %dma_start3A_250 = arith.constant 0 : i32
    %dma_start3A_251 = arith.constant 0 : i32
    %dma_start3A_252 = arith.constant 0 : i32
    %dma_start3A_253 = arith.constant 0 : i32
    %dma_start3A_254 = tpu.memref_slice %arg5[%dma_start3A_250, %dma_start3A_252, %dma_start3A_253] : memref<4x16x1024xf32, #tpu.memory_space<vmem>> -> memref<1x16x1024xf32, #tpu.memory_space<vmem>>
    %dma_start3A_255 = tpu.memref_squeeze %dma_start3A_254 : memref<1x16x1024xf32, #tpu.memory_space<vmem>> -> memref<16x1024xf32, #tpu.memory_space<vmem>>
    %dma_start3A_256 = arith.constant 0 : i32
    %dma_start3A_257 = tpu.memref_slice %arg2[%add3A_249, %dma_start3A_256] : memref<32768x1024xf32, #tpu.memory_space<hbm>> -> memref<16x1024xf32, #tpu.memory_space<hbm>>
    %dma_start3A_258 = tpu.memref_slice %arg7[%dma_start3A_251] : memref<4x!tpu.dma_semaphore, #tpu.memory_space<semaphore_mem>> -> memref<1x!tpu.dma_semaphore, #tpu.memory_space<semaphore_mem>>
    %dma_start3A_259 = tpu.memref_squeeze %dma_start3A_258 : memref<1x!tpu.dma_semaphore, #tpu.memory_space<semaphore_mem>> -> memref<!tpu.dma_semaphore, #tpu.memory_space<semaphore_mem>>
    %dma_start3A_260 = arith.constant 0 : i32
    %dma_start3A_261 = arith.constant 0 : i32
    %dma_start3A_262 = tpu.memref_slice %arg5[%dma_start3A_250, %dma_start3A_260, %dma_start3A_261] : memref<4x16x1024xf32, #tpu.memory_space<vmem>> -> memref<1x16x1024xf32, #tpu.memory_space<vmem>>
    %dma_start3A_263 = tpu.memref_squeeze %dma_start3A_262 : memref<1x16x1024xf32, #tpu.memory_space<vmem>> -> memref<16x1024xf32, #tpu.memory_space<vmem>>
    %dma_start3A_264 = arith.constant 0 : i32
    %dma_start3A_265 = tpu.memref_slice %arg2[%add3A_249, %dma_start3A_264] : memref<32768x1024xf32, #tpu.memory_space<hbm>> -> memref<16x1024xf32, #tpu.memory_space<hbm>>
    tpu.enqueue_dma source(%dma_start3A_265 : memref<16x1024xf32, #tpu.memory_space<hbm>>) target(%dma_start3A_263 : memref<16x1024xf32, #tpu.memory_space<vmem>>) target_semaphore(%dma_start3A_259 : memref<!tpu.dma_semaphore, #tpu.memory_space<semaphore_mem>>)
    %add3A_266 = arith.constant 16384 : i32
    %add3A_267 = arith.addi %add3A_266, %add3A_4 : i32
    %add3A_268 = arith.constant 0 : i32
    %add3A_269 = arith.addi %add3A_267, %add3A_268 : i32
    %dma_wait3A_270 = arith.constant 2 : i32
    %dma_wait3A_271 = arith.constant 2 : i32
    %dma_wait3A_272 = arith.constant 0 : i32
    %dma_wait3A_273 = arith.constant 0 : i32
    %dma_wait3A_274 = tpu.memref_slice %arg5[%dma_wait3A_270, %dma_wait3A_272, %dma_wait3A_273] : memref<4x16x1024xf32, #tpu.memory_space<vmem>> -> memref<1x16x1024xf32, #tpu.memory_space<vmem>>
    %dma_wait3A_275 = tpu.memref_squeeze %dma_wait3A_274 : memref<1x16x1024xf32, #tpu.memory_space<vmem>> -> memref<16x1024xf32, #tpu.memory_space<vmem>>
    %dma_wait3A_276 = arith.constant 0 : i32
    %dma_wait3A_277 = tpu.memref_slice %arg2[%add3A_269, %dma_wait3A_276] : memref<32768x1024xf32, #tpu.memory_space<hbm>> -> memref<16x1024xf32, #tpu.memory_space<hbm>>
    %dma_wait3A_278 = tpu.memref_slice %arg7[%dma_wait3A_271] : memref<4x!tpu.dma_semaphore, #tpu.memory_space<semaphore_mem>> -> memref<1x!tpu.dma_semaphore, #tpu.memory_space<semaphore_mem>>
    %dma_wait3A_279 = tpu.memref_squeeze %dma_wait3A_278 : memref<1x!tpu.dma_semaphore, #tpu.memory_space<semaphore_mem>> -> memref<!tpu.dma_semaphore, #tpu.memory_space<semaphore_mem>>
    %dma_wait3A_280 = arith.constant 0 : i32
    %dma_wait3A_281 = arith.constant 0 : i32
    %dma_wait3A_282 = tpu.memref_slice %arg5[%dma_wait3A_270, %dma_wait3A_280, %dma_wait3A_281] : memref<4x16x1024xf32, #tpu.memory_space<vmem>> -> memref<1x16x1024xf32, #tpu.memory_space<vmem>>
    %dma_wait3A_283 = tpu.memref_squeeze %dma_wait3A_282 : memref<1x16x1024xf32, #tpu.memory_space<vmem>> -> memref<16x1024xf32, #tpu.memory_space<vmem>>
    %dma_wait3A_284 = arith.constant 0 : i32
    %dma_wait3A_285 = tpu.memref_slice %arg2[%add3A_269, %dma_wait3A_284] : memref<32768x1024xf32, #tpu.memory_space<hbm>> -> memref<16x1024xf32, #tpu.memory_space<hbm>>
    tpu.wait_dma2 semaphore(%dma_wait3A_279 : memref<!tpu.dma_semaphore, #tpu.memory_space<semaphore_mem>>) src(%dma_wait3A_285 : memref<16x1024xf32, #tpu.memory_space<hbm>>) dst(%dma_wait3A_283 : memref<16x1024xf32, #tpu.memory_space<vmem>>)
    %parallel_loop3A_286 = arith.constant 0 : i32
    %parallel_loop3A_287 = arith.constant 1024 : i32
    %parallel_loop3A_288 = arith.constant 1 : i32
    %parallel_loop3A_289 = arith.constant 0 : i32
    %parallel_loop3A_290 = arith.constant 2 : i32
    scf.for %parallel_loop3A_754 = %parallel_loop3A_286 to %parallel_loop3A_287 step %parallel_loop3A_288  : i32 {
      %parallel_loop3A_755 = arith.constant 6 : i32
      %parallel_loop3A_756 = arith.shrui %parallel_loop3A_754, %parallel_loop3A_755 : i32
      %parallel_loop3A_757 = arith.constant 63 : i32
      %parallel_loop3A_758 = arith.andi %parallel_loop3A_754, %parallel_loop3A_757 : i32
      %parallel_loop3A_759 = arith.constant 4 : i32
      %parallel_loop3A_760 = arith.shli %parallel_loop3A_758, %parallel_loop3A_759 : i32
      %parallel_loop3A_761 = tpu.assume_multiple %parallel_loop3A_760, 16 : i32
      %parallel_loop3A_762 = arith.constant 0 : i32
      %parallel_loop3A_763 = arith.constant 0 : i32
      %parallel_loop3A_764 = tpu.memref_slice %arg6[%parallel_loop3A_289, %parallel_loop3A_762, %parallel_loop3A_763] : memref<2x16x1024xf32, #tpu.memory_space<vmem>> -> memref<1x16x1024xf32, #tpu.memory_space<vmem>>
      %parallel_loop3A_765 = tpu.memref_squeeze %parallel_loop3A_764 : memref<1x16x1024xf32, #tpu.memory_space<vmem>> -> memref<16x1024xf32, #tpu.memory_space<vmem>>
      %parallel_loop3A_766 = arith.constant 0 : i32
      %parallel_loop3A_767 = tpu.memref_slice %parallel_loop3A_765[%parallel_loop3A_756, %parallel_loop3A_766] : memref<16x1024xf32, #tpu.memory_space<vmem>> -> memref<1x1024xf32, #tpu.memory_space<vmem>>
      %parallel_loop3A_768 = tpu.memref_squeeze %parallel_loop3A_767 : memref<1x1024xf32, #tpu.memory_space<vmem>> -> memref<1024xf32, #tpu.memory_space<vmem>>
      %parallel_loop3A_769 = arith.index_cast %parallel_loop3A_761 : i32 to index
      %parallel_loop3A_770 = tpu.vector_load %parallel_loop3A_768[%parallel_loop3A_769] {strides = array<i32>} : memref<1024xf32, #tpu.memory_space<vmem>>, vector<16xf32>,
      %parallel_loop3A_771 = vector.shape_cast %parallel_loop3A_770 : vector<16xf32> to vector<16xf32>
      %parallel_loop3A_772 = arith.constant 0 : i32
      %parallel_loop3A_773 = arith.constant 0 : i32
      %parallel_loop3A_774 = tpu.memref_slice %arg5[%parallel_loop3A_290, %parallel_loop3A_772, %parallel_loop3A_773] : memref<4x16x1024xf32, #tpu.memory_space<vmem>> -> memref<1x16x1024xf32, #tpu.memory_space<vmem>>
      %parallel_loop3A_775 = tpu.memref_squeeze %parallel_loop3A_774 : memref<1x16x1024xf32, #tpu.memory_space<vmem>> -> memref<16x1024xf32, #tpu.memory_space<vmem>>
      %parallel_loop3A_776 = arith.constant 0 : i32
      %parallel_loop3A_777 = tpu.memref_slice %parallel_loop3A_775[%parallel_loop3A_756, %parallel_loop3A_776] : memref<16x1024xf32, #tpu.memory_space<vmem>> -> memref<1x1024xf32, #tpu.memory_space<vmem>>
      %parallel_loop3A_778 = tpu.memref_squeeze %parallel_loop3A_777 : memref<1x1024xf32, #tpu.memory_space<vmem>> -> memref<1024xf32, #tpu.memory_space<vmem>>
      %parallel_loop3A_779 = arith.index_cast %parallel_loop3A_761 : i32 to index
      %parallel_loop3A_780 = tpu.vector_load %parallel_loop3A_778[%parallel_loop3A_779] {strides = array<i32>} : memref<1024xf32, #tpu.memory_space<vmem>>, vector<16xf32>,
      %parallel_loop3A_781 = vector.shape_cast %parallel_loop3A_780 : vector<16xf32> to vector<16xf32>
      %parallel_loop3A_782 = vector.shape_cast %parallel_loop3A_771 : vector<16xf32> to vector<16xf32>
      tpu.vector_store %parallel_loop3A_778[%parallel_loop3A_779], %parallel_loop3A_782 {add = true, strides = array<i32>} : memref<1024xf32, #tpu.memory_space<vmem>>, vector<16xf32>,
    } {sc.loop_unroll_factor = 8 : i64, sc.parallel_access}
    %add3A_291 = arith.constant 16384 : i32
    %add3A_292 = arith.addi %add3A_291, %add3A_4 : i32
    %add3A_293 = arith.constant 0 : i32
    %add3A_294 = arith.addi %add3A_292, %add3A_293 : i32
    %dma_start3A_295 = arith.constant 2 : i32
    %dma_start3A_296 = arith.constant 2 : i32
    %dma_start3A_297 = arith.constant 0 : i32
    %dma_start3A_298 = arith.constant 0 : i32
    %dma_start3A_299 = tpu.memref_slice %arg5[%dma_start3A_295, %dma_start3A_297, %dma_start3A_298] : memref<4x16x1024xf32, #tpu.memory_space<vmem>> -> memref<1x16x1024xf32, #tpu.memory_space<vmem>>
    %dma_start3A_300 = tpu.memref_squeeze %dma_start3A_299 : memref<1x16x1024xf32, #tpu.memory_space<vmem>> -> memref<16x1024xf32, #tpu.memory_space<vmem>>
    %dma_start3A_301 = arith.constant 0 : i32
    %dma_start3A_302 = tpu.memref_slice %arg4[%add3A_294, %dma_start3A_301] : memref<32768x1024xf32, #tpu.memory_space<hbm>> -> memref<16x1024xf32, #tpu.memory_space<hbm>>
    %dma_start3A_303 = tpu.memref_slice %arg9[%dma_start3A_296] : memref<4x!tpu.dma_semaphore, #tpu.memory_space<semaphore_mem>> -> memref<1x!tpu.dma_semaphore, #tpu.memory_space<semaphore_mem>>
    %dma_start3A_304 = tpu.memref_squeeze %dma_start3A_303 : memref<1x!tpu.dma_semaphore, #tpu.memory_space<semaphore_mem>> -> memref<!tpu.dma_semaphore, #tpu.memory_space<semaphore_mem>>
    %dma_start3A_305 = arith.constant 0 : i32
    %dma_start3A_306 = tpu.memref_slice %arg4[%add3A_294, %dma_start3A_305] : memref<32768x1024xf32, #tpu.memory_space<hbm>> -> memref<16x1024xf32, #tpu.memory_space<hbm>>
    %dma_start3A_307 = arith.constant 0 : i32
    %dma_start3A_308 = arith.constant 0 : i32
    %dma_start3A_309 = tpu.memref_slice %arg5[%dma_start3A_295, %dma_start3A_307, %dma_start3A_308] : memref<4x16x1024xf32, #tpu.memory_space<vmem>> -> memref<1x16x1024xf32, #tpu.memory_space<vmem>>
    %dma_start3A_310 = tpu.memref_squeeze %dma_start3A_309 : memref<1x16x1024xf32, #tpu.memory_space<vmem>> -> memref<16x1024xf32, #tpu.memory_space<vmem>>
    tpu.enqueue_dma source(%dma_start3A_310 : memref<16x1024xf32, #tpu.memory_space<vmem>>) target(%dma_start3A_306 : memref<16x1024xf32, #tpu.memory_space<hbm>>) target_semaphore(%dma_start3A_304 : memref<!tpu.dma_semaphore, #tpu.memory_space<semaphore_mem>>)
    %add3A_311 = arith.constant 8192 : i32
    %add3A_312 = arith.addi %add3A_311, %add3A_4 : i32
    %add3A_313 = arith.constant 0 : i32
    %add3A_314 = arith.addi %add3A_312, %add3A_313 : i32
    %dma_wait3A_315 = arith.constant 1 : i32
    %dma_wait3A_316 = arith.constant 1 : i32
    %dma_wait3A_317 = arith.constant 0 : i32
    %dma_wait3A_318 = arith.constant 0 : i32
    %dma_wait3A_319 = tpu.memref_slice %arg5[%dma_wait3A_315, %dma_wait3A_317, %dma_wait3A_318] : memref<4x16x1024xf32, #tpu.memory_space<vmem>> -> memref<1x16x1024xf32, #tpu.memory_space<vmem>>
    %dma_wait3A_320 = tpu.memref_squeeze %dma_wait3A_319 : memref<1x16x1024xf32, #tpu.memory_space<vmem>> -> memref<16x1024xf32, #tpu.memory_space<vmem>>
    %dma_wait3A_321 = arith.constant 0 : i32
    %dma_wait3A_322 = tpu.memref_slice %arg4[%add3A_314, %dma_wait3A_321] : memref<32768x1024xf32, #tpu.memory_space<hbm>> -> memref<16x1024xf32, #tpu.memory_space<hbm>>
    %dma_wait3A_323 = tpu.memref_slice %arg9[%dma_wait3A_316] : memref<4x!tpu.dma_semaphore, #tpu.memory_space<semaphore_mem>> -> memref<1x!tpu.dma_semaphore, #tpu.memory_space<semaphore_mem>>
    %dma_wait3A_324 = tpu.memref_squeeze %dma_wait3A_323 : memref<1x!tpu.dma_semaphore, #tpu.memory_space<semaphore_mem>> -> memref<!tpu.dma_semaphore, #tpu.memory_space<semaphore_mem>>
    %dma_wait3A_325 = arith.constant 0 : i32
    %dma_wait3A_326 = tpu.memref_slice %arg4[%add3A_314, %dma_wait3A_325] : memref<32768x1024xf32, #tpu.memory_space<hbm>> -> memref<16x1024xf32, #tpu.memory_space<hbm>>
    %dma_wait3A_327 = arith.constant 0 : i32
    %dma_wait3A_328 = arith.constant 0 : i32
    %dma_wait3A_329 = tpu.memref_slice %arg5[%dma_wait3A_315, %dma_wait3A_327, %dma_wait3A_328] : memref<4x16x1024xf32, #tpu.memory_space<vmem>> -> memref<1x16x1024xf32, #tpu.memory_space<vmem>>
    %dma_wait3A_330 = tpu.memref_squeeze %dma_wait3A_329 : memref<1x16x1024xf32, #tpu.memory_space<vmem>> -> memref<16x1024xf32, #tpu.memory_space<vmem>>
    tpu.wait_dma2 semaphore(%dma_wait3A_324 : memref<!tpu.dma_semaphore, #tpu.memory_space<semaphore_mem>>) src(%dma_wait3A_330 : memref<16x1024xf32, #tpu.memory_space<vmem>>) dst(%dma_wait3A_326 : memref<16x1024xf32, #tpu.memory_space<hbm>>)
    %add3A_331 = arith.constant 8192 : i32
    %add3A_332 = arith.addi %add3A_331, %add3A_4 : i32
    %add3A_333 = arith.constant 16 : i32
    %add3A_334 = arith.addi %add3A_332, %add3A_333 : i32
    %dma_start3A_335 = arith.constant 1 : i32
    %dma_start3A_336 = arith.constant 1 : i32
    %dma_start3A_337 = arith.constant 0 : i32
    %dma_start3A_338 = arith.constant 0 : i32
    %dma_start3A_339 = tpu.memref_slice %arg5[%dma_start3A_335, %dma_start3A_337, %dma_start3A_338] : memref<4x16x1024xf32, #tpu.memory_space<vmem>> -> memref<1x16x1024xf32, #tpu.memory_space<vmem>>
    %dma_start3A_340 = tpu.memref_squeeze %dma_start3A_339 : memref<1x16x1024xf32, #tpu.memory_space<vmem>> -> memref<16x1024xf32, #tpu.memory_space<vmem>>
    %dma_start3A_341 = arith.constant 0 : i32
    %dma_start3A_342 = tpu.memref_slice %arg2[%add3A_334, %dma_start3A_341] : memref<32768x1024xf32, #tpu.memory_space<hbm>> -> memref<16x1024xf32, #tpu.memory_space<hbm>>
    %dma_start3A_343 = tpu.memref_slice %arg7[%dma_start3A_336] : memref<4x!tpu.dma_semaphore, #tpu.memory_space<semaphore_mem>> -> memref<1x!tpu.dma_semaphore, #tpu.memory_space<semaphore_mem>>
    %dma_start3A_344 = tpu.memref_squeeze %dma_start3A_343 : memref<1x!tpu.dma_semaphore, #tpu.memory_space<semaphore_mem>> -> memref<!tpu.dma_semaphore, #tpu.memory_space<semaphore_mem>>
    %dma_start3A_345 = arith.constant 0 : i32
    %dma_start3A_346 = arith.constant 0 : i32
    %dma_start3A_347 = tpu.memref_slice %arg5[%dma_start3A_335, %dma_start3A_345, %dma_start3A_346] : memref<4x16x1024xf32, #tpu.memory_space<vmem>> -> memref<1x16x1024xf32, #tpu.memory_space<vmem>>
    %dma_start3A_348 = tpu.memref_squeeze %dma_start3A_347 : memref<1x16x1024xf32, #tpu.memory_space<vmem>> -> memref<16x1024xf32, #tpu.memory_space<vmem>>
    %dma_start3A_349 = arith.constant 0 : i32
    %dma_start3A_350 = tpu.memref_slice %arg2[%add3A_334, %dma_start3A_349] : memref<32768x1024xf32, #tpu.memory_space<hbm>> -> memref<16x1024xf32, #tpu.memory_space<hbm>>
    tpu.enqueue_dma source(%dma_start3A_350 : memref<16x1024xf32, #tpu.memory_space<hbm>>) target(%dma_start3A_348 : memref<16x1024xf32, #tpu.memory_space<vmem>>) target_semaphore(%dma_start3A_344 : memref<!tpu.dma_semaphore, #tpu.memory_space<semaphore_mem>>)
    %add3A_351 = arith.constant 24576 : i32
    %add3A_352 = arith.addi %add3A_351, %add3A_4 : i32
    %add3A_353 = arith.constant 0 : i32
    %add3A_354 = arith.addi %add3A_352, %add3A_353 : i32
    %dma_wait3A_355 = arith.constant 3 : i32
    %dma_wait3A_356 = arith.constant 3 : i32
    %dma_wait3A_357 = arith.constant 0 : i32
    %dma_wait3A_358 = arith.constant 0 : i32
    %dma_wait3A_359 = tpu.memref_slice %arg5[%dma_wait3A_355, %dma_wait3A_357, %dma_wait3A_358] : memref<4x16x1024xf32, #tpu.memory_space<vmem>> -> memref<1x16x1024xf32, #tpu.memory_space<vmem>>
    %dma_wait3A_360 = tpu.memref_squeeze %dma_wait3A_359 : memref<1x16x1024xf32, #tpu.memory_space<vmem>> -> memref<16x1024xf32, #tpu.memory_space<vmem>>
    %dma_wait3A_361 = arith.constant 0 : i32
    %dma_wait3A_362 = tpu.memref_slice %arg2[%add3A_354, %dma_wait3A_361] : memref<32768x1024xf32, #tpu.memory_space<hbm>> -> memref<16x1024xf32, #tpu.memory_space<hbm>>
    %dma_wait3A_363 = tpu.memref_slice %arg7[%dma_wait3A_356] : memref<4x!tpu.dma_semaphore, #tpu.memory_space<semaphore_mem>> -> memref<1x!tpu.dma_semaphore, #tpu.memory_space<semaphore_mem>>
    %dma_wait3A_364 = tpu.memref_squeeze %dma_wait3A_363 : memref<1x!tpu.dma_semaphore, #tpu.memory_space<semaphore_mem>> -> memref<!tpu.dma_semaphore, #tpu.memory_space<semaphore_mem>>
    %dma_wait3A_365 = arith.constant 0 : i32
    %dma_wait3A_366 = arith.constant 0 : i32
    %dma_wait3A_367 = tpu.memref_slice %arg5[%dma_wait3A_355, %dma_wait3A_365, %dma_wait3A_366] : memref<4x16x1024xf32, #tpu.memory_space<vmem>> -> memref<1x16x1024xf32, #tpu.memory_space<vmem>>
    %dma_wait3A_368 = tpu.memref_squeeze %dma_wait3A_367 : memref<1x16x1024xf32, #tpu.memory_space<vmem>> -> memref<16x1024xf32, #tpu.memory_space<vmem>>
    %dma_wait3A_369 = arith.constant 0 : i32
    %dma_wait3A_370 = tpu.memref_slice %arg2[%add3A_354, %dma_wait3A_369] : memref<32768x1024xf32, #tpu.memory_space<hbm>> -> memref<16x1024xf32, #tpu.memory_space<hbm>>
    tpu.wait_dma2 semaphore(%dma_wait3A_364 : memref<!tpu.dma_semaphore, #tpu.memory_space<semaphore_mem>>) src(%dma_wait3A_370 : memref<16x1024xf32, #tpu.memory_space<hbm>>) dst(%dma_wait3A_368 : memref<16x1024xf32, #tpu.memory_space<vmem>>)
    %parallel_loop3A_371 = arith.constant 0 : i32
    %parallel_loop3A_372 = arith.constant 1024 : i32
    %parallel_loop3A_373 = arith.constant 1 : i32
    %parallel_loop3A_374 = arith.constant 0 : i32
    %parallel_loop3A_375 = arith.constant 3 : i32
    scf.for %parallel_loop3A_754 = %parallel_loop3A_371 to %parallel_loop3A_372 step %parallel_loop3A_373  : i32 {
      %parallel_loop3A_755 = arith.constant 6 : i32
      %parallel_loop3A_756 = arith.shrui %parallel_loop3A_754, %parallel_loop3A_755 : i32
      %parallel_loop3A_757 = arith.constant 63 : i32
      %parallel_loop3A_758 = arith.andi %parallel_loop3A_754, %parallel_loop3A_757 : i32
      %parallel_loop3A_759 = arith.constant 4 : i32
      %parallel_loop3A_760 = arith.shli %parallel_loop3A_758, %parallel_loop3A_759 : i32
      %parallel_loop3A_761 = tpu.assume_multiple %parallel_loop3A_760, 16 : i32
      %parallel_loop3A_762 = arith.constant 0 : i32
      %parallel_loop3A_763 = arith.constant 0 : i32
      %parallel_loop3A_764 = tpu.memref_slice %arg6[%parallel_loop3A_374, %parallel_loop3A_762, %parallel_loop3A_763] : memref<2x16x1024xf32, #tpu.memory_space<vmem>> -> memref<1x16x1024xf32, #tpu.memory_space<vmem>>
      %parallel_loop3A_765 = tpu.memref_squeeze %parallel_loop3A_764 : memref<1x16x1024xf32, #tpu.memory_space<vmem>> -> memref<16x1024xf32, #tpu.memory_space<vmem>>
      %parallel_loop3A_766 = arith.constant 0 : i32
      %parallel_loop3A_767 = tpu.memref_slice %parallel_loop3A_765[%parallel_loop3A_756, %parallel_loop3A_766] : memref<16x1024xf32, #tpu.memory_space<vmem>> -> memref<1x1024xf32, #tpu.memory_space<vmem>>
      %parallel_loop3A_768 = tpu.memref_squeeze %parallel_loop3A_767 : memref<1x1024xf32, #tpu.memory_space<vmem>> -> memref<1024xf32, #tpu.memory_space<vmem>>
      %parallel_loop3A_769 = arith.index_cast %parallel_loop3A_761 : i32 to index
      %parallel_loop3A_770 = tpu.vector_load %parallel_loop3A_768[%parallel_loop3A_769] {strides = array<i32>} : memref<1024xf32, #tpu.memory_space<vmem>>, vector<16xf32>,
      %parallel_loop3A_771 = vector.shape_cast %parallel_loop3A_770 : vector<16xf32> to vector<16xf32>
      %parallel_loop3A_772 = arith.constant 0 : i32
      %parallel_loop3A_773 = arith.constant 0 : i32
      %parallel_loop3A_774 = tpu.memref_slice %arg5[%parallel_loop3A_375, %parallel_loop3A_772, %parallel_loop3A_773] : memref<4x16x1024xf32, #tpu.memory_space<vmem>> -> memref<1x16x1024xf32, #tpu.memory_space<vmem>>
      %parallel_loop3A_775 = tpu.memref_squeeze %parallel_loop3A_774 : memref<1x16x1024xf32, #tpu.memory_space<vmem>> -> memref<16x1024xf32, #tpu.memory_space<vmem>>
      %parallel_loop3A_776 = arith.constant 0 : i32
      %parallel_loop3A_777 = tpu.memref_slice %parallel_loop3A_775[%parallel_loop3A_756, %parallel_loop3A_776] : memref<16x1024xf32, #tpu.memory_space<vmem>> -> memref<1x1024xf32, #tpu.memory_space<vmem>>
      %parallel_loop3A_778 = tpu.memref_squeeze %parallel_loop3A_777 : memref<1x1024xf32, #tpu.memory_space<vmem>> -> memref<1024xf32, #tpu.memory_space<vmem>>
      %parallel_loop3A_779 = arith.index_cast %parallel_loop3A_761 : i32 to index
      %parallel_loop3A_780 = tpu.vector_load %parallel_loop3A_778[%parallel_loop3A_779] {strides = array<i32>} : memref<1024xf32, #tpu.memory_space<vmem>>, vector<16xf32>,
      %parallel_loop3A_781 = vector.shape_cast %parallel_loop3A_780 : vector<16xf32> to vector<16xf32>
      %parallel_loop3A_782 = vector.shape_cast %parallel_loop3A_771 : vector<16xf32> to vector<16xf32>
      tpu.vector_store %parallel_loop3A_778[%parallel_loop3A_779], %parallel_loop3A_782 {add = true, strides = array<i32>} : memref<1024xf32, #tpu.memory_space<vmem>>, vector<16xf32>,
    } {sc.loop_unroll_factor = 8 : i64, sc.parallel_access}
    %add3A_376 = arith.constant 24576 : i32
    %add3A_377 = arith.addi %add3A_376, %add3A_4 : i32
    %add3A_378 = arith.constant 0 : i32
    %add3A_379 = arith.addi %add3A_377, %add3A_378 : i32
    %dma_start3A_380 = arith.constant 3 : i32
    %dma_start3A_381 = arith.constant 3 : i32
    %dma_start3A_382 = arith.constant 0 : i32
    %dma_start3A_383 = arith.constant 0 : i32
    %dma_start3A_384 = tpu.memref_slice %arg5[%dma_start3A_380, %dma_start3A_382, %dma_start3A_383] : memref<4x16x1024xf32, #tpu.memory_space<vmem>> -> memref<1x16x1024xf32, #tpu.memory_space<vmem>>
    %dma_start3A_385 = tpu.memref_squeeze %dma_start3A_384 : memref<1x16x1024xf32, #tpu.memory_space<vmem>> -> memref<16x1024xf32, #tpu.memory_space<vmem>>
    %dma_start3A_386 = arith.constant 0 : i32
    %dma_start3A_387 = tpu.memref_slice %arg4[%add3A_379, %dma_start3A_386] : memref<32768x1024xf32, #tpu.memory_space<hbm>> -> memref<16x1024xf32, #tpu.memory_space<hbm>>
    %dma_start3A_388 = tpu.memref_slice %arg9[%dma_start3A_381] : memref<4x!tpu.dma_semaphore, #tpu.memory_space<semaphore_mem>> -> memref<1x!tpu.dma_semaphore, #tpu.memory_space<semaphore_mem>>
    %dma_start3A_389 = tpu.memref_squeeze %dma_start3A_388 : memref<1x!tpu.dma_semaphore, #tpu.memory_space<semaphore_mem>> -> memref<!tpu.dma_semaphore, #tpu.memory_space<semaphore_mem>>
    %dma_start3A_390 = arith.constant 0 : i32
    %dma_start3A_391 = tpu.memref_slice %arg4[%add3A_379, %dma_start3A_390] : memref<32768x1024xf32, #tpu.memory_space<hbm>> -> memref<16x1024xf32, #tpu.memory_space<hbm>>
    %dma_start3A_392 = arith.constant 0 : i32
    %dma_start3A_393 = arith.constant 0 : i32
    %dma_start3A_394 = tpu.memref_slice %arg5[%dma_start3A_380, %dma_start3A_392, %dma_start3A_393] : memref<4x16x1024xf32, #tpu.memory_space<vmem>> -> memref<1x16x1024xf32, #tpu.memory_space<vmem>>
    %dma_start3A_395 = tpu.memref_squeeze %dma_start3A_394 : memref<1x16x1024xf32, #tpu.memory_space<vmem>> -> memref<16x1024xf32, #tpu.memory_space<vmem>>
    tpu.enqueue_dma source(%dma_start3A_395 : memref<16x1024xf32, #tpu.memory_space<vmem>>) target(%dma_start3A_391 : memref<16x1024xf32, #tpu.memory_space<hbm>>) target_semaphore(%dma_start3A_389 : memref<!tpu.dma_semaphore, #tpu.memory_space<semaphore_mem>>)
    %add3A_396 = arith.constant 16384 : i32
    %add3A_397 = arith.addi %add3A_396, %add3A_4 : i32
    %add3A_398 = arith.constant 0 : i32
    %add3A_399 = arith.addi %add3A_397, %add3A_398 : i32
    %dma_wait3A_400 = arith.constant 2 : i32
    %dma_wait3A_401 = arith.constant 2 : i32
    %dma_wait3A_402 = arith.constant 0 : i32
    %dma_wait3A_403 = arith.constant 0 : i32
    %dma_wait3A_404 = tpu.memref_slice %arg5[%dma_wait3A_400, %dma_wait3A_402, %dma_wait3A_403] : memref<4x16x1024xf32, #tpu.memory_space<vmem>> -> memref<1x16x1024xf32, #tpu.memory_space<vmem>>
    %dma_wait3A_405 = tpu.memref_squeeze %dma_wait3A_404 : memref<1x16x1024xf32, #tpu.memory_space<vmem>> -> memref<16x1024xf32, #tpu.memory_space<vmem>>
    %dma_wait3A_406 = arith.constant 0 : i32
    %dma_wait3A_407 = tpu.memref_slice %arg4[%add3A_399, %dma_wait3A_406] : memref<32768x1024xf32, #tpu.memory_space<hbm>> -> memref<16x1024xf32, #tpu.memory_space<hbm>>
    %dma_wait3A_408 = tpu.memref_slice %arg9[%dma_wait3A_401] : memref<4x!tpu.dma_semaphore, #tpu.memory_space<semaphore_mem>> -> memref<1x!tpu.dma_semaphore, #tpu.memory_space<semaphore_mem>>
    %dma_wait3A_409 = tpu.memref_squeeze %dma_wait3A_408 : memref<1x!tpu.dma_semaphore, #tpu.memory_space<semaphore_mem>> -> memref<!tpu.dma_semaphore, #tpu.memory_space<semaphore_mem>>
    %dma_wait3A_410 = arith.constant 0 : i32
    %dma_wait3A_411 = tpu.memref_slice %arg4[%add3A_399, %dma_wait3A_410] : memref<32768x1024xf32, #tpu.memory_space<hbm>> -> memref<16x1024xf32, #tpu.memory_space<hbm>>
    %dma_wait3A_412 = arith.constant 0 : i32
    %dma_wait3A_413 = arith.constant 0 : i32
    %dma_wait3A_414 = tpu.memref_slice %arg5[%dma_wait3A_400, %dma_wait3A_412, %dma_wait3A_413] : memref<4x16x1024xf32, #tpu.memory_space<vmem>> -> memref<1x16x1024xf32, #tpu.memory_space<vmem>>
    %dma_wait3A_415 = tpu.memref_squeeze %dma_wait3A_414 : memref<1x16x1024xf32, #tpu.memory_space<vmem>> -> memref<16x1024xf32, #tpu.memory_space<vmem>>
    tpu.wait_dma2 semaphore(%dma_wait3A_409 : memref<!tpu.dma_semaphore, #tpu.memory_space<semaphore_mem>>) src(%dma_wait3A_415 : memref<16x1024xf32, #tpu.memory_space<vmem>>) dst(%dma_wait3A_411 : memref<16x1024xf32, #tpu.memory_space<hbm>>)
    %add3A_416 = arith.constant 16384 : i32
    %add3A_417 = arith.addi %add3A_416, %add3A_4 : i32
    %add3A_418 = arith.constant 16 : i32
    %add3A_419 = arith.addi %add3A_417, %add3A_418 : i32
    %dma_start3A_420 = arith.constant 2 : i32
    %dma_start3A_421 = arith.constant 2 : i32
    %dma_start3A_422 = arith.constant 0 : i32
    %dma_start3A_423 = arith.constant 0 : i32
    %dma_start3A_424 = tpu.memref_slice %arg5[%dma_start3A_420, %dma_start3A_422, %dma_start3A_423] : memref<4x16x1024xf32, #tpu.memory_space<vmem>> -> memref<1x16x1024xf32, #tpu.memory_space<vmem>>
    %dma_start3A_425 = tpu.memref_squeeze %dma_start3A_424 : memref<1x16x1024xf32, #tpu.memory_space<vmem>> -> memref<16x1024xf32, #tpu.memory_space<vmem>>
    %dma_start3A_426 = arith.constant 0 : i32
    %dma_start3A_427 = tpu.memref_slice %arg2[%add3A_419, %dma_start3A_426] : memref<32768x1024xf32, #tpu.memory_space<hbm>> -> memref<16x1024xf32, #tpu.memory_space<hbm>>
    %dma_start3A_428 = tpu.memref_slice %arg7[%dma_start3A_421] : memref<4x!tpu.dma_semaphore, #tpu.memory_space<semaphore_mem>> -> memref<1x!tpu.dma_semaphore, #tpu.memory_space<semaphore_mem>>
    %dma_start3A_429 = tpu.memref_squeeze %dma_start3A_428 : memref<1x!tpu.dma_semaphore, #tpu.memory_space<semaphore_mem>> -> memref<!tpu.dma_semaphore, #tpu.memory_space<semaphore_mem>>
    %dma_start3A_430 = arith.constant 0 : i32
    %dma_start3A_431 = arith.constant 0 : i32
    %dma_start3A_432 = tpu.memref_slice %arg5[%dma_start3A_420, %dma_start3A_430, %dma_start3A_431] : memref<4x16x1024xf32, #tpu.memory_space<vmem>> -> memref<1x16x1024xf32, #tpu.memory_space<vmem>>
    %dma_start3A_433 = tpu.memref_squeeze %dma_start3A_432 : memref<1x16x1024xf32, #tpu.memory_space<vmem>> -> memref<16x1024xf32, #tpu.memory_space<vmem>>
    %dma_start3A_434 = arith.constant 0 : i32
    %dma_start3A_435 = tpu.memref_slice %arg2[%add3A_419, %dma_start3A_434] : memref<32768x1024xf32, #tpu.memory_space<hbm>> -> memref<16x1024xf32, #tpu.memory_space<hbm>>
    tpu.enqueue_dma source(%dma_start3A_435 : memref<16x1024xf32, #tpu.memory_space<hbm>>) target(%dma_start3A_433 : memref<16x1024xf32, #tpu.memory_space<vmem>>) target_semaphore(%dma_start3A_429 : memref<!tpu.dma_semaphore, #tpu.memory_space<semaphore_mem>>)
    %add3A_436 = arith.constant 0 : i32
    %add3A_437 = arith.addi %add3A_436, %add3A_4 : i32
    %add3A_438 = arith.constant 16 : i32
    %add3A_439 = arith.addi %add3A_437, %add3A_438 : i32
    %dma_wait3A_440 = arith.constant 0 : i32
    %dma_wait3A_441 = arith.constant 0 : i32
    %dma_wait3A_442 = arith.constant 0 : i32
    %dma_wait3A_443 = arith.constant 0 : i32
    %dma_wait3A_444 = tpu.memref_slice %arg5[%dma_wait3A_440, %dma_wait3A_442, %dma_wait3A_443] : memref<4x16x1024xf32, #tpu.memory_space<vmem>> -> memref<1x16x1024xf32, #tpu.memory_space<vmem>>
    %dma_wait3A_445 = tpu.memref_squeeze %dma_wait3A_444 : memref<1x16x1024xf32, #tpu.memory_space<vmem>> -> memref<16x1024xf32, #tpu.memory_space<vmem>>
    %dma_wait3A_446 = arith.constant 0 : i32
    %dma_wait3A_447 = tpu.memref_slice %arg2[%add3A_439, %dma_wait3A_446] : memref<32768x1024xf32, #tpu.memory_space<hbm>> -> memref<16x1024xf32, #tpu.memory_space<hbm>>
    %dma_wait3A_448 = tpu.memref_slice %arg7[%dma_wait3A_441] : memref<4x!tpu.dma_semaphore, #tpu.memory_space<semaphore_mem>> -> memref<1x!tpu.dma_semaphore, #tpu.memory_space<semaphore_mem>>
    %dma_wait3A_449 = tpu.memref_squeeze %dma_wait3A_448 : memref<1x!tpu.dma_semaphore, #tpu.memory_space<semaphore_mem>> -> memref<!tpu.dma_semaphore, #tpu.memory_space<semaphore_mem>>
    %dma_wait3A_450 = arith.constant 0 : i32
    %dma_wait3A_451 = arith.constant 0 : i32
    %dma_wait3A_452 = tpu.memref_slice %arg5[%dma_wait3A_440, %dma_wait3A_450, %dma_wait3A_451] : memref<4x16x1024xf32, #tpu.memory_space<vmem>> -> memref<1x16x1024xf32, #tpu.memory_space<vmem>>
    %dma_wait3A_453 = tpu.memref_squeeze %dma_wait3A_452 : memref<1x16x1024xf32, #tpu.memory_space<vmem>> -> memref<16x1024xf32, #tpu.memory_space<vmem>>
    %dma_wait3A_454 = arith.constant 0 : i32
    %dma_wait3A_455 = tpu.memref_slice %arg2[%add3A_439, %dma_wait3A_454] : memref<32768x1024xf32, #tpu.memory_space<hbm>> -> memref<16x1024xf32, #tpu.memory_space<hbm>>
    tpu.wait_dma2 semaphore(%dma_wait3A_449 : memref<!tpu.dma_semaphore, #tpu.memory_space<semaphore_mem>>) src(%dma_wait3A_455 : memref<16x1024xf32, #tpu.memory_space<hbm>>) dst(%dma_wait3A_453 : memref<16x1024xf32, #tpu.memory_space<vmem>>)
    %add3A_456 = arith.constant 16 : i32
    %add3A_457 = arith.addi %add3A_4, %add3A_456 : i32
    %dma_wait3A_458 = arith.constant 1 : i32
    %dma_wait3A_459 = arith.constant 1 : i32
    %dma_wait3A_460 = arith.constant 0 : i32
    %dma_wait3A_461 = arith.constant 0 : i32
    %dma_wait3A_462 = tpu.memref_slice %arg6[%dma_wait3A_458, %dma_wait3A_460, %dma_wait3A_461] : memref<2x16x1024xf32, #tpu.memory_space<vmem>> -> memref<1x16x1024xf32, #tpu.memory_space<vmem>>
    %dma_wait3A_463 = tpu.memref_squeeze %dma_wait3A_462 : memref<1x16x1024xf32, #tpu.memory_space<vmem>> -> memref<16x1024xf32, #tpu.memory_space<vmem>>
    %dma_wait3A_464 = arith.constant 0 : i32
    %dma_wait3A_465 = tpu.memref_slice %arg3[%add3A_457, %dma_wait3A_464] : memref<8192x1024xf32, #tpu.memory_space<hbm>> -> memref<16x1024xf32, #tpu.memory_space<hbm>>
    %dma_wait3A_466 = tpu.memref_slice %arg8[%dma_wait3A_459] : memref<2x!tpu.dma_semaphore, #tpu.memory_space<semaphore_mem>> -> memref<1x!tpu.dma_semaphore, #tpu.memory_space<semaphore_mem>>
    %dma_wait3A_467 = tpu.memref_squeeze %dma_wait3A_466 : memref<1x!tpu.dma_semaphore, #tpu.memory_space<semaphore_mem>> -> memref<!tpu.dma_semaphore, #tpu.memory_space<semaphore_mem>>
    %dma_wait3A_468 = arith.constant 0 : i32
    %dma_wait3A_469 = arith.constant 0 : i32
    %dma_wait3A_470 = tpu.memref_slice %arg6[%dma_wait3A_458, %dma_wait3A_468, %dma_wait3A_469] : memref<2x16x1024xf32, #tpu.memory_space<vmem>> -> memref<1x16x1024xf32, #tpu.memory_space<vmem>>
    %dma_wait3A_471 = tpu.memref_squeeze %dma_wait3A_470 : memref<1x16x1024xf32, #tpu.memory_space<vmem>> -> memref<16x1024xf32, #tpu.memory_space<vmem>>
    %dma_wait3A_472 = arith.constant 0 : i32
    %dma_wait3A_473 = tpu.memref_slice %arg3[%add3A_457, %dma_wait3A_472] : memref<8192x1024xf32, #tpu.memory_space<hbm>> -> memref<16x1024xf32, #tpu.memory_space<hbm>>
    tpu.wait_dma2 semaphore(%dma_wait3A_467 : memref<!tpu.dma_semaphore, #tpu.memory_space<semaphore_mem>>) src(%dma_wait3A_473 : memref<16x1024xf32, #tpu.memory_space<hbm>>) dst(%dma_wait3A_471 : memref<16x1024xf32, #tpu.memory_space<vmem>>)
    %parallel_loop3A_474 = arith.constant 0 : i32
    %parallel_loop3A_475 = arith.constant 1024 : i32
    %parallel_loop3A_476 = arith.constant 1 : i32
    %parallel_loop3A_477 = arith.constant 1 : i32
    %parallel_loop3A_478 = arith.constant 0 : i32
    scf.for %parallel_loop3A_754 = %parallel_loop3A_474 to %parallel_loop3A_475 step %parallel_loop3A_476  : i32 {
      %parallel_loop3A_755 = arith.constant 6 : i32
      %parallel_loop3A_756 = arith.shrui %parallel_loop3A_754, %parallel_loop3A_755 : i32
      %parallel_loop3A_757 = arith.constant 63 : i32
      %parallel_loop3A_758 = arith.andi %parallel_loop3A_754, %parallel_loop3A_757 : i32
      %parallel_loop3A_759 = arith.constant 4 : i32
      %parallel_loop3A_760 = arith.shli %parallel_loop3A_758, %parallel_loop3A_759 : i32
      %parallel_loop3A_761 = tpu.assume_multiple %parallel_loop3A_760, 16 : i32
      %parallel_loop3A_762 = arith.constant 0 : i32
      %parallel_loop3A_763 = arith.constant 0 : i32
      %parallel_loop3A_764 = tpu.memref_slice %arg6[%parallel_loop3A_477, %parallel_loop3A_762, %parallel_loop3A_763] : memref<2x16x1024xf32, #tpu.memory_space<vmem>> -> memref<1x16x1024xf32, #tpu.memory_space<vmem>>
      %parallel_loop3A_765 = tpu.memref_squeeze %parallel_loop3A_764 : memref<1x16x1024xf32, #tpu.memory_space<vmem>> -> memref<16x1024xf32, #tpu.memory_space<vmem>>
      %parallel_loop3A_766 = arith.constant 0 : i32
      %parallel_loop3A_767 = tpu.memref_slice %parallel_loop3A_765[%parallel_loop3A_756, %parallel_loop3A_766] : memref<16x1024xf32, #tpu.memory_space<vmem>> -> memref<1x1024xf32, #tpu.memory_space<vmem>>
      %parallel_loop3A_768 = tpu.memref_squeeze %parallel_loop3A_767 : memref<1x1024xf32, #tpu.memory_space<vmem>> -> memref<1024xf32, #tpu.memory_space<vmem>>
      %parallel_loop3A_769 = arith.index_cast %parallel_loop3A_761 : i32 to index
      %parallel_loop3A_770 = tpu.vector_load %parallel_loop3A_768[%parallel_loop3A_769] {strides = array<i32>} : memref<1024xf32, #tpu.memory_space<vmem>>, vector<16xf32>,
      %parallel_loop3A_771 = vector.shape_cast %parallel_loop3A_770 : vector<16xf32> to vector<16xf32>
      %parallel_loop3A_772 = arith.constant 0 : i32
      %parallel_loop3A_773 = arith.constant 0 : i32
      %parallel_loop3A_774 = tpu.memref_slice %arg5[%parallel_loop3A_478, %parallel_loop3A_772, %parallel_loop3A_773] : memref<4x16x1024xf32, #tpu.memory_space<vmem>> -> memref<1x16x1024xf32, #tpu.memory_space<vmem>>
      %parallel_loop3A_775 = tpu.memref_squeeze %parallel_loop3A_774 : memref<1x16x1024xf32, #tpu.memory_space<vmem>> -> memref<16x1024xf32, #tpu.memory_space<vmem>>
      %parallel_loop3A_776 = arith.constant 0 : i32
      %parallel_loop3A_777 = tpu.memref_slice %parallel_loop3A_775[%parallel_loop3A_756, %parallel_loop3A_776] : memref<16x1024xf32, #tpu.memory_space<vmem>> -> memref<1x1024xf32, #tpu.memory_space<vmem>>
      %parallel_loop3A_778 = tpu.memref_squeeze %parallel_loop3A_777 : memref<1x1024xf32, #tpu.memory_space<vmem>> -> memref<1024xf32, #tpu.memory_space<vmem>>
      %parallel_loop3A_779 = arith.index_cast %parallel_loop3A_761 : i32 to index
      %parallel_loop3A_780 = tpu.vector_load %parallel_loop3A_778[%parallel_loop3A_779] {strides = array<i32>} : memref<1024xf32, #tpu.memory_space<vmem>>, vector<16xf32>,
      %parallel_loop3A_781 = vector.shape_cast %parallel_loop3A_780 : vector<16xf32> to vector<16xf32>
      %parallel_loop3A_782 = vector.shape_cast %parallel_loop3A_771 : vector<16xf32> to vector<16xf32>
      tpu.vector_store %parallel_loop3A_778[%parallel_loop3A_779], %parallel_loop3A_782 {add = true, strides = array<i32>} : memref<1024xf32, #tpu.memory_space<vmem>>, vector<16xf32>,
    } {sc.loop_unroll_factor = 8 : i64, sc.parallel_access}
    %add3A_479 = arith.constant 0 : i32
    %add3A_480 = arith.addi %add3A_479, %add3A_4 : i32
    %add3A_481 = arith.constant 16 : i32
    %add3A_482 = arith.addi %add3A_480, %add3A_481 : i32
    %dma_start3A_483 = arith.constant 0 : i32
    %dma_start3A_484 = arith.constant 0 : i32
    %dma_start3A_485 = arith.constant 0 : i32
    %dma_start3A_486 = arith.constant 0 : i32
    %dma_start3A_487 = tpu.memref_slice %arg5[%dma_start3A_483, %dma_start3A_485, %dma_start3A_486] : memref<4x16x1024xf32, #tpu.memory_space<vmem>> -> memref<1x16x1024xf32, #tpu.memory_space<vmem>>
    %dma_start3A_488 = tpu.memref_squeeze %dma_start3A_487 : memref<1x16x1024xf32, #tpu.memory_space<vmem>> -> memref<16x1024xf32, #tpu.memory_space<vmem>>
    %dma_start3A_489 = arith.constant 0 : i32
    %dma_start3A_490 = tpu.memref_slice %arg4[%add3A_482, %dma_start3A_489] : memref<32768x1024xf32, #tpu.memory_space<hbm>> -> memref<16x1024xf32, #tpu.memory_space<hbm>>
    %dma_start3A_491 = tpu.memref_slice %arg9[%dma_start3A_484] : memref<4x!tpu.dma_semaphore, #tpu.memory_space<semaphore_mem>> -> memref<1x!tpu.dma_semaphore, #tpu.memory_space<semaphore_mem>>
    %dma_start3A_492 = tpu.memref_squeeze %dma_start3A_491 : memref<1x!tpu.dma_semaphore, #tpu.memory_space<semaphore_mem>> -> memref<!tpu.dma_semaphore, #tpu.memory_space<semaphore_mem>>
    %dma_start3A_493 = arith.constant 0 : i32
    %dma_start3A_494 = tpu.memref_slice %arg4[%add3A_482, %dma_start3A_493] : memref<32768x1024xf32, #tpu.memory_space<hbm>> -> memref<16x1024xf32, #tpu.memory_space<hbm>>
    %dma_start3A_495 = arith.constant 0 : i32
    %dma_start3A_496 = arith.constant 0 : i32
    %dma_start3A_497 = tpu.memref_slice %arg5[%dma_start3A_483, %dma_start3A_495, %dma_start3A_496] : memref<4x16x1024xf32, #tpu.memory_space<vmem>> -> memref<1x16x1024xf32, #tpu.memory_space<vmem>>
    %dma_start3A_498 = tpu.memref_squeeze %dma_start3A_497 : memref<1x16x1024xf32, #tpu.memory_space<vmem>> -> memref<16x1024xf32, #tpu.memory_space<vmem>>
    tpu.enqueue_dma source(%dma_start3A_498 : memref<16x1024xf32, #tpu.memory_space<vmem>>) target(%dma_start3A_494 : memref<16x1024xf32, #tpu.memory_space<hbm>>) target_semaphore(%dma_start3A_492 : memref<!tpu.dma_semaphore, #tpu.memory_space<semaphore_mem>>)
    %add3A_499 = arith.constant 24576 : i32
    %add3A_500 = arith.addi %add3A_499, %add3A_4 : i32
    %add3A_501 = arith.constant 0 : i32
    %add3A_502 = arith.addi %add3A_500, %add3A_501 : i32
    %dma_wait3A_503 = arith.constant 3 : i32
    %dma_wait3A_504 = arith.constant 3 : i32
    %dma_wait3A_505 = arith.constant 0 : i32
    %dma_wait3A_506 = arith.constant 0 : i32
    %dma_wait3A_507 = tpu.memref_slice %arg5[%dma_wait3A_503, %dma_wait3A_505, %dma_wait3A_506] : memref<4x16x1024xf32, #tpu.memory_space<vmem>> -> memref<1x16x1024xf32, #tpu.memory_space<vmem>>
    %dma_wait3A_508 = tpu.memref_squeeze %dma_wait3A_507 : memref<1x16x1024xf32, #tpu.memory_space<vmem>> -> memref<16x1024xf32, #tpu.memory_space<vmem>>
    %dma_wait3A_509 = arith.constant 0 : i32
    %dma_wait3A_510 = tpu.memref_slice %arg4[%add3A_502, %dma_wait3A_509] : memref<32768x1024xf32, #tpu.memory_space<hbm>> -> memref<16x1024xf32, #tpu.memory_space<hbm>>
    %dma_wait3A_511 = tpu.memref_slice %arg9[%dma_wait3A_504] : memref<4x!tpu.dma_semaphore, #tpu.memory_space<semaphore_mem>> -> memref<1x!tpu.dma_semaphore, #tpu.memory_space<semaphore_mem>>
    %dma_wait3A_512 = tpu.memref_squeeze %dma_wait3A_511 : memref<1x!tpu.dma_semaphore, #tpu.memory_space<semaphore_mem>> -> memref<!tpu.dma_semaphore, #tpu.memory_space<semaphore_mem>>
    %dma_wait3A_513 = arith.constant 0 : i32
    %dma_wait3A_514 = tpu.memref_slice %arg4[%add3A_502, %dma_wait3A_513] : memref<32768x1024xf32, #tpu.memory_space<hbm>> -> memref<16x1024xf32, #tpu.memory_space<hbm>>
    %dma_wait3A_515 = arith.constant 0 : i32
    %dma_wait3A_516 = arith.constant 0 : i32
    %dma_wait3A_517 = tpu.memref_slice %arg5[%dma_wait3A_503, %dma_wait3A_515, %dma_wait3A_516] : memref<4x16x1024xf32, #tpu.memory_space<vmem>> -> memref<1x16x1024xf32, #tpu.memory_space<vmem>>
    %dma_wait3A_518 = tpu.memref_squeeze %dma_wait3A_517 : memref<1x16x1024xf32, #tpu.memory_space<vmem>> -> memref<16x1024xf32, #tpu.memory_space<vmem>>
    tpu.wait_dma2 semaphore(%dma_wait3A_512 : memref<!tpu.dma_semaphore, #tpu.memory_space<semaphore_mem>>) src(%dma_wait3A_518 : memref<16x1024xf32, #tpu.memory_space<vmem>>) dst(%dma_wait3A_514 : memref<16x1024xf32, #tpu.memory_space<hbm>>)
    %add3A_519 = arith.constant 24576 : i32
    %add3A_520 = arith.addi %add3A_519, %add3A_4 : i32
    %add3A_521 = arith.constant 16 : i32
    %add3A_522 = arith.addi %add3A_520, %add3A_521 : i32
    %dma_start3A_523 = arith.constant 3 : i32
    %dma_start3A_524 = arith.constant 3 : i32
    %dma_start3A_525 = arith.constant 0 : i32
    %dma_start3A_526 = arith.constant 0 : i32
    %dma_start3A_527 = tpu.memref_slice %arg5[%dma_start3A_523, %dma_start3A_525, %dma_start3A_526] : memref<4x16x1024xf32, #tpu.memory_space<vmem>> -> memref<1x16x1024xf32, #tpu.memory_space<vmem>>
    %dma_start3A_528 = tpu.memref_squeeze %dma_start3A_527 : memref<1x16x1024xf32, #tpu.memory_space<vmem>> -> memref<16x1024xf32, #tpu.memory_space<vmem>>
    %dma_start3A_529 = arith.constant 0 : i32
    %dma_start3A_530 = tpu.memref_slice %arg2[%add3A_522, %dma_start3A_529] : memref<32768x1024xf32, #tpu.memory_space<hbm>> -> memref<16x1024xf32, #tpu.memory_space<hbm>>
    %dma_start3A_531 = tpu.memref_slice %arg7[%dma_start3A_524] : memref<4x!tpu.dma_semaphore, #tpu.memory_space<semaphore_mem>> -> memref<1x!tpu.dma_semaphore, #tpu.memory_space<semaphore_mem>>
    %dma_start3A_532 = tpu.memref_squeeze %dma_start3A_531 : memref<1x!tpu.dma_semaphore, #tpu.memory_space<semaphore_mem>> -> memref<!tpu.dma_semaphore, #tpu.memory_space<semaphore_mem>>
    %dma_start3A_533 = arith.constant 0 : i32
    %dma_start3A_534 = arith.constant 0 : i32
    %dma_start3A_535 = tpu.memref_slice %arg5[%dma_start3A_523, %dma_start3A_533, %dma_start3A_534] : memref<4x16x1024xf32, #tpu.memory_space<vmem>> -> memref<1x16x1024xf32, #tpu.memory_space<vmem>>
    %dma_start3A_536 = tpu.memref_squeeze %dma_start3A_535 : memref<1x16x1024xf32, #tpu.memory_space<vmem>> -> memref<16x1024xf32, #tpu.memory_space<vmem>>
    %dma_start3A_537 = arith.constant 0 : i32
    %dma_start3A_538 = tpu.memref_slice %arg2[%add3A_522, %dma_start3A_537] : memref<32768x1024xf32, #tpu.memory_space<hbm>> -> memref<16x1024xf32, #tpu.memory_space<hbm>>
    tpu.enqueue_dma source(%dma_start3A_538 : memref<16x1024xf32, #tpu.memory_space<hbm>>) target(%dma_start3A_536 : memref<16x1024xf32, #tpu.memory_space<vmem>>) target_semaphore(%dma_start3A_532 : memref<!tpu.dma_semaphore, #tpu.memory_space<semaphore_mem>>)
    %add3A_539 = arith.constant 8192 : i32
    %add3A_540 = arith.addi %add3A_539, %add3A_4 : i32
    %add3A_541 = arith.constant 16 : i32
    %add3A_542 = arith.addi %add3A_540, %add3A_541 : i32
    %dma_wait3A_543 = arith.constant 1 : i32
    %dma_wait3A_544 = arith.constant 1 : i32
    %dma_wait3A_545 = arith.constant 0 : i32
    %dma_wait3A_546 = arith.constant 0 : i32
    %dma_wait3A_547 = tpu.memref_slice %arg5[%dma_wait3A_543, %dma_wait3A_545, %dma_wait3A_546] : memref<4x16x1024xf32, #tpu.memory_space<vmem>> -> memref<1x16x1024xf32, #tpu.memory_space<vmem>>
    %dma_wait3A_548 = tpu.memref_squeeze %dma_wait3A_547 : memref<1x16x1024xf32, #tpu.memory_space<vmem>> -> memref<16x1024xf32, #tpu.memory_space<vmem>>
    %dma_wait3A_549 = arith.constant 0 : i32
    %dma_wait3A_550 = tpu.memref_slice %arg2[%add3A_542, %dma_wait3A_549] : memref<32768x1024xf32, #tpu.memory_space<hbm>> -> memref<16x1024xf32, #tpu.memory_space<hbm>>
    %dma_wait3A_551 = tpu.memref_slice %arg7[%dma_wait3A_544] : memref<4x!tpu.dma_semaphore, #tpu.memory_space<semaphore_mem>> -> memref<1x!tpu.dma_semaphore, #tpu.memory_space<semaphore_mem>>
    %dma_wait3A_552 = tpu.memref_squeeze %dma_wait3A_551 : memref<1x!tpu.dma_semaphore, #tpu.memory_space<semaphore_mem>> -> memref<!tpu.dma_semaphore, #tpu.memory_space<semaphore_mem>>
    %dma_wait3A_553 = arith.constant 0 : i32
    %dma_wait3A_554 = arith.constant 0 : i32
    %dma_wait3A_555 = tpu.memref_slice %arg5[%dma_wait3A_543, %dma_wait3A_553, %dma_wait3A_554] : memref<4x16x1024xf32, #tpu.memory_space<vmem>> -> memref<1x16x1024xf32, #tpu.memory_space<vmem>>
    %dma_wait3A_556 = tpu.memref_squeeze %dma_wait3A_555 : memref<1x16x1024xf32, #tpu.memory_space<vmem>> -> memref<16x1024xf32, #tpu.memory_space<vmem>>
    %dma_wait3A_557 = arith.constant 0 : i32
    %dma_wait3A_558 = tpu.memref_slice %arg2[%add3A_542, %dma_wait3A_557] : memref<32768x1024xf32, #tpu.memory_space<hbm>> -> memref<16x1024xf32, #tpu.memory_space<hbm>>
    tpu.wait_dma2 semaphore(%dma_wait3A_552 : memref<!tpu.dma_semaphore, #tpu.memory_space<semaphore_mem>>) src(%dma_wait3A_558 : memref<16x1024xf32, #tpu.memory_space<hbm>>) dst(%dma_wait3A_556 : memref<16x1024xf32, #tpu.memory_space<vmem>>)
    %parallel_loop3A_559 = arith.constant 0 : i32
    %parallel_loop3A_560 = arith.constant 1024 : i32
    %parallel_loop3A_561 = arith.constant 1 : i32
    %parallel_loop3A_562 = arith.constant 1 : i32
    %parallel_loop3A_563 = arith.constant 1 : i32
    scf.for %parallel_loop3A_754 = %parallel_loop3A_559 to %parallel_loop3A_560 step %parallel_loop3A_561  : i32 {
      %parallel_loop3A_755 = arith.constant 6 : i32
      %parallel_loop3A_756 = arith.shrui %parallel_loop3A_754, %parallel_loop3A_755 : i32
      %parallel_loop3A_757 = arith.constant 63 : i32
      %parallel_loop3A_758 = arith.andi %parallel_loop3A_754, %parallel_loop3A_757 : i32
      %parallel_loop3A_759 = arith.constant 4 : i32
      %parallel_loop3A_760 = arith.shli %parallel_loop3A_758, %parallel_loop3A_759 : i32
      %parallel_loop3A_761 = tpu.assume_multiple %parallel_loop3A_760, 16 : i32
      %parallel_loop3A_762 = arith.constant 0 : i32
      %parallel_loop3A_763 = arith.constant 0 : i32
      %parallel_loop3A_764 = tpu.memref_slice %arg6[%parallel_loop3A_562, %parallel_loop3A_762, %parallel_loop3A_763] : memref<2x16x1024xf32, #tpu.memory_space<vmem>> -> memref<1x16x1024xf32, #tpu.memory_space<vmem>>
      %parallel_loop3A_765 = tpu.memref_squeeze %parallel_loop3A_764 : memref<1x16x1024xf32, #tpu.memory_space<vmem>> -> memref<16x1024xf32, #tpu.memory_space<vmem>>
      %parallel_loop3A_766 = arith.constant 0 : i32
      %parallel_loop3A_767 = tpu.memref_slice %parallel_loop3A_765[%parallel_loop3A_756, %parallel_loop3A_766] : memref<16x1024xf32, #tpu.memory_space<vmem>> -> memref<1x1024xf32, #tpu.memory_space<vmem>>
      %parallel_loop3A_768 = tpu.memref_squeeze %parallel_loop3A_767 : memref<1x1024xf32, #tpu.memory_space<vmem>> -> memref<1024xf32, #tpu.memory_space<vmem>>
      %parallel_loop3A_769 = arith.index_cast %parallel_loop3A_761 : i32 to index
      %parallel_loop3A_770 = tpu.vector_load %parallel_loop3A_768[%parallel_loop3A_769] {strides = array<i32>} : memref<1024xf32, #tpu.memory_space<vmem>>, vector<16xf32>,
      %parallel_loop3A_771 = vector.shape_cast %parallel_loop3A_770 : vector<16xf32> to vector<16xf32>
      %parallel_loop3A_772 = arith.constant 0 : i32
      %parallel_loop3A_773 = arith.constant 0 : i32
      %parallel_loop3A_774 = tpu.memref_slice %arg5[%parallel_loop3A_563, %parallel_loop3A_772, %parallel_loop3A_773] : memref<4x16x1024xf32, #tpu.memory_space<vmem>> -> memref<1x16x1024xf32, #tpu.memory_space<vmem>>
      %parallel_loop3A_775 = tpu.memref_squeeze %parallel_loop3A_774 : memref<1x16x1024xf32, #tpu.memory_space<vmem>> -> memref<16x1024xf32, #tpu.memory_space<vmem>>
      %parallel_loop3A_776 = arith.constant 0 : i32
      %parallel_loop3A_777 = tpu.memref_slice %parallel_loop3A_775[%parallel_loop3A_756, %parallel_loop3A_776] : memref<16x1024xf32, #tpu.memory_space<vmem>> -> memref<1x1024xf32, #tpu.memory_space<vmem>>
      %parallel_loop3A_778 = tpu.memref_squeeze %parallel_loop3A_777 : memref<1x1024xf32, #tpu.memory_space<vmem>> -> memref<1024xf32, #tpu.memory_space<vmem>>
      %parallel_loop3A_779 = arith.index_cast %parallel_loop3A_761 : i32 to index
      %parallel_loop3A_780 = tpu.vector_load %parallel_loop3A_778[%parallel_loop3A_779] {strides = array<i32>} : memref<1024xf32, #tpu.memory_space<vmem>>, vector<16xf32>,
      %parallel_loop3A_781 = vector.shape_cast %parallel_loop3A_780 : vector<16xf32> to vector<16xf32>
      %parallel_loop3A_782 = vector.shape_cast %parallel_loop3A_771 : vector<16xf32> to vector<16xf32>
      tpu.vector_store %parallel_loop3A_778[%parallel_loop3A_779], %parallel_loop3A_782 {add = true, strides = array<i32>} : memref<1024xf32, #tpu.memory_space<vmem>>, vector<16xf32>,
    } {sc.loop_unroll_factor = 8 : i64, sc.parallel_access}
    %add3A_564 = arith.constant 8192 : i32
    %add3A_565 = arith.addi %add3A_564, %add3A_4 : i32
    %add3A_566 = arith.constant 16 : i32
    %add3A_567 = arith.addi %add3A_565, %add3A_566 : i32
    %dma_start3A_568 = arith.constant 1 : i32
    %dma_start3A_569 = arith.constant 1 : i32
    %dma_start3A_570 = arith.constant 0 : i32
    %dma_start3A_571 = arith.constant 0 : i32
    %dma_start3A_572 = tpu.memref_slice %arg5[%dma_start3A_568, %dma_start3A_570, %dma_start3A_571] : memref<4x16x1024xf32, #tpu.memory_space<vmem>> -> memref<1x16x1024xf32, #tpu.memory_space<vmem>>
    %dma_start3A_573 = tpu.memref_squeeze %dma_start3A_572 : memref<1x16x1024xf32, #tpu.memory_space<vmem>> -> memref<16x1024xf32, #tpu.memory_space<vmem>>
    %dma_start3A_574 = arith.constant 0 : i32
    %dma_start3A_575 = tpu.memref_slice %arg4[%add3A_567, %dma_start3A_574] : memref<32768x1024xf32, #tpu.memory_space<hbm>> -> memref<16x1024xf32, #tpu.memory_space<hbm>>
    %dma_start3A_576 = tpu.memref_slice %arg9[%dma_start3A_569] : memref<4x!tpu.dma_semaphore, #tpu.memory_space<semaphore_mem>> -> memref<1x!tpu.dma_semaphore, #tpu.memory_space<semaphore_mem>>
    %dma_start3A_577 = tpu.memref_squeeze %dma_start3A_576 : memref<1x!tpu.dma_semaphore, #tpu.memory_space<semaphore_mem>> -> memref<!tpu.dma_semaphore, #tpu.memory_space<semaphore_mem>>
    %dma_start3A_578 = arith.constant 0 : i32
    %dma_start3A_579 = tpu.memref_slice %arg4[%add3A_567, %dma_start3A_578] : memref<32768x1024xf32, #tpu.memory_space<hbm>> -> memref<16x1024xf32, #tpu.memory_space<hbm>>
    %dma_start3A_580 = arith.constant 0 : i32
    %dma_start3A_581 = arith.constant 0 : i32
    %dma_start3A_582 = tpu.memref_slice %arg5[%dma_start3A_568, %dma_start3A_580, %dma_start3A_581] : memref<4x16x1024xf32, #tpu.memory_space<vmem>> -> memref<1x16x1024xf32, #tpu.memory_space<vmem>>
    %dma_start3A_583 = tpu.memref_squeeze %dma_start3A_582 : memref<1x16x1024xf32, #tpu.memory_space<vmem>> -> memref<16x1024xf32, #tpu.memory_space<vmem>>
    tpu.enqueue_dma source(%dma_start3A_583 : memref<16x1024xf32, #tpu.memory_space<vmem>>) target(%dma_start3A_579 : memref<16x1024xf32, #tpu.memory_space<hbm>>) target_semaphore(%dma_start3A_577 : memref<!tpu.dma_semaphore, #tpu.memory_space<semaphore_mem>>)
    %add3A_584 = arith.constant 0 : i32
    %add3A_585 = arith.addi %add3A_584, %add3A_4 : i32
    %add3A_586 = arith.constant 16 : i32
    %add3A_587 = arith.addi %add3A_585, %add3A_586 : i32
    %dma_wait3A_588 = arith.constant 0 : i32
    %dma_wait3A_589 = arith.constant 0 : i32
    %dma_wait3A_590 = arith.constant 0 : i32
    %dma_wait3A_591 = arith.constant 0 : i32
    %dma_wait3A_592 = tpu.memref_slice %arg5[%dma_wait3A_588, %dma_wait3A_590, %dma_wait3A_591] : memref<4x16x1024xf32, #tpu.memory_space<vmem>> -> memref<1x16x1024xf32, #tpu.memory_space<vmem>>
    %dma_wait3A_593 = tpu.memref_squeeze %dma_wait3A_592 : memref<1x16x1024xf32, #tpu.memory_space<vmem>> -> memref<16x1024xf32, #tpu.memory_space<vmem>>
    %dma_wait3A_594 = arith.constant 0 : i32
    %dma_wait3A_595 = tpu.memref_slice %arg4[%add3A_587, %dma_wait3A_594] : memref<32768x1024xf32, #tpu.memory_space<hbm>> -> memref<16x1024xf32, #tpu.memory_space<hbm>>
    %dma_wait3A_596 = tpu.memref_slice %arg9[%dma_wait3A_589] : memref<4x!tpu.dma_semaphore, #tpu.memory_space<semaphore_mem>> -> memref<1x!tpu.dma_semaphore, #tpu.memory_space<semaphore_mem>>
    %dma_wait3A_597 = tpu.memref_squeeze %dma_wait3A_596 : memref<1x!tpu.dma_semaphore, #tpu.memory_space<semaphore_mem>> -> memref<!tpu.dma_semaphore, #tpu.memory_space<semaphore_mem>>
    %dma_wait3A_598 = arith.constant 0 : i32
    %dma_wait3A_599 = tpu.memref_slice %arg4[%add3A_587, %dma_wait3A_598] : memref<32768x1024xf32, #tpu.memory_space<hbm>> -> memref<16x1024xf32, #tpu.memory_space<hbm>>
    %dma_wait3A_600 = arith.constant 0 : i32
    %dma_wait3A_601 = arith.constant 0 : i32
    %dma_wait3A_602 = tpu.memref_slice %arg5[%dma_wait3A_588, %dma_wait3A_600, %dma_wait3A_601] : memref<4x16x1024xf32, #tpu.memory_space<vmem>> -> memref<1x16x1024xf32, #tpu.memory_space<vmem>>
    %dma_wait3A_603 = tpu.memref_squeeze %dma_wait3A_602 : memref<1x16x1024xf32, #tpu.memory_space<vmem>> -> memref<16x1024xf32, #tpu.memory_space<vmem>>
    tpu.wait_dma2 semaphore(%dma_wait3A_597 : memref<!tpu.dma_semaphore, #tpu.memory_space<semaphore_mem>>) src(%dma_wait3A_603 : memref<16x1024xf32, #tpu.memory_space<vmem>>) dst(%dma_wait3A_599 : memref<16x1024xf32, #tpu.memory_space<hbm>>)
    %add3A_604 = arith.constant 16384 : i32
    %add3A_605 = arith.addi %add3A_604, %add3A_4 : i32
    %add3A_606 = arith.constant 16 : i32
    %add3A_607 = arith.addi %add3A_605, %add3A_606 : i32
    %dma_wait3A_608 = arith.constant 2 : i32
    %dma_wait3A_609 = arith.constant 2 : i32
    %dma_wait3A_610 = arith.constant 0 : i32
    %dma_wait3A_611 = arith.constant 0 : i32
    %dma_wait3A_612 = tpu.memref_slice %arg5[%dma_wait3A_608, %dma_wait3A_610, %dma_wait3A_611] : memref<4x16x1024xf32, #tpu.memory_space<vmem>> -> memref<1x16x1024xf32, #tpu.memory_space<vmem>>
    %dma_wait3A_613 = tpu.memref_squeeze %dma_wait3A_612 : memref<1x16x1024xf32, #tpu.memory_space<vmem>> -> memref<16x1024xf32, #tpu.memory_space<vmem>>
    %dma_wait3A_614 = arith.constant 0 : i32
    %dma_wait3A_615 = tpu.memref_slice %arg2[%add3A_607, %dma_wait3A_614] : memref<32768x1024xf32, #tpu.memory_space<hbm>> -> memref<16x1024xf32, #tpu.memory_space<hbm>>
    %dma_wait3A_616 = tpu.memref_slice %arg7[%dma_wait3A_609] : memref<4x!tpu.dma_semaphore, #tpu.memory_space<semaphore_mem>> -> memref<1x!tpu.dma_semaphore, #tpu.memory_space<semaphore_mem>>
    %dma_wait3A_617 = tpu.memref_squeeze %dma_wait3A_616 : memref<1x!tpu.dma_semaphore, #tpu.memory_space<semaphore_mem>> -> memref<!tpu.dma_semaphore, #tpu.memory_space<semaphore_mem>>
    %dma_wait3A_618 = arith.constant 0 : i32
    %dma_wait3A_619 = arith.constant 0 : i32
    %dma_wait3A_620 = tpu.memref_slice %arg5[%dma_wait3A_608, %dma_wait3A_618, %dma_wait3A_619] : memref<4x16x1024xf32, #tpu.memory_space<vmem>> -> memref<1x16x1024xf32, #tpu.memory_space<vmem>>
    %dma_wait3A_621 = tpu.memref_squeeze %dma_wait3A_620 : memref<1x16x1024xf32, #tpu.memory_space<vmem>> -> memref<16x1024xf32, #tpu.memory_space<vmem>>
    %dma_wait3A_622 = arith.constant 0 : i32
    %dma_wait3A_623 = tpu.memref_slice %arg2[%add3A_607, %dma_wait3A_622] : memref<32768x1024xf32, #tpu.memory_space<hbm>> -> memref<16x1024xf32, #tpu.memory_space<hbm>>
    tpu.wait_dma2 semaphore(%dma_wait3A_617 : memref<!tpu.dma_semaphore, #tpu.memory_space<semaphore_mem>>) src(%dma_wait3A_623 : memref<16x1024xf32, #tpu.memory_space<hbm>>) dst(%dma_wait3A_621 : memref<16x1024xf32, #tpu.memory_space<vmem>>)
    %parallel_loop3A_624 = arith.constant 0 : i32
    %parallel_loop3A_625 = arith.constant 1024 : i32
    %parallel_loop3A_626 = arith.constant 1 : i32
    %parallel_loop3A_627 = arith.constant 1 : i32
    %parallel_loop3A_628 = arith.constant 2 : i32
    scf.for %parallel_loop3A_754 = %parallel_loop3A_624 to %parallel_loop3A_625 step %parallel_loop3A_626  : i32 {
      %parallel_loop3A_755 = arith.constant 6 : i32
      %parallel_loop3A_756 = arith.shrui %parallel_loop3A_754, %parallel_loop3A_755 : i32
      %parallel_loop3A_757 = arith.constant 63 : i32
      %parallel_loop3A_758 = arith.andi %parallel_loop3A_754, %parallel_loop3A_757 : i32
      %parallel_loop3A_759 = arith.constant 4 : i32
      %parallel_loop3A_760 = arith.shli %parallel_loop3A_758, %parallel_loop3A_759 : i32
      %parallel_loop3A_761 = tpu.assume_multiple %parallel_loop3A_760, 16 : i32
      %parallel_loop3A_762 = arith.constant 0 : i32
      %parallel_loop3A_763 = arith.constant 0 : i32
      %parallel_loop3A_764 = tpu.memref_slice %arg6[%parallel_loop3A_627, %parallel_loop3A_762, %parallel_loop3A_763] : memref<2x16x1024xf32, #tpu.memory_space<vmem>> -> memref<1x16x1024xf32, #tpu.memory_space<vmem>>
      %parallel_loop3A_765 = tpu.memref_squeeze %parallel_loop3A_764 : memref<1x16x1024xf32, #tpu.memory_space<vmem>> -> memref<16x1024xf32, #tpu.memory_space<vmem>>
      %parallel_loop3A_766 = arith.constant 0 : i32
      %parallel_loop3A_767 = tpu.memref_slice %parallel_loop3A_765[%parallel_loop3A_756, %parallel_loop3A_766] : memref<16x1024xf32, #tpu.memory_space<vmem>> -> memref<1x1024xf32, #tpu.memory_space<vmem>>
      %parallel_loop3A_768 = tpu.memref_squeeze %parallel_loop3A_767 : memref<1x1024xf32, #tpu.memory_space<vmem>> -> memref<1024xf32, #tpu.memory_space<vmem>>
      %parallel_loop3A_769 = arith.index_cast %parallel_loop3A_761 : i32 to index
      %parallel_loop3A_770 = tpu.vector_load %parallel_loop3A_768[%parallel_loop3A_769] {strides = array<i32>} : memref<1024xf32, #tpu.memory_space<vmem>>, vector<16xf32>,
      %parallel_loop3A_771 = vector.shape_cast %parallel_loop3A_770 : vector<16xf32> to vector<16xf32>
      %parallel_loop3A_772 = arith.constant 0 : i32
      %parallel_loop3A_773 = arith.constant 0 : i32
      %parallel_loop3A_774 = tpu.memref_slice %arg5[%parallel_loop3A_628, %parallel_loop3A_772, %parallel_loop3A_773] : memref<4x16x1024xf32, #tpu.memory_space<vmem>> -> memref<1x16x1024xf32, #tpu.memory_space<vmem>>
      %parallel_loop3A_775 = tpu.memref_squeeze %parallel_loop3A_774 : memref<1x16x1024xf32, #tpu.memory_space<vmem>> -> memref<16x1024xf32, #tpu.memory_space<vmem>>
      %parallel_loop3A_776 = arith.constant 0 : i32
      %parallel_loop3A_777 = tpu.memref_slice %parallel_loop3A_775[%parallel_loop3A_756, %parallel_loop3A_776] : memref<16x1024xf32, #tpu.memory_space<vmem>> -> memref<1x1024xf32, #tpu.memory_space<vmem>>
      %parallel_loop3A_778 = tpu.memref_squeeze %parallel_loop3A_777 : memref<1x1024xf32, #tpu.memory_space<vmem>> -> memref<1024xf32, #tpu.memory_space<vmem>>
      %parallel_loop3A_779 = arith.index_cast %parallel_loop3A_761 : i32 to index
      %parallel_loop3A_780 = tpu.vector_load %parallel_loop3A_778[%parallel_loop3A_779] {strides = array<i32>} : memref<1024xf32, #tpu.memory_space<vmem>>, vector<16xf32>,
      %parallel_loop3A_781 = vector.shape_cast %parallel_loop3A_780 : vector<16xf32> to vector<16xf32>
      %parallel_loop3A_782 = vector.shape_cast %parallel_loop3A_771 : vector<16xf32> to vector<16xf32>
      tpu.vector_store %parallel_loop3A_778[%parallel_loop3A_779], %parallel_loop3A_782 {add = true, strides = array<i32>} : memref<1024xf32, #tpu.memory_space<vmem>>, vector<16xf32>,
    } {sc.loop_unroll_factor = 8 : i64, sc.parallel_access}
    %add3A_629 = arith.constant 16384 : i32
    %add3A_630 = arith.addi %add3A_629, %add3A_4 : i32
    %add3A_631 = arith.constant 16 : i32
    %add3A_632 = arith.addi %add3A_630, %add3A_631 : i32
    %dma_start3A_633 = arith.constant 2 : i32
    %dma_start3A_634 = arith.constant 2 : i32
    %dma_start3A_635 = arith.constant 0 : i32
    %dma_start3A_636 = arith.constant 0 : i32
    %dma_start3A_637 = tpu.memref_slice %arg5[%dma_start3A_633, %dma_start3A_635, %dma_start3A_636] : memref<4x16x1024xf32, #tpu.memory_space<vmem>> -> memref<1x16x1024xf32, #tpu.memory_space<vmem>>
    %dma_start3A_638 = tpu.memref_squeeze %dma_start3A_637 : memref<1x16x1024xf32, #tpu.memory_space<vmem>> -> memref<16x1024xf32, #tpu.memory_space<vmem>>
    %dma_start3A_639 = arith.constant 0 : i32
    %dma_start3A_640 = tpu.memref_slice %arg4[%add3A_632, %dma_start3A_639] : memref<32768x1024xf32, #tpu.memory_space<hbm>> -> memref<16x1024xf32, #tpu.memory_space<hbm>>
    %dma_start3A_641 = tpu.memref_slice %arg9[%dma_start3A_634] : memref<4x!tpu.dma_semaphore, #tpu.memory_space<semaphore_mem>> -> memref<1x!tpu.dma_semaphore, #tpu.memory_space<semaphore_mem>>
    %dma_start3A_642 = tpu.memref_squeeze %dma_start3A_641 : memref<1x!tpu.dma_semaphore, #tpu.memory_space<semaphore_mem>> -> memref<!tpu.dma_semaphore, #tpu.memory_space<semaphore_mem>>
    %dma_start3A_643 = arith.constant 0 : i32
    %dma_start3A_644 = tpu.memref_slice %arg4[%add3A_632, %dma_start3A_643] : memref<32768x1024xf32, #tpu.memory_space<hbm>> -> memref<16x1024xf32, #tpu.memory_space<hbm>>
    %dma_start3A_645 = arith.constant 0 : i32
    %dma_start3A_646 = arith.constant 0 : i32
    %dma_start3A_647 = tpu.memref_slice %arg5[%dma_start3A_633, %dma_start3A_645, %dma_start3A_646] : memref<4x16x1024xf32, #tpu.memory_space<vmem>> -> memref<1x16x1024xf32, #tpu.memory_space<vmem>>
    %dma_start3A_648 = tpu.memref_squeeze %dma_start3A_647 : memref<1x16x1024xf32, #tpu.memory_space<vmem>> -> memref<16x1024xf32, #tpu.memory_space<vmem>>
    tpu.enqueue_dma source(%dma_start3A_648 : memref<16x1024xf32, #tpu.memory_space<vmem>>) target(%dma_start3A_644 : memref<16x1024xf32, #tpu.memory_space<hbm>>) target_semaphore(%dma_start3A_642 : memref<!tpu.dma_semaphore, #tpu.memory_space<semaphore_mem>>)
    %add3A_649 = arith.constant 8192 : i32
    %add3A_650 = arith.addi %add3A_649, %add3A_4 : i32
    %add3A_651 = arith.constant 16 : i32
    %add3A_652 = arith.addi %add3A_650, %add3A_651 : i32
    %dma_wait3A_653 = arith.constant 1 : i32
    %dma_wait3A_654 = arith.constant 1 : i32
    %dma_wait3A_655 = arith.constant 0 : i32
    %dma_wait3A_656 = arith.constant 0 : i32
    %dma_wait3A_657 = tpu.memref_slice %arg5[%dma_wait3A_653, %dma_wait3A_655, %dma_wait3A_656] : memref<4x16x1024xf32, #tpu.memory_space<vmem>> -> memref<1x16x1024xf32, #tpu.memory_space<vmem>>
    %dma_wait3A_658 = tpu.memref_squeeze %dma_wait3A_657 : memref<1x16x1024xf32, #tpu.memory_space<vmem>> -> memref<16x1024xf32, #tpu.memory_space<vmem>>
    %dma_wait3A_659 = arith.constant 0 : i32
    %dma_wait3A_660 = tpu.memref_slice %arg4[%add3A_652, %dma_wait3A_659] : memref<32768x1024xf32, #tpu.memory_space<hbm>> -> memref<16x1024xf32, #tpu.memory_space<hbm>>
    %dma_wait3A_661 = tpu.memref_slice %arg9[%dma_wait3A_654] : memref<4x!tpu.dma_semaphore, #tpu.memory_space<semaphore_mem>> -> memref<1x!tpu.dma_semaphore, #tpu.memory_space<semaphore_mem>>
    %dma_wait3A_662 = tpu.memref_squeeze %dma_wait3A_661 : memref<1x!tpu.dma_semaphore, #tpu.memory_space<semaphore_mem>> -> memref<!tpu.dma_semaphore, #tpu.memory_space<semaphore_mem>>
    %dma_wait3A_663 = arith.constant 0 : i32
    %dma_wait3A_664 = tpu.memref_slice %arg4[%add3A_652, %dma_wait3A_663] : memref<32768x1024xf32, #tpu.memory_space<hbm>> -> memref<16x1024xf32, #tpu.memory_space<hbm>>
    %dma_wait3A_665 = arith.constant 0 : i32
    %dma_wait3A_666 = arith.constant 0 : i32
    %dma_wait3A_667 = tpu.memref_slice %arg5[%dma_wait3A_653, %dma_wait3A_665, %dma_wait3A_666] : memref<4x16x1024xf32, #tpu.memory_space<vmem>> -> memref<1x16x1024xf32, #tpu.memory_space<vmem>>
    %dma_wait3A_668 = tpu.memref_squeeze %dma_wait3A_667 : memref<1x16x1024xf32, #tpu.memory_space<vmem>> -> memref<16x1024xf32, #tpu.memory_space<vmem>>
    tpu.wait_dma2 semaphore(%dma_wait3A_662 : memref<!tpu.dma_semaphore, #tpu.memory_space<semaphore_mem>>) src(%dma_wait3A_668 : memref<16x1024xf32, #tpu.memory_space<vmem>>) dst(%dma_wait3A_664 : memref<16x1024xf32, #tpu.memory_space<hbm>>)
    %add3A_669 = arith.constant 24576 : i32
    %add3A_670 = arith.addi %add3A_669, %add3A_4 : i32
    %add3A_671 = arith.constant 16 : i32
    %add3A_672 = arith.addi %add3A_670, %add3A_671 : i32
    %dma_wait3A_673 = arith.constant 3 : i32
    %dma_wait3A_674 = arith.constant 3 : i32
    %dma_wait3A_675 = arith.constant 0 : i32
    %dma_wait3A_676 = arith.constant 0 : i32
    %dma_wait3A_677 = tpu.memref_slice %arg5[%dma_wait3A_673, %dma_wait3A_675, %dma_wait3A_676] : memref<4x16x1024xf32, #tpu.memory_space<vmem>> -> memref<1x16x1024xf32, #tpu.memory_space<vmem>>
    %dma_wait3A_678 = tpu.memref_squeeze %dma_wait3A_677 : memref<1x16x1024xf32, #tpu.memory_space<vmem>> -> memref<16x1024xf32, #tpu.memory_space<vmem>>
    %dma_wait3A_679 = arith.constant 0 : i32
    %dma_wait3A_680 = tpu.memref_slice %arg2[%add3A_672, %dma_wait3A_679] : memref<32768x1024xf32, #tpu.memory_space<hbm>> -> memref<16x1024xf32, #tpu.memory_space<hbm>>
    %dma_wait3A_681 = tpu.memref_slice %arg7[%dma_wait3A_674] : memref<4x!tpu.dma_semaphore, #tpu.memory_space<semaphore_mem>> -> memref<1x!tpu.dma_semaphore, #tpu.memory_space<semaphore_mem>>
    %dma_wait3A_682 = tpu.memref_squeeze %dma_wait3A_681 : memref<1x!tpu.dma_semaphore, #tpu.memory_space<semaphore_mem>> -> memref<!tpu.dma_semaphore, #tpu.memory_space<semaphore_mem>>
    %dma_wait3A_683 = arith.constant 0 : i32
    %dma_wait3A_684 = arith.constant 0 : i32
    %dma_wait3A_685 = tpu.memref_slice %arg5[%dma_wait3A_673, %dma_wait3A_683, %dma_wait3A_684] : memref<4x16x1024xf32, #tpu.memory_space<vmem>> -> memref<1x16x1024xf32, #tpu.memory_space<vmem>>
    %dma_wait3A_686 = tpu.memref_squeeze %dma_wait3A_685 : memref<1x16x1024xf32, #tpu.memory_space<vmem>> -> memref<16x1024xf32, #tpu.memory_space<vmem>>
    %dma_wait3A_687 = arith.constant 0 : i32
    %dma_wait3A_688 = tpu.memref_slice %arg2[%add3A_672, %dma_wait3A_687] : memref<32768x1024xf32, #tpu.memory_space<hbm>> -> memref<16x1024xf32, #tpu.memory_space<hbm>>
    tpu.wait_dma2 semaphore(%dma_wait3A_682 : memref<!tpu.dma_semaphore, #tpu.memory_space<semaphore_mem>>) src(%dma_wait3A_688 : memref<16x1024xf32, #tpu.memory_space<hbm>>) dst(%dma_wait3A_686 : memref<16x1024xf32, #tpu.memory_space<vmem>>)
    %parallel_loop3A_689 = arith.constant 0 : i32
    %parallel_loop3A_690 = arith.constant 1024 : i32
    %parallel_loop3A_691 = arith.constant 1 : i32
    %parallel_loop3A_692 = arith.constant 1 : i32
    %parallel_loop3A_693 = arith.constant 3 : i32
    scf.for %parallel_loop3A_754 = %parallel_loop3A_689 to %parallel_loop3A_690 step %parallel_loop3A_691  : i32 {
      %parallel_loop3A_755 = arith.constant 6 : i32
      %parallel_loop3A_756 = arith.shrui %parallel_loop3A_754, %parallel_loop3A_755 : i32
      %parallel_loop3A_757 = arith.constant 63 : i32
      %parallel_loop3A_758 = arith.andi %parallel_loop3A_754, %parallel_loop3A_757 : i32
      %parallel_loop3A_759 = arith.constant 4 : i32
      %parallel_loop3A_760 = arith.shli %parallel_loop3A_758, %parallel_loop3A_759 : i32
      %parallel_loop3A_761 = tpu.assume_multiple %parallel_loop3A_760, 16 : i32
      %parallel_loop3A_762 = arith.constant 0 : i32
      %parallel_loop3A_763 = arith.constant 0 : i32
      %parallel_loop3A_764 = tpu.memref_slice %arg6[%parallel_loop3A_692, %parallel_loop3A_762, %parallel_loop3A_763] : memref<2x16x1024xf32, #tpu.memory_space<vmem>> -> memref<1x16x1024xf32, #tpu.memory_space<vmem>>
      %parallel_loop3A_765 = tpu.memref_squeeze %parallel_loop3A_764 : memref<1x16x1024xf32, #tpu.memory_space<vmem>> -> memref<16x1024xf32, #tpu.memory_space<vmem>>
      %parallel_loop3A_766 = arith.constant 0 : i32
      %parallel_loop3A_767 = tpu.memref_slice %parallel_loop3A_765[%parallel_loop3A_756, %parallel_loop3A_766] : memref<16x1024xf32, #tpu.memory_space<vmem>> -> memref<1x1024xf32, #tpu.memory_space<vmem>>
      %parallel_loop3A_768 = tpu.memref_squeeze %parallel_loop3A_767 : memref<1x1024xf32, #tpu.memory_space<vmem>> -> memref<1024xf32, #tpu.memory_space<vmem>>
      %parallel_loop3A_769 = arith.index_cast %parallel_loop3A_761 : i32 to index
      %parallel_loop3A_770 = tpu.vector_load %parallel_loop3A_768[%parallel_loop3A_769] {strides = array<i32>} : memref<1024xf32, #tpu.memory_space<vmem>>, vector<16xf32>,
      %parallel_loop3A_771 = vector.shape_cast %parallel_loop3A_770 : vector<16xf32> to vector<16xf32>
      %parallel_loop3A_772 = arith.constant 0 : i32
      %parallel_loop3A_773 = arith.constant 0 : i32
      %parallel_loop3A_774 = tpu.memref_slice %arg5[%parallel_loop3A_693, %parallel_loop3A_772, %parallel_loop3A_773] : memref<4x16x1024xf32, #tpu.memory_space<vmem>> -> memref<1x16x1024xf32, #tpu.memory_space<vmem>>
      %parallel_loop3A_775 = tpu.memref_squeeze %parallel_loop3A_774 : memref<1x16x1024xf32, #tpu.memory_space<vmem>> -> memref<16x1024xf32, #tpu.memory_space<vmem>>
      %parallel_loop3A_776 = arith.constant 0 : i32
      %parallel_loop3A_777 = tpu.memref_slice %parallel_loop3A_775[%parallel_loop3A_756, %parallel_loop3A_776] : memref<16x1024xf32, #tpu.memory_space<vmem>> -> memref<1x1024xf32, #tpu.memory_space<vmem>>
      %parallel_loop3A_778 = tpu.memref_squeeze %parallel_loop3A_777 : memref<1x1024xf32, #tpu.memory_space<vmem>> -> memref<1024xf32, #tpu.memory_space<vmem>>
      %parallel_loop3A_779 = arith.index_cast %parallel_loop3A_761 : i32 to index
      %parallel_loop3A_780 = tpu.vector_load %parallel_loop3A_778[%parallel_loop3A_779] {strides = array<i32>} : memref<1024xf32, #tpu.memory_space<vmem>>, vector<16xf32>,
      %parallel_loop3A_781 = vector.shape_cast %parallel_loop3A_780 : vector<16xf32> to vector<16xf32>
      %parallel_loop3A_782 = vector.shape_cast %parallel_loop3A_771 : vector<16xf32> to vector<16xf32>
      tpu.vector_store %parallel_loop3A_778[%parallel_loop3A_779], %parallel_loop3A_782 {add = true, strides = array<i32>} : memref<1024xf32, #tpu.memory_space<vmem>>, vector<16xf32>,
    } {sc.loop_unroll_factor = 8 : i64, sc.parallel_access}
    %add3A_694 = arith.constant 24576 : i32
    %add3A_695 = arith.addi %add3A_694, %add3A_4 : i32
    %add3A_696 = arith.constant 16 : i32
    %add3A_697 = arith.addi %add3A_695, %add3A_696 : i32
    %dma_start3A_698 = arith.constant 3 : i32
    %dma_start3A_699 = arith.constant 3 : i32
    %dma_start3A_700 = arith.constant 0 : i32
    %dma_start3A_701 = arith.constant 0 : i32
    %dma_start3A_702 = tpu.memref_slice %arg5[%dma_start3A_698, %dma_start3A_700, %dma_start3A_701] : memref<4x16x1024xf32, #tpu.memory_space<vmem>> -> memref<1x16x1024xf32, #tpu.memory_space<vmem>>
    %dma_start3A_703 = tpu.memref_squeeze %dma_start3A_702 : memref<1x16x1024xf32, #tpu.memory_space<vmem>> -> memref<16x1024xf32, #tpu.memory_space<vmem>>
    %dma_start3A_704 = arith.constant 0 : i32
    %dma_start3A_705 = tpu.memref_slice %arg4[%add3A_697, %dma_start3A_704] : memref<32768x1024xf32, #tpu.memory_space<hbm>> -> memref<16x1024xf32, #tpu.memory_space<hbm>>
    %dma_start3A_706 = tpu.memref_slice %arg9[%dma_start3A_699] : memref<4x!tpu.dma_semaphore, #tpu.memory_space<semaphore_mem>> -> memref<1x!tpu.dma_semaphore, #tpu.memory_space<semaphore_mem>>
    %dma_start3A_707 = tpu.memref_squeeze %dma_start3A_706 : memref<1x!tpu.dma_semaphore, #tpu.memory_space<semaphore_mem>> -> memref<!tpu.dma_semaphore, #tpu.memory_space<semaphore_mem>>
    %dma_start3A_708 = arith.constant 0 : i32
    %dma_start3A_709 = tpu.memref_slice %arg4[%add3A_697, %dma_start3A_708] : memref<32768x1024xf32, #tpu.memory_space<hbm>> -> memref<16x1024xf32, #tpu.memory_space<hbm>>
    %dma_start3A_710 = arith.constant 0 : i32
    %dma_start3A_711 = arith.constant 0 : i32
    %dma_start3A_712 = tpu.memref_slice %arg5[%dma_start3A_698, %dma_start3A_710, %dma_start3A_711] : memref<4x16x1024xf32, #tpu.memory_space<vmem>> -> memref<1x16x1024xf32, #tpu.memory_space<vmem>>
    %dma_start3A_713 = tpu.memref_squeeze %dma_start3A_712 : memref<1x16x1024xf32, #tpu.memory_space<vmem>> -> memref<16x1024xf32, #tpu.memory_space<vmem>>
    tpu.enqueue_dma source(%dma_start3A_713 : memref<16x1024xf32, #tpu.memory_space<vmem>>) target(%dma_start3A_709 : memref<16x1024xf32, #tpu.memory_space<hbm>>) target_semaphore(%dma_start3A_707 : memref<!tpu.dma_semaphore, #tpu.memory_space<semaphore_mem>>)
    %add3A_714 = arith.constant 16384 : i32
    %add3A_715 = arith.addi %add3A_714, %add3A_4 : i32
    %add3A_716 = arith.constant 16 : i32
    %add3A_717 = arith.addi %add3A_715, %add3A_716 : i32
    %dma_wait3A_718 = arith.constant 2 : i32
    %dma_wait3A_719 = arith.constant 2 : i32
    %dma_wait3A_720 = arith.constant 0 : i32
    %dma_wait3A_721 = arith.constant 0 : i32
    %dma_wait3A_722 = tpu.memref_slice %arg5[%dma_wait3A_718, %dma_wait3A_720, %dma_wait3A_721] : memref<4x16x1024xf32, #tpu.memory_space<vmem>> -> memref<1x16x1024xf32, #tpu.memory_space<vmem>>
    %dma_wait3A_723 = tpu.memref_squeeze %dma_wait3A_722 : memref<1x16x1024xf32, #tpu.memory_space<vmem>> -> memref<16x1024xf32, #tpu.memory_space<vmem>>
    %dma_wait3A_724 = arith.constant 0 : i32
    %dma_wait3A_725 = tpu.memref_slice %arg4[%add3A_717, %dma_wait3A_724] : memref<32768x1024xf32, #tpu.memory_space<hbm>> -> memref<16x1024xf32, #tpu.memory_space<hbm>>
    %dma_wait3A_726 = tpu.memref_slice %arg9[%dma_wait3A_719] : memref<4x!tpu.dma_semaphore, #tpu.memory_space<semaphore_mem>> -> memref<1x!tpu.dma_semaphore, #tpu.memory_space<semaphore_mem>>
    %dma_wait3A_727 = tpu.memref_squeeze %dma_wait3A_726 : memref<1x!tpu.dma_semaphore, #tpu.memory_space<semaphore_mem>> -> memref<!tpu.dma_semaphore, #tpu.memory_space<semaphore_mem>>
    %dma_wait3A_728 = arith.constant 0 : i32
    %dma_wait3A_729 = tpu.memref_slice %arg4[%add3A_717, %dma_wait3A_728] : memref<32768x1024xf32, #tpu.memory_space<hbm>> -> memref<16x1024xf32, #tpu.memory_space<hbm>>
    %dma_wait3A_730 = arith.constant 0 : i32
    %dma_wait3A_731 = arith.constant 0 : i32
    %dma_wait3A_732 = tpu.memref_slice %arg5[%dma_wait3A_718, %dma_wait3A_730, %dma_wait3A_731] : memref<4x16x1024xf32, #tpu.memory_space<vmem>> -> memref<1x16x1024xf32, #tpu.memory_space<vmem>>
    %dma_wait3A_733 = tpu.memref_squeeze %dma_wait3A_732 : memref<1x16x1024xf32, #tpu.memory_space<vmem>> -> memref<16x1024xf32, #tpu.memory_space<vmem>>
    tpu.wait_dma2 semaphore(%dma_wait3A_727 : memref<!tpu.dma_semaphore, #tpu.memory_space<semaphore_mem>>) src(%dma_wait3A_733 : memref<16x1024xf32, #tpu.memory_space<vmem>>) dst(%dma_wait3A_729 : memref<16x1024xf32, #tpu.memory_space<hbm>>)
    %add3A_734 = arith.constant 24576 : i32
    %add3A_735 = arith.addi %add3A_734, %add3A_4 : i32
    %add3A_736 = arith.constant 16 : i32
    %add3A_737 = arith.addi %add3A_735, %add3A_736 : i32
    %dma_wait3A_738 = arith.constant 3 : i32
    %dma_wait3A_739 = arith.constant 3 : i32
    %dma_wait3A_740 = arith.constant 0 : i32
    %dma_wait3A_741 = arith.constant 0 : i32
    %dma_wait3A_742 = tpu.memref_slice %arg5[%dma_wait3A_738, %dma_wait3A_740, %dma_wait3A_741] : memref<4x16x1024xf32, #tpu.memory_space<vmem>> -> memref<1x16x1024xf32, #tpu.memory_space<vmem>>
    %dma_wait3A_743 = tpu.memref_squeeze %dma_wait3A_742 : memref<1x16x1024xf32, #tpu.memory_space<vmem>> -> memref<16x1024xf32, #tpu.memory_space<vmem>>
    %dma_wait3A_744 = arith.constant 0 : i32
    %dma_wait3A_745 = tpu.memref_slice %arg4[%add3A_737, %dma_wait3A_744] : memref<32768x1024xf32, #tpu.memory_space<hbm>> -> memref<16x1024xf32, #tpu.memory_space<hbm>>
    %dma_wait3A_746 = tpu.memref_slice %arg9[%dma_wait3A_739] : memref<4x!tpu.dma_semaphore, #tpu.memory_space<semaphore_mem>> -> memref<1x!tpu.dma_semaphore, #tpu.memory_space<semaphore_mem>>
    %dma_wait3A_747 = tpu.memref_squeeze %dma_wait3A_746 : memref<1x!tpu.dma_semaphore, #tpu.memory_space<semaphore_mem>> -> memref<!tpu.dma_semaphore, #tpu.memory_space<semaphore_mem>>
    %dma_wait3A_748 = arith.constant 0 : i32
    %dma_wait3A_749 = tpu.memref_slice %arg4[%add3A_737, %dma_wait3A_748] : memref<32768x1024xf32, #tpu.memory_space<hbm>> -> memref<16x1024xf32, #tpu.memory_space<hbm>>
    %dma_wait3A_750 = arith.constant 0 : i32
    %dma_wait3A_751 = arith.constant 0 : i32
    %dma_wait3A_752 = tpu.memref_slice %arg5[%dma_wait3A_738, %dma_wait3A_750, %dma_wait3A_751] : memref<4x16x1024xf32, #tpu.memory_space<vmem>> -> memref<1x16x1024xf32, #tpu.memory_space<vmem>>
    %dma_wait3A_753 = tpu.memref_squeeze %dma_wait3A_752 : memref<1x16x1024xf32, #tpu.memory_space<vmem>> -> memref<16x1024xf32, #tpu.memory_space<vmem>>
    tpu.wait_dma2 semaphore(%dma_wait3A_747 : memref<!tpu.dma_semaphore, #tpu.memory_space<semaphore_mem>>) src(%dma_wait3A_753 : memref<16x1024xf32, #tpu.memory_space<vmem>>) dst(%dma_wait3A_749 : memref<16x1024xf32, #tpu.memory_space<hbm>>)
    return
  }
}

module attributes {stable_mosaic.version = 14 : i64} {
  func.func @_tc_body(%arg0: memref<32768x1024xf32, #tpu.memory_space<any>>, %arg1: memref<32768x1024xf32, #tpu.memory_space<any>>, %arg2: memref<8192x1024xf32, #tpu.memory_space<any>>, %arg3: memref<32768x1024xf32, #tpu.memory_space<any>>, %arg4: memref<4x1024x1024xf32, #tpu.memory_space<vmem>>, %arg5: memref<2x1024x1024xf32, #tpu.memory_space<vmem>>, %arg6: memref<4x!tpu.dma_semaphore, #tpu.memory_space<semaphore_mem>>, %arg7: memref<2x!tpu.dma_semaphore, #tpu.memory_space<semaphore_mem>>, %arg8: memref<4x!tpu.dma_semaphore, #tpu.memory_space<semaphore_mem>>) attributes {dimension_semantics = [], scalar_prefetch = 0 : i64, scratch_operands = 5 : i64, tpu.core_type = #tpu.core_type<tc>} {
    %dma_start3A = arith.constant 0 : i32
    %dma_start3A_0 = arith.constant 0 : i32
    %dma_start3A_1 = tpu.memref_slice %arg7[%dma_start3A_0] : memref<2x!tpu.dma_semaphore, #tpu.memory_space<semaphore_mem>> -> memref<1x!tpu.dma_semaphore, #tpu.memory_space<semaphore_mem>>
    %dma_start3A_2 = tpu.memref_squeeze %dma_start3A_1 : memref<1x!tpu.dma_semaphore, #tpu.memory_space<semaphore_mem>> -> memref<!tpu.dma_semaphore, #tpu.memory_space<semaphore_mem>>
    %dma_start3A_3 = arith.constant 0 : i32
    %dma_start3A_4 = arith.constant 0 : i32
    %dma_start3A_5 = tpu.memref_slice %arg5[%dma_start3A, %dma_start3A_3, %dma_start3A_4] : memref<2x1024x1024xf32, #tpu.memory_space<vmem>> -> memref<1x1024x1024xf32, #tpu.memory_space<vmem>>
    %dma_start3A_6 = tpu.memref_squeeze %dma_start3A_5 : memref<1x1024x1024xf32, #tpu.memory_space<vmem>> -> memref<1024x1024xf32, #tpu.memory_space<vmem>>
    %dma_start3A_7 = arith.constant 0 : i32
    %dma_start3A_8 = arith.constant 0 : i32
    %dma_start3A_9 = tpu.memref_slice %arg2[%dma_start3A_7, %dma_start3A_8] : memref<8192x1024xf32, #tpu.memory_space<any>> -> memref<1024x1024xf32, #tpu.memory_space<any>>
    tpu.enqueue_dma source(%dma_start3A_9 : memref<1024x1024xf32, #tpu.memory_space<any>>) target(%dma_start3A_6 : memref<1024x1024xf32, #tpu.memory_space<vmem>>) target_semaphore(%dma_start3A_2 : memref<!tpu.dma_semaphore, #tpu.memory_space<semaphore_mem>>)
    %dma_start3A_10 = arith.constant 1 : i32
    %dma_start3A_11 = arith.constant 1 : i32
    %dma_start3A_12 = tpu.memref_slice %arg7[%dma_start3A_11] : memref<2x!tpu.dma_semaphore, #tpu.memory_space<semaphore_mem>> -> memref<1x!tpu.dma_semaphore, #tpu.memory_space<semaphore_mem>>
    %dma_start3A_13 = tpu.memref_squeeze %dma_start3A_12 : memref<1x!tpu.dma_semaphore, #tpu.memory_space<semaphore_mem>> -> memref<!tpu.dma_semaphore, #tpu.memory_space<semaphore_mem>>
    %dma_start3A_14 = arith.constant 0 : i32
    %dma_start3A_15 = arith.constant 0 : i32
    %dma_start3A_16 = tpu.memref_slice %arg5[%dma_start3A_10, %dma_start3A_14, %dma_start3A_15] : memref<2x1024x1024xf32, #tpu.memory_space<vmem>> -> memref<1x1024x1024xf32, #tpu.memory_space<vmem>>
    %dma_start3A_17 = tpu.memref_squeeze %dma_start3A_16 : memref<1x1024x1024xf32, #tpu.memory_space<vmem>> -> memref<1024x1024xf32, #tpu.memory_space<vmem>>
    %dma_start3A_18 = arith.constant 1024 : i32
    %dma_start3A_19 = arith.constant 0 : i32
    %dma_start3A_20 = tpu.memref_slice %arg2[%dma_start3A_18, %dma_start3A_19] : memref<8192x1024xf32, #tpu.memory_space<any>> -> memref<1024x1024xf32, #tpu.memory_space<any>>
    tpu.enqueue_dma source(%dma_start3A_20 : memref<1024x1024xf32, #tpu.memory_space<any>>) target(%dma_start3A_17 : memref<1024x1024xf32, #tpu.memory_space<vmem>>) target_semaphore(%dma_start3A_13 : memref<!tpu.dma_semaphore, #tpu.memory_space<semaphore_mem>>)
    %dma_start3A_21 = arith.constant 0 : i32
    %dma_start3A_22 = arith.constant 0 : i32
    %dma_start3A_23 = tpu.memref_slice %arg6[%dma_start3A_22] : memref<4x!tpu.dma_semaphore, #tpu.memory_space<semaphore_mem>> -> memref<1x!tpu.dma_semaphore, #tpu.memory_space<semaphore_mem>>
    %dma_start3A_24 = tpu.memref_squeeze %dma_start3A_23 : memref<1x!tpu.dma_semaphore, #tpu.memory_space<semaphore_mem>> -> memref<!tpu.dma_semaphore, #tpu.memory_space<semaphore_mem>>
    %dma_start3A_25 = arith.constant 0 : i32
    %dma_start3A_26 = arith.constant 0 : i32
    %dma_start3A_27 = tpu.memref_slice %arg4[%dma_start3A_21, %dma_start3A_25, %dma_start3A_26] : memref<4x1024x1024xf32, #tpu.memory_space<vmem>> -> memref<1x1024x1024xf32, #tpu.memory_space<vmem>>
    %dma_start3A_28 = tpu.memref_squeeze %dma_start3A_27 : memref<1x1024x1024xf32, #tpu.memory_space<vmem>> -> memref<1024x1024xf32, #tpu.memory_space<vmem>>
    %dma_start3A_29 = arith.constant 0 : i32
    %dma_start3A_30 = arith.constant 0 : i32
    %dma_start3A_31 = tpu.memref_slice %arg1[%dma_start3A_29, %dma_start3A_30] : memref<32768x1024xf32, #tpu.memory_space<any>> -> memref<1024x1024xf32, #tpu.memory_space<any>>
    tpu.enqueue_dma source(%dma_start3A_31 : memref<1024x1024xf32, #tpu.memory_space<any>>) target(%dma_start3A_28 : memref<1024x1024xf32, #tpu.memory_space<vmem>>) target_semaphore(%dma_start3A_24 : memref<!tpu.dma_semaphore, #tpu.memory_space<semaphore_mem>>)
    %dma_start3A_32 = arith.constant 1 : i32
    %dma_start3A_33 = arith.constant 1 : i32
    %dma_start3A_34 = tpu.memref_slice %arg6[%dma_start3A_33] : memref<4x!tpu.dma_semaphore, #tpu.memory_space<semaphore_mem>> -> memref<1x!tpu.dma_semaphore, #tpu.memory_space<semaphore_mem>>
    %dma_start3A_35 = tpu.memref_squeeze %dma_start3A_34 : memref<1x!tpu.dma_semaphore, #tpu.memory_space<semaphore_mem>> -> memref<!tpu.dma_semaphore, #tpu.memory_space<semaphore_mem>>
    %dma_start3A_36 = arith.constant 0 : i32
    %dma_start3A_37 = arith.constant 0 : i32
    %dma_start3A_38 = tpu.memref_slice %arg4[%dma_start3A_32, %dma_start3A_36, %dma_start3A_37] : memref<4x1024x1024xf32, #tpu.memory_space<vmem>> -> memref<1x1024x1024xf32, #tpu.memory_space<vmem>>
    %dma_start3A_39 = tpu.memref_squeeze %dma_start3A_38 : memref<1x1024x1024xf32, #tpu.memory_space<vmem>> -> memref<1024x1024xf32, #tpu.memory_space<vmem>>
    %dma_start3A_40 = arith.constant 8192 : i32
    %dma_start3A_41 = arith.constant 0 : i32
    %dma_start3A_42 = tpu.memref_slice %arg1[%dma_start3A_40, %dma_start3A_41] : memref<32768x1024xf32, #tpu.memory_space<any>> -> memref<1024x1024xf32, #tpu.memory_space<any>>
    tpu.enqueue_dma source(%dma_start3A_42 : memref<1024x1024xf32, #tpu.memory_space<any>>) target(%dma_start3A_39 : memref<1024x1024xf32, #tpu.memory_space<vmem>>) target_semaphore(%dma_start3A_35 : memref<!tpu.dma_semaphore, #tpu.memory_space<semaphore_mem>>)
    %dma_start3A_43 = arith.constant 2 : i32
    %dma_start3A_44 = arith.constant 2 : i32
    %dma_start3A_45 = tpu.memref_slice %arg6[%dma_start3A_44] : memref<4x!tpu.dma_semaphore, #tpu.memory_space<semaphore_mem>> -> memref<1x!tpu.dma_semaphore, #tpu.memory_space<semaphore_mem>>
    %dma_start3A_46 = tpu.memref_squeeze %dma_start3A_45 : memref<1x!tpu.dma_semaphore, #tpu.memory_space<semaphore_mem>> -> memref<!tpu.dma_semaphore, #tpu.memory_space<semaphore_mem>>
    %dma_start3A_47 = arith.constant 0 : i32
    %dma_start3A_48 = arith.constant 0 : i32
    %dma_start3A_49 = tpu.memref_slice %arg4[%dma_start3A_43, %dma_start3A_47, %dma_start3A_48] : memref<4x1024x1024xf32, #tpu.memory_space<vmem>> -> memref<1x1024x1024xf32, #tpu.memory_space<vmem>>
    %dma_start3A_50 = tpu.memref_squeeze %dma_start3A_49 : memref<1x1024x1024xf32, #tpu.memory_space<vmem>> -> memref<1024x1024xf32, #tpu.memory_space<vmem>>
    %dma_start3A_51 = arith.constant 16384 : i32
    %dma_start3A_52 = arith.constant 0 : i32
    %dma_start3A_53 = tpu.memref_slice %arg1[%dma_start3A_51, %dma_start3A_52] : memref<32768x1024xf32, #tpu.memory_space<any>> -> memref<1024x1024xf32, #tpu.memory_space<any>>
    tpu.enqueue_dma source(%dma_start3A_53 : memref<1024x1024xf32, #tpu.memory_space<any>>) target(%dma_start3A_50 : memref<1024x1024xf32, #tpu.memory_space<vmem>>) target_semaphore(%dma_start3A_46 : memref<!tpu.dma_semaphore, #tpu.memory_space<semaphore_mem>>)
    %dma_wait3A = arith.constant 0 : i32
    %dma_wait3A_54 = arith.constant 0 : i32
    %dma_wait3A_55 = tpu.memref_slice %arg6[%dma_wait3A_54] : memref<4x!tpu.dma_semaphore, #tpu.memory_space<semaphore_mem>> -> memref<1x!tpu.dma_semaphore, #tpu.memory_space<semaphore_mem>>
    %dma_wait3A_56 = tpu.memref_squeeze %dma_wait3A_55 : memref<1x!tpu.dma_semaphore, #tpu.memory_space<semaphore_mem>> -> memref<!tpu.dma_semaphore, #tpu.memory_space<semaphore_mem>>
    %dma_wait3A_57 = arith.constant 0 : i32
    %dma_wait3A_58 = arith.constant 0 : i32
    %dma_wait3A_59 = tpu.memref_slice %arg4[%dma_wait3A, %dma_wait3A_57, %dma_wait3A_58] : memref<4x1024x1024xf32, #tpu.memory_space<vmem>> -> memref<1x1024x1024xf32, #tpu.memory_space<vmem>>
    %dma_wait3A_60 = tpu.memref_squeeze %dma_wait3A_59 : memref<1x1024x1024xf32, #tpu.memory_space<vmem>> -> memref<1024x1024xf32, #tpu.memory_space<vmem>>
    %dma_wait3A_61 = arith.constant 0 : i32
    %dma_wait3A_62 = arith.constant 0 : i32
    %dma_wait3A_63 = tpu.memref_slice %arg1[%dma_wait3A_61, %dma_wait3A_62] : memref<32768x1024xf32, #tpu.memory_space<any>> -> memref<1024x1024xf32, #tpu.memory_space<any>>
    tpu.wait_dma2 semaphore(%dma_wait3A_56 : memref<!tpu.dma_semaphore, #tpu.memory_space<semaphore_mem>>) src(%dma_wait3A_63 : memref<1024x1024xf32, #tpu.memory_space<any>>) dst(%dma_wait3A_60 : memref<1024x1024xf32, #tpu.memory_space<vmem>>)
    %dma_wait3A_64 = arith.constant 0 : i32
    %dma_wait3A_65 = arith.constant 0 : i32
    %dma_wait3A_66 = tpu.memref_slice %arg7[%dma_wait3A_65] : memref<2x!tpu.dma_semaphore, #tpu.memory_space<semaphore_mem>> -> memref<1x!tpu.dma_semaphore, #tpu.memory_space<semaphore_mem>>
    %dma_wait3A_67 = tpu.memref_squeeze %dma_wait3A_66 : memref<1x!tpu.dma_semaphore, #tpu.memory_space<semaphore_mem>> -> memref<!tpu.dma_semaphore, #tpu.memory_space<semaphore_mem>>
    %dma_wait3A_68 = arith.constant 0 : i32
    %dma_wait3A_69 = arith.constant 0 : i32
    %dma_wait3A_70 = tpu.memref_slice %arg5[%dma_wait3A_64, %dma_wait3A_68, %dma_wait3A_69] : memref<2x1024x1024xf32, #tpu.memory_space<vmem>> -> memref<1x1024x1024xf32, #tpu.memory_space<vmem>>
    %dma_wait3A_71 = tpu.memref_squeeze %dma_wait3A_70 : memref<1x1024x1024xf32, #tpu.memory_space<vmem>> -> memref<1024x1024xf32, #tpu.memory_space<vmem>>
    %dma_wait3A_72 = arith.constant 0 : i32
    %dma_wait3A_73 = arith.constant 0 : i32
    %dma_wait3A_74 = tpu.memref_slice %arg2[%dma_wait3A_72, %dma_wait3A_73] : memref<8192x1024xf32, #tpu.memory_space<any>> -> memref<1024x1024xf32, #tpu.memory_space<any>>
    tpu.wait_dma2 semaphore(%dma_wait3A_67 : memref<!tpu.dma_semaphore, #tpu.memory_space<semaphore_mem>>) src(%dma_wait3A_74 : memref<1024x1024xf32, #tpu.memory_space<any>>) dst(%dma_wait3A_71 : memref<1024x1024xf32, #tpu.memory_space<vmem>>)
    %get3A = arith.constant 0 : index
    %get3A_75 = arith.constant 0 : index
    %get3A_76 = arith.constant 0 : index
    %get3A_77 = vector.load %arg4[%get3A, %get3A_75, %get3A_76] : memref<4x1024x1024xf32, #tpu.memory_space<vmem>>, vector<1x1024x1024xf32>
    %get3A_78 = vector.shape_cast %get3A_77 : vector<1x1024x1024xf32> to vector<1024x1024xf32>
    %get3A_79 = arith.constant 0 : index
    %get3A_80 = arith.constant 0 : index
    %get3A_81 = arith.constant 0 : index
    %get3A_82 = vector.load %arg5[%get3A_79, %get3A_80, %get3A_81] : memref<2x1024x1024xf32, #tpu.memory_space<vmem>>, vector<1x1024x1024xf32>
    %get3A_83 = vector.shape_cast %get3A_82 : vector<1x1024x1024xf32> to vector<1024x1024xf32>
    %add3A = arith.addf %get3A_78, %get3A_83 : vector<1024x1024xf32>
    %swap3A = arith.constant 0 : index
    %swap3A_84 = arith.constant 0 : index
    %swap3A_85 = arith.constant 0 : index
    %swap3A_86 = vector.load %arg4[%swap3A, %swap3A_84, %swap3A_85] : memref<4x1024x1024xf32, #tpu.memory_space<vmem>>, vector<1x1024x1024xf32>
    %swap3A_87 = vector.shape_cast %swap3A_86 : vector<1x1024x1024xf32> to vector<1024x1024xf32>
    %swap3A_88 = vector.shape_cast %add3A : vector<1024x1024xf32> to vector<1x1024x1024xf32>
    tpu.vector_store %arg4[%swap3A, %swap3A_84, %swap3A_85], %swap3A_88 {strides = array<i32>} : memref<4x1024x1024xf32, #tpu.memory_space<vmem>>, vector<1x1024x1024xf32>,
    %dma_start3A_89 = arith.constant 0 : i32
    %dma_start3A_90 = arith.constant 0 : i32
    %dma_start3A_91 = tpu.memref_slice %arg8[%dma_start3A_90] : memref<4x!tpu.dma_semaphore, #tpu.memory_space<semaphore_mem>> -> memref<1x!tpu.dma_semaphore, #tpu.memory_space<semaphore_mem>>
    %dma_start3A_92 = tpu.memref_squeeze %dma_start3A_91 : memref<1x!tpu.dma_semaphore, #tpu.memory_space<semaphore_mem>> -> memref<!tpu.dma_semaphore, #tpu.memory_space<semaphore_mem>>
    %dma_start3A_93 = arith.constant 0 : i32
    %dma_start3A_94 = arith.constant 0 : i32
    %dma_start3A_95 = tpu.memref_slice %arg3[%dma_start3A_93, %dma_start3A_94] : memref<32768x1024xf32, #tpu.memory_space<any>> -> memref<1024x1024xf32, #tpu.memory_space<any>>
    %dma_start3A_96 = arith.constant 0 : i32
    %dma_start3A_97 = arith.constant 0 : i32
    %dma_start3A_98 = tpu.memref_slice %arg4[%dma_start3A_89, %dma_start3A_96, %dma_start3A_97] : memref<4x1024x1024xf32, #tpu.memory_space<vmem>> -> memref<1x1024x1024xf32, #tpu.memory_space<vmem>>
    %dma_start3A_99 = tpu.memref_squeeze %dma_start3A_98 : memref<1x1024x1024xf32, #tpu.memory_space<vmem>> -> memref<1024x1024xf32, #tpu.memory_space<vmem>>
    tpu.enqueue_dma source(%dma_start3A_99 : memref<1024x1024xf32, #tpu.memory_space<vmem>>) target(%dma_start3A_95 : memref<1024x1024xf32, #tpu.memory_space<any>>) target_semaphore(%dma_start3A_92 : memref<!tpu.dma_semaphore, #tpu.memory_space<semaphore_mem>>)
    %dma_start3A_100 = arith.constant 3 : i32
    %dma_start3A_101 = arith.constant 3 : i32
    %dma_start3A_102 = tpu.memref_slice %arg6[%dma_start3A_101] : memref<4x!tpu.dma_semaphore, #tpu.memory_space<semaphore_mem>> -> memref<1x!tpu.dma_semaphore, #tpu.memory_space<semaphore_mem>>
    %dma_start3A_103 = tpu.memref_squeeze %dma_start3A_102 : memref<1x!tpu.dma_semaphore, #tpu.memory_space<semaphore_mem>> -> memref<!tpu.dma_semaphore, #tpu.memory_space<semaphore_mem>>
    %dma_start3A_104 = arith.constant 0 : i32
    %dma_start3A_105 = arith.constant 0 : i32
    %dma_start3A_106 = tpu.memref_slice %arg4[%dma_start3A_100, %dma_start3A_104, %dma_start3A_105] : memref<4x1024x1024xf32, #tpu.memory_space<vmem>> -> memref<1x1024x1024xf32, #tpu.memory_space<vmem>>
    %dma_start3A_107 = tpu.memref_squeeze %dma_start3A_106 : memref<1x1024x1024xf32, #tpu.memory_space<vmem>> -> memref<1024x1024xf32, #tpu.memory_space<vmem>>
    %dma_start3A_108 = arith.constant 24576 : i32
    %dma_start3A_109 = arith.constant 0 : i32
    %dma_start3A_110 = tpu.memref_slice %arg1[%dma_start3A_108, %dma_start3A_109] : memref<32768x1024xf32, #tpu.memory_space<any>> -> memref<1024x1024xf32, #tpu.memory_space<any>>
    tpu.enqueue_dma source(%dma_start3A_110 : memref<1024x1024xf32, #tpu.memory_space<any>>) target(%dma_start3A_107 : memref<1024x1024xf32, #tpu.memory_space<vmem>>) target_semaphore(%dma_start3A_103 : memref<!tpu.dma_semaphore, #tpu.memory_space<semaphore_mem>>)
    %dma_wait3A_111 = arith.constant 1 : i32
    %dma_wait3A_112 = arith.constant 1 : i32
    %dma_wait3A_113 = tpu.memref_slice %arg6[%dma_wait3A_112] : memref<4x!tpu.dma_semaphore, #tpu.memory_space<semaphore_mem>> -> memref<1x!tpu.dma_semaphore, #tpu.memory_space<semaphore_mem>>
    %dma_wait3A_114 = tpu.memref_squeeze %dma_wait3A_113 : memref<1x!tpu.dma_semaphore, #tpu.memory_space<semaphore_mem>> -> memref<!tpu.dma_semaphore, #tpu.memory_space<semaphore_mem>>
    %dma_wait3A_115 = arith.constant 0 : i32
    %dma_wait3A_116 = arith.constant 0 : i32
    %dma_wait3A_117 = tpu.memref_slice %arg4[%dma_wait3A_111, %dma_wait3A_115, %dma_wait3A_116] : memref<4x1024x1024xf32, #tpu.memory_space<vmem>> -> memref<1x1024x1024xf32, #tpu.memory_space<vmem>>
    %dma_wait3A_118 = tpu.memref_squeeze %dma_wait3A_117 : memref<1x1024x1024xf32, #tpu.memory_space<vmem>> -> memref<1024x1024xf32, #tpu.memory_space<vmem>>
    %dma_wait3A_119 = arith.constant 8192 : i32
    %dma_wait3A_120 = arith.constant 0 : i32
    %dma_wait3A_121 = tpu.memref_slice %arg1[%dma_wait3A_119, %dma_wait3A_120] : memref<32768x1024xf32, #tpu.memory_space<any>> -> memref<1024x1024xf32, #tpu.memory_space<any>>
    tpu.wait_dma2 semaphore(%dma_wait3A_114 : memref<!tpu.dma_semaphore, #tpu.memory_space<semaphore_mem>>) src(%dma_wait3A_121 : memref<1024x1024xf32, #tpu.memory_space<any>>) dst(%dma_wait3A_118 : memref<1024x1024xf32, #tpu.memory_space<vmem>>)
    %get3A_122 = arith.constant 1 : index
    %get3A_123 = arith.constant 0 : index
    %get3A_124 = arith.constant 0 : index
    %get3A_125 = vector.load %arg4[%get3A_122, %get3A_123, %get3A_124] : memref<4x1024x1024xf32, #tpu.memory_space<vmem>>, vector<1x1024x1024xf32>
    %get3A_126 = vector.shape_cast %get3A_125 : vector<1x1024x1024xf32> to vector<1024x1024xf32>
    %get3A_127 = arith.constant 0 : index
    %get3A_128 = arith.constant 0 : index
    %get3A_129 = arith.constant 0 : index
    %get3A_130 = vector.load %arg5[%get3A_127, %get3A_128, %get3A_129] : memref<2x1024x1024xf32, #tpu.memory_space<vmem>>, vector<1x1024x1024xf32>
    %get3A_131 = vector.shape_cast %get3A_130 : vector<1x1024x1024xf32> to vector<1024x1024xf32>
    %add3A_132 = arith.addf %get3A_126, %get3A_131 : vector<1024x1024xf32>
    %swap3A_133 = arith.constant 1 : index
    %swap3A_134 = arith.constant 0 : index
    %swap3A_135 = arith.constant 0 : index
    %swap3A_136 = vector.load %arg4[%swap3A_133, %swap3A_134, %swap3A_135] : memref<4x1024x1024xf32, #tpu.memory_space<vmem>>, vector<1x1024x1024xf32>
    %swap3A_137 = vector.shape_cast %swap3A_136 : vector<1x1024x1024xf32> to vector<1024x1024xf32>
    %swap3A_138 = vector.shape_cast %add3A_132 : vector<1024x1024xf32> to vector<1x1024x1024xf32>
    tpu.vector_store %arg4[%swap3A_133, %swap3A_134, %swap3A_135], %swap3A_138 {strides = array<i32>} : memref<4x1024x1024xf32, #tpu.memory_space<vmem>>, vector<1x1024x1024xf32>,
    %dma_start3A_139 = arith.constant 1 : i32
    %dma_start3A_140 = arith.constant 1 : i32
    %dma_start3A_141 = tpu.memref_slice %arg8[%dma_start3A_140] : memref<4x!tpu.dma_semaphore, #tpu.memory_space<semaphore_mem>> -> memref<1x!tpu.dma_semaphore, #tpu.memory_space<semaphore_mem>>
    %dma_start3A_142 = tpu.memref_squeeze %dma_start3A_141 : memref<1x!tpu.dma_semaphore, #tpu.memory_space<semaphore_mem>> -> memref<!tpu.dma_semaphore, #tpu.memory_space<semaphore_mem>>
    %dma_start3A_143 = arith.constant 8192 : i32
    %dma_start3A_144 = arith.constant 0 : i32
    %dma_start3A_145 = tpu.memref_slice %arg3[%dma_start3A_143, %dma_start3A_144] : memref<32768x1024xf32, #tpu.memory_space<any>> -> memref<1024x1024xf32, #tpu.memory_space<any>>
    %dma_start3A_146 = arith.constant 0 : i32
    %dma_start3A_147 = arith.constant 0 : i32
    %dma_start3A_148 = tpu.memref_slice %arg4[%dma_start3A_139, %dma_start3A_146, %dma_start3A_147] : memref<4x1024x1024xf32, #tpu.memory_space<vmem>> -> memref<1x1024x1024xf32, #tpu.memory_space<vmem>>
    %dma_start3A_149 = tpu.memref_squeeze %dma_start3A_148 : memref<1x1024x1024xf32, #tpu.memory_space<vmem>> -> memref<1024x1024xf32, #tpu.memory_space<vmem>>
    tpu.enqueue_dma source(%dma_start3A_149 : memref<1024x1024xf32, #tpu.memory_space<vmem>>) target(%dma_start3A_145 : memref<1024x1024xf32, #tpu.memory_space<any>>) target_semaphore(%dma_start3A_142 : memref<!tpu.dma_semaphore, #tpu.memory_space<semaphore_mem>>)
    %dma_wait3A_150 = arith.constant 0 : i32
    %dma_wait3A_151 = arith.constant 0 : i32
    %dma_wait3A_152 = tpu.memref_slice %arg8[%dma_wait3A_151] : memref<4x!tpu.dma_semaphore, #tpu.memory_space<semaphore_mem>> -> memref<1x!tpu.dma_semaphore, #tpu.memory_space<semaphore_mem>>
    %dma_wait3A_153 = tpu.memref_squeeze %dma_wait3A_152 : memref<1x!tpu.dma_semaphore, #tpu.memory_space<semaphore_mem>> -> memref<!tpu.dma_semaphore, #tpu.memory_space<semaphore_mem>>
    %dma_wait3A_154 = arith.constant 0 : i32
    %dma_wait3A_155 = arith.constant 0 : i32
    %dma_wait3A_156 = tpu.memref_slice %arg3[%dma_wait3A_154, %dma_wait3A_155] : memref<32768x1024xf32, #tpu.memory_space<any>> -> memref<1024x1024xf32, #tpu.memory_space<any>>
    %dma_wait3A_157 = arith.constant 0 : i32
    %dma_wait3A_158 = arith.constant 0 : i32
    %dma_wait3A_159 = tpu.memref_slice %arg4[%dma_wait3A_150, %dma_wait3A_157, %dma_wait3A_158] : memref<4x1024x1024xf32, #tpu.memory_space<vmem>> -> memref<1x1024x1024xf32, #tpu.memory_space<vmem>>
    %dma_wait3A_160 = tpu.memref_squeeze %dma_wait3A_159 : memref<1x1024x1024xf32, #tpu.memory_space<vmem>> -> memref<1024x1024xf32, #tpu.memory_space<vmem>>
    tpu.wait_dma2 semaphore(%dma_wait3A_153 : memref<!tpu.dma_semaphore, #tpu.memory_space<semaphore_mem>>) src(%dma_wait3A_160 : memref<1024x1024xf32, #tpu.memory_space<vmem>>) dst(%dma_wait3A_156 : memref<1024x1024xf32, #tpu.memory_space<any>>)
    %dma_start3A_161 = arith.constant 0 : i32
    %dma_start3A_162 = arith.constant 0 : i32
    %dma_start3A_163 = tpu.memref_slice %arg6[%dma_start3A_162] : memref<4x!tpu.dma_semaphore, #tpu.memory_space<semaphore_mem>> -> memref<1x!tpu.dma_semaphore, #tpu.memory_space<semaphore_mem>>
    %dma_start3A_164 = tpu.memref_squeeze %dma_start3A_163 : memref<1x!tpu.dma_semaphore, #tpu.memory_space<semaphore_mem>> -> memref<!tpu.dma_semaphore, #tpu.memory_space<semaphore_mem>>
    %dma_start3A_165 = arith.constant 0 : i32
    %dma_start3A_166 = arith.constant 0 : i32
    %dma_start3A_167 = tpu.memref_slice %arg4[%dma_start3A_161, %dma_start3A_165, %dma_start3A_166] : memref<4x1024x1024xf32, #tpu.memory_space<vmem>> -> memref<1x1024x1024xf32, #tpu.memory_space<vmem>>
    %dma_start3A_168 = tpu.memref_squeeze %dma_start3A_167 : memref<1x1024x1024xf32, #tpu.memory_space<vmem>> -> memref<1024x1024xf32, #tpu.memory_space<vmem>>
    %dma_start3A_169 = arith.constant 1024 : i32
    %dma_start3A_170 = arith.constant 0 : i32
    %dma_start3A_171 = tpu.memref_slice %arg1[%dma_start3A_169, %dma_start3A_170] : memref<32768x1024xf32, #tpu.memory_space<any>> -> memref<1024x1024xf32, #tpu.memory_space<any>>
    tpu.enqueue_dma source(%dma_start3A_171 : memref<1024x1024xf32, #tpu.memory_space<any>>) target(%dma_start3A_168 : memref<1024x1024xf32, #tpu.memory_space<vmem>>) target_semaphore(%dma_start3A_164 : memref<!tpu.dma_semaphore, #tpu.memory_space<semaphore_mem>>)
    %dma_wait3A_172 = arith.constant 2 : i32
    %dma_wait3A_173 = arith.constant 2 : i32
    %dma_wait3A_174 = tpu.memref_slice %arg6[%dma_wait3A_173] : memref<4x!tpu.dma_semaphore, #tpu.memory_space<semaphore_mem>> -> memref<1x!tpu.dma_semaphore, #tpu.memory_space<semaphore_mem>>
    %dma_wait3A_175 = tpu.memref_squeeze %dma_wait3A_174 : memref<1x!tpu.dma_semaphore, #tpu.memory_space<semaphore_mem>> -> memref<!tpu.dma_semaphore, #tpu.memory_space<semaphore_mem>>
    %dma_wait3A_176 = arith.constant 0 : i32
    %dma_wait3A_177 = arith.constant 0 : i32
    %dma_wait3A_178 = tpu.memref_slice %arg4[%dma_wait3A_172, %dma_wait3A_176, %dma_wait3A_177] : memref<4x1024x1024xf32, #tpu.memory_space<vmem>> -> memref<1x1024x1024xf32, #tpu.memory_space<vmem>>
    %dma_wait3A_179 = tpu.memref_squeeze %dma_wait3A_178 : memref<1x1024x1024xf32, #tpu.memory_space<vmem>> -> memref<1024x1024xf32, #tpu.memory_space<vmem>>
    %dma_wait3A_180 = arith.constant 16384 : i32
    %dma_wait3A_181 = arith.constant 0 : i32
    %dma_wait3A_182 = tpu.memref_slice %arg1[%dma_wait3A_180, %dma_wait3A_181] : memref<32768x1024xf32, #tpu.memory_space<any>> -> memref<1024x1024xf32, #tpu.memory_space<any>>
    tpu.wait_dma2 semaphore(%dma_wait3A_175 : memref<!tpu.dma_semaphore, #tpu.memory_space<semaphore_mem>>) src(%dma_wait3A_182 : memref<1024x1024xf32, #tpu.memory_space<any>>) dst(%dma_wait3A_179 : memref<1024x1024xf32, #tpu.memory_space<vmem>>)
    %get3A_183 = arith.constant 2 : index
    %get3A_184 = arith.constant 0 : index
    %get3A_185 = arith.constant 0 : index
    %get3A_186 = vector.load %arg4[%get3A_183, %get3A_184, %get3A_185] : memref<4x1024x1024xf32, #tpu.memory_space<vmem>>, vector<1x1024x1024xf32>
    %get3A_187 = vector.shape_cast %get3A_186 : vector<1x1024x1024xf32> to vector<1024x1024xf32>
    %get3A_188 = arith.constant 0 : index
    %get3A_189 = arith.constant 0 : index
    %get3A_190 = arith.constant 0 : index
    %get3A_191 = vector.load %arg5[%get3A_188, %get3A_189, %get3A_190] : memref<2x1024x1024xf32, #tpu.memory_space<vmem>>, vector<1x1024x1024xf32>
    %get3A_192 = vector.shape_cast %get3A_191 : vector<1x1024x1024xf32> to vector<1024x1024xf32>
    %add3A_193 = arith.addf %get3A_187, %get3A_192 : vector<1024x1024xf32>
    %swap3A_194 = arith.constant 2 : index
    %swap3A_195 = arith.constant 0 : index
    %swap3A_196 = arith.constant 0 : index
    %swap3A_197 = vector.load %arg4[%swap3A_194, %swap3A_195, %swap3A_196] : memref<4x1024x1024xf32, #tpu.memory_space<vmem>>, vector<1x1024x1024xf32>
    %swap3A_198 = vector.shape_cast %swap3A_197 : vector<1x1024x1024xf32> to vector<1024x1024xf32>
    %swap3A_199 = vector.shape_cast %add3A_193 : vector<1024x1024xf32> to vector<1x1024x1024xf32>
    tpu.vector_store %arg4[%swap3A_194, %swap3A_195, %swap3A_196], %swap3A_199 {strides = array<i32>} : memref<4x1024x1024xf32, #tpu.memory_space<vmem>>, vector<1x1024x1024xf32>,
    %dma_start3A_200 = arith.constant 2 : i32
    %dma_start3A_201 = arith.constant 2 : i32
    %dma_start3A_202 = tpu.memref_slice %arg8[%dma_start3A_201] : memref<4x!tpu.dma_semaphore, #tpu.memory_space<semaphore_mem>> -> memref<1x!tpu.dma_semaphore, #tpu.memory_space<semaphore_mem>>
    %dma_start3A_203 = tpu.memref_squeeze %dma_start3A_202 : memref<1x!tpu.dma_semaphore, #tpu.memory_space<semaphore_mem>> -> memref<!tpu.dma_semaphore, #tpu.memory_space<semaphore_mem>>
    %dma_start3A_204 = arith.constant 16384 : i32
    %dma_start3A_205 = arith.constant 0 : i32
    %dma_start3A_206 = tpu.memref_slice %arg3[%dma_start3A_204, %dma_start3A_205] : memref<32768x1024xf32, #tpu.memory_space<any>> -> memref<1024x1024xf32, #tpu.memory_space<any>>
    %dma_start3A_207 = arith.constant 0 : i32
    %dma_start3A_208 = arith.constant 0 : i32
    %dma_start3A_209 = tpu.memref_slice %arg4[%dma_start3A_200, %dma_start3A_207, %dma_start3A_208] : memref<4x1024x1024xf32, #tpu.memory_space<vmem>> -> memref<1x1024x1024xf32, #tpu.memory_space<vmem>>
    %dma_start3A_210 = tpu.memref_squeeze %dma_start3A_209 : memref<1x1024x1024xf32, #tpu.memory_space<vmem>> -> memref<1024x1024xf32, #tpu.memory_space<vmem>>
    tpu.enqueue_dma source(%dma_start3A_210 : memref<1024x1024xf32, #tpu.memory_space<vmem>>) target(%dma_start3A_206 : memref<1024x1024xf32, #tpu.memory_space<any>>) target_semaphore(%dma_start3A_203 : memref<!tpu.dma_semaphore, #tpu.memory_space<semaphore_mem>>)
    %dma_wait3A_211 = arith.constant 1 : i32
    %dma_wait3A_212 = arith.constant 1 : i32
    %dma_wait3A_213 = tpu.memref_slice %arg8[%dma_wait3A_212] : memref<4x!tpu.dma_semaphore, #tpu.memory_space<semaphore_mem>> -> memref<1x!tpu.dma_semaphore, #tpu.memory_space<semaphore_mem>>
    %dma_wait3A_214 = tpu.memref_squeeze %dma_wait3A_213 : memref<1x!tpu.dma_semaphore, #tpu.memory_space<semaphore_mem>> -> memref<!tpu.dma_semaphore, #tpu.memory_space<semaphore_mem>>
    %dma_wait3A_215 = arith.constant 8192 : i32
    %dma_wait3A_216 = arith.constant 0 : i32
    %dma_wait3A_217 = tpu.memref_slice %arg3[%dma_wait3A_215, %dma_wait3A_216] : memref<32768x1024xf32, #tpu.memory_space<any>> -> memref<1024x1024xf32, #tpu.memory_space<any>>
    %dma_wait3A_218 = arith.constant 0 : i32
    %dma_wait3A_219 = arith.constant 0 : i32
    %dma_wait3A_220 = tpu.memref_slice %arg4[%dma_wait3A_211, %dma_wait3A_218, %dma_wait3A_219] : memref<4x1024x1024xf32, #tpu.memory_space<vmem>> -> memref<1x1024x1024xf32, #tpu.memory_space<vmem>>
    %dma_wait3A_221 = tpu.memref_squeeze %dma_wait3A_220 : memref<1x1024x1024xf32, #tpu.memory_space<vmem>> -> memref<1024x1024xf32, #tpu.memory_space<vmem>>
    tpu.wait_dma2 semaphore(%dma_wait3A_214 : memref<!tpu.dma_semaphore, #tpu.memory_space<semaphore_mem>>) src(%dma_wait3A_221 : memref<1024x1024xf32, #tpu.memory_space<vmem>>) dst(%dma_wait3A_217 : memref<1024x1024xf32, #tpu.memory_space<any>>)
    %dma_start3A_222 = arith.constant 1 : i32
    %dma_start3A_223 = arith.constant 1 : i32
    %dma_start3A_224 = tpu.memref_slice %arg6[%dma_start3A_223] : memref<4x!tpu.dma_semaphore, #tpu.memory_space<semaphore_mem>> -> memref<1x!tpu.dma_semaphore, #tpu.memory_space<semaphore_mem>>
    %dma_start3A_225 = tpu.memref_squeeze %dma_start3A_224 : memref<1x!tpu.dma_semaphore, #tpu.memory_space<semaphore_mem>> -> memref<!tpu.dma_semaphore, #tpu.memory_space<semaphore_mem>>
    %dma_start3A_226 = arith.constant 0 : i32
    %dma_start3A_227 = arith.constant 0 : i32
    %dma_start3A_228 = tpu.memref_slice %arg4[%dma_start3A_222, %dma_start3A_226, %dma_start3A_227] : memref<4x1024x1024xf32, #tpu.memory_space<vmem>> -> memref<1x1024x1024xf32, #tpu.memory_space<vmem>>
    %dma_start3A_229 = tpu.memref_squeeze %dma_start3A_228 : memref<1x1024x1024xf32, #tpu.memory_space<vmem>> -> memref<1024x1024xf32, #tpu.memory_space<vmem>>
    %dma_start3A_230 = arith.constant 9216 : i32
    %dma_start3A_231 = arith.constant 0 : i32
    %dma_start3A_232 = tpu.memref_slice %arg1[%dma_start3A_230, %dma_start3A_231] : memref<32768x1024xf32, #tpu.memory_space<any>> -> memref<1024x1024xf32, #tpu.memory_space<any>>
    tpu.enqueue_dma source(%dma_start3A_232 : memref<1024x1024xf32, #tpu.memory_space<any>>) target(%dma_start3A_229 : memref<1024x1024xf32, #tpu.memory_space<vmem>>) target_semaphore(%dma_start3A_225 : memref<!tpu.dma_semaphore, #tpu.memory_space<semaphore_mem>>)
    %dma_wait3A_233 = arith.constant 3 : i32
    %dma_wait3A_234 = arith.constant 3 : i32
    %dma_wait3A_235 = tpu.memref_slice %arg6[%dma_wait3A_234] : memref<4x!tpu.dma_semaphore, #tpu.memory_space<semaphore_mem>> -> memref<1x!tpu.dma_semaphore, #tpu.memory_space<semaphore_mem>>
    %dma_wait3A_236 = tpu.memref_squeeze %dma_wait3A_235 : memref<1x!tpu.dma_semaphore, #tpu.memory_space<semaphore_mem>> -> memref<!tpu.dma_semaphore, #tpu.memory_space<semaphore_mem>>
    %dma_wait3A_237 = arith.constant 0 : i32
    %dma_wait3A_238 = arith.constant 0 : i32
    %dma_wait3A_239 = tpu.memref_slice %arg4[%dma_wait3A_233, %dma_wait3A_237, %dma_wait3A_238] : memref<4x1024x1024xf32, #tpu.memory_space<vmem>> -> memref<1x1024x1024xf32, #tpu.memory_space<vmem>>
    %dma_wait3A_240 = tpu.memref_squeeze %dma_wait3A_239 : memref<1x1024x1024xf32, #tpu.memory_space<vmem>> -> memref<1024x1024xf32, #tpu.memory_space<vmem>>
    %dma_wait3A_241 = arith.constant 24576 : i32
    %dma_wait3A_242 = arith.constant 0 : i32
    %dma_wait3A_243 = tpu.memref_slice %arg1[%dma_wait3A_241, %dma_wait3A_242] : memref<32768x1024xf32, #tpu.memory_space<any>> -> memref<1024x1024xf32, #tpu.memory_space<any>>
    tpu.wait_dma2 semaphore(%dma_wait3A_236 : memref<!tpu.dma_semaphore, #tpu.memory_space<semaphore_mem>>) src(%dma_wait3A_243 : memref<1024x1024xf32, #tpu.memory_space<any>>) dst(%dma_wait3A_240 : memref<1024x1024xf32, #tpu.memory_space<vmem>>)
    %get3A_244 = arith.constant 3 : index
    %get3A_245 = arith.constant 0 : index
    %get3A_246 = arith.constant 0 : index
    %get3A_247 = vector.load %arg4[%get3A_244, %get3A_245, %get3A_246] : memref<4x1024x1024xf32, #tpu.memory_space<vmem>>, vector<1x1024x1024xf32>
    %get3A_248 = vector.shape_cast %get3A_247 : vector<1x1024x1024xf32> to vector<1024x1024xf32>
    %get3A_249 = arith.constant 0 : index
    %get3A_250 = arith.constant 0 : index
    %get3A_251 = arith.constant 0 : index
    %get3A_252 = vector.load %arg5[%get3A_249, %get3A_250, %get3A_251] : memref<2x1024x1024xf32, #tpu.memory_space<vmem>>, vector<1x1024x1024xf32>
    %get3A_253 = vector.shape_cast %get3A_252 : vector<1x1024x1024xf32> to vector<1024x1024xf32>
    %add3A_254 = arith.addf %get3A_248, %get3A_253 : vector<1024x1024xf32>
    %swap3A_255 = arith.constant 3 : index
    %swap3A_256 = arith.constant 0 : index
    %swap3A_257 = arith.constant 0 : index
    %swap3A_258 = vector.load %arg4[%swap3A_255, %swap3A_256, %swap3A_257] : memref<4x1024x1024xf32, #tpu.memory_space<vmem>>, vector<1x1024x1024xf32>
    %swap3A_259 = vector.shape_cast %swap3A_258 : vector<1x1024x1024xf32> to vector<1024x1024xf32>
    %swap3A_260 = vector.shape_cast %add3A_254 : vector<1024x1024xf32> to vector<1x1024x1024xf32>
    tpu.vector_store %arg4[%swap3A_255, %swap3A_256, %swap3A_257], %swap3A_260 {strides = array<i32>} : memref<4x1024x1024xf32, #tpu.memory_space<vmem>>, vector<1x1024x1024xf32>,
    %dma_start3A_261 = arith.constant 3 : i32
    %dma_start3A_262 = arith.constant 3 : i32
    %dma_start3A_263 = tpu.memref_slice %arg8[%dma_start3A_262] : memref<4x!tpu.dma_semaphore, #tpu.memory_space<semaphore_mem>> -> memref<1x!tpu.dma_semaphore, #tpu.memory_space<semaphore_mem>>
    %dma_start3A_264 = tpu.memref_squeeze %dma_start3A_263 : memref<1x!tpu.dma_semaphore, #tpu.memory_space<semaphore_mem>> -> memref<!tpu.dma_semaphore, #tpu.memory_space<semaphore_mem>>
    %dma_start3A_265 = arith.constant 24576 : i32
    %dma_start3A_266 = arith.constant 0 : i32
    %dma_start3A_267 = tpu.memref_slice %arg3[%dma_start3A_265, %dma_start3A_266] : memref<32768x1024xf32, #tpu.memory_space<any>> -> memref<1024x1024xf32, #tpu.memory_space<any>>
    %dma_start3A_268 = arith.constant 0 : i32
    %dma_start3A_269 = arith.constant 0 : i32
    %dma_start3A_270 = tpu.memref_slice %arg4[%dma_start3A_261, %dma_start3A_268, %dma_start3A_269] : memref<4x1024x1024xf32, #tpu.memory_space<vmem>> -> memref<1x1024x1024xf32, #tpu.memory_space<vmem>>
    %dma_start3A_271 = tpu.memref_squeeze %dma_start3A_270 : memref<1x1024x1024xf32, #tpu.memory_space<vmem>> -> memref<1024x1024xf32, #tpu.memory_space<vmem>>
    tpu.enqueue_dma source(%dma_start3A_271 : memref<1024x1024xf32, #tpu.memory_space<vmem>>) target(%dma_start3A_267 : memref<1024x1024xf32, #tpu.memory_space<any>>) target_semaphore(%dma_start3A_264 : memref<!tpu.dma_semaphore, #tpu.memory_space<semaphore_mem>>)
    %dma_start3A_272 = arith.constant 0 : i32
    %dma_start3A_273 = arith.constant 0 : i32
    %dma_start3A_274 = tpu.memref_slice %arg7[%dma_start3A_273] : memref<2x!tpu.dma_semaphore, #tpu.memory_space<semaphore_mem>> -> memref<1x!tpu.dma_semaphore, #tpu.memory_space<semaphore_mem>>
    %dma_start3A_275 = tpu.memref_squeeze %dma_start3A_274 : memref<1x!tpu.dma_semaphore, #tpu.memory_space<semaphore_mem>> -> memref<!tpu.dma_semaphore, #tpu.memory_space<semaphore_mem>>
    %dma_start3A_276 = arith.constant 0 : i32
    %dma_start3A_277 = arith.constant 0 : i32
    %dma_start3A_278 = tpu.memref_slice %arg5[%dma_start3A_272, %dma_start3A_276, %dma_start3A_277] : memref<2x1024x1024xf32, #tpu.memory_space<vmem>> -> memref<1x1024x1024xf32, #tpu.memory_space<vmem>>
    %dma_start3A_279 = tpu.memref_squeeze %dma_start3A_278 : memref<1x1024x1024xf32, #tpu.memory_space<vmem>> -> memref<1024x1024xf32, #tpu.memory_space<vmem>>
    %dma_start3A_280 = arith.constant 2048 : i32
    %dma_start3A_281 = arith.constant 0 : i32
    %dma_start3A_282 = tpu.memref_slice %arg2[%dma_start3A_280, %dma_start3A_281] : memref<8192x1024xf32, #tpu.memory_space<any>> -> memref<1024x1024xf32, #tpu.memory_space<any>>
    tpu.enqueue_dma source(%dma_start3A_282 : memref<1024x1024xf32, #tpu.memory_space<any>>) target(%dma_start3A_279 : memref<1024x1024xf32, #tpu.memory_space<vmem>>) target_semaphore(%dma_start3A_275 : memref<!tpu.dma_semaphore, #tpu.memory_space<semaphore_mem>>)
    %dma_wait3A_283 = arith.constant 2 : i32
    %dma_wait3A_284 = arith.constant 2 : i32
    %dma_wait3A_285 = tpu.memref_slice %arg8[%dma_wait3A_284] : memref<4x!tpu.dma_semaphore, #tpu.memory_space<semaphore_mem>> -> memref<1x!tpu.dma_semaphore, #tpu.memory_space<semaphore_mem>>
    %dma_wait3A_286 = tpu.memref_squeeze %dma_wait3A_285 : memref<1x!tpu.dma_semaphore, #tpu.memory_space<semaphore_mem>> -> memref<!tpu.dma_semaphore, #tpu.memory_space<semaphore_mem>>
    %dma_wait3A_287 = arith.constant 16384 : i32
    %dma_wait3A_288 = arith.constant 0 : i32
    %dma_wait3A_289 = tpu.memref_slice %arg3[%dma_wait3A_287, %dma_wait3A_288] : memref<32768x1024xf32, #tpu.memory_space<any>> -> memref<1024x1024xf32, #tpu.memory_space<any>>
    %dma_wait3A_290 = arith.constant 0 : i32
    %dma_wait3A_291 = arith.constant 0 : i32
    %dma_wait3A_292 = tpu.memref_slice %arg4[%dma_wait3A_283, %dma_wait3A_290, %dma_wait3A_291] : memref<4x1024x1024xf32, #tpu.memory_space<vmem>> -> memref<1x1024x1024xf32, #tpu.memory_space<vmem>>
    %dma_wait3A_293 = tpu.memref_squeeze %dma_wait3A_292 : memref<1x1024x1024xf32, #tpu.memory_space<vmem>> -> memref<1024x1024xf32, #tpu.memory_space<vmem>>
    tpu.wait_dma2 semaphore(%dma_wait3A_286 : memref<!tpu.dma_semaphore, #tpu.memory_space<semaphore_mem>>) src(%dma_wait3A_293 : memref<1024x1024xf32, #tpu.memory_space<vmem>>) dst(%dma_wait3A_289 : memref<1024x1024xf32, #tpu.memory_space<any>>)
    %dma_start3A_294 = arith.constant 2 : i32
    %dma_start3A_295 = arith.constant 2 : i32
    %dma_start3A_296 = tpu.memref_slice %arg6[%dma_start3A_295] : memref<4x!tpu.dma_semaphore, #tpu.memory_space<semaphore_mem>> -> memref<1x!tpu.dma_semaphore, #tpu.memory_space<semaphore_mem>>
    %dma_start3A_297 = tpu.memref_squeeze %dma_start3A_296 : memref<1x!tpu.dma_semaphore, #tpu.memory_space<semaphore_mem>> -> memref<!tpu.dma_semaphore, #tpu.memory_space<semaphore_mem>>
    %dma_start3A_298 = arith.constant 0 : i32
    %dma_start3A_299 = arith.constant 0 : i32
    %dma_start3A_300 = tpu.memref_slice %arg4[%dma_start3A_294, %dma_start3A_298, %dma_start3A_299] : memref<4x1024x1024xf32, #tpu.memory_space<vmem>> -> memref<1x1024x1024xf32, #tpu.memory_space<vmem>>
    %dma_start3A_301 = tpu.memref_squeeze %dma_start3A_300 : memref<1x1024x1024xf32, #tpu.memory_space<vmem>> -> memref<1024x1024xf32, #tpu.memory_space<vmem>>
    %dma_start3A_302 = arith.constant 17408 : i32
    %dma_start3A_303 = arith.constant 0 : i32
    %dma_start3A_304 = tpu.memref_slice %arg1[%dma_start3A_302, %dma_start3A_303] : memref<32768x1024xf32, #tpu.memory_space<any>> -> memref<1024x1024xf32, #tpu.memory_space<any>>
    tpu.enqueue_dma source(%dma_start3A_304 : memref<1024x1024xf32, #tpu.memory_space<any>>) target(%dma_start3A_301 : memref<1024x1024xf32, #tpu.memory_space<vmem>>) target_semaphore(%dma_start3A_297 : memref<!tpu.dma_semaphore, #tpu.memory_space<semaphore_mem>>)
    %dma_wait3A_305 = arith.constant 0 : i32
    %dma_wait3A_306 = arith.constant 0 : i32
    %dma_wait3A_307 = tpu.memref_slice %arg6[%dma_wait3A_306] : memref<4x!tpu.dma_semaphore, #tpu.memory_space<semaphore_mem>> -> memref<1x!tpu.dma_semaphore, #tpu.memory_space<semaphore_mem>>
    %dma_wait3A_308 = tpu.memref_squeeze %dma_wait3A_307 : memref<1x!tpu.dma_semaphore, #tpu.memory_space<semaphore_mem>> -> memref<!tpu.dma_semaphore, #tpu.memory_space<semaphore_mem>>
    %dma_wait3A_309 = arith.constant 0 : i32
    %dma_wait3A_310 = arith.constant 0 : i32
    %dma_wait3A_311 = tpu.memref_slice %arg4[%dma_wait3A_305, %dma_wait3A_309, %dma_wait3A_310] : memref<4x1024x1024xf32, #tpu.memory_space<vmem>> -> memref<1x1024x1024xf32, #tpu.memory_space<vmem>>
    %dma_wait3A_312 = tpu.memref_squeeze %dma_wait3A_311 : memref<1x1024x1024xf32, #tpu.memory_space<vmem>> -> memref<1024x1024xf32, #tpu.memory_space<vmem>>
    %dma_wait3A_313 = arith.constant 1024 : i32
    %dma_wait3A_314 = arith.constant 0 : i32
    %dma_wait3A_315 = tpu.memref_slice %arg1[%dma_wait3A_313, %dma_wait3A_314] : memref<32768x1024xf32, #tpu.memory_space<any>> -> memref<1024x1024xf32, #tpu.memory_space<any>>
    tpu.wait_dma2 semaphore(%dma_wait3A_308 : memref<!tpu.dma_semaphore, #tpu.memory_space<semaphore_mem>>) src(%dma_wait3A_315 : memref<1024x1024xf32, #tpu.memory_space<any>>) dst(%dma_wait3A_312 : memref<1024x1024xf32, #tpu.memory_space<vmem>>)
    %dma_wait3A_316 = arith.constant 1 : i32
    %dma_wait3A_317 = arith.constant 1 : i32
    %dma_wait3A_318 = tpu.memref_slice %arg7[%dma_wait3A_317] : memref<2x!tpu.dma_semaphore, #tpu.memory_space<semaphore_mem>> -> memref<1x!tpu.dma_semaphore, #tpu.memory_space<semaphore_mem>>
    %dma_wait3A_319 = tpu.memref_squeeze %dma_wait3A_318 : memref<1x!tpu.dma_semaphore, #tpu.memory_space<semaphore_mem>> -> memref<!tpu.dma_semaphore, #tpu.memory_space<semaphore_mem>>
    %dma_wait3A_320 = arith.constant 0 : i32
    %dma_wait3A_321 = arith.constant 0 : i32
    %dma_wait3A_322 = tpu.memref_slice %arg5[%dma_wait3A_316, %dma_wait3A_320, %dma_wait3A_321] : memref<2x1024x1024xf32, #tpu.memory_space<vmem>> -> memref<1x1024x1024xf32, #tpu.memory_space<vmem>>
    %dma_wait3A_323 = tpu.memref_squeeze %dma_wait3A_322 : memref<1x1024x1024xf32, #tpu.memory_space<vmem>> -> memref<1024x1024xf32, #tpu.memory_space<vmem>>
    %dma_wait3A_324 = arith.constant 1024 : i32
    %dma_wait3A_325 = arith.constant 0 : i32
    %dma_wait3A_326 = tpu.memref_slice %arg2[%dma_wait3A_324, %dma_wait3A_325] : memref<8192x1024xf32, #tpu.memory_space<any>> -> memref<1024x1024xf32, #tpu.memory_space<any>>
    tpu.wait_dma2 semaphore(%dma_wait3A_319 : memref<!tpu.dma_semaphore, #tpu.memory_space<semaphore_mem>>) src(%dma_wait3A_326 : memref<1024x1024xf32, #tpu.memory_space<any>>) dst(%dma_wait3A_323 : memref<1024x1024xf32, #tpu.memory_space<vmem>>)
    %get3A_327 = arith.constant 0 : index
    %get3A_328 = arith.constant 0 : index
    %get3A_329 = arith.constant 0 : index
    %get3A_330 = vector.load %arg4[%get3A_327, %get3A_328, %get3A_329] : memref<4x1024x1024xf32, #tpu.memory_space<vmem>>, vector<1x1024x1024xf32>
    %get3A_331 = vector.shape_cast %get3A_330 : vector<1x1024x1024xf32> to vector<1024x1024xf32>
    %get3A_332 = arith.constant 1 : index
    %get3A_333 = arith.constant 0 : index
    %get3A_334 = arith.constant 0 : index
    %get3A_335 = vector.load %arg5[%get3A_332, %get3A_333, %get3A_334] : memref<2x1024x1024xf32, #tpu.memory_space<vmem>>, vector<1x1024x1024xf32>
    %get3A_336 = vector.shape_cast %get3A_335 : vector<1x1024x1024xf32> to vector<1024x1024xf32>
    %add3A_337 = arith.addf %get3A_331, %get3A_336 : vector<1024x1024xf32>
    %swap3A_338 = arith.constant 0 : index
    %swap3A_339 = arith.constant 0 : index
    %swap3A_340 = arith.constant 0 : index
    %swap3A_341 = vector.load %arg4[%swap3A_338, %swap3A_339, %swap3A_340] : memref<4x1024x1024xf32, #tpu.memory_space<vmem>>, vector<1x1024x1024xf32>
    %swap3A_342 = vector.shape_cast %swap3A_341 : vector<1x1024x1024xf32> to vector<1024x1024xf32>
    %swap3A_343 = vector.shape_cast %add3A_337 : vector<1024x1024xf32> to vector<1x1024x1024xf32>
    tpu.vector_store %arg4[%swap3A_338, %swap3A_339, %swap3A_340], %swap3A_343 {strides = array<i32>} : memref<4x1024x1024xf32, #tpu.memory_space<vmem>>, vector<1x1024x1024xf32>,
    %dma_start3A_344 = arith.constant 0 : i32
    %dma_start3A_345 = arith.constant 0 : i32
    %dma_start3A_346 = tpu.memref_slice %arg8[%dma_start3A_345] : memref<4x!tpu.dma_semaphore, #tpu.memory_space<semaphore_mem>> -> memref<1x!tpu.dma_semaphore, #tpu.memory_space<semaphore_mem>>
    %dma_start3A_347 = tpu.memref_squeeze %dma_start3A_346 : memref<1x!tpu.dma_semaphore, #tpu.memory_space<semaphore_mem>> -> memref<!tpu.dma_semaphore, #tpu.memory_space<semaphore_mem>>
    %dma_start3A_348 = arith.constant 1024 : i32
    %dma_start3A_349 = arith.constant 0 : i32
    %dma_start3A_350 = tpu.memref_slice %arg3[%dma_start3A_348, %dma_start3A_349] : memref<32768x1024xf32, #tpu.memory_space<any>> -> memref<1024x1024xf32, #tpu.memory_space<any>>
    %dma_start3A_351 = arith.constant 0 : i32
    %dma_start3A_352 = arith.constant 0 : i32
    %dma_start3A_353 = tpu.memref_slice %arg4[%dma_start3A_344, %dma_start3A_351, %dma_start3A_352] : memref<4x1024x1024xf32, #tpu.memory_space<vmem>> -> memref<1x1024x1024xf32, #tpu.memory_space<vmem>>
    %dma_start3A_354 = tpu.memref_squeeze %dma_start3A_353 : memref<1x1024x1024xf32, #tpu.memory_space<vmem>> -> memref<1024x1024xf32, #tpu.memory_space<vmem>>
    tpu.enqueue_dma source(%dma_start3A_354 : memref<1024x1024xf32, #tpu.memory_space<vmem>>) target(%dma_start3A_350 : memref<1024x1024xf32, #tpu.memory_space<any>>) target_semaphore(%dma_start3A_347 : memref<!tpu.dma_semaphore, #tpu.memory_space<semaphore_mem>>)
    %dma_wait3A_355 = arith.constant 3 : i32
    %dma_wait3A_356 = arith.constant 3 : i32
    %dma_wait3A_357 = tpu.memref_slice %arg8[%dma_wait3A_356] : memref<4x!tpu.dma_semaphore, #tpu.memory_space<semaphore_mem>> -> memref<1x!tpu.dma_semaphore, #tpu.memory_space<semaphore_mem>>
    %dma_wait3A_358 = tpu.memref_squeeze %dma_wait3A_357 : memref<1x!tpu.dma_semaphore, #tpu.memory_space<semaphore_mem>> -> memref<!tpu.dma_semaphore, #tpu.memory_space<semaphore_mem>>
    %dma_wait3A_359 = arith.constant 24576 : i32
    %dma_wait3A_360 = arith.constant 0 : i32
    %dma_wait3A_361 = tpu.memref_slice %arg3[%dma_wait3A_359, %dma_wait3A_360] : memref<32768x1024xf32, #tpu.memory_space<any>> -> memref<1024x1024xf32, #tpu.memory_space<any>>
    %dma_wait3A_362 = arith.constant 0 : i32
    %dma_wait3A_363 = arith.constant 0 : i32
    %dma_wait3A_364 = tpu.memref_slice %arg4[%dma_wait3A_355, %dma_wait3A_362, %dma_wait3A_363] : memref<4x1024x1024xf32, #tpu.memory_space<vmem>> -> memref<1x1024x1024xf32, #tpu.memory_space<vmem>>
    %dma_wait3A_365 = tpu.memref_squeeze %dma_wait3A_364 : memref<1x1024x1024xf32, #tpu.memory_space<vmem>> -> memref<1024x1024xf32, #tpu.memory_space<vmem>>
    tpu.wait_dma2 semaphore(%dma_wait3A_358 : memref<!tpu.dma_semaphore, #tpu.memory_space<semaphore_mem>>) src(%dma_wait3A_365 : memref<1024x1024xf32, #tpu.memory_space<vmem>>) dst(%dma_wait3A_361 : memref<1024x1024xf32, #tpu.memory_space<any>>)
    %dma_start3A_366 = arith.constant 3 : i32
    %dma_start3A_367 = arith.constant 3 : i32
    %dma_start3A_368 = tpu.memref_slice %arg6[%dma_start3A_367] : memref<4x!tpu.dma_semaphore, #tpu.memory_space<semaphore_mem>> -> memref<1x!tpu.dma_semaphore, #tpu.memory_space<semaphore_mem>>
    %dma_start3A_369 = tpu.memref_squeeze %dma_start3A_368 : memref<1x!tpu.dma_semaphore, #tpu.memory_space<semaphore_mem>> -> memref<!tpu.dma_semaphore, #tpu.memory_space<semaphore_mem>>
    %dma_start3A_370 = arith.constant 0 : i32
    %dma_start3A_371 = arith.constant 0 : i32
    %dma_start3A_372 = tpu.memref_slice %arg4[%dma_start3A_366, %dma_start3A_370, %dma_start3A_371] : memref<4x1024x1024xf32, #tpu.memory_space<vmem>> -> memref<1x1024x1024xf32, #tpu.memory_space<vmem>>
    %dma_start3A_373 = tpu.memref_squeeze %dma_start3A_372 : memref<1x1024x1024xf32, #tpu.memory_space<vmem>> -> memref<1024x1024xf32, #tpu.memory_space<vmem>>
    %dma_start3A_374 = arith.constant 25600 : i32
    %dma_start3A_375 = arith.constant 0 : i32
    %dma_start3A_376 = tpu.memref_slice %arg1[%dma_start3A_374, %dma_start3A_375] : memref<32768x1024xf32, #tpu.memory_space<any>> -> memref<1024x1024xf32, #tpu.memory_space<any>>
    tpu.enqueue_dma source(%dma_start3A_376 : memref<1024x1024xf32, #tpu.memory_space<any>>) target(%dma_start3A_373 : memref<1024x1024xf32, #tpu.memory_space<vmem>>) target_semaphore(%dma_start3A_369 : memref<!tpu.dma_semaphore, #tpu.memory_space<semaphore_mem>>)
    %dma_wait3A_377 = arith.constant 1 : i32
    %dma_wait3A_378 = arith.constant 1 : i32
    %dma_wait3A_379 = tpu.memref_slice %arg6[%dma_wait3A_378] : memref<4x!tpu.dma_semaphore, #tpu.memory_space<semaphore_mem>> -> memref<1x!tpu.dma_semaphore, #tpu.memory_space<semaphore_mem>>
    %dma_wait3A_380 = tpu.memref_squeeze %dma_wait3A_379 : memref<1x!tpu.dma_semaphore, #tpu.memory_space<semaphore_mem>> -> memref<!tpu.dma_semaphore, #tpu.memory_space<semaphore_mem>>
    %dma_wait3A_381 = arith.constant 0 : i32
    %dma_wait3A_382 = arith.constant 0 : i32
    %dma_wait3A_383 = tpu.memref_slice %arg4[%dma_wait3A_377, %dma_wait3A_381, %dma_wait3A_382] : memref<4x1024x1024xf32, #tpu.memory_space<vmem>> -> memref<1x1024x1024xf32, #tpu.memory_space<vmem>>
    %dma_wait3A_384 = tpu.memref_squeeze %dma_wait3A_383 : memref<1x1024x1024xf32, #tpu.memory_space<vmem>> -> memref<1024x1024xf32, #tpu.memory_space<vmem>>
    %dma_wait3A_385 = arith.constant 9216 : i32
    %dma_wait3A_386 = arith.constant 0 : i32
    %dma_wait3A_387 = tpu.memref_slice %arg1[%dma_wait3A_385, %dma_wait3A_386] : memref<32768x1024xf32, #tpu.memory_space<any>> -> memref<1024x1024xf32, #tpu.memory_space<any>>
    tpu.wait_dma2 semaphore(%dma_wait3A_380 : memref<!tpu.dma_semaphore, #tpu.memory_space<semaphore_mem>>) src(%dma_wait3A_387 : memref<1024x1024xf32, #tpu.memory_space<any>>) dst(%dma_wait3A_384 : memref<1024x1024xf32, #tpu.memory_space<vmem>>)
    %get3A_388 = arith.constant 1 : index
    %get3A_389 = arith.constant 0 : index
    %get3A_390 = arith.constant 0 : index
    %get3A_391 = vector.load %arg4[%get3A_388, %get3A_389, %get3A_390] : memref<4x1024x1024xf32, #tpu.memory_space<vmem>>, vector<1x1024x1024xf32>
    %get3A_392 = vector.shape_cast %get3A_391 : vector<1x1024x1024xf32> to vector<1024x1024xf32>
    %get3A_393 = arith.constant 1 : index
    %get3A_394 = arith.constant 0 : index
    %get3A_395 = arith.constant 0 : index
    %get3A_396 = vector.load %arg5[%get3A_393, %get3A_394, %get3A_395] : memref<2x1024x1024xf32, #tpu.memory_space<vmem>>, vector<1x1024x1024xf32>
    %get3A_397 = vector.shape_cast %get3A_396 : vector<1x1024x1024xf32> to vector<1024x1024xf32>
    %add3A_398 = arith.addf %get3A_392, %get3A_397 : vector<1024x1024xf32>
    %swap3A_399 = arith.constant 1 : index
    %swap3A_400 = arith.constant 0 : index
    %swap3A_401 = arith.constant 0 : index
    %swap3A_402 = vector.load %arg4[%swap3A_399, %swap3A_400, %swap3A_401] : memref<4x1024x1024xf32, #tpu.memory_space<vmem>>, vector<1x1024x1024xf32>
    %swap3A_403 = vector.shape_cast %swap3A_402 : vector<1x1024x1024xf32> to vector<1024x1024xf32>
    %swap3A_404 = vector.shape_cast %add3A_398 : vector<1024x1024xf32> to vector<1x1024x1024xf32>
    tpu.vector_store %arg4[%swap3A_399, %swap3A_400, %swap3A_401], %swap3A_404 {strides = array<i32>} : memref<4x1024x1024xf32, #tpu.memory_space<vmem>>, vector<1x1024x1024xf32>,
    %dma_start3A_405 = arith.constant 1 : i32
    %dma_start3A_406 = arith.constant 1 : i32
    %dma_start3A_407 = tpu.memref_slice %arg8[%dma_start3A_406] : memref<4x!tpu.dma_semaphore, #tpu.memory_space<semaphore_mem>> -> memref<1x!tpu.dma_semaphore, #tpu.memory_space<semaphore_mem>>
    %dma_start3A_408 = tpu.memref_squeeze %dma_start3A_407 : memref<1x!tpu.dma_semaphore, #tpu.memory_space<semaphore_mem>> -> memref<!tpu.dma_semaphore, #tpu.memory_space<semaphore_mem>>
    %dma_start3A_409 = arith.constant 9216 : i32
    %dma_start3A_410 = arith.constant 0 : i32
    %dma_start3A_411 = tpu.memref_slice %arg3[%dma_start3A_409, %dma_start3A_410] : memref<32768x1024xf32, #tpu.memory_space<any>> -> memref<1024x1024xf32, #tpu.memory_space<any>>
    %dma_start3A_412 = arith.constant 0 : i32
    %dma_start3A_413 = arith.constant 0 : i32
    %dma_start3A_414 = tpu.memref_slice %arg4[%dma_start3A_405, %dma_start3A_412, %dma_start3A_413] : memref<4x1024x1024xf32, #tpu.memory_space<vmem>> -> memref<1x1024x1024xf32, #tpu.memory_space<vmem>>
    %dma_start3A_415 = tpu.memref_squeeze %dma_start3A_414 : memref<1x1024x1024xf32, #tpu.memory_space<vmem>> -> memref<1024x1024xf32, #tpu.memory_space<vmem>>
    tpu.enqueue_dma source(%dma_start3A_415 : memref<1024x1024xf32, #tpu.memory_space<vmem>>) target(%dma_start3A_411 : memref<1024x1024xf32, #tpu.memory_space<any>>) target_semaphore(%dma_start3A_408 : memref<!tpu.dma_semaphore, #tpu.memory_space<semaphore_mem>>)
    %dma_wait3A_416 = arith.constant 0 : i32
    %dma_wait3A_417 = arith.constant 0 : i32
    %dma_wait3A_418 = tpu.memref_slice %arg8[%dma_wait3A_417] : memref<4x!tpu.dma_semaphore, #tpu.memory_space<semaphore_mem>> -> memref<1x!tpu.dma_semaphore, #tpu.memory_space<semaphore_mem>>
    %dma_wait3A_419 = tpu.memref_squeeze %dma_wait3A_418 : memref<1x!tpu.dma_semaphore, #tpu.memory_space<semaphore_mem>> -> memref<!tpu.dma_semaphore, #tpu.memory_space<semaphore_mem>>
    %dma_wait3A_420 = arith.constant 1024 : i32
    %dma_wait3A_421 = arith.constant 0 : i32
    %dma_wait3A_422 = tpu.memref_slice %arg3[%dma_wait3A_420, %dma_wait3A_421] : memref<32768x1024xf32, #tpu.memory_space<any>> -> memref<1024x1024xf32, #tpu.memory_space<any>>
    %dma_wait3A_423 = arith.constant 0 : i32
    %dma_wait3A_424 = arith.constant 0 : i32
    %dma_wait3A_425 = tpu.memref_slice %arg4[%dma_wait3A_416, %dma_wait3A_423, %dma_wait3A_424] : memref<4x1024x1024xf32, #tpu.memory_space<vmem>> -> memref<1x1024x1024xf32, #tpu.memory_space<vmem>>
    %dma_wait3A_426 = tpu.memref_squeeze %dma_wait3A_425 : memref<1x1024x1024xf32, #tpu.memory_space<vmem>> -> memref<1024x1024xf32, #tpu.memory_space<vmem>>
    tpu.wait_dma2 semaphore(%dma_wait3A_419 : memref<!tpu.dma_semaphore, #tpu.memory_space<semaphore_mem>>) src(%dma_wait3A_426 : memref<1024x1024xf32, #tpu.memory_space<vmem>>) dst(%dma_wait3A_422 : memref<1024x1024xf32, #tpu.memory_space<any>>)
    %dma_start3A_427 = arith.constant 0 : i32
    %dma_start3A_428 = arith.constant 0 : i32
    %dma_start3A_429 = tpu.memref_slice %arg6[%dma_start3A_428] : memref<4x!tpu.dma_semaphore, #tpu.memory_space<semaphore_mem>> -> memref<1x!tpu.dma_semaphore, #tpu.memory_space<semaphore_mem>>
    %dma_start3A_430 = tpu.memref_squeeze %dma_start3A_429 : memref<1x!tpu.dma_semaphore, #tpu.memory_space<semaphore_mem>> -> memref<!tpu.dma_semaphore, #tpu.memory_space<semaphore_mem>>
    %dma_start3A_431 = arith.constant 0 : i32
    %dma_start3A_432 = arith.constant 0 : i32
    %dma_start3A_433 = tpu.memref_slice %arg4[%dma_start3A_427, %dma_start3A_431, %dma_start3A_432] : memref<4x1024x1024xf32, #tpu.memory_space<vmem>> -> memref<1x1024x1024xf32, #tpu.memory_space<vmem>>
    %dma_start3A_434 = tpu.memref_squeeze %dma_start3A_433 : memref<1x1024x1024xf32, #tpu.memory_space<vmem>> -> memref<1024x1024xf32, #tpu.memory_space<vmem>>
    %dma_start3A_435 = arith.constant 2048 : i32
    %dma_start3A_436 = arith.constant 0 : i32
    %dma_start3A_437 = tpu.memref_slice %arg1[%dma_start3A_435, %dma_start3A_436] : memref<32768x1024xf32, #tpu.memory_space<any>> -> memref<1024x1024xf32, #tpu.memory_space<any>>
    tpu.enqueue_dma source(%dma_start3A_437 : memref<1024x1024xf32, #tpu.memory_space<any>>) target(%dma_start3A_434 : memref<1024x1024xf32, #tpu.memory_space<vmem>>) target_semaphore(%dma_start3A_430 : memref<!tpu.dma_semaphore, #tpu.memory_space<semaphore_mem>>)
    %dma_wait3A_438 = arith.constant 2 : i32
    %dma_wait3A_439 = arith.constant 2 : i32
    %dma_wait3A_440 = tpu.memref_slice %arg6[%dma_wait3A_439] : memref<4x!tpu.dma_semaphore, #tpu.memory_space<semaphore_mem>> -> memref<1x!tpu.dma_semaphore, #tpu.memory_space<semaphore_mem>>
    %dma_wait3A_441 = tpu.memref_squeeze %dma_wait3A_440 : memref<1x!tpu.dma_semaphore, #tpu.memory_space<semaphore_mem>> -> memref<!tpu.dma_semaphore, #tpu.memory_space<semaphore_mem>>
    %dma_wait3A_442 = arith.constant 0 : i32
    %dma_wait3A_443 = arith.constant 0 : i32
    %dma_wait3A_444 = tpu.memref_slice %arg4[%dma_wait3A_438, %dma_wait3A_442, %dma_wait3A_443] : memref<4x1024x1024xf32, #tpu.memory_space<vmem>> -> memref<1x1024x1024xf32, #tpu.memory_space<vmem>>
    %dma_wait3A_445 = tpu.memref_squeeze %dma_wait3A_444 : memref<1x1024x1024xf32, #tpu.memory_space<vmem>> -> memref<1024x1024xf32, #tpu.memory_space<vmem>>
    %dma_wait3A_446 = arith.constant 17408 : i32
    %dma_wait3A_447 = arith.constant 0 : i32
    %dma_wait3A_448 = tpu.memref_slice %arg1[%dma_wait3A_446, %dma_wait3A_447] : memref<32768x1024xf32, #tpu.memory_space<any>> -> memref<1024x1024xf32, #tpu.memory_space<any>>
    tpu.wait_dma2 semaphore(%dma_wait3A_441 : memref<!tpu.dma_semaphore, #tpu.memory_space<semaphore_mem>>) src(%dma_wait3A_448 : memref<1024x1024xf32, #tpu.memory_space<any>>) dst(%dma_wait3A_445 : memref<1024x1024xf32, #tpu.memory_space<vmem>>)
    %get3A_449 = arith.constant 2 : index
    %get3A_450 = arith.constant 0 : index
    %get3A_451 = arith.constant 0 : index
    %get3A_452 = vector.load %arg4[%get3A_449, %get3A_450, %get3A_451] : memref<4x1024x1024xf32, #tpu.memory_space<vmem>>, vector<1x1024x1024xf32>
    %get3A_453 = vector.shape_cast %get3A_452 : vector<1x1024x1024xf32> to vector<1024x1024xf32>
    %get3A_454 = arith.constant 1 : index
    %get3A_455 = arith.constant 0 : index
    %get3A_456 = arith.constant 0 : index
    %get3A_457 = vector.load %arg5[%get3A_454, %get3A_455, %get3A_456] : memref<2x1024x1024xf32, #tpu.memory_space<vmem>>, vector<1x1024x1024xf32>
    %get3A_458 = vector.shape_cast %get3A_457 : vector<1x1024x1024xf32> to vector<1024x1024xf32>
    %add3A_459 = arith.addf %get3A_453, %get3A_458 : vector<1024x1024xf32>
    %swap3A_460 = arith.constant 2 : index
    %swap3A_461 = arith.constant 0 : index
    %swap3A_462 = arith.constant 0 : index
    %swap3A_463 = vector.load %arg4[%swap3A_460, %swap3A_461, %swap3A_462] : memref<4x1024x1024xf32, #tpu.memory_space<vmem>>, vector<1x1024x1024xf32>
    %swap3A_464 = vector.shape_cast %swap3A_463 : vector<1x1024x1024xf32> to vector<1024x1024xf32>
    %swap3A_465 = vector.shape_cast %add3A_459 : vector<1024x1024xf32> to vector<1x1024x1024xf32>
    tpu.vector_store %arg4[%swap3A_460, %swap3A_461, %swap3A_462], %swap3A_465 {strides = array<i32>} : memref<4x1024x1024xf32, #tpu.memory_space<vmem>>, vector<1x1024x1024xf32>,
    %dma_start3A_466 = arith.constant 2 : i32
    %dma_start3A_467 = arith.constant 2 : i32
    %dma_start3A_468 = tpu.memref_slice %arg8[%dma_start3A_467] : memref<4x!tpu.dma_semaphore, #tpu.memory_space<semaphore_mem>> -> memref<1x!tpu.dma_semaphore, #tpu.memory_space<semaphore_mem>>
    %dma_start3A_469 = tpu.memref_squeeze %dma_start3A_468 : memref<1x!tpu.dma_semaphore, #tpu.memory_space<semaphore_mem>> -> memref<!tpu.dma_semaphore, #tpu.memory_space<semaphore_mem>>
    %dma_start3A_470 = arith.constant 17408 : i32
    %dma_start3A_471 = arith.constant 0 : i32
    %dma_start3A_472 = tpu.memref_slice %arg3[%dma_start3A_470, %dma_start3A_471] : memref<32768x1024xf32, #tpu.memory_space<any>> -> memref<1024x1024xf32, #tpu.memory_space<any>>
    %dma_start3A_473 = arith.constant 0 : i32
    %dma_start3A_474 = arith.constant 0 : i32
    %dma_start3A_475 = tpu.memref_slice %arg4[%dma_start3A_466, %dma_start3A_473, %dma_start3A_474] : memref<4x1024x1024xf32, #tpu.memory_space<vmem>> -> memref<1x1024x1024xf32, #tpu.memory_space<vmem>>
    %dma_start3A_476 = tpu.memref_squeeze %dma_start3A_475 : memref<1x1024x1024xf32, #tpu.memory_space<vmem>> -> memref<1024x1024xf32, #tpu.memory_space<vmem>>
    tpu.enqueue_dma source(%dma_start3A_476 : memref<1024x1024xf32, #tpu.memory_space<vmem>>) target(%dma_start3A_472 : memref<1024x1024xf32, #tpu.memory_space<any>>) target_semaphore(%dma_start3A_469 : memref<!tpu.dma_semaphore, #tpu.memory_space<semaphore_mem>>)
    %dma_wait3A_477 = arith.constant 1 : i32
    %dma_wait3A_478 = arith.constant 1 : i32
    %dma_wait3A_479 = tpu.memref_slice %arg8[%dma_wait3A_478] : memref<4x!tpu.dma_semaphore, #tpu.memory_space<semaphore_mem>> -> memref<1x!tpu.dma_semaphore, #tpu.memory_space<semaphore_mem>>
    %dma_wait3A_480 = tpu.memref_squeeze %dma_wait3A_479 : memref<1x!tpu.dma_semaphore, #tpu.memory_space<semaphore_mem>> -> memref<!tpu.dma_semaphore, #tpu.memory_space<semaphore_mem>>
    %dma_wait3A_481 = arith.constant 9216 : i32
    %dma_wait3A_482 = arith.constant 0 : i32
    %dma_wait3A_483 = tpu.memref_slice %arg3[%dma_wait3A_481, %dma_wait3A_482] : memref<32768x1024xf32, #tpu.memory_space<any>> -> memref<1024x1024xf32, #tpu.memory_space<any>>
    %dma_wait3A_484 = arith.constant 0 : i32
    %dma_wait3A_485 = arith.constant 0 : i32
    %dma_wait3A_486 = tpu.memref_slice %arg4[%dma_wait3A_477, %dma_wait3A_484, %dma_wait3A_485] : memref<4x1024x1024xf32, #tpu.memory_space<vmem>> -> memref<1x1024x1024xf32, #tpu.memory_space<vmem>>
    %dma_wait3A_487 = tpu.memref_squeeze %dma_wait3A_486 : memref<1x1024x1024xf32, #tpu.memory_space<vmem>> -> memref<1024x1024xf32, #tpu.memory_space<vmem>>
    tpu.wait_dma2 semaphore(%dma_wait3A_480 : memref<!tpu.dma_semaphore, #tpu.memory_space<semaphore_mem>>) src(%dma_wait3A_487 : memref<1024x1024xf32, #tpu.memory_space<vmem>>) dst(%dma_wait3A_483 : memref<1024x1024xf32, #tpu.memory_space<any>>)
    %dma_start3A_488 = arith.constant 1 : i32
    %dma_start3A_489 = arith.constant 1 : i32
    %dma_start3A_490 = tpu.memref_slice %arg6[%dma_start3A_489] : memref<4x!tpu.dma_semaphore, #tpu.memory_space<semaphore_mem>> -> memref<1x!tpu.dma_semaphore, #tpu.memory_space<semaphore_mem>>
    %dma_start3A_491 = tpu.memref_squeeze %dma_start3A_490 : memref<1x!tpu.dma_semaphore, #tpu.memory_space<semaphore_mem>> -> memref<!tpu.dma_semaphore, #tpu.memory_space<semaphore_mem>>
    %dma_start3A_492 = arith.constant 0 : i32
    %dma_start3A_493 = arith.constant 0 : i32
    %dma_start3A_494 = tpu.memref_slice %arg4[%dma_start3A_488, %dma_start3A_492, %dma_start3A_493] : memref<4x1024x1024xf32, #tpu.memory_space<vmem>> -> memref<1x1024x1024xf32, #tpu.memory_space<vmem>>
    %dma_start3A_495 = tpu.memref_squeeze %dma_start3A_494 : memref<1x1024x1024xf32, #tpu.memory_space<vmem>> -> memref<1024x1024xf32, #tpu.memory_space<vmem>>
    %dma_start3A_496 = arith.constant 10240 : i32
    %dma_start3A_497 = arith.constant 0 : i32
    %dma_start3A_498 = tpu.memref_slice %arg1[%dma_start3A_496, %dma_start3A_497] : memref<32768x1024xf32, #tpu.memory_space<any>> -> memref<1024x1024xf32, #tpu.memory_space<any>>
    tpu.enqueue_dma source(%dma_start3A_498 : memref<1024x1024xf32, #tpu.memory_space<any>>) target(%dma_start3A_495 : memref<1024x1024xf32, #tpu.memory_space<vmem>>) target_semaphore(%dma_start3A_491 : memref<!tpu.dma_semaphore, #tpu.memory_space<semaphore_mem>>)
    %dma_wait3A_499 = arith.constant 3 : i32
    %dma_wait3A_500 = arith.constant 3 : i32
    %dma_wait3A_501 = tpu.memref_slice %arg6[%dma_wait3A_500] : memref<4x!tpu.dma_semaphore, #tpu.memory_space<semaphore_mem>> -> memref<1x!tpu.dma_semaphore, #tpu.memory_space<semaphore_mem>>
    %dma_wait3A_502 = tpu.memref_squeeze %dma_wait3A_501 : memref<1x!tpu.dma_semaphore, #tpu.memory_space<semaphore_mem>> -> memref<!tpu.dma_semaphore, #tpu.memory_space<semaphore_mem>>
    %dma_wait3A_503 = arith.constant 0 : i32
    %dma_wait3A_504 = arith.constant 0 : i32
    %dma_wait3A_505 = tpu.memref_slice %arg4[%dma_wait3A_499, %dma_wait3A_503, %dma_wait3A_504] : memref<4x1024x1024xf32, #tpu.memory_space<vmem>> -> memref<1x1024x1024xf32, #tpu.memory_space<vmem>>
    %dma_wait3A_506 = tpu.memref_squeeze %dma_wait3A_505 : memref<1x1024x1024xf32, #tpu.memory_space<vmem>> -> memref<1024x1024xf32, #tpu.memory_space<vmem>>
    %dma_wait3A_507 = arith.constant 25600 : i32
    %dma_wait3A_508 = arith.constant 0 : i32
    %dma_wait3A_509 = tpu.memref_slice %arg1[%dma_wait3A_507, %dma_wait3A_508] : memref<32768x1024xf32, #tpu.memory_space<any>> -> memref<1024x1024xf32, #tpu.memory_space<any>>
    tpu.wait_dma2 semaphore(%dma_wait3A_502 : memref<!tpu.dma_semaphore, #tpu.memory_space<semaphore_mem>>) src(%dma_wait3A_509 : memref<1024x1024xf32, #tpu.memory_space<any>>) dst(%dma_wait3A_506 : memref<1024x1024xf32, #tpu.memory_space<vmem>>)
    %get3A_510 = arith.constant 3 : index
    %get3A_511 = arith.constant 0 : index
    %get3A_512 = arith.constant 0 : index
    %get3A_513 = vector.load %arg4[%get3A_510, %get3A_511, %get3A_512] : memref<4x1024x1024xf32, #tpu.memory_space<vmem>>, vector<1x1024x1024xf32>
    %get3A_514 = vector.shape_cast %get3A_513 : vector<1x1024x1024xf32> to vector<1024x1024xf32>
    %get3A_515 = arith.constant 1 : index
    %get3A_516 = arith.constant 0 : index
    %get3A_517 = arith.constant 0 : index
    %get3A_518 = vector.load %arg5[%get3A_515, %get3A_516, %get3A_517] : memref<2x1024x1024xf32, #tpu.memory_space<vmem>>, vector<1x1024x1024xf32>
    %get3A_519 = vector.shape_cast %get3A_518 : vector<1x1024x1024xf32> to vector<1024x1024xf32>
    %add3A_520 = arith.addf %get3A_514, %get3A_519 : vector<1024x1024xf32>
    %swap3A_521 = arith.constant 3 : index
    %swap3A_522 = arith.constant 0 : index
    %swap3A_523 = arith.constant 0 : index
    %swap3A_524 = vector.load %arg4[%swap3A_521, %swap3A_522, %swap3A_523] : memref<4x1024x1024xf32, #tpu.memory_space<vmem>>, vector<1x1024x1024xf32>
    %swap3A_525 = vector.shape_cast %swap3A_524 : vector<1x1024x1024xf32> to vector<1024x1024xf32>
    %swap3A_526 = vector.shape_cast %add3A_520 : vector<1024x1024xf32> to vector<1x1024x1024xf32>
    tpu.vector_store %arg4[%swap3A_521, %swap3A_522, %swap3A_523], %swap3A_526 {strides = array<i32>} : memref<4x1024x1024xf32, #tpu.memory_space<vmem>>, vector<1x1024x1024xf32>,
    %dma_start3A_527 = arith.constant 3 : i32
    %dma_start3A_528 = arith.constant 3 : i32
    %dma_start3A_529 = tpu.memref_slice %arg8[%dma_start3A_528] : memref<4x!tpu.dma_semaphore, #tpu.memory_space<semaphore_mem>> -> memref<1x!tpu.dma_semaphore, #tpu.memory_space<semaphore_mem>>
    %dma_start3A_530 = tpu.memref_squeeze %dma_start3A_529 : memref<1x!tpu.dma_semaphore, #tpu.memory_space<semaphore_mem>> -> memref<!tpu.dma_semaphore, #tpu.memory_space<semaphore_mem>>
    %dma_start3A_531 = arith.constant 25600 : i32
    %dma_start3A_532 = arith.constant 0 : i32
    %dma_start3A_533 = tpu.memref_slice %arg3[%dma_start3A_531, %dma_start3A_532] : memref<32768x1024xf32, #tpu.memory_space<any>> -> memref<1024x1024xf32, #tpu.memory_space<any>>
    %dma_start3A_534 = arith.constant 0 : i32
    %dma_start3A_535 = arith.constant 0 : i32
    %dma_start3A_536 = tpu.memref_slice %arg4[%dma_start3A_527, %dma_start3A_534, %dma_start3A_535] : memref<4x1024x1024xf32, #tpu.memory_space<vmem>> -> memref<1x1024x1024xf32, #tpu.memory_space<vmem>>
    %dma_start3A_537 = tpu.memref_squeeze %dma_start3A_536 : memref<1x1024x1024xf32, #tpu.memory_space<vmem>> -> memref<1024x1024xf32, #tpu.memory_space<vmem>>
    tpu.enqueue_dma source(%dma_start3A_537 : memref<1024x1024xf32, #tpu.memory_space<vmem>>) target(%dma_start3A_533 : memref<1024x1024xf32, #tpu.memory_space<any>>) target_semaphore(%dma_start3A_530 : memref<!tpu.dma_semaphore, #tpu.memory_space<semaphore_mem>>)
    %dma_start3A_538 = arith.constant 1 : i32
    %dma_start3A_539 = arith.constant 1 : i32
    %dma_start3A_540 = tpu.memref_slice %arg7[%dma_start3A_539] : memref<2x!tpu.dma_semaphore, #tpu.memory_space<semaphore_mem>> -> memref<1x!tpu.dma_semaphore, #tpu.memory_space<semaphore_mem>>
    %dma_start3A_541 = tpu.memref_squeeze %dma_start3A_540 : memref<1x!tpu.dma_semaphore, #tpu.memory_space<semaphore_mem>> -> memref<!tpu.dma_semaphore, #tpu.memory_space<semaphore_mem>>
    %dma_start3A_542 = arith.constant 0 : i32
    %dma_start3A_543 = arith.constant 0 : i32
    %dma_start3A_544 = tpu.memref_slice %arg5[%dma_start3A_538, %dma_start3A_542, %dma_start3A_543] : memref<2x1024x1024xf32, #tpu.memory_space<vmem>> -> memref<1x1024x1024xf32, #tpu.memory_space<vmem>>
    %dma_start3A_545 = tpu.memref_squeeze %dma_start3A_544 : memref<1x1024x1024xf32, #tpu.memory_space<vmem>> -> memref<1024x1024xf32, #tpu.memory_space<vmem>>
    %dma_start3A_546 = arith.constant 3072 : i32
    %dma_start3A_547 = arith.constant 0 : i32
    %dma_start3A_548 = tpu.memref_slice %arg2[%dma_start3A_546, %dma_start3A_547] : memref<8192x1024xf32, #tpu.memory_space<any>> -> memref<1024x1024xf32, #tpu.memory_space<any>>
    tpu.enqueue_dma source(%dma_start3A_548 : memref<1024x1024xf32, #tpu.memory_space<any>>) target(%dma_start3A_545 : memref<1024x1024xf32, #tpu.memory_space<vmem>>) target_semaphore(%dma_start3A_541 : memref<!tpu.dma_semaphore, #tpu.memory_space<semaphore_mem>>)
    %dma_wait3A_549 = arith.constant 2 : i32
    %dma_wait3A_550 = arith.constant 2 : i32
    %dma_wait3A_551 = tpu.memref_slice %arg8[%dma_wait3A_550] : memref<4x!tpu.dma_semaphore, #tpu.memory_space<semaphore_mem>> -> memref<1x!tpu.dma_semaphore, #tpu.memory_space<semaphore_mem>>
    %dma_wait3A_552 = tpu.memref_squeeze %dma_wait3A_551 : memref<1x!tpu.dma_semaphore, #tpu.memory_space<semaphore_mem>> -> memref<!tpu.dma_semaphore, #tpu.memory_space<semaphore_mem>>
    %dma_wait3A_553 = arith.constant 17408 : i32
    %dma_wait3A_554 = arith.constant 0 : i32
    %dma_wait3A_555 = tpu.memref_slice %arg3[%dma_wait3A_553, %dma_wait3A_554] : memref<32768x1024xf32, #tpu.memory_space<any>> -> memref<1024x1024xf32, #tpu.memory_space<any>>
    %dma_wait3A_556 = arith.constant 0 : i32
    %dma_wait3A_557 = arith.constant 0 : i32
    %dma_wait3A_558 = tpu.memref_slice %arg4[%dma_wait3A_549, %dma_wait3A_556, %dma_wait3A_557] : memref<4x1024x1024xf32, #tpu.memory_space<vmem>> -> memref<1x1024x1024xf32, #tpu.memory_space<vmem>>
    %dma_wait3A_559 = tpu.memref_squeeze %dma_wait3A_558 : memref<1x1024x1024xf32, #tpu.memory_space<vmem>> -> memref<1024x1024xf32, #tpu.memory_space<vmem>>
    tpu.wait_dma2 semaphore(%dma_wait3A_552 : memref<!tpu.dma_semaphore, #tpu.memory_space<semaphore_mem>>) src(%dma_wait3A_559 : memref<1024x1024xf32, #tpu.memory_space<vmem>>) dst(%dma_wait3A_555 : memref<1024x1024xf32, #tpu.memory_space<any>>)
    %dma_start3A_560 = arith.constant 2 : i32
    %dma_start3A_561 = arith.constant 2 : i32
    %dma_start3A_562 = tpu.memref_slice %arg6[%dma_start3A_561] : memref<4x!tpu.dma_semaphore, #tpu.memory_space<semaphore_mem>> -> memref<1x!tpu.dma_semaphore, #tpu.memory_space<semaphore_mem>>
    %dma_start3A_563 = tpu.memref_squeeze %dma_start3A_562 : memref<1x!tpu.dma_semaphore, #tpu.memory_space<semaphore_mem>> -> memref<!tpu.dma_semaphore, #tpu.memory_space<semaphore_mem>>
    %dma_start3A_564 = arith.constant 0 : i32
    %dma_start3A_565 = arith.constant 0 : i32
    %dma_start3A_566 = tpu.memref_slice %arg4[%dma_start3A_560, %dma_start3A_564, %dma_start3A_565] : memref<4x1024x1024xf32, #tpu.memory_space<vmem>> -> memref<1x1024x1024xf32, #tpu.memory_space<vmem>>
    %dma_start3A_567 = tpu.memref_squeeze %dma_start3A_566 : memref<1x1024x1024xf32, #tpu.memory_space<vmem>> -> memref<1024x1024xf32, #tpu.memory_space<vmem>>
    %dma_start3A_568 = arith.constant 18432 : i32
    %dma_start3A_569 = arith.constant 0 : i32
    %dma_start3A_570 = tpu.memref_slice %arg1[%dma_start3A_568, %dma_start3A_569] : memref<32768x1024xf32, #tpu.memory_space<any>> -> memref<1024x1024xf32, #tpu.memory_space<any>>
    tpu.enqueue_dma source(%dma_start3A_570 : memref<1024x1024xf32, #tpu.memory_space<any>>) target(%dma_start3A_567 : memref<1024x1024xf32, #tpu.memory_space<vmem>>) target_semaphore(%dma_start3A_563 : memref<!tpu.dma_semaphore, #tpu.memory_space<semaphore_mem>>)
    %dma_wait3A_571 = arith.constant 0 : i32
    %dma_wait3A_572 = arith.constant 0 : i32
    %dma_wait3A_573 = tpu.memref_slice %arg6[%dma_wait3A_572] : memref<4x!tpu.dma_semaphore, #tpu.memory_space<semaphore_mem>> -> memref<1x!tpu.dma_semaphore, #tpu.memory_space<semaphore_mem>>
    %dma_wait3A_574 = tpu.memref_squeeze %dma_wait3A_573 : memref<1x!tpu.dma_semaphore, #tpu.memory_space<semaphore_mem>> -> memref<!tpu.dma_semaphore, #tpu.memory_space<semaphore_mem>>
    %dma_wait3A_575 = arith.constant 0 : i32
    %dma_wait3A_576 = arith.constant 0 : i32
    %dma_wait3A_577 = tpu.memref_slice %arg4[%dma_wait3A_571, %dma_wait3A_575, %dma_wait3A_576] : memref<4x1024x1024xf32, #tpu.memory_space<vmem>> -> memref<1x1024x1024xf32, #tpu.memory_space<vmem>>
    %dma_wait3A_578 = tpu.memref_squeeze %dma_wait3A_577 : memref<1x1024x1024xf32, #tpu.memory_space<vmem>> -> memref<1024x1024xf32, #tpu.memory_space<vmem>>
    %dma_wait3A_579 = arith.constant 2048 : i32
    %dma_wait3A_580 = arith.constant 0 : i32
    %dma_wait3A_581 = tpu.memref_slice %arg1[%dma_wait3A_579, %dma_wait3A_580] : memref<32768x1024xf32, #tpu.memory_space<any>> -> memref<1024x1024xf32, #tpu.memory_space<any>>
    tpu.wait_dma2 semaphore(%dma_wait3A_574 : memref<!tpu.dma_semaphore, #tpu.memory_space<semaphore_mem>>) src(%dma_wait3A_581 : memref<1024x1024xf32, #tpu.memory_space<any>>) dst(%dma_wait3A_578 : memref<1024x1024xf32, #tpu.memory_space<vmem>>)
    %dma_wait3A_582 = arith.constant 0 : i32
    %dma_wait3A_583 = arith.constant 0 : i32
    %dma_wait3A_584 = tpu.memref_slice %arg7[%dma_wait3A_583] : memref<2x!tpu.dma_semaphore, #tpu.memory_space<semaphore_mem>> -> memref<1x!tpu.dma_semaphore, #tpu.memory_space<semaphore_mem>>
    %dma_wait3A_585 = tpu.memref_squeeze %dma_wait3A_584 : memref<1x!tpu.dma_semaphore, #tpu.memory_space<semaphore_mem>> -> memref<!tpu.dma_semaphore, #tpu.memory_space<semaphore_mem>>
    %dma_wait3A_586 = arith.constant 0 : i32
    %dma_wait3A_587 = arith.constant 0 : i32
    %dma_wait3A_588 = tpu.memref_slice %arg5[%dma_wait3A_582, %dma_wait3A_586, %dma_wait3A_587] : memref<2x1024x1024xf32, #tpu.memory_space<vmem>> -> memref<1x1024x1024xf32, #tpu.memory_space<vmem>>
    %dma_wait3A_589 = tpu.memref_squeeze %dma_wait3A_588 : memref<1x1024x1024xf32, #tpu.memory_space<vmem>> -> memref<1024x1024xf32, #tpu.memory_space<vmem>>
    %dma_wait3A_590 = arith.constant 2048 : i32
    %dma_wait3A_591 = arith.constant 0 : i32
    %dma_wait3A_592 = tpu.memref_slice %arg2[%dma_wait3A_590, %dma_wait3A_591] : memref<8192x1024xf32, #tpu.memory_space<any>> -> memref<1024x1024xf32, #tpu.memory_space<any>>
    tpu.wait_dma2 semaphore(%dma_wait3A_585 : memref<!tpu.dma_semaphore, #tpu.memory_space<semaphore_mem>>) src(%dma_wait3A_592 : memref<1024x1024xf32, #tpu.memory_space<any>>) dst(%dma_wait3A_589 : memref<1024x1024xf32, #tpu.memory_space<vmem>>)
    %get3A_593 = arith.constant 0 : index
    %get3A_594 = arith.constant 0 : index
    %get3A_595 = arith.constant 0 : index
    %get3A_596 = vector.load %arg4[%get3A_593, %get3A_594, %get3A_595] : memref<4x1024x1024xf32, #tpu.memory_space<vmem>>, vector<1x1024x1024xf32>
    %get3A_597 = vector.shape_cast %get3A_596 : vector<1x1024x1024xf32> to vector<1024x1024xf32>
    %get3A_598 = arith.constant 0 : index
    %get3A_599 = arith.constant 0 : index
    %get3A_600 = arith.constant 0 : index
    %get3A_601 = vector.load %arg5[%get3A_598, %get3A_599, %get3A_600] : memref<2x1024x1024xf32, #tpu.memory_space<vmem>>, vector<1x1024x1024xf32>
    %get3A_602 = vector.shape_cast %get3A_601 : vector<1x1024x1024xf32> to vector<1024x1024xf32>
    %add3A_603 = arith.addf %get3A_597, %get3A_602 : vector<1024x1024xf32>
    %swap3A_604 = arith.constant 0 : index
    %swap3A_605 = arith.constant 0 : index
    %swap3A_606 = arith.constant 0 : index
    %swap3A_607 = vector.load %arg4[%swap3A_604, %swap3A_605, %swap3A_606] : memref<4x1024x1024xf32, #tpu.memory_space<vmem>>, vector<1x1024x1024xf32>
    %swap3A_608 = vector.shape_cast %swap3A_607 : vector<1x1024x1024xf32> to vector<1024x1024xf32>
    %swap3A_609 = vector.shape_cast %add3A_603 : vector<1024x1024xf32> to vector<1x1024x1024xf32>
    tpu.vector_store %arg4[%swap3A_604, %swap3A_605, %swap3A_606], %swap3A_609 {strides = array<i32>} : memref<4x1024x1024xf32, #tpu.memory_space<vmem>>, vector<1x1024x1024xf32>,
    %dma_start3A_610 = arith.constant 0 : i32
    %dma_start3A_611 = arith.constant 0 : i32
    %dma_start3A_612 = tpu.memref_slice %arg8[%dma_start3A_611] : memref<4x!tpu.dma_semaphore, #tpu.memory_space<semaphore_mem>> -> memref<1x!tpu.dma_semaphore, #tpu.memory_space<semaphore_mem>>
    %dma_start3A_613 = tpu.memref_squeeze %dma_start3A_612 : memref<1x!tpu.dma_semaphore, #tpu.memory_space<semaphore_mem>> -> memref<!tpu.dma_semaphore, #tpu.memory_space<semaphore_mem>>
    %dma_start3A_614 = arith.constant 2048 : i32
    %dma_start3A_615 = arith.constant 0 : i32
    %dma_start3A_616 = tpu.memref_slice %arg3[%dma_start3A_614, %dma_start3A_615] : memref<32768x1024xf32, #tpu.memory_space<any>> -> memref<1024x1024xf32, #tpu.memory_space<any>>
    %dma_start3A_617 = arith.constant 0 : i32
    %dma_start3A_618 = arith.constant 0 : i32
    %dma_start3A_619 = tpu.memref_slice %arg4[%dma_start3A_610, %dma_start3A_617, %dma_start3A_618] : memref<4x1024x1024xf32, #tpu.memory_space<vmem>> -> memref<1x1024x1024xf32, #tpu.memory_space<vmem>>
    %dma_start3A_620 = tpu.memref_squeeze %dma_start3A_619 : memref<1x1024x1024xf32, #tpu.memory_space<vmem>> -> memref<1024x1024xf32, #tpu.memory_space<vmem>>
    tpu.enqueue_dma source(%dma_start3A_620 : memref<1024x1024xf32, #tpu.memory_space<vmem>>) target(%dma_start3A_616 : memref<1024x1024xf32, #tpu.memory_space<any>>) target_semaphore(%dma_start3A_613 : memref<!tpu.dma_semaphore, #tpu.memory_space<semaphore_mem>>)
    %dma_wait3A_621 = arith.constant 3 : i32
    %dma_wait3A_622 = arith.constant 3 : i32
    %dma_wait3A_623 = tpu.memref_slice %arg8[%dma_wait3A_622] : memref<4x!tpu.dma_semaphore, #tpu.memory_space<semaphore_mem>> -> memref<1x!tpu.dma_semaphore, #tpu.memory_space<semaphore_mem>>
    %dma_wait3A_624 = tpu.memref_squeeze %dma_wait3A_623 : memref<1x!tpu.dma_semaphore, #tpu.memory_space<semaphore_mem>> -> memref<!tpu.dma_semaphore, #tpu.memory_space<semaphore_mem>>
    %dma_wait3A_625 = arith.constant 25600 : i32
    %dma_wait3A_626 = arith.constant 0 : i32
    %dma_wait3A_627 = tpu.memref_slice %arg3[%dma_wait3A_625, %dma_wait3A_626] : memref<32768x1024xf32, #tpu.memory_space<any>> -> memref<1024x1024xf32, #tpu.memory_space<any>>
    %dma_wait3A_628 = arith.constant 0 : i32
    %dma_wait3A_629 = arith.constant 0 : i32
    %dma_wait3A_630 = tpu.memref_slice %arg4[%dma_wait3A_621, %dma_wait3A_628, %dma_wait3A_629] : memref<4x1024x1024xf32, #tpu.memory_space<vmem>> -> memref<1x1024x1024xf32, #tpu.memory_space<vmem>>
    %dma_wait3A_631 = tpu.memref_squeeze %dma_wait3A_630 : memref<1x1024x1024xf32, #tpu.memory_space<vmem>> -> memref<1024x1024xf32, #tpu.memory_space<vmem>>
    tpu.wait_dma2 semaphore(%dma_wait3A_624 : memref<!tpu.dma_semaphore, #tpu.memory_space<semaphore_mem>>) src(%dma_wait3A_631 : memref<1024x1024xf32, #tpu.memory_space<vmem>>) dst(%dma_wait3A_627 : memref<1024x1024xf32, #tpu.memory_space<any>>)
    %dma_start3A_632 = arith.constant 3 : i32
    %dma_start3A_633 = arith.constant 3 : i32
    %dma_start3A_634 = tpu.memref_slice %arg6[%dma_start3A_633] : memref<4x!tpu.dma_semaphore, #tpu.memory_space<semaphore_mem>> -> memref<1x!tpu.dma_semaphore, #tpu.memory_space<semaphore_mem>>
    %dma_start3A_635 = tpu.memref_squeeze %dma_start3A_634 : memref<1x!tpu.dma_semaphore, #tpu.memory_space<semaphore_mem>> -> memref<!tpu.dma_semaphore, #tpu.memory_space<semaphore_mem>>
    %dma_start3A_636 = arith.constant 0 : i32
    %dma_start3A_637 = arith.constant 0 : i32
    %dma_start3A_638 = tpu.memref_slice %arg4[%dma_start3A_632, %dma_start3A_636, %dma_start3A_637] : memref<4x1024x1024xf32, #tpu.memory_space<vmem>> -> memref<1x1024x1024xf32, #tpu.memory_space<vmem>>
    %dma_start3A_639 = tpu.memref_squeeze %dma_start3A_638 : memref<1x1024x1024xf32, #tpu.memory_space<vmem>> -> memref<1024x1024xf32, #tpu.memory_space<vmem>>
    %dma_start3A_640 = arith.constant 26624 : i32
    %dma_start3A_641 = arith.constant 0 : i32
    %dma_start3A_642 = tpu.memref_slice %arg1[%dma_start3A_640, %dma_start3A_641] : memref<32768x1024xf32, #tpu.memory_space<any>> -> memref<1024x1024xf32, #tpu.memory_space<any>>
    tpu.enqueue_dma source(%dma_start3A_642 : memref<1024x1024xf32, #tpu.memory_space<any>>) target(%dma_start3A_639 : memref<1024x1024xf32, #tpu.memory_space<vmem>>) target_semaphore(%dma_start3A_635 : memref<!tpu.dma_semaphore, #tpu.memory_space<semaphore_mem>>)
    %dma_wait3A_643 = arith.constant 1 : i32
    %dma_wait3A_644 = arith.constant 1 : i32
    %dma_wait3A_645 = tpu.memref_slice %arg6[%dma_wait3A_644] : memref<4x!tpu.dma_semaphore, #tpu.memory_space<semaphore_mem>> -> memref<1x!tpu.dma_semaphore, #tpu.memory_space<semaphore_mem>>
    %dma_wait3A_646 = tpu.memref_squeeze %dma_wait3A_645 : memref<1x!tpu.dma_semaphore, #tpu.memory_space<semaphore_mem>> -> memref<!tpu.dma_semaphore, #tpu.memory_space<semaphore_mem>>
    %dma_wait3A_647 = arith.constant 0 : i32
    %dma_wait3A_648 = arith.constant 0 : i32
    %dma_wait3A_649 = tpu.memref_slice %arg4[%dma_wait3A_643, %dma_wait3A_647, %dma_wait3A_648] : memref<4x1024x1024xf32, #tpu.memory_space<vmem>> -> memref<1x1024x1024xf32, #tpu.memory_space<vmem>>
    %dma_wait3A_650 = tpu.memref_squeeze %dma_wait3A_649 : memref<1x1024x1024xf32, #tpu.memory_space<vmem>> -> memref<1024x1024xf32, #tpu.memory_space<vmem>>
    %dma_wait3A_651 = arith.constant 10240 : i32
    %dma_wait3A_652 = arith.constant 0 : i32
    %dma_wait3A_653 = tpu.memref_slice %arg1[%dma_wait3A_651, %dma_wait3A_652] : memref<32768x1024xf32, #tpu.memory_space<any>> -> memref<1024x1024xf32, #tpu.memory_space<any>>
    tpu.wait_dma2 semaphore(%dma_wait3A_646 : memref<!tpu.dma_semaphore, #tpu.memory_space<semaphore_mem>>) src(%dma_wait3A_653 : memref<1024x1024xf32, #tpu.memory_space<any>>) dst(%dma_wait3A_650 : memref<1024x1024xf32, #tpu.memory_space<vmem>>)
    %get3A_654 = arith.constant 1 : index
    %get3A_655 = arith.constant 0 : index
    %get3A_656 = arith.constant 0 : index
    %get3A_657 = vector.load %arg4[%get3A_654, %get3A_655, %get3A_656] : memref<4x1024x1024xf32, #tpu.memory_space<vmem>>, vector<1x1024x1024xf32>
    %get3A_658 = vector.shape_cast %get3A_657 : vector<1x1024x1024xf32> to vector<1024x1024xf32>
    %get3A_659 = arith.constant 0 : index
    %get3A_660 = arith.constant 0 : index
    %get3A_661 = arith.constant 0 : index
    %get3A_662 = vector.load %arg5[%get3A_659, %get3A_660, %get3A_661] : memref<2x1024x1024xf32, #tpu.memory_space<vmem>>, vector<1x1024x1024xf32>
    %get3A_663 = vector.shape_cast %get3A_662 : vector<1x1024x1024xf32> to vector<1024x1024xf32>
    %add3A_664 = arith.addf %get3A_658, %get3A_663 : vector<1024x1024xf32>
    %swap3A_665 = arith.constant 1 : index
    %swap3A_666 = arith.constant 0 : index
    %swap3A_667 = arith.constant 0 : index
    %swap3A_668 = vector.load %arg4[%swap3A_665, %swap3A_666, %swap3A_667] : memref<4x1024x1024xf32, #tpu.memory_space<vmem>>, vector<1x1024x1024xf32>
    %swap3A_669 = vector.shape_cast %swap3A_668 : vector<1x1024x1024xf32> to vector<1024x1024xf32>
    %swap3A_670 = vector.shape_cast %add3A_664 : vector<1024x1024xf32> to vector<1x1024x1024xf32>
    tpu.vector_store %arg4[%swap3A_665, %swap3A_666, %swap3A_667], %swap3A_670 {strides = array<i32>} : memref<4x1024x1024xf32, #tpu.memory_space<vmem>>, vector<1x1024x1024xf32>,
    %dma_start3A_671 = arith.constant 1 : i32
    %dma_start3A_672 = arith.constant 1 : i32
    %dma_start3A_673 = tpu.memref_slice %arg8[%dma_start3A_672] : memref<4x!tpu.dma_semaphore, #tpu.memory_space<semaphore_mem>> -> memref<1x!tpu.dma_semaphore, #tpu.memory_space<semaphore_mem>>
    %dma_start3A_674 = tpu.memref_squeeze %dma_start3A_673 : memref<1x!tpu.dma_semaphore, #tpu.memory_space<semaphore_mem>> -> memref<!tpu.dma_semaphore, #tpu.memory_space<semaphore_mem>>
    %dma_start3A_675 = arith.constant 10240 : i32
    %dma_start3A_676 = arith.constant 0 : i32
    %dma_start3A_677 = tpu.memref_slice %arg3[%dma_start3A_675, %dma_start3A_676] : memref<32768x1024xf32, #tpu.memory_space<any>> -> memref<1024x1024xf32, #tpu.memory_space<any>>
    %dma_start3A_678 = arith.constant 0 : i32
    %dma_start3A_679 = arith.constant 0 : i32
    %dma_start3A_680 = tpu.memref_slice %arg4[%dma_start3A_671, %dma_start3A_678, %dma_start3A_679] : memref<4x1024x1024xf32, #tpu.memory_space<vmem>> -> memref<1x1024x1024xf32, #tpu.memory_space<vmem>>
    %dma_start3A_681 = tpu.memref_squeeze %dma_start3A_680 : memref<1x1024x1024xf32, #tpu.memory_space<vmem>> -> memref<1024x1024xf32, #tpu.memory_space<vmem>>
    tpu.enqueue_dma source(%dma_start3A_681 : memref<1024x1024xf32, #tpu.memory_space<vmem>>) target(%dma_start3A_677 : memref<1024x1024xf32, #tpu.memory_space<any>>) target_semaphore(%dma_start3A_674 : memref<!tpu.dma_semaphore, #tpu.memory_space<semaphore_mem>>)
    %dma_wait3A_682 = arith.constant 0 : i32
    %dma_wait3A_683 = arith.constant 0 : i32
    %dma_wait3A_684 = tpu.memref_slice %arg8[%dma_wait3A_683] : memref<4x!tpu.dma_semaphore, #tpu.memory_space<semaphore_mem>> -> memref<1x!tpu.dma_semaphore, #tpu.memory_space<semaphore_mem>>
    %dma_wait3A_685 = tpu.memref_squeeze %dma_wait3A_684 : memref<1x!tpu.dma_semaphore, #tpu.memory_space<semaphore_mem>> -> memref<!tpu.dma_semaphore, #tpu.memory_space<semaphore_mem>>
    %dma_wait3A_686 = arith.constant 2048 : i32
    %dma_wait3A_687 = arith.constant 0 : i32
    %dma_wait3A_688 = tpu.memref_slice %arg3[%dma_wait3A_686, %dma_wait3A_687] : memref<32768x1024xf32, #tpu.memory_space<any>> -> memref<1024x1024xf32, #tpu.memory_space<any>>
    %dma_wait3A_689 = arith.constant 0 : i32
    %dma_wait3A_690 = arith.constant 0 : i32
    %dma_wait3A_691 = tpu.memref_slice %arg4[%dma_wait3A_682, %dma_wait3A_689, %dma_wait3A_690] : memref<4x1024x1024xf32, #tpu.memory_space<vmem>> -> memref<1x1024x1024xf32, #tpu.memory_space<vmem>>
    %dma_wait3A_692 = tpu.memref_squeeze %dma_wait3A_691 : memref<1x1024x1024xf32, #tpu.memory_space<vmem>> -> memref<1024x1024xf32, #tpu.memory_space<vmem>>
    tpu.wait_dma2 semaphore(%dma_wait3A_685 : memref<!tpu.dma_semaphore, #tpu.memory_space<semaphore_mem>>) src(%dma_wait3A_692 : memref<1024x1024xf32, #tpu.memory_space<vmem>>) dst(%dma_wait3A_688 : memref<1024x1024xf32, #tpu.memory_space<any>>)
    %dma_start3A_693 = arith.constant 0 : i32
    %dma_start3A_694 = arith.constant 0 : i32
    %dma_start3A_695 = tpu.memref_slice %arg6[%dma_start3A_694] : memref<4x!tpu.dma_semaphore, #tpu.memory_space<semaphore_mem>> -> memref<1x!tpu.dma_semaphore, #tpu.memory_space<semaphore_mem>>
    %dma_start3A_696 = tpu.memref_squeeze %dma_start3A_695 : memref<1x!tpu.dma_semaphore, #tpu.memory_space<semaphore_mem>> -> memref<!tpu.dma_semaphore, #tpu.memory_space<semaphore_mem>>
    %dma_start3A_697 = arith.constant 0 : i32
    %dma_start3A_698 = arith.constant 0 : i32
    %dma_start3A_699 = tpu.memref_slice %arg4[%dma_start3A_693, %dma_start3A_697, %dma_start3A_698] : memref<4x1024x1024xf32, #tpu.memory_space<vmem>> -> memref<1x1024x1024xf32, #tpu.memory_space<vmem>>
    %dma_start3A_700 = tpu.memref_squeeze %dma_start3A_699 : memref<1x1024x1024xf32, #tpu.memory_space<vmem>> -> memref<1024x1024xf32, #tpu.memory_space<vmem>>
    %dma_start3A_701 = arith.constant 3072 : i32
    %dma_start3A_702 = arith.constant 0 : i32
    %dma_start3A_703 = tpu.memref_slice %arg1[%dma_start3A_701, %dma_start3A_702] : memref<32768x1024xf32, #tpu.memory_space<any>> -> memref<1024x1024xf32, #tpu.memory_space<any>>
    tpu.enqueue_dma source(%dma_start3A_703 : memref<1024x1024xf32, #tpu.memory_space<any>>) target(%dma_start3A_700 : memref<1024x1024xf32, #tpu.memory_space<vmem>>) target_semaphore(%dma_start3A_696 : memref<!tpu.dma_semaphore, #tpu.memory_space<semaphore_mem>>)
    %dma_wait3A_704 = arith.constant 2 : i32
    %dma_wait3A_705 = arith.constant 2 : i32
    %dma_wait3A_706 = tpu.memref_slice %arg6[%dma_wait3A_705] : memref<4x!tpu.dma_semaphore, #tpu.memory_space<semaphore_mem>> -> memref<1x!tpu.dma_semaphore, #tpu.memory_space<semaphore_mem>>
    %dma_wait3A_707 = tpu.memref_squeeze %dma_wait3A_706 : memref<1x!tpu.dma_semaphore, #tpu.memory_space<semaphore_mem>> -> memref<!tpu.dma_semaphore, #tpu.memory_space<semaphore_mem>>
    %dma_wait3A_708 = arith.constant 0 : i32
    %dma_wait3A_709 = arith.constant 0 : i32
    %dma_wait3A_710 = tpu.memref_slice %arg4[%dma_wait3A_704, %dma_wait3A_708, %dma_wait3A_709] : memref<4x1024x1024xf32, #tpu.memory_space<vmem>> -> memref<1x1024x1024xf32, #tpu.memory_space<vmem>>
    %dma_wait3A_711 = tpu.memref_squeeze %dma_wait3A_710 : memref<1x1024x1024xf32, #tpu.memory_space<vmem>> -> memref<1024x1024xf32, #tpu.memory_space<vmem>>
    %dma_wait3A_712 = arith.constant 18432 : i32
    %dma_wait3A_713 = arith.constant 0 : i32
    %dma_wait3A_714 = tpu.memref_slice %arg1[%dma_wait3A_712, %dma_wait3A_713] : memref<32768x1024xf32, #tpu.memory_space<any>> -> memref<1024x1024xf32, #tpu.memory_space<any>>
    tpu.wait_dma2 semaphore(%dma_wait3A_707 : memref<!tpu.dma_semaphore, #tpu.memory_space<semaphore_mem>>) src(%dma_wait3A_714 : memref<1024x1024xf32, #tpu.memory_space<any>>) dst(%dma_wait3A_711 : memref<1024x1024xf32, #tpu.memory_space<vmem>>)
    %get3A_715 = arith.constant 2 : index
    %get3A_716 = arith.constant 0 : index
    %get3A_717 = arith.constant 0 : index
    %get3A_718 = vector.load %arg4[%get3A_715, %get3A_716, %get3A_717] : memref<4x1024x1024xf32, #tpu.memory_space<vmem>>, vector<1x1024x1024xf32>
    %get3A_719 = vector.shape_cast %get3A_718 : vector<1x1024x1024xf32> to vector<1024x1024xf32>
    %get3A_720 = arith.constant 0 : index
    %get3A_721 = arith.constant 0 : index
    %get3A_722 = arith.constant 0 : index
    %get3A_723 = vector.load %arg5[%get3A_720, %get3A_721, %get3A_722] : memref<2x1024x1024xf32, #tpu.memory_space<vmem>>, vector<1x1024x1024xf32>
    %get3A_724 = vector.shape_cast %get3A_723 : vector<1x1024x1024xf32> to vector<1024x1024xf32>
    %add3A_725 = arith.addf %get3A_719, %get3A_724 : vector<1024x1024xf32>
    %swap3A_726 = arith.constant 2 : index
    %swap3A_727 = arith.constant 0 : index
    %swap3A_728 = arith.constant 0 : index
    %swap3A_729 = vector.load %arg4[%swap3A_726, %swap3A_727, %swap3A_728] : memref<4x1024x1024xf32, #tpu.memory_space<vmem>>, vector<1x1024x1024xf32>
    %swap3A_730 = vector.shape_cast %swap3A_729 : vector<1x1024x1024xf32> to vector<1024x1024xf32>
    %swap3A_731 = vector.shape_cast %add3A_725 : vector<1024x1024xf32> to vector<1x1024x1024xf32>
    tpu.vector_store %arg4[%swap3A_726, %swap3A_727, %swap3A_728], %swap3A_731 {strides = array<i32>} : memref<4x1024x1024xf32, #tpu.memory_space<vmem>>, vector<1x1024x1024xf32>,
    %dma_start3A_732 = arith.constant 2 : i32
    %dma_start3A_733 = arith.constant 2 : i32
    %dma_start3A_734 = tpu.memref_slice %arg8[%dma_start3A_733] : memref<4x!tpu.dma_semaphore, #tpu.memory_space<semaphore_mem>> -> memref<1x!tpu.dma_semaphore, #tpu.memory_space<semaphore_mem>>
    %dma_start3A_735 = tpu.memref_squeeze %dma_start3A_734 : memref<1x!tpu.dma_semaphore, #tpu.memory_space<semaphore_mem>> -> memref<!tpu.dma_semaphore, #tpu.memory_space<semaphore_mem>>
    %dma_start3A_736 = arith.constant 18432 : i32
    %dma_start3A_737 = arith.constant 0 : i32
    %dma_start3A_738 = tpu.memref_slice %arg3[%dma_start3A_736, %dma_start3A_737] : memref<32768x1024xf32, #tpu.memory_space<any>> -> memref<1024x1024xf32, #tpu.memory_space<any>>
    %dma_start3A_739 = arith.constant 0 : i32
    %dma_start3A_740 = arith.constant 0 : i32
    %dma_start3A_741 = tpu.memref_slice %arg4[%dma_start3A_732, %dma_start3A_739, %dma_start3A_740] : memref<4x1024x1024xf32, #tpu.memory_space<vmem>> -> memref<1x1024x1024xf32, #tpu.memory_space<vmem>>
    %dma_start3A_742 = tpu.memref_squeeze %dma_start3A_741 : memref<1x1024x1024xf32, #tpu.memory_space<vmem>> -> memref<1024x1024xf32, #tpu.memory_space<vmem>>
    tpu.enqueue_dma source(%dma_start3A_742 : memref<1024x1024xf32, #tpu.memory_space<vmem>>) target(%dma_start3A_738 : memref<1024x1024xf32, #tpu.memory_space<any>>) target_semaphore(%dma_start3A_735 : memref<!tpu.dma_semaphore, #tpu.memory_space<semaphore_mem>>)
    %dma_wait3A_743 = arith.constant 1 : i32
    %dma_wait3A_744 = arith.constant 1 : i32
    %dma_wait3A_745 = tpu.memref_slice %arg8[%dma_wait3A_744] : memref<4x!tpu.dma_semaphore, #tpu.memory_space<semaphore_mem>> -> memref<1x!tpu.dma_semaphore, #tpu.memory_space<semaphore_mem>>
    %dma_wait3A_746 = tpu.memref_squeeze %dma_wait3A_745 : memref<1x!tpu.dma_semaphore, #tpu.memory_space<semaphore_mem>> -> memref<!tpu.dma_semaphore, #tpu.memory_space<semaphore_mem>>
    %dma_wait3A_747 = arith.constant 10240 : i32
    %dma_wait3A_748 = arith.constant 0 : i32
    %dma_wait3A_749 = tpu.memref_slice %arg3[%dma_wait3A_747, %dma_wait3A_748] : memref<32768x1024xf32, #tpu.memory_space<any>> -> memref<1024x1024xf32, #tpu.memory_space<any>>
    %dma_wait3A_750 = arith.constant 0 : i32
    %dma_wait3A_751 = arith.constant 0 : i32
    %dma_wait3A_752 = tpu.memref_slice %arg4[%dma_wait3A_743, %dma_wait3A_750, %dma_wait3A_751] : memref<4x1024x1024xf32, #tpu.memory_space<vmem>> -> memref<1x1024x1024xf32, #tpu.memory_space<vmem>>
    %dma_wait3A_753 = tpu.memref_squeeze %dma_wait3A_752 : memref<1x1024x1024xf32, #tpu.memory_space<vmem>> -> memref<1024x1024xf32, #tpu.memory_space<vmem>>
    tpu.wait_dma2 semaphore(%dma_wait3A_746 : memref<!tpu.dma_semaphore, #tpu.memory_space<semaphore_mem>>) src(%dma_wait3A_753 : memref<1024x1024xf32, #tpu.memory_space<vmem>>) dst(%dma_wait3A_749 : memref<1024x1024xf32, #tpu.memory_space<any>>)
    %dma_start3A_754 = arith.constant 1 : i32
    %dma_start3A_755 = arith.constant 1 : i32
    %dma_start3A_756 = tpu.memref_slice %arg6[%dma_start3A_755] : memref<4x!tpu.dma_semaphore, #tpu.memory_space<semaphore_mem>> -> memref<1x!tpu.dma_semaphore, #tpu.memory_space<semaphore_mem>>
    %dma_start3A_757 = tpu.memref_squeeze %dma_start3A_756 : memref<1x!tpu.dma_semaphore, #tpu.memory_space<semaphore_mem>> -> memref<!tpu.dma_semaphore, #tpu.memory_space<semaphore_mem>>
    %dma_start3A_758 = arith.constant 0 : i32
    %dma_start3A_759 = arith.constant 0 : i32
    %dma_start3A_760 = tpu.memref_slice %arg4[%dma_start3A_754, %dma_start3A_758, %dma_start3A_759] : memref<4x1024x1024xf32, #tpu.memory_space<vmem>> -> memref<1x1024x1024xf32, #tpu.memory_space<vmem>>
    %dma_start3A_761 = tpu.memref_squeeze %dma_start3A_760 : memref<1x1024x1024xf32, #tpu.memory_space<vmem>> -> memref<1024x1024xf32, #tpu.memory_space<vmem>>
    %dma_start3A_762 = arith.constant 11264 : i32
    %dma_start3A_763 = arith.constant 0 : i32
    %dma_start3A_764 = tpu.memref_slice %arg1[%dma_start3A_762, %dma_start3A_763] : memref<32768x1024xf32, #tpu.memory_space<any>> -> memref<1024x1024xf32, #tpu.memory_space<any>>
    tpu.enqueue_dma source(%dma_start3A_764 : memref<1024x1024xf32, #tpu.memory_space<any>>) target(%dma_start3A_761 : memref<1024x1024xf32, #tpu.memory_space<vmem>>) target_semaphore(%dma_start3A_757 : memref<!tpu.dma_semaphore, #tpu.memory_space<semaphore_mem>>)
    %dma_wait3A_765 = arith.constant 3 : i32
    %dma_wait3A_766 = arith.constant 3 : i32
    %dma_wait3A_767 = tpu.memref_slice %arg6[%dma_wait3A_766] : memref<4x!tpu.dma_semaphore, #tpu.memory_space<semaphore_mem>> -> memref<1x!tpu.dma_semaphore, #tpu.memory_space<semaphore_mem>>
    %dma_wait3A_768 = tpu.memref_squeeze %dma_wait3A_767 : memref<1x!tpu.dma_semaphore, #tpu.memory_space<semaphore_mem>> -> memref<!tpu.dma_semaphore, #tpu.memory_space<semaphore_mem>>
    %dma_wait3A_769 = arith.constant 0 : i32
    %dma_wait3A_770 = arith.constant 0 : i32
    %dma_wait3A_771 = tpu.memref_slice %arg4[%dma_wait3A_765, %dma_wait3A_769, %dma_wait3A_770] : memref<4x1024x1024xf32, #tpu.memory_space<vmem>> -> memref<1x1024x1024xf32, #tpu.memory_space<vmem>>
    %dma_wait3A_772 = tpu.memref_squeeze %dma_wait3A_771 : memref<1x1024x1024xf32, #tpu.memory_space<vmem>> -> memref<1024x1024xf32, #tpu.memory_space<vmem>>
    %dma_wait3A_773 = arith.constant 26624 : i32
    %dma_wait3A_774 = arith.constant 0 : i32
    %dma_wait3A_775 = tpu.memref_slice %arg1[%dma_wait3A_773, %dma_wait3A_774] : memref<32768x1024xf32, #tpu.memory_space<any>> -> memref<1024x1024xf32, #tpu.memory_space<any>>
    tpu.wait_dma2 semaphore(%dma_wait3A_768 : memref<!tpu.dma_semaphore, #tpu.memory_space<semaphore_mem>>) src(%dma_wait3A_775 : memref<1024x1024xf32, #tpu.memory_space<any>>) dst(%dma_wait3A_772 : memref<1024x1024xf32, #tpu.memory_space<vmem>>)
    %get3A_776 = arith.constant 3 : index
    %get3A_777 = arith.constant 0 : index
    %get3A_778 = arith.constant 0 : index
    %get3A_779 = vector.load %arg4[%get3A_776, %get3A_777, %get3A_778] : memref<4x1024x1024xf32, #tpu.memory_space<vmem>>, vector<1x1024x1024xf32>
    %get3A_780 = vector.shape_cast %get3A_779 : vector<1x1024x1024xf32> to vector<1024x1024xf32>
    %get3A_781 = arith.constant 0 : index
    %get3A_782 = arith.constant 0 : index
    %get3A_783 = arith.constant 0 : index
    %get3A_784 = vector.load %arg5[%get3A_781, %get3A_782, %get3A_783] : memref<2x1024x1024xf32, #tpu.memory_space<vmem>>, vector<1x1024x1024xf32>
    %get3A_785 = vector.shape_cast %get3A_784 : vector<1x1024x1024xf32> to vector<1024x1024xf32>
    %add3A_786 = arith.addf %get3A_780, %get3A_785 : vector<1024x1024xf32>
    %swap3A_787 = arith.constant 3 : index
    %swap3A_788 = arith.constant 0 : index
    %swap3A_789 = arith.constant 0 : index
    %swap3A_790 = vector.load %arg4[%swap3A_787, %swap3A_788, %swap3A_789] : memref<4x1024x1024xf32, #tpu.memory_space<vmem>>, vector<1x1024x1024xf32>
    %swap3A_791 = vector.shape_cast %swap3A_790 : vector<1x1024x1024xf32> to vector<1024x1024xf32>
    %swap3A_792 = vector.shape_cast %add3A_786 : vector<1024x1024xf32> to vector<1x1024x1024xf32>
    tpu.vector_store %arg4[%swap3A_787, %swap3A_788, %swap3A_789], %swap3A_792 {strides = array<i32>} : memref<4x1024x1024xf32, #tpu.memory_space<vmem>>, vector<1x1024x1024xf32>,
    %dma_start3A_793 = arith.constant 3 : i32
    %dma_start3A_794 = arith.constant 3 : i32
    %dma_start3A_795 = tpu.memref_slice %arg8[%dma_start3A_794] : memref<4x!tpu.dma_semaphore, #tpu.memory_space<semaphore_mem>> -> memref<1x!tpu.dma_semaphore, #tpu.memory_space<semaphore_mem>>
    %dma_start3A_796 = tpu.memref_squeeze %dma_start3A_795 : memref<1x!tpu.dma_semaphore, #tpu.memory_space<semaphore_mem>> -> memref<!tpu.dma_semaphore, #tpu.memory_space<semaphore_mem>>
    %dma_start3A_797 = arith.constant 26624 : i32
    %dma_start3A_798 = arith.constant 0 : i32
    %dma_start3A_799 = tpu.memref_slice %arg3[%dma_start3A_797, %dma_start3A_798] : memref<32768x1024xf32, #tpu.memory_space<any>> -> memref<1024x1024xf32, #tpu.memory_space<any>>
    %dma_start3A_800 = arith.constant 0 : i32
    %dma_start3A_801 = arith.constant 0 : i32
    %dma_start3A_802 = tpu.memref_slice %arg4[%dma_start3A_793, %dma_start3A_800, %dma_start3A_801] : memref<4x1024x1024xf32, #tpu.memory_space<vmem>> -> memref<1x1024x1024xf32, #tpu.memory_space<vmem>>
    %dma_start3A_803 = tpu.memref_squeeze %dma_start3A_802 : memref<1x1024x1024xf32, #tpu.memory_space<vmem>> -> memref<1024x1024xf32, #tpu.memory_space<vmem>>
    tpu.enqueue_dma source(%dma_start3A_803 : memref<1024x1024xf32, #tpu.memory_space<vmem>>) target(%dma_start3A_799 : memref<1024x1024xf32, #tpu.memory_space<any>>) target_semaphore(%dma_start3A_796 : memref<!tpu.dma_semaphore, #tpu.memory_space<semaphore_mem>>)
    %dma_start3A_804 = arith.constant 0 : i32
    %dma_start3A_805 = arith.constant 0 : i32
    %dma_start3A_806 = tpu.memref_slice %arg7[%dma_start3A_805] : memref<2x!tpu.dma_semaphore, #tpu.memory_space<semaphore_mem>> -> memref<1x!tpu.dma_semaphore, #tpu.memory_space<semaphore_mem>>
    %dma_start3A_807 = tpu.memref_squeeze %dma_start3A_806 : memref<1x!tpu.dma_semaphore, #tpu.memory_space<semaphore_mem>> -> memref<!tpu.dma_semaphore, #tpu.memory_space<semaphore_mem>>
    %dma_start3A_808 = arith.constant 0 : i32
    %dma_start3A_809 = arith.constant 0 : i32
    %dma_start3A_810 = tpu.memref_slice %arg5[%dma_start3A_804, %dma_start3A_808, %dma_start3A_809] : memref<2x1024x1024xf32, #tpu.memory_space<vmem>> -> memref<1x1024x1024xf32, #tpu.memory_space<vmem>>
    %dma_start3A_811 = tpu.memref_squeeze %dma_start3A_810 : memref<1x1024x1024xf32, #tpu.memory_space<vmem>> -> memref<1024x1024xf32, #tpu.memory_space<vmem>>
    %dma_start3A_812 = arith.constant 4096 : i32
    %dma_start3A_813 = arith.constant 0 : i32
    %dma_start3A_814 = tpu.memref_slice %arg2[%dma_start3A_812, %dma_start3A_813] : memref<8192x1024xf32, #tpu.memory_space<any>> -> memref<1024x1024xf32, #tpu.memory_space<any>>
    tpu.enqueue_dma source(%dma_start3A_814 : memref<1024x1024xf32, #tpu.memory_space<any>>) target(%dma_start3A_811 : memref<1024x1024xf32, #tpu.memory_space<vmem>>) target_semaphore(%dma_start3A_807 : memref<!tpu.dma_semaphore, #tpu.memory_space<semaphore_mem>>)
    %dma_wait3A_815 = arith.constant 2 : i32
    %dma_wait3A_816 = arith.constant 2 : i32
    %dma_wait3A_817 = tpu.memref_slice %arg8[%dma_wait3A_816] : memref<4x!tpu.dma_semaphore, #tpu.memory_space<semaphore_mem>> -> memref<1x!tpu.dma_semaphore, #tpu.memory_space<semaphore_mem>>
    %dma_wait3A_818 = tpu.memref_squeeze %dma_wait3A_817 : memref<1x!tpu.dma_semaphore, #tpu.memory_space<semaphore_mem>> -> memref<!tpu.dma_semaphore, #tpu.memory_space<semaphore_mem>>
    %dma_wait3A_819 = arith.constant 18432 : i32
    %dma_wait3A_820 = arith.constant 0 : i32
    %dma_wait3A_821 = tpu.memref_slice %arg3[%dma_wait3A_819, %dma_wait3A_820] : memref<32768x1024xf32, #tpu.memory_space<any>> -> memref<1024x1024xf32, #tpu.memory_space<any>>
    %dma_wait3A_822 = arith.constant 0 : i32
    %dma_wait3A_823 = arith.constant 0 : i32
    %dma_wait3A_824 = tpu.memref_slice %arg4[%dma_wait3A_815, %dma_wait3A_822, %dma_wait3A_823] : memref<4x1024x1024xf32, #tpu.memory_space<vmem>> -> memref<1x1024x1024xf32, #tpu.memory_space<vmem>>
    %dma_wait3A_825 = tpu.memref_squeeze %dma_wait3A_824 : memref<1x1024x1024xf32, #tpu.memory_space<vmem>> -> memref<1024x1024xf32, #tpu.memory_space<vmem>>
    tpu.wait_dma2 semaphore(%dma_wait3A_818 : memref<!tpu.dma_semaphore, #tpu.memory_space<semaphore_mem>>) src(%dma_wait3A_825 : memref<1024x1024xf32, #tpu.memory_space<vmem>>) dst(%dma_wait3A_821 : memref<1024x1024xf32, #tpu.memory_space<any>>)
    %dma_start3A_826 = arith.constant 2 : i32
    %dma_start3A_827 = arith.constant 2 : i32
    %dma_start3A_828 = tpu.memref_slice %arg6[%dma_start3A_827] : memref<4x!tpu.dma_semaphore, #tpu.memory_space<semaphore_mem>> -> memref<1x!tpu.dma_semaphore, #tpu.memory_space<semaphore_mem>>
    %dma_start3A_829 = tpu.memref_squeeze %dma_start3A_828 : memref<1x!tpu.dma_semaphore, #tpu.memory_space<semaphore_mem>> -> memref<!tpu.dma_semaphore, #tpu.memory_space<semaphore_mem>>
    %dma_start3A_830 = arith.constant 0 : i32
    %dma_start3A_831 = arith.constant 0 : i32
    %dma_start3A_832 = tpu.memref_slice %arg4[%dma_start3A_826, %dma_start3A_830, %dma_start3A_831] : memref<4x1024x1024xf32, #tpu.memory_space<vmem>> -> memref<1x1024x1024xf32, #tpu.memory_space<vmem>>
    %dma_start3A_833 = tpu.memref_squeeze %dma_start3A_832 : memref<1x1024x1024xf32, #tpu.memory_space<vmem>> -> memref<1024x1024xf32, #tpu.memory_space<vmem>>
    %dma_start3A_834 = arith.constant 19456 : i32
    %dma_start3A_835 = arith.constant 0 : i32
    %dma_start3A_836 = tpu.memref_slice %arg1[%dma_start3A_834, %dma_start3A_835] : memref<32768x1024xf32, #tpu.memory_space<any>> -> memref<1024x1024xf32, #tpu.memory_space<any>>
    tpu.enqueue_dma source(%dma_start3A_836 : memref<1024x1024xf32, #tpu.memory_space<any>>) target(%dma_start3A_833 : memref<1024x1024xf32, #tpu.memory_space<vmem>>) target_semaphore(%dma_start3A_829 : memref<!tpu.dma_semaphore, #tpu.memory_space<semaphore_mem>>)
    %dma_wait3A_837 = arith.constant 0 : i32
    %dma_wait3A_838 = arith.constant 0 : i32
    %dma_wait3A_839 = tpu.memref_slice %arg6[%dma_wait3A_838] : memref<4x!tpu.dma_semaphore, #tpu.memory_space<semaphore_mem>> -> memref<1x!tpu.dma_semaphore, #tpu.memory_space<semaphore_mem>>
    %dma_wait3A_840 = tpu.memref_squeeze %dma_wait3A_839 : memref<1x!tpu.dma_semaphore, #tpu.memory_space<semaphore_mem>> -> memref<!tpu.dma_semaphore, #tpu.memory_space<semaphore_mem>>
    %dma_wait3A_841 = arith.constant 0 : i32
    %dma_wait3A_842 = arith.constant 0 : i32
    %dma_wait3A_843 = tpu.memref_slice %arg4[%dma_wait3A_837, %dma_wait3A_841, %dma_wait3A_842] : memref<4x1024x1024xf32, #tpu.memory_space<vmem>> -> memref<1x1024x1024xf32, #tpu.memory_space<vmem>>
    %dma_wait3A_844 = tpu.memref_squeeze %dma_wait3A_843 : memref<1x1024x1024xf32, #tpu.memory_space<vmem>> -> memref<1024x1024xf32, #tpu.memory_space<vmem>>
    %dma_wait3A_845 = arith.constant 3072 : i32
    %dma_wait3A_846 = arith.constant 0 : i32
    %dma_wait3A_847 = tpu.memref_slice %arg1[%dma_wait3A_845, %dma_wait3A_846] : memref<32768x1024xf32, #tpu.memory_space<any>> -> memref<1024x1024xf32, #tpu.memory_space<any>>
    tpu.wait_dma2 semaphore(%dma_wait3A_840 : memref<!tpu.dma_semaphore, #tpu.memory_space<semaphore_mem>>) src(%dma_wait3A_847 : memref<1024x1024xf32, #tpu.memory_space<any>>) dst(%dma_wait3A_844 : memref<1024x1024xf32, #tpu.memory_space<vmem>>)
    %dma_wait3A_848 = arith.constant 1 : i32
    %dma_wait3A_849 = arith.constant 1 : i32
    %dma_wait3A_850 = tpu.memref_slice %arg7[%dma_wait3A_849] : memref<2x!tpu.dma_semaphore, #tpu.memory_space<semaphore_mem>> -> memref<1x!tpu.dma_semaphore, #tpu.memory_space<semaphore_mem>>
    %dma_wait3A_851 = tpu.memref_squeeze %dma_wait3A_850 : memref<1x!tpu.dma_semaphore, #tpu.memory_space<semaphore_mem>> -> memref<!tpu.dma_semaphore, #tpu.memory_space<semaphore_mem>>
    %dma_wait3A_852 = arith.constant 0 : i32
    %dma_wait3A_853 = arith.constant 0 : i32
    %dma_wait3A_854 = tpu.memref_slice %arg5[%dma_wait3A_848, %dma_wait3A_852, %dma_wait3A_853] : memref<2x1024x1024xf32, #tpu.memory_space<vmem>> -> memref<1x1024x1024xf32, #tpu.memory_space<vmem>>
    %dma_wait3A_855 = tpu.memref_squeeze %dma_wait3A_854 : memref<1x1024x1024xf32, #tpu.memory_space<vmem>> -> memref<1024x1024xf32, #tpu.memory_space<vmem>>
    %dma_wait3A_856 = arith.constant 3072 : i32
    %dma_wait3A_857 = arith.constant 0 : i32
    %dma_wait3A_858 = tpu.memref_slice %arg2[%dma_wait3A_856, %dma_wait3A_857] : memref<8192x1024xf32, #tpu.memory_space<any>> -> memref<1024x1024xf32, #tpu.memory_space<any>>
    tpu.wait_dma2 semaphore(%dma_wait3A_851 : memref<!tpu.dma_semaphore, #tpu.memory_space<semaphore_mem>>) src(%dma_wait3A_858 : memref<1024x1024xf32, #tpu.memory_space<any>>) dst(%dma_wait3A_855 : memref<1024x1024xf32, #tpu.memory_space<vmem>>)
    %get3A_859 = arith.constant 0 : index
    %get3A_860 = arith.constant 0 : index
    %get3A_861 = arith.constant 0 : index
    %get3A_862 = vector.load %arg4[%get3A_859, %get3A_860, %get3A_861] : memref<4x1024x1024xf32, #tpu.memory_space<vmem>>, vector<1x1024x1024xf32>
    %get3A_863 = vector.shape_cast %get3A_862 : vector<1x1024x1024xf32> to vector<1024x1024xf32>
    %get3A_864 = arith.constant 1 : index
    %get3A_865 = arith.constant 0 : index
    %get3A_866 = arith.constant 0 : index
    %get3A_867 = vector.load %arg5[%get3A_864, %get3A_865, %get3A_866] : memref<2x1024x1024xf32, #tpu.memory_space<vmem>>, vector<1x1024x1024xf32>
    %get3A_868 = vector.shape_cast %get3A_867 : vector<1x1024x1024xf32> to vector<1024x1024xf32>
    %add3A_869 = arith.addf %get3A_863, %get3A_868 : vector<1024x1024xf32>
    %swap3A_870 = arith.constant 0 : index
    %swap3A_871 = arith.constant 0 : index
    %swap3A_872 = arith.constant 0 : index
    %swap3A_873 = vector.load %arg4[%swap3A_870, %swap3A_871, %swap3A_872] : memref<4x1024x1024xf32, #tpu.memory_space<vmem>>, vector<1x1024x1024xf32>
    %swap3A_874 = vector.shape_cast %swap3A_873 : vector<1x1024x1024xf32> to vector<1024x1024xf32>
    %swap3A_875 = vector.shape_cast %add3A_869 : vector<1024x1024xf32> to vector<1x1024x1024xf32>
    tpu.vector_store %arg4[%swap3A_870, %swap3A_871, %swap3A_872], %swap3A_875 {strides = array<i32>} : memref<4x1024x1024xf32, #tpu.memory_space<vmem>>, vector<1x1024x1024xf32>,
    %dma_start3A_876 = arith.constant 0 : i32
    %dma_start3A_877 = arith.constant 0 : i32
    %dma_start3A_878 = tpu.memref_slice %arg8[%dma_start3A_877] : memref<4x!tpu.dma_semaphore, #tpu.memory_space<semaphore_mem>> -> memref<1x!tpu.dma_semaphore, #tpu.memory_space<semaphore_mem>>
    %dma_start3A_879 = tpu.memref_squeeze %dma_start3A_878 : memref<1x!tpu.dma_semaphore, #tpu.memory_space<semaphore_mem>> -> memref<!tpu.dma_semaphore, #tpu.memory_space<semaphore_mem>>
    %dma_start3A_880 = arith.constant 3072 : i32
    %dma_start3A_881 = arith.constant 0 : i32
    %dma_start3A_882 = tpu.memref_slice %arg3[%dma_start3A_880, %dma_start3A_881] : memref<32768x1024xf32, #tpu.memory_space<any>> -> memref<1024x1024xf32, #tpu.memory_space<any>>
    %dma_start3A_883 = arith.constant 0 : i32
    %dma_start3A_884 = arith.constant 0 : i32
    %dma_start3A_885 = tpu.memref_slice %arg4[%dma_start3A_876, %dma_start3A_883, %dma_start3A_884] : memref<4x1024x1024xf32, #tpu.memory_space<vmem>> -> memref<1x1024x1024xf32, #tpu.memory_space<vmem>>
    %dma_start3A_886 = tpu.memref_squeeze %dma_start3A_885 : memref<1x1024x1024xf32, #tpu.memory_space<vmem>> -> memref<1024x1024xf32, #tpu.memory_space<vmem>>
    tpu.enqueue_dma source(%dma_start3A_886 : memref<1024x1024xf32, #tpu.memory_space<vmem>>) target(%dma_start3A_882 : memref<1024x1024xf32, #tpu.memory_space<any>>) target_semaphore(%dma_start3A_879 : memref<!tpu.dma_semaphore, #tpu.memory_space<semaphore_mem>>)
    %dma_wait3A_887 = arith.constant 3 : i32
    %dma_wait3A_888 = arith.constant 3 : i32
    %dma_wait3A_889 = tpu.memref_slice %arg8[%dma_wait3A_888] : memref<4x!tpu.dma_semaphore, #tpu.memory_space<semaphore_mem>> -> memref<1x!tpu.dma_semaphore, #tpu.memory_space<semaphore_mem>>
    %dma_wait3A_890 = tpu.memref_squeeze %dma_wait3A_889 : memref<1x!tpu.dma_semaphore, #tpu.memory_space<semaphore_mem>> -> memref<!tpu.dma_semaphore, #tpu.memory_space<semaphore_mem>>
    %dma_wait3A_891 = arith.constant 26624 : i32
    %dma_wait3A_892 = arith.constant 0 : i32
    %dma_wait3A_893 = tpu.memref_slice %arg3[%dma_wait3A_891, %dma_wait3A_892] : memref<32768x1024xf32, #tpu.memory_space<any>> -> memref<1024x1024xf32, #tpu.memory_space<any>>
    %dma_wait3A_894 = arith.constant 0 : i32
    %dma_wait3A_895 = arith.constant 0 : i32
    %dma_wait3A_896 = tpu.memref_slice %arg4[%dma_wait3A_887, %dma_wait3A_894, %dma_wait3A_895] : memref<4x1024x1024xf32, #tpu.memory_space<vmem>> -> memref<1x1024x1024xf32, #tpu.memory_space<vmem>>
    %dma_wait3A_897 = tpu.memref_squeeze %dma_wait3A_896 : memref<1x1024x1024xf32, #tpu.memory_space<vmem>> -> memref<1024x1024xf32, #tpu.memory_space<vmem>>
    tpu.wait_dma2 semaphore(%dma_wait3A_890 : memref<!tpu.dma_semaphore, #tpu.memory_space<semaphore_mem>>) src(%dma_wait3A_897 : memref<1024x1024xf32, #tpu.memory_space<vmem>>) dst(%dma_wait3A_893 : memref<1024x1024xf32, #tpu.memory_space<any>>)
    %dma_start3A_898 = arith.constant 3 : i32
    %dma_start3A_899 = arith.constant 3 : i32
    %dma_start3A_900 = tpu.memref_slice %arg6[%dma_start3A_899] : memref<4x!tpu.dma_semaphore, #tpu.memory_space<semaphore_mem>> -> memref<1x!tpu.dma_semaphore, #tpu.memory_space<semaphore_mem>>
    %dma_start3A_901 = tpu.memref_squeeze %dma_start3A_900 : memref<1x!tpu.dma_semaphore, #tpu.memory_space<semaphore_mem>> -> memref<!tpu.dma_semaphore, #tpu.memory_space<semaphore_mem>>
    %dma_start3A_902 = arith.constant 0 : i32
    %dma_start3A_903 = arith.constant 0 : i32
    %dma_start3A_904 = tpu.memref_slice %arg4[%dma_start3A_898, %dma_start3A_902, %dma_start3A_903] : memref<4x1024x1024xf32, #tpu.memory_space<vmem>> -> memref<1x1024x1024xf32, #tpu.memory_space<vmem>>
    %dma_start3A_905 = tpu.memref_squeeze %dma_start3A_904 : memref<1x1024x1024xf32, #tpu.memory_space<vmem>> -> memref<1024x1024xf32, #tpu.memory_space<vmem>>
    %dma_start3A_906 = arith.constant 27648 : i32
    %dma_start3A_907 = arith.constant 0 : i32
    %dma_start3A_908 = tpu.memref_slice %arg1[%dma_start3A_906, %dma_start3A_907] : memref<32768x1024xf32, #tpu.memory_space<any>> -> memref<1024x1024xf32, #tpu.memory_space<any>>
    tpu.enqueue_dma source(%dma_start3A_908 : memref<1024x1024xf32, #tpu.memory_space<any>>) target(%dma_start3A_905 : memref<1024x1024xf32, #tpu.memory_space<vmem>>) target_semaphore(%dma_start3A_901 : memref<!tpu.dma_semaphore, #tpu.memory_space<semaphore_mem>>)
    %dma_wait3A_909 = arith.constant 1 : i32
    %dma_wait3A_910 = arith.constant 1 : i32
    %dma_wait3A_911 = tpu.memref_slice %arg6[%dma_wait3A_910] : memref<4x!tpu.dma_semaphore, #tpu.memory_space<semaphore_mem>> -> memref<1x!tpu.dma_semaphore, #tpu.memory_space<semaphore_mem>>
    %dma_wait3A_912 = tpu.memref_squeeze %dma_wait3A_911 : memref<1x!tpu.dma_semaphore, #tpu.memory_space<semaphore_mem>> -> memref<!tpu.dma_semaphore, #tpu.memory_space<semaphore_mem>>
    %dma_wait3A_913 = arith.constant 0 : i32
    %dma_wait3A_914 = arith.constant 0 : i32
    %dma_wait3A_915 = tpu.memref_slice %arg4[%dma_wait3A_909, %dma_wait3A_913, %dma_wait3A_914] : memref<4x1024x1024xf32, #tpu.memory_space<vmem>> -> memref<1x1024x1024xf32, #tpu.memory_space<vmem>>
    %dma_wait3A_916 = tpu.memref_squeeze %dma_wait3A_915 : memref<1x1024x1024xf32, #tpu.memory_space<vmem>> -> memref<1024x1024xf32, #tpu.memory_space<vmem>>
    %dma_wait3A_917 = arith.constant 11264 : i32
    %dma_wait3A_918 = arith.constant 0 : i32
    %dma_wait3A_919 = tpu.memref_slice %arg1[%dma_wait3A_917, %dma_wait3A_918] : memref<32768x1024xf32, #tpu.memory_space<any>> -> memref<1024x1024xf32, #tpu.memory_space<any>>
    tpu.wait_dma2 semaphore(%dma_wait3A_912 : memref<!tpu.dma_semaphore, #tpu.memory_space<semaphore_mem>>) src(%dma_wait3A_919 : memref<1024x1024xf32, #tpu.memory_space<any>>) dst(%dma_wait3A_916 : memref<1024x1024xf32, #tpu.memory_space<vmem>>)
    %get3A_920 = arith.constant 1 : index
    %get3A_921 = arith.constant 0 : index
    %get3A_922 = arith.constant 0 : index
    %get3A_923 = vector.load %arg4[%get3A_920, %get3A_921, %get3A_922] : memref<4x1024x1024xf32, #tpu.memory_space<vmem>>, vector<1x1024x1024xf32>
    %get3A_924 = vector.shape_cast %get3A_923 : vector<1x1024x1024xf32> to vector<1024x1024xf32>
    %get3A_925 = arith.constant 1 : index
    %get3A_926 = arith.constant 0 : index
    %get3A_927 = arith.constant 0 : index
    %get3A_928 = vector.load %arg5[%get3A_925, %get3A_926, %get3A_927] : memref<2x1024x1024xf32, #tpu.memory_space<vmem>>, vector<1x1024x1024xf32>
    %get3A_929 = vector.shape_cast %get3A_928 : vector<1x1024x1024xf32> to vector<1024x1024xf32>
    %add3A_930 = arith.addf %get3A_924, %get3A_929 : vector<1024x1024xf32>
    %swap3A_931 = arith.constant 1 : index
    %swap3A_932 = arith.constant 0 : index
    %swap3A_933 = arith.constant 0 : index
    %swap3A_934 = vector.load %arg4[%swap3A_931, %swap3A_932, %swap3A_933] : memref<4x1024x1024xf32, #tpu.memory_space<vmem>>, vector<1x1024x1024xf32>
    %swap3A_935 = vector.shape_cast %swap3A_934 : vector<1x1024x1024xf32> to vector<1024x1024xf32>
    %swap3A_936 = vector.shape_cast %add3A_930 : vector<1024x1024xf32> to vector<1x1024x1024xf32>
    tpu.vector_store %arg4[%swap3A_931, %swap3A_932, %swap3A_933], %swap3A_936 {strides = array<i32>} : memref<4x1024x1024xf32, #tpu.memory_space<vmem>>, vector<1x1024x1024xf32>,
    %dma_start3A_937 = arith.constant 1 : i32
    %dma_start3A_938 = arith.constant 1 : i32
    %dma_start3A_939 = tpu.memref_slice %arg8[%dma_start3A_938] : memref<4x!tpu.dma_semaphore, #tpu.memory_space<semaphore_mem>> -> memref<1x!tpu.dma_semaphore, #tpu.memory_space<semaphore_mem>>
    %dma_start3A_940 = tpu.memref_squeeze %dma_start3A_939 : memref<1x!tpu.dma_semaphore, #tpu.memory_space<semaphore_mem>> -> memref<!tpu.dma_semaphore, #tpu.memory_space<semaphore_mem>>
    %dma_start3A_941 = arith.constant 11264 : i32
    %dma_start3A_942 = arith.constant 0 : i32
    %dma_start3A_943 = tpu.memref_slice %arg3[%dma_start3A_941, %dma_start3A_942] : memref<32768x1024xf32, #tpu.memory_space<any>> -> memref<1024x1024xf32, #tpu.memory_space<any>>
    %dma_start3A_944 = arith.constant 0 : i32
    %dma_start3A_945 = arith.constant 0 : i32
    %dma_start3A_946 = tpu.memref_slice %arg4[%dma_start3A_937, %dma_start3A_944, %dma_start3A_945] : memref<4x1024x1024xf32, #tpu.memory_space<vmem>> -> memref<1x1024x1024xf32, #tpu.memory_space<vmem>>
    %dma_start3A_947 = tpu.memref_squeeze %dma_start3A_946 : memref<1x1024x1024xf32, #tpu.memory_space<vmem>> -> memref<1024x1024xf32, #tpu.memory_space<vmem>>
    tpu.enqueue_dma source(%dma_start3A_947 : memref<1024x1024xf32, #tpu.memory_space<vmem>>) target(%dma_start3A_943 : memref<1024x1024xf32, #tpu.memory_space<any>>) target_semaphore(%dma_start3A_940 : memref<!tpu.dma_semaphore, #tpu.memory_space<semaphore_mem>>)
    %dma_wait3A_948 = arith.constant 0 : i32
    %dma_wait3A_949 = arith.constant 0 : i32
    %dma_wait3A_950 = tpu.memref_slice %arg8[%dma_wait3A_949] : memref<4x!tpu.dma_semaphore, #tpu.memory_space<semaphore_mem>> -> memref<1x!tpu.dma_semaphore, #tpu.memory_space<semaphore_mem>>
    %dma_wait3A_951 = tpu.memref_squeeze %dma_wait3A_950 : memref<1x!tpu.dma_semaphore, #tpu.memory_space<semaphore_mem>> -> memref<!tpu.dma_semaphore, #tpu.memory_space<semaphore_mem>>
    %dma_wait3A_952 = arith.constant 3072 : i32
    %dma_wait3A_953 = arith.constant 0 : i32
    %dma_wait3A_954 = tpu.memref_slice %arg3[%dma_wait3A_952, %dma_wait3A_953] : memref<32768x1024xf32, #tpu.memory_space<any>> -> memref<1024x1024xf32, #tpu.memory_space<any>>
    %dma_wait3A_955 = arith.constant 0 : i32
    %dma_wait3A_956 = arith.constant 0 : i32
    %dma_wait3A_957 = tpu.memref_slice %arg4[%dma_wait3A_948, %dma_wait3A_955, %dma_wait3A_956] : memref<4x1024x1024xf32, #tpu.memory_space<vmem>> -> memref<1x1024x1024xf32, #tpu.memory_space<vmem>>
    %dma_wait3A_958 = tpu.memref_squeeze %dma_wait3A_957 : memref<1x1024x1024xf32, #tpu.memory_space<vmem>> -> memref<1024x1024xf32, #tpu.memory_space<vmem>>
    tpu.wait_dma2 semaphore(%dma_wait3A_951 : memref<!tpu.dma_semaphore, #tpu.memory_space<semaphore_mem>>) src(%dma_wait3A_958 : memref<1024x1024xf32, #tpu.memory_space<vmem>>) dst(%dma_wait3A_954 : memref<1024x1024xf32, #tpu.memory_space<any>>)
    %dma_start3A_959 = arith.constant 0 : i32
    %dma_start3A_960 = arith.constant 0 : i32
    %dma_start3A_961 = tpu.memref_slice %arg6[%dma_start3A_960] : memref<4x!tpu.dma_semaphore, #tpu.memory_space<semaphore_mem>> -> memref<1x!tpu.dma_semaphore, #tpu.memory_space<semaphore_mem>>
    %dma_start3A_962 = tpu.memref_squeeze %dma_start3A_961 : memref<1x!tpu.dma_semaphore, #tpu.memory_space<semaphore_mem>> -> memref<!tpu.dma_semaphore, #tpu.memory_space<semaphore_mem>>
    %dma_start3A_963 = arith.constant 0 : i32
    %dma_start3A_964 = arith.constant 0 : i32
    %dma_start3A_965 = tpu.memref_slice %arg4[%dma_start3A_959, %dma_start3A_963, %dma_start3A_964] : memref<4x1024x1024xf32, #tpu.memory_space<vmem>> -> memref<1x1024x1024xf32, #tpu.memory_space<vmem>>
    %dma_start3A_966 = tpu.memref_squeeze %dma_start3A_965 : memref<1x1024x1024xf32, #tpu.memory_space<vmem>> -> memref<1024x1024xf32, #tpu.memory_space<vmem>>
    %dma_start3A_967 = arith.constant 4096 : i32
    %dma_start3A_968 = arith.constant 0 : i32
    %dma_start3A_969 = tpu.memref_slice %arg1[%dma_start3A_967, %dma_start3A_968] : memref<32768x1024xf32, #tpu.memory_space<any>> -> memref<1024x1024xf32, #tpu.memory_space<any>>
    tpu.enqueue_dma source(%dma_start3A_969 : memref<1024x1024xf32, #tpu.memory_space<any>>) target(%dma_start3A_966 : memref<1024x1024xf32, #tpu.memory_space<vmem>>) target_semaphore(%dma_start3A_962 : memref<!tpu.dma_semaphore, #tpu.memory_space<semaphore_mem>>)
    %dma_wait3A_970 = arith.constant 2 : i32
    %dma_wait3A_971 = arith.constant 2 : i32
    %dma_wait3A_972 = tpu.memref_slice %arg6[%dma_wait3A_971] : memref<4x!tpu.dma_semaphore, #tpu.memory_space<semaphore_mem>> -> memref<1x!tpu.dma_semaphore, #tpu.memory_space<semaphore_mem>>
    %dma_wait3A_973 = tpu.memref_squeeze %dma_wait3A_972 : memref<1x!tpu.dma_semaphore, #tpu.memory_space<semaphore_mem>> -> memref<!tpu.dma_semaphore, #tpu.memory_space<semaphore_mem>>
    %dma_wait3A_974 = arith.constant 0 : i32
    %dma_wait3A_975 = arith.constant 0 : i32
    %dma_wait3A_976 = tpu.memref_slice %arg4[%dma_wait3A_970, %dma_wait3A_974, %dma_wait3A_975] : memref<4x1024x1024xf32, #tpu.memory_space<vmem>> -> memref<1x1024x1024xf32, #tpu.memory_space<vmem>>
    %dma_wait3A_977 = tpu.memref_squeeze %dma_wait3A_976 : memref<1x1024x1024xf32, #tpu.memory_space<vmem>> -> memref<1024x1024xf32, #tpu.memory_space<vmem>>
    %dma_wait3A_978 = arith.constant 19456 : i32
    %dma_wait3A_979 = arith.constant 0 : i32
    %dma_wait3A_980 = tpu.memref_slice %arg1[%dma_wait3A_978, %dma_wait3A_979] : memref<32768x1024xf32, #tpu.memory_space<any>> -> memref<1024x1024xf32, #tpu.memory_space<any>>
    tpu.wait_dma2 semaphore(%dma_wait3A_973 : memref<!tpu.dma_semaphore, #tpu.memory_space<semaphore_mem>>) src(%dma_wait3A_980 : memref<1024x1024xf32, #tpu.memory_space<any>>) dst(%dma_wait3A_977 : memref<1024x1024xf32, #tpu.memory_space<vmem>>)
    %get3A_981 = arith.constant 2 : index
    %get3A_982 = arith.constant 0 : index
    %get3A_983 = arith.constant 0 : index
    %get3A_984 = vector.load %arg4[%get3A_981, %get3A_982, %get3A_983] : memref<4x1024x1024xf32, #tpu.memory_space<vmem>>, vector<1x1024x1024xf32>
    %get3A_985 = vector.shape_cast %get3A_984 : vector<1x1024x1024xf32> to vector<1024x1024xf32>
    %get3A_986 = arith.constant 1 : index
    %get3A_987 = arith.constant 0 : index
    %get3A_988 = arith.constant 0 : index
    %get3A_989 = vector.load %arg5[%get3A_986, %get3A_987, %get3A_988] : memref<2x1024x1024xf32, #tpu.memory_space<vmem>>, vector<1x1024x1024xf32>
    %get3A_990 = vector.shape_cast %get3A_989 : vector<1x1024x1024xf32> to vector<1024x1024xf32>
    %add3A_991 = arith.addf %get3A_985, %get3A_990 : vector<1024x1024xf32>
    %swap3A_992 = arith.constant 2 : index
    %swap3A_993 = arith.constant 0 : index
    %swap3A_994 = arith.constant 0 : index
    %swap3A_995 = vector.load %arg4[%swap3A_992, %swap3A_993, %swap3A_994] : memref<4x1024x1024xf32, #tpu.memory_space<vmem>>, vector<1x1024x1024xf32>
    %swap3A_996 = vector.shape_cast %swap3A_995 : vector<1x1024x1024xf32> to vector<1024x1024xf32>
    %swap3A_997 = vector.shape_cast %add3A_991 : vector<1024x1024xf32> to vector<1x1024x1024xf32>
    tpu.vector_store %arg4[%swap3A_992, %swap3A_993, %swap3A_994], %swap3A_997 {strides = array<i32>} : memref<4x1024x1024xf32, #tpu.memory_space<vmem>>, vector<1x1024x1024xf32>,
    %dma_start3A_998 = arith.constant 2 : i32
    %dma_start3A_999 = arith.constant 2 : i32
    %dma_start3A_1000 = tpu.memref_slice %arg8[%dma_start3A_999] : memref<4x!tpu.dma_semaphore, #tpu.memory_space<semaphore_mem>> -> memref<1x!tpu.dma_semaphore, #tpu.memory_space<semaphore_mem>>
    %dma_start3A_1001 = tpu.memref_squeeze %dma_start3A_1000 : memref<1x!tpu.dma_semaphore, #tpu.memory_space<semaphore_mem>> -> memref<!tpu.dma_semaphore, #tpu.memory_space<semaphore_mem>>
    %dma_start3A_1002 = arith.constant 19456 : i32
    %dma_start3A_1003 = arith.constant 0 : i32
    %dma_start3A_1004 = tpu.memref_slice %arg3[%dma_start3A_1002, %dma_start3A_1003] : memref<32768x1024xf32, #tpu.memory_space<any>> -> memref<1024x1024xf32, #tpu.memory_space<any>>
    %dma_start3A_1005 = arith.constant 0 : i32
    %dma_start3A_1006 = arith.constant 0 : i32
    %dma_start3A_1007 = tpu.memref_slice %arg4[%dma_start3A_998, %dma_start3A_1005, %dma_start3A_1006] : memref<4x1024x1024xf32, #tpu.memory_space<vmem>> -> memref<1x1024x1024xf32, #tpu.memory_space<vmem>>
    %dma_start3A_1008 = tpu.memref_squeeze %dma_start3A_1007 : memref<1x1024x1024xf32, #tpu.memory_space<vmem>> -> memref<1024x1024xf32, #tpu.memory_space<vmem>>
    tpu.enqueue_dma source(%dma_start3A_1008 : memref<1024x1024xf32, #tpu.memory_space<vmem>>) target(%dma_start3A_1004 : memref<1024x1024xf32, #tpu.memory_space<any>>) target_semaphore(%dma_start3A_1001 : memref<!tpu.dma_semaphore, #tpu.memory_space<semaphore_mem>>)
    %dma_wait3A_1009 = arith.constant 1 : i32
    %dma_wait3A_1010 = arith.constant 1 : i32
    %dma_wait3A_1011 = tpu.memref_slice %arg8[%dma_wait3A_1010] : memref<4x!tpu.dma_semaphore, #tpu.memory_space<semaphore_mem>> -> memref<1x!tpu.dma_semaphore, #tpu.memory_space<semaphore_mem>>
    %dma_wait3A_1012 = tpu.memref_squeeze %dma_wait3A_1011 : memref<1x!tpu.dma_semaphore, #tpu.memory_space<semaphore_mem>> -> memref<!tpu.dma_semaphore, #tpu.memory_space<semaphore_mem>>
    %dma_wait3A_1013 = arith.constant 11264 : i32
    %dma_wait3A_1014 = arith.constant 0 : i32
    %dma_wait3A_1015 = tpu.memref_slice %arg3[%dma_wait3A_1013, %dma_wait3A_1014] : memref<32768x1024xf32, #tpu.memory_space<any>> -> memref<1024x1024xf32, #tpu.memory_space<any>>
    %dma_wait3A_1016 = arith.constant 0 : i32
    %dma_wait3A_1017 = arith.constant 0 : i32
    %dma_wait3A_1018 = tpu.memref_slice %arg4[%dma_wait3A_1009, %dma_wait3A_1016, %dma_wait3A_1017] : memref<4x1024x1024xf32, #tpu.memory_space<vmem>> -> memref<1x1024x1024xf32, #tpu.memory_space<vmem>>
    %dma_wait3A_1019 = tpu.memref_squeeze %dma_wait3A_1018 : memref<1x1024x1024xf32, #tpu.memory_space<vmem>> -> memref<1024x1024xf32, #tpu.memory_space<vmem>>
    tpu.wait_dma2 semaphore(%dma_wait3A_1012 : memref<!tpu.dma_semaphore, #tpu.memory_space<semaphore_mem>>) src(%dma_wait3A_1019 : memref<1024x1024xf32, #tpu.memory_space<vmem>>) dst(%dma_wait3A_1015 : memref<1024x1024xf32, #tpu.memory_space<any>>)
    %dma_start3A_1020 = arith.constant 1 : i32
    %dma_start3A_1021 = arith.constant 1 : i32
    %dma_start3A_1022 = tpu.memref_slice %arg6[%dma_start3A_1021] : memref<4x!tpu.dma_semaphore, #tpu.memory_space<semaphore_mem>> -> memref<1x!tpu.dma_semaphore, #tpu.memory_space<semaphore_mem>>
    %dma_start3A_1023 = tpu.memref_squeeze %dma_start3A_1022 : memref<1x!tpu.dma_semaphore, #tpu.memory_space<semaphore_mem>> -> memref<!tpu.dma_semaphore, #tpu.memory_space<semaphore_mem>>
    %dma_start3A_1024 = arith.constant 0 : i32
    %dma_start3A_1025 = arith.constant 0 : i32
    %dma_start3A_1026 = tpu.memref_slice %arg4[%dma_start3A_1020, %dma_start3A_1024, %dma_start3A_1025] : memref<4x1024x1024xf32, #tpu.memory_space<vmem>> -> memref<1x1024x1024xf32, #tpu.memory_space<vmem>>
    %dma_start3A_1027 = tpu.memref_squeeze %dma_start3A_1026 : memref<1x1024x1024xf32, #tpu.memory_space<vmem>> -> memref<1024x1024xf32, #tpu.memory_space<vmem>>
    %dma_start3A_1028 = arith.constant 12288 : i32
    %dma_start3A_1029 = arith.constant 0 : i32
    %dma_start3A_1030 = tpu.memref_slice %arg1[%dma_start3A_1028, %dma_start3A_1029] : memref<32768x1024xf32, #tpu.memory_space<any>> -> memref<1024x1024xf32, #tpu.memory_space<any>>
    tpu.enqueue_dma source(%dma_start3A_1030 : memref<1024x1024xf32, #tpu.memory_space<any>>) target(%dma_start3A_1027 : memref<1024x1024xf32, #tpu.memory_space<vmem>>) target_semaphore(%dma_start3A_1023 : memref<!tpu.dma_semaphore, #tpu.memory_space<semaphore_mem>>)
    %dma_wait3A_1031 = arith.constant 3 : i32
    %dma_wait3A_1032 = arith.constant 3 : i32
    %dma_wait3A_1033 = tpu.memref_slice %arg6[%dma_wait3A_1032] : memref<4x!tpu.dma_semaphore, #tpu.memory_space<semaphore_mem>> -> memref<1x!tpu.dma_semaphore, #tpu.memory_space<semaphore_mem>>
    %dma_wait3A_1034 = tpu.memref_squeeze %dma_wait3A_1033 : memref<1x!tpu.dma_semaphore, #tpu.memory_space<semaphore_mem>> -> memref<!tpu.dma_semaphore, #tpu.memory_space<semaphore_mem>>
    %dma_wait3A_1035 = arith.constant 0 : i32
    %dma_wait3A_1036 = arith.constant 0 : i32
    %dma_wait3A_1037 = tpu.memref_slice %arg4[%dma_wait3A_1031, %dma_wait3A_1035, %dma_wait3A_1036] : memref<4x1024x1024xf32, #tpu.memory_space<vmem>> -> memref<1x1024x1024xf32, #tpu.memory_space<vmem>>
    %dma_wait3A_1038 = tpu.memref_squeeze %dma_wait3A_1037 : memref<1x1024x1024xf32, #tpu.memory_space<vmem>> -> memref<1024x1024xf32, #tpu.memory_space<vmem>>
    %dma_wait3A_1039 = arith.constant 27648 : i32
    %dma_wait3A_1040 = arith.constant 0 : i32
    %dma_wait3A_1041 = tpu.memref_slice %arg1[%dma_wait3A_1039, %dma_wait3A_1040] : memref<32768x1024xf32, #tpu.memory_space<any>> -> memref<1024x1024xf32, #tpu.memory_space<any>>
    tpu.wait_dma2 semaphore(%dma_wait3A_1034 : memref<!tpu.dma_semaphore, #tpu.memory_space<semaphore_mem>>) src(%dma_wait3A_1041 : memref<1024x1024xf32, #tpu.memory_space<any>>) dst(%dma_wait3A_1038 : memref<1024x1024xf32, #tpu.memory_space<vmem>>)
    %get3A_1042 = arith.constant 3 : index
    %get3A_1043 = arith.constant 0 : index
    %get3A_1044 = arith.constant 0 : index
    %get3A_1045 = vector.load %arg4[%get3A_1042, %get3A_1043, %get3A_1044] : memref<4x1024x1024xf32, #tpu.memory_space<vmem>>, vector<1x1024x1024xf32>
    %get3A_1046 = vector.shape_cast %get3A_1045 : vector<1x1024x1024xf32> to vector<1024x1024xf32>
    %get3A_1047 = arith.constant 1 : index
    %get3A_1048 = arith.constant 0 : index
    %get3A_1049 = arith.constant 0 : index
    %get3A_1050 = vector.load %arg5[%get3A_1047, %get3A_1048, %get3A_1049] : memref<2x1024x1024xf32, #tpu.memory_space<vmem>>, vector<1x1024x1024xf32>
    %get3A_1051 = vector.shape_cast %get3A_1050 : vector<1x1024x1024xf32> to vector<1024x1024xf32>
    %add3A_1052 = arith.addf %get3A_1046, %get3A_1051 : vector<1024x1024xf32>
    %swap3A_1053 = arith.constant 3 : index
    %swap3A_1054 = arith.constant 0 : index
    %swap3A_1055 = arith.constant 0 : index
    %swap3A_1056 = vector.load %arg4[%swap3A_1053, %swap3A_1054, %swap3A_1055] : memref<4x1024x1024xf32, #tpu.memory_space<vmem>>, vector<1x1024x1024xf32>
    %swap3A_1057 = vector.shape_cast %swap3A_1056 : vector<1x1024x1024xf32> to vector<1024x1024xf32>
    %swap3A_1058 = vector.shape_cast %add3A_1052 : vector<1024x1024xf32> to vector<1x1024x1024xf32>
    tpu.vector_store %arg4[%swap3A_1053, %swap3A_1054, %swap3A_1055], %swap3A_1058 {strides = array<i32>} : memref<4x1024x1024xf32, #tpu.memory_space<vmem>>, vector<1x1024x1024xf32>,
    %dma_start3A_1059 = arith.constant 3 : i32
    %dma_start3A_1060 = arith.constant 3 : i32
    %dma_start3A_1061 = tpu.memref_slice %arg8[%dma_start3A_1060] : memref<4x!tpu.dma_semaphore, #tpu.memory_space<semaphore_mem>> -> memref<1x!tpu.dma_semaphore, #tpu.memory_space<semaphore_mem>>
    %dma_start3A_1062 = tpu.memref_squeeze %dma_start3A_1061 : memref<1x!tpu.dma_semaphore, #tpu.memory_space<semaphore_mem>> -> memref<!tpu.dma_semaphore, #tpu.memory_space<semaphore_mem>>
    %dma_start3A_1063 = arith.constant 27648 : i32
    %dma_start3A_1064 = arith.constant 0 : i32
    %dma_start3A_1065 = tpu.memref_slice %arg3[%dma_start3A_1063, %dma_start3A_1064] : memref<32768x1024xf32, #tpu.memory_space<any>> -> memref<1024x1024xf32, #tpu.memory_space<any>>
    %dma_start3A_1066 = arith.constant 0 : i32
    %dma_start3A_1067 = arith.constant 0 : i32
    %dma_start3A_1068 = tpu.memref_slice %arg4[%dma_start3A_1059, %dma_start3A_1066, %dma_start3A_1067] : memref<4x1024x1024xf32, #tpu.memory_space<vmem>> -> memref<1x1024x1024xf32, #tpu.memory_space<vmem>>
    %dma_start3A_1069 = tpu.memref_squeeze %dma_start3A_1068 : memref<1x1024x1024xf32, #tpu.memory_space<vmem>> -> memref<1024x1024xf32, #tpu.memory_space<vmem>>
    tpu.enqueue_dma source(%dma_start3A_1069 : memref<1024x1024xf32, #tpu.memory_space<vmem>>) target(%dma_start3A_1065 : memref<1024x1024xf32, #tpu.memory_space<any>>) target_semaphore(%dma_start3A_1062 : memref<!tpu.dma_semaphore, #tpu.memory_space<semaphore_mem>>)
    %dma_start3A_1070 = arith.constant 1 : i32
    %dma_start3A_1071 = arith.constant 1 : i32
    %dma_start3A_1072 = tpu.memref_slice %arg7[%dma_start3A_1071] : memref<2x!tpu.dma_semaphore, #tpu.memory_space<semaphore_mem>> -> memref<1x!tpu.dma_semaphore, #tpu.memory_space<semaphore_mem>>
    %dma_start3A_1073 = tpu.memref_squeeze %dma_start3A_1072 : memref<1x!tpu.dma_semaphore, #tpu.memory_space<semaphore_mem>> -> memref<!tpu.dma_semaphore, #tpu.memory_space<semaphore_mem>>
    %dma_start3A_1074 = arith.constant 0 : i32
    %dma_start3A_1075 = arith.constant 0 : i32
    %dma_start3A_1076 = tpu.memref_slice %arg5[%dma_start3A_1070, %dma_start3A_1074, %dma_start3A_1075] : memref<2x1024x1024xf32, #tpu.memory_space<vmem>> -> memref<1x1024x1024xf32, #tpu.memory_space<vmem>>
    %dma_start3A_1077 = tpu.memref_squeeze %dma_start3A_1076 : memref<1x1024x1024xf32, #tpu.memory_space<vmem>> -> memref<1024x1024xf32, #tpu.memory_space<vmem>>
    %dma_start3A_1078 = arith.constant 5120 : i32
    %dma_start3A_1079 = arith.constant 0 : i32
    %dma_start3A_1080 = tpu.memref_slice %arg2[%dma_start3A_1078, %dma_start3A_1079] : memref<8192x1024xf32, #tpu.memory_space<any>> -> memref<1024x1024xf32, #tpu.memory_space<any>>
    tpu.enqueue_dma source(%dma_start3A_1080 : memref<1024x1024xf32, #tpu.memory_space<any>>) target(%dma_start3A_1077 : memref<1024x1024xf32, #tpu.memory_space<vmem>>) target_semaphore(%dma_start3A_1073 : memref<!tpu.dma_semaphore, #tpu.memory_space<semaphore_mem>>)
    %dma_wait3A_1081 = arith.constant 2 : i32
    %dma_wait3A_1082 = arith.constant 2 : i32
    %dma_wait3A_1083 = tpu.memref_slice %arg8[%dma_wait3A_1082] : memref<4x!tpu.dma_semaphore, #tpu.memory_space<semaphore_mem>> -> memref<1x!tpu.dma_semaphore, #tpu.memory_space<semaphore_mem>>
    %dma_wait3A_1084 = tpu.memref_squeeze %dma_wait3A_1083 : memref<1x!tpu.dma_semaphore, #tpu.memory_space<semaphore_mem>> -> memref<!tpu.dma_semaphore, #tpu.memory_space<semaphore_mem>>
    %dma_wait3A_1085 = arith.constant 19456 : i32
    %dma_wait3A_1086 = arith.constant 0 : i32
    %dma_wait3A_1087 = tpu.memref_slice %arg3[%dma_wait3A_1085, %dma_wait3A_1086] : memref<32768x1024xf32, #tpu.memory_space<any>> -> memref<1024x1024xf32, #tpu.memory_space<any>>
    %dma_wait3A_1088 = arith.constant 0 : i32
    %dma_wait3A_1089 = arith.constant 0 : i32
    %dma_wait3A_1090 = tpu.memref_slice %arg4[%dma_wait3A_1081, %dma_wait3A_1088, %dma_wait3A_1089] : memref<4x1024x1024xf32, #tpu.memory_space<vmem>> -> memref<1x1024x1024xf32, #tpu.memory_space<vmem>>
    %dma_wait3A_1091 = tpu.memref_squeeze %dma_wait3A_1090 : memref<1x1024x1024xf32, #tpu.memory_space<vmem>> -> memref<1024x1024xf32, #tpu.memory_space<vmem>>
    tpu.wait_dma2 semaphore(%dma_wait3A_1084 : memref<!tpu.dma_semaphore, #tpu.memory_space<semaphore_mem>>) src(%dma_wait3A_1091 : memref<1024x1024xf32, #tpu.memory_space<vmem>>) dst(%dma_wait3A_1087 : memref<1024x1024xf32, #tpu.memory_space<any>>)
    %dma_start3A_1092 = arith.constant 2 : i32
    %dma_start3A_1093 = arith.constant 2 : i32
    %dma_start3A_1094 = tpu.memref_slice %arg6[%dma_start3A_1093] : memref<4x!tpu.dma_semaphore, #tpu.memory_space<semaphore_mem>> -> memref<1x!tpu.dma_semaphore, #tpu.memory_space<semaphore_mem>>
    %dma_start3A_1095 = tpu.memref_squeeze %dma_start3A_1094 : memref<1x!tpu.dma_semaphore, #tpu.memory_space<semaphore_mem>> -> memref<!tpu.dma_semaphore, #tpu.memory_space<semaphore_mem>>
    %dma_start3A_1096 = arith.constant 0 : i32
    %dma_start3A_1097 = arith.constant 0 : i32
    %dma_start3A_1098 = tpu.memref_slice %arg4[%dma_start3A_1092, %dma_start3A_1096, %dma_start3A_1097] : memref<4x1024x1024xf32, #tpu.memory_space<vmem>> -> memref<1x1024x1024xf32, #tpu.memory_space<vmem>>
    %dma_start3A_1099 = tpu.memref_squeeze %dma_start3A_1098 : memref<1x1024x1024xf32, #tpu.memory_space<vmem>> -> memref<1024x1024xf32, #tpu.memory_space<vmem>>
    %dma_start3A_1100 = arith.constant 20480 : i32
    %dma_start3A_1101 = arith.constant 0 : i32
    %dma_start3A_1102 = tpu.memref_slice %arg1[%dma_start3A_1100, %dma_start3A_1101] : memref<32768x1024xf32, #tpu.memory_space<any>> -> memref<1024x1024xf32, #tpu.memory_space<any>>
    tpu.enqueue_dma source(%dma_start3A_1102 : memref<1024x1024xf32, #tpu.memory_space<any>>) target(%dma_start3A_1099 : memref<1024x1024xf32, #tpu.memory_space<vmem>>) target_semaphore(%dma_start3A_1095 : memref<!tpu.dma_semaphore, #tpu.memory_space<semaphore_mem>>)
    %dma_wait3A_1103 = arith.constant 0 : i32
    %dma_wait3A_1104 = arith.constant 0 : i32
    %dma_wait3A_1105 = tpu.memref_slice %arg6[%dma_wait3A_1104] : memref<4x!tpu.dma_semaphore, #tpu.memory_space<semaphore_mem>> -> memref<1x!tpu.dma_semaphore, #tpu.memory_space<semaphore_mem>>
    %dma_wait3A_1106 = tpu.memref_squeeze %dma_wait3A_1105 : memref<1x!tpu.dma_semaphore, #tpu.memory_space<semaphore_mem>> -> memref<!tpu.dma_semaphore, #tpu.memory_space<semaphore_mem>>
    %dma_wait3A_1107 = arith.constant 0 : i32
    %dma_wait3A_1108 = arith.constant 0 : i32
    %dma_wait3A_1109 = tpu.memref_slice %arg4[%dma_wait3A_1103, %dma_wait3A_1107, %dma_wait3A_1108] : memref<4x1024x1024xf32, #tpu.memory_space<vmem>> -> memref<1x1024x1024xf32, #tpu.memory_space<vmem>>
    %dma_wait3A_1110 = tpu.memref_squeeze %dma_wait3A_1109 : memref<1x1024x1024xf32, #tpu.memory_space<vmem>> -> memref<1024x1024xf32, #tpu.memory_space<vmem>>
    %dma_wait3A_1111 = arith.constant 4096 : i32
    %dma_wait3A_1112 = arith.constant 0 : i32
    %dma_wait3A_1113 = tpu.memref_slice %arg1[%dma_wait3A_1111, %dma_wait3A_1112] : memref<32768x1024xf32, #tpu.memory_space<any>> -> memref<1024x1024xf32, #tpu.memory_space<any>>
    tpu.wait_dma2 semaphore(%dma_wait3A_1106 : memref<!tpu.dma_semaphore, #tpu.memory_space<semaphore_mem>>) src(%dma_wait3A_1113 : memref<1024x1024xf32, #tpu.memory_space<any>>) dst(%dma_wait3A_1110 : memref<1024x1024xf32, #tpu.memory_space<vmem>>)
    %dma_wait3A_1114 = arith.constant 0 : i32
    %dma_wait3A_1115 = arith.constant 0 : i32
    %dma_wait3A_1116 = tpu.memref_slice %arg7[%dma_wait3A_1115] : memref<2x!tpu.dma_semaphore, #tpu.memory_space<semaphore_mem>> -> memref<1x!tpu.dma_semaphore, #tpu.memory_space<semaphore_mem>>
    %dma_wait3A_1117 = tpu.memref_squeeze %dma_wait3A_1116 : memref<1x!tpu.dma_semaphore, #tpu.memory_space<semaphore_mem>> -> memref<!tpu.dma_semaphore, #tpu.memory_space<semaphore_mem>>
    %dma_wait3A_1118 = arith.constant 0 : i32
    %dma_wait3A_1119 = arith.constant 0 : i32
    %dma_wait3A_1120 = tpu.memref_slice %arg5[%dma_wait3A_1114, %dma_wait3A_1118, %dma_wait3A_1119] : memref<2x1024x1024xf32, #tpu.memory_space<vmem>> -> memref<1x1024x1024xf32, #tpu.memory_space<vmem>>
    %dma_wait3A_1121 = tpu.memref_squeeze %dma_wait3A_1120 : memref<1x1024x1024xf32, #tpu.memory_space<vmem>> -> memref<1024x1024xf32, #tpu.memory_space<vmem>>
    %dma_wait3A_1122 = arith.constant 4096 : i32
    %dma_wait3A_1123 = arith.constant 0 : i32
    %dma_wait3A_1124 = tpu.memref_slice %arg2[%dma_wait3A_1122, %dma_wait3A_1123] : memref<8192x1024xf32, #tpu.memory_space<any>> -> memref<1024x1024xf32, #tpu.memory_space<any>>
    tpu.wait_dma2 semaphore(%dma_wait3A_1117 : memref<!tpu.dma_semaphore, #tpu.memory_space<semaphore_mem>>) src(%dma_wait3A_1124 : memref<1024x1024xf32, #tpu.memory_space<any>>) dst(%dma_wait3A_1121 : memref<1024x1024xf32, #tpu.memory_space<vmem>>)
    %get3A_1125 = arith.constant 0 : index
    %get3A_1126 = arith.constant 0 : index
    %get3A_1127 = arith.constant 0 : index
    %get3A_1128 = vector.load %arg4[%get3A_1125, %get3A_1126, %get3A_1127] : memref<4x1024x1024xf32, #tpu.memory_space<vmem>>, vector<1x1024x1024xf32>
    %get3A_1129 = vector.shape_cast %get3A_1128 : vector<1x1024x1024xf32> to vector<1024x1024xf32>
    %get3A_1130 = arith.constant 0 : index
    %get3A_1131 = arith.constant 0 : index
    %get3A_1132 = arith.constant 0 : index
    %get3A_1133 = vector.load %arg5[%get3A_1130, %get3A_1131, %get3A_1132] : memref<2x1024x1024xf32, #tpu.memory_space<vmem>>, vector<1x1024x1024xf32>
    %get3A_1134 = vector.shape_cast %get3A_1133 : vector<1x1024x1024xf32> to vector<1024x1024xf32>
    %add3A_1135 = arith.addf %get3A_1129, %get3A_1134 : vector<1024x1024xf32>
    %swap3A_1136 = arith.constant 0 : index
    %swap3A_1137 = arith.constant 0 : index
    %swap3A_1138 = arith.constant 0 : index
    %swap3A_1139 = vector.load %arg4[%swap3A_1136, %swap3A_1137, %swap3A_1138] : memref<4x1024x1024xf32, #tpu.memory_space<vmem>>, vector<1x1024x1024xf32>
    %swap3A_1140 = vector.shape_cast %swap3A_1139 : vector<1x1024x1024xf32> to vector<1024x1024xf32>
    %swap3A_1141 = vector.shape_cast %add3A_1135 : vector<1024x1024xf32> to vector<1x1024x1024xf32>
    tpu.vector_store %arg4[%swap3A_1136, %swap3A_1137, %swap3A_1138], %swap3A_1141 {strides = array<i32>} : memref<4x1024x1024xf32, #tpu.memory_space<vmem>>, vector<1x1024x1024xf32>,
    %dma_start3A_1142 = arith.constant 0 : i32
    %dma_start3A_1143 = arith.constant 0 : i32
    %dma_start3A_1144 = tpu.memref_slice %arg8[%dma_start3A_1143] : memref<4x!tpu.dma_semaphore, #tpu.memory_space<semaphore_mem>> -> memref<1x!tpu.dma_semaphore, #tpu.memory_space<semaphore_mem>>
    %dma_start3A_1145 = tpu.memref_squeeze %dma_start3A_1144 : memref<1x!tpu.dma_semaphore, #tpu.memory_space<semaphore_mem>> -> memref<!tpu.dma_semaphore, #tpu.memory_space<semaphore_mem>>
    %dma_start3A_1146 = arith.constant 4096 : i32
    %dma_start3A_1147 = arith.constant 0 : i32
    %dma_start3A_1148 = tpu.memref_slice %arg3[%dma_start3A_1146, %dma_start3A_1147] : memref<32768x1024xf32, #tpu.memory_space<any>> -> memref<1024x1024xf32, #tpu.memory_space<any>>
    %dma_start3A_1149 = arith.constant 0 : i32
    %dma_start3A_1150 = arith.constant 0 : i32
    %dma_start3A_1151 = tpu.memref_slice %arg4[%dma_start3A_1142, %dma_start3A_1149, %dma_start3A_1150] : memref<4x1024x1024xf32, #tpu.memory_space<vmem>> -> memref<1x1024x1024xf32, #tpu.memory_space<vmem>>
    %dma_start3A_1152 = tpu.memref_squeeze %dma_start3A_1151 : memref<1x1024x1024xf32, #tpu.memory_space<vmem>> -> memref<1024x1024xf32, #tpu.memory_space<vmem>>
    tpu.enqueue_dma source(%dma_start3A_1152 : memref<1024x1024xf32, #tpu.memory_space<vmem>>) target(%dma_start3A_1148 : memref<1024x1024xf32, #tpu.memory_space<any>>) target_semaphore(%dma_start3A_1145 : memref<!tpu.dma_semaphore, #tpu.memory_space<semaphore_mem>>)
    %dma_wait3A_1153 = arith.constant 3 : i32
    %dma_wait3A_1154 = arith.constant 3 : i32
    %dma_wait3A_1155 = tpu.memref_slice %arg8[%dma_wait3A_1154] : memref<4x!tpu.dma_semaphore, #tpu.memory_space<semaphore_mem>> -> memref<1x!tpu.dma_semaphore, #tpu.memory_space<semaphore_mem>>
    %dma_wait3A_1156 = tpu.memref_squeeze %dma_wait3A_1155 : memref<1x!tpu.dma_semaphore, #tpu.memory_space<semaphore_mem>> -> memref<!tpu.dma_semaphore, #tpu.memory_space<semaphore_mem>>
    %dma_wait3A_1157 = arith.constant 27648 : i32
    %dma_wait3A_1158 = arith.constant 0 : i32
    %dma_wait3A_1159 = tpu.memref_slice %arg3[%dma_wait3A_1157, %dma_wait3A_1158] : memref<32768x1024xf32, #tpu.memory_space<any>> -> memref<1024x1024xf32, #tpu.memory_space<any>>
    %dma_wait3A_1160 = arith.constant 0 : i32
    %dma_wait3A_1161 = arith.constant 0 : i32
    %dma_wait3A_1162 = tpu.memref_slice %arg4[%dma_wait3A_1153, %dma_wait3A_1160, %dma_wait3A_1161] : memref<4x1024x1024xf32, #tpu.memory_space<vmem>> -> memref<1x1024x1024xf32, #tpu.memory_space<vmem>>
    %dma_wait3A_1163 = tpu.memref_squeeze %dma_wait3A_1162 : memref<1x1024x1024xf32, #tpu.memory_space<vmem>> -> memref<1024x1024xf32, #tpu.memory_space<vmem>>
    tpu.wait_dma2 semaphore(%dma_wait3A_1156 : memref<!tpu.dma_semaphore, #tpu.memory_space<semaphore_mem>>) src(%dma_wait3A_1163 : memref<1024x1024xf32, #tpu.memory_space<vmem>>) dst(%dma_wait3A_1159 : memref<1024x1024xf32, #tpu.memory_space<any>>)
    %dma_start3A_1164 = arith.constant 3 : i32
    %dma_start3A_1165 = arith.constant 3 : i32
    %dma_start3A_1166 = tpu.memref_slice %arg6[%dma_start3A_1165] : memref<4x!tpu.dma_semaphore, #tpu.memory_space<semaphore_mem>> -> memref<1x!tpu.dma_semaphore, #tpu.memory_space<semaphore_mem>>
    %dma_start3A_1167 = tpu.memref_squeeze %dma_start3A_1166 : memref<1x!tpu.dma_semaphore, #tpu.memory_space<semaphore_mem>> -> memref<!tpu.dma_semaphore, #tpu.memory_space<semaphore_mem>>
    %dma_start3A_1168 = arith.constant 0 : i32
    %dma_start3A_1169 = arith.constant 0 : i32
    %dma_start3A_1170 = tpu.memref_slice %arg4[%dma_start3A_1164, %dma_start3A_1168, %dma_start3A_1169] : memref<4x1024x1024xf32, #tpu.memory_space<vmem>> -> memref<1x1024x1024xf32, #tpu.memory_space<vmem>>
    %dma_start3A_1171 = tpu.memref_squeeze %dma_start3A_1170 : memref<1x1024x1024xf32, #tpu.memory_space<vmem>> -> memref<1024x1024xf32, #tpu.memory_space<vmem>>
    %dma_start3A_1172 = arith.constant 28672 : i32
    %dma_start3A_1173 = arith.constant 0 : i32
    %dma_start3A_1174 = tpu.memref_slice %arg1[%dma_start3A_1172, %dma_start3A_1173] : memref<32768x1024xf32, #tpu.memory_space<any>> -> memref<1024x1024xf32, #tpu.memory_space<any>>
    tpu.enqueue_dma source(%dma_start3A_1174 : memref<1024x1024xf32, #tpu.memory_space<any>>) target(%dma_start3A_1171 : memref<1024x1024xf32, #tpu.memory_space<vmem>>) target_semaphore(%dma_start3A_1167 : memref<!tpu.dma_semaphore, #tpu.memory_space<semaphore_mem>>)
    %dma_wait3A_1175 = arith.constant 1 : i32
    %dma_wait3A_1176 = arith.constant 1 : i32
    %dma_wait3A_1177 = tpu.memref_slice %arg6[%dma_wait3A_1176] : memref<4x!tpu.dma_semaphore, #tpu.memory_space<semaphore_mem>> -> memref<1x!tpu.dma_semaphore, #tpu.memory_space<semaphore_mem>>
    %dma_wait3A_1178 = tpu.memref_squeeze %dma_wait3A_1177 : memref<1x!tpu.dma_semaphore, #tpu.memory_space<semaphore_mem>> -> memref<!tpu.dma_semaphore, #tpu.memory_space<semaphore_mem>>
    %dma_wait3A_1179 = arith.constant 0 : i32
    %dma_wait3A_1180 = arith.constant 0 : i32
    %dma_wait3A_1181 = tpu.memref_slice %arg4[%dma_wait3A_1175, %dma_wait3A_1179, %dma_wait3A_1180] : memref<4x1024x1024xf32, #tpu.memory_space<vmem>> -> memref<1x1024x1024xf32, #tpu.memory_space<vmem>>
    %dma_wait3A_1182 = tpu.memref_squeeze %dma_wait3A_1181 : memref<1x1024x1024xf32, #tpu.memory_space<vmem>> -> memref<1024x1024xf32, #tpu.memory_space<vmem>>
    %dma_wait3A_1183 = arith.constant 12288 : i32
    %dma_wait3A_1184 = arith.constant 0 : i32
    %dma_wait3A_1185 = tpu.memref_slice %arg1[%dma_wait3A_1183, %dma_wait3A_1184] : memref<32768x1024xf32, #tpu.memory_space<any>> -> memref<1024x1024xf32, #tpu.memory_space<any>>
    tpu.wait_dma2 semaphore(%dma_wait3A_1178 : memref<!tpu.dma_semaphore, #tpu.memory_space<semaphore_mem>>) src(%dma_wait3A_1185 : memref<1024x1024xf32, #tpu.memory_space<any>>) dst(%dma_wait3A_1182 : memref<1024x1024xf32, #tpu.memory_space<vmem>>)
    %get3A_1186 = arith.constant 1 : index
    %get3A_1187 = arith.constant 0 : index
    %get3A_1188 = arith.constant 0 : index
    %get3A_1189 = vector.load %arg4[%get3A_1186, %get3A_1187, %get3A_1188] : memref<4x1024x1024xf32, #tpu.memory_space<vmem>>, vector<1x1024x1024xf32>
    %get3A_1190 = vector.shape_cast %get3A_1189 : vector<1x1024x1024xf32> to vector<1024x1024xf32>
    %get3A_1191 = arith.constant 0 : index
    %get3A_1192 = arith.constant 0 : index
    %get3A_1193 = arith.constant 0 : index
    %get3A_1194 = vector.load %arg5[%get3A_1191, %get3A_1192, %get3A_1193] : memref<2x1024x1024xf32, #tpu.memory_space<vmem>>, vector<1x1024x1024xf32>
    %get3A_1195 = vector.shape_cast %get3A_1194 : vector<1x1024x1024xf32> to vector<1024x1024xf32>
    %add3A_1196 = arith.addf %get3A_1190, %get3A_1195 : vector<1024x1024xf32>
    %swap3A_1197 = arith.constant 1 : index
    %swap3A_1198 = arith.constant 0 : index
    %swap3A_1199 = arith.constant 0 : index
    %swap3A_1200 = vector.load %arg4[%swap3A_1197, %swap3A_1198, %swap3A_1199] : memref<4x1024x1024xf32, #tpu.memory_space<vmem>>, vector<1x1024x1024xf32>
    %swap3A_1201 = vector.shape_cast %swap3A_1200 : vector<1x1024x1024xf32> to vector<1024x1024xf32>
    %swap3A_1202 = vector.shape_cast %add3A_1196 : vector<1024x1024xf32> to vector<1x1024x1024xf32>
    tpu.vector_store %arg4[%swap3A_1197, %swap3A_1198, %swap3A_1199], %swap3A_1202 {strides = array<i32>} : memref<4x1024x1024xf32, #tpu.memory_space<vmem>>, vector<1x1024x1024xf32>,
    %dma_start3A_1203 = arith.constant 1 : i32
    %dma_start3A_1204 = arith.constant 1 : i32
    %dma_start3A_1205 = tpu.memref_slice %arg8[%dma_start3A_1204] : memref<4x!tpu.dma_semaphore, #tpu.memory_space<semaphore_mem>> -> memref<1x!tpu.dma_semaphore, #tpu.memory_space<semaphore_mem>>
    %dma_start3A_1206 = tpu.memref_squeeze %dma_start3A_1205 : memref<1x!tpu.dma_semaphore, #tpu.memory_space<semaphore_mem>> -> memref<!tpu.dma_semaphore, #tpu.memory_space<semaphore_mem>>
    %dma_start3A_1207 = arith.constant 12288 : i32
    %dma_start3A_1208 = arith.constant 0 : i32
    %dma_start3A_1209 = tpu.memref_slice %arg3[%dma_start3A_1207, %dma_start3A_1208] : memref<32768x1024xf32, #tpu.memory_space<any>> -> memref<1024x1024xf32, #tpu.memory_space<any>>
    %dma_start3A_1210 = arith.constant 0 : i32
    %dma_start3A_1211 = arith.constant 0 : i32
    %dma_start3A_1212 = tpu.memref_slice %arg4[%dma_start3A_1203, %dma_start3A_1210, %dma_start3A_1211] : memref<4x1024x1024xf32, #tpu.memory_space<vmem>> -> memref<1x1024x1024xf32, #tpu.memory_space<vmem>>
    %dma_start3A_1213 = tpu.memref_squeeze %dma_start3A_1212 : memref<1x1024x1024xf32, #tpu.memory_space<vmem>> -> memref<1024x1024xf32, #tpu.memory_space<vmem>>
    tpu.enqueue_dma source(%dma_start3A_1213 : memref<1024x1024xf32, #tpu.memory_space<vmem>>) target(%dma_start3A_1209 : memref<1024x1024xf32, #tpu.memory_space<any>>) target_semaphore(%dma_start3A_1206 : memref<!tpu.dma_semaphore, #tpu.memory_space<semaphore_mem>>)
    %dma_wait3A_1214 = arith.constant 0 : i32
    %dma_wait3A_1215 = arith.constant 0 : i32
    %dma_wait3A_1216 = tpu.memref_slice %arg8[%dma_wait3A_1215] : memref<4x!tpu.dma_semaphore, #tpu.memory_space<semaphore_mem>> -> memref<1x!tpu.dma_semaphore, #tpu.memory_space<semaphore_mem>>
    %dma_wait3A_1217 = tpu.memref_squeeze %dma_wait3A_1216 : memref<1x!tpu.dma_semaphore, #tpu.memory_space<semaphore_mem>> -> memref<!tpu.dma_semaphore, #tpu.memory_space<semaphore_mem>>
    %dma_wait3A_1218 = arith.constant 4096 : i32
    %dma_wait3A_1219 = arith.constant 0 : i32
    %dma_wait3A_1220 = tpu.memref_slice %arg3[%dma_wait3A_1218, %dma_wait3A_1219] : memref<32768x1024xf32, #tpu.memory_space<any>> -> memref<1024x1024xf32, #tpu.memory_space<any>>
    %dma_wait3A_1221 = arith.constant 0 : i32
    %dma_wait3A_1222 = arith.constant 0 : i32
    %dma_wait3A_1223 = tpu.memref_slice %arg4[%dma_wait3A_1214, %dma_wait3A_1221, %dma_wait3A_1222] : memref<4x1024x1024xf32, #tpu.memory_space<vmem>> -> memref<1x1024x1024xf32, #tpu.memory_space<vmem>>
    %dma_wait3A_1224 = tpu.memref_squeeze %dma_wait3A_1223 : memref<1x1024x1024xf32, #tpu.memory_space<vmem>> -> memref<1024x1024xf32, #tpu.memory_space<vmem>>
    tpu.wait_dma2 semaphore(%dma_wait3A_1217 : memref<!tpu.dma_semaphore, #tpu.memory_space<semaphore_mem>>) src(%dma_wait3A_1224 : memref<1024x1024xf32, #tpu.memory_space<vmem>>) dst(%dma_wait3A_1220 : memref<1024x1024xf32, #tpu.memory_space<any>>)
    %dma_start3A_1225 = arith.constant 0 : i32
    %dma_start3A_1226 = arith.constant 0 : i32
    %dma_start3A_1227 = tpu.memref_slice %arg6[%dma_start3A_1226] : memref<4x!tpu.dma_semaphore, #tpu.memory_space<semaphore_mem>> -> memref<1x!tpu.dma_semaphore, #tpu.memory_space<semaphore_mem>>
    %dma_start3A_1228 = tpu.memref_squeeze %dma_start3A_1227 : memref<1x!tpu.dma_semaphore, #tpu.memory_space<semaphore_mem>> -> memref<!tpu.dma_semaphore, #tpu.memory_space<semaphore_mem>>
    %dma_start3A_1229 = arith.constant 0 : i32
    %dma_start3A_1230 = arith.constant 0 : i32
    %dma_start3A_1231 = tpu.memref_slice %arg4[%dma_start3A_1225, %dma_start3A_1229, %dma_start3A_1230] : memref<4x1024x1024xf32, #tpu.memory_space<vmem>> -> memref<1x1024x1024xf32, #tpu.memory_space<vmem>>
    %dma_start3A_1232 = tpu.memref_squeeze %dma_start3A_1231 : memref<1x1024x1024xf32, #tpu.memory_space<vmem>> -> memref<1024x1024xf32, #tpu.memory_space<vmem>>
    %dma_start3A_1233 = arith.constant 5120 : i32
    %dma_start3A_1234 = arith.constant 0 : i32
    %dma_start3A_1235 = tpu.memref_slice %arg1[%dma_start3A_1233, %dma_start3A_1234] : memref<32768x1024xf32, #tpu.memory_space<any>> -> memref<1024x1024xf32, #tpu.memory_space<any>>
    tpu.enqueue_dma source(%dma_start3A_1235 : memref<1024x1024xf32, #tpu.memory_space<any>>) target(%dma_start3A_1232 : memref<1024x1024xf32, #tpu.memory_space<vmem>>) target_semaphore(%dma_start3A_1228 : memref<!tpu.dma_semaphore, #tpu.memory_space<semaphore_mem>>)
    %dma_wait3A_1236 = arith.constant 2 : i32
    %dma_wait3A_1237 = arith.constant 2 : i32
    %dma_wait3A_1238 = tpu.memref_slice %arg6[%dma_wait3A_1237] : memref<4x!tpu.dma_semaphore, #tpu.memory_space<semaphore_mem>> -> memref<1x!tpu.dma_semaphore, #tpu.memory_space<semaphore_mem>>
    %dma_wait3A_1239 = tpu.memref_squeeze %dma_wait3A_1238 : memref<1x!tpu.dma_semaphore, #tpu.memory_space<semaphore_mem>> -> memref<!tpu.dma_semaphore, #tpu.memory_space<semaphore_mem>>
    %dma_wait3A_1240 = arith.constant 0 : i32
    %dma_wait3A_1241 = arith.constant 0 : i32
    %dma_wait3A_1242 = tpu.memref_slice %arg4[%dma_wait3A_1236, %dma_wait3A_1240, %dma_wait3A_1241] : memref<4x1024x1024xf32, #tpu.memory_space<vmem>> -> memref<1x1024x1024xf32, #tpu.memory_space<vmem>>
    %dma_wait3A_1243 = tpu.memref_squeeze %dma_wait3A_1242 : memref<1x1024x1024xf32, #tpu.memory_space<vmem>> -> memref<1024x1024xf32, #tpu.memory_space<vmem>>
    %dma_wait3A_1244 = arith.constant 20480 : i32
    %dma_wait3A_1245 = arith.constant 0 : i32
    %dma_wait3A_1246 = tpu.memref_slice %arg1[%dma_wait3A_1244, %dma_wait3A_1245] : memref<32768x1024xf32, #tpu.memory_space<any>> -> memref<1024x1024xf32, #tpu.memory_space<any>>
    tpu.wait_dma2 semaphore(%dma_wait3A_1239 : memref<!tpu.dma_semaphore, #tpu.memory_space<semaphore_mem>>) src(%dma_wait3A_1246 : memref<1024x1024xf32, #tpu.memory_space<any>>) dst(%dma_wait3A_1243 : memref<1024x1024xf32, #tpu.memory_space<vmem>>)
    %get3A_1247 = arith.constant 2 : index
    %get3A_1248 = arith.constant 0 : index
    %get3A_1249 = arith.constant 0 : index
    %get3A_1250 = vector.load %arg4[%get3A_1247, %get3A_1248, %get3A_1249] : memref<4x1024x1024xf32, #tpu.memory_space<vmem>>, vector<1x1024x1024xf32>
    %get3A_1251 = vector.shape_cast %get3A_1250 : vector<1x1024x1024xf32> to vector<1024x1024xf32>
    %get3A_1252 = arith.constant 0 : index
    %get3A_1253 = arith.constant 0 : index
    %get3A_1254 = arith.constant 0 : index
    %get3A_1255 = vector.load %arg5[%get3A_1252, %get3A_1253, %get3A_1254] : memref<2x1024x1024xf32, #tpu.memory_space<vmem>>, vector<1x1024x1024xf32>
    %get3A_1256 = vector.shape_cast %get3A_1255 : vector<1x1024x1024xf32> to vector<1024x1024xf32>
    %add3A_1257 = arith.addf %get3A_1251, %get3A_1256 : vector<1024x1024xf32>
    %swap3A_1258 = arith.constant 2 : index
    %swap3A_1259 = arith.constant 0 : index
    %swap3A_1260 = arith.constant 0 : index
    %swap3A_1261 = vector.load %arg4[%swap3A_1258, %swap3A_1259, %swap3A_1260] : memref<4x1024x1024xf32, #tpu.memory_space<vmem>>, vector<1x1024x1024xf32>
    %swap3A_1262 = vector.shape_cast %swap3A_1261 : vector<1x1024x1024xf32> to vector<1024x1024xf32>
    %swap3A_1263 = vector.shape_cast %add3A_1257 : vector<1024x1024xf32> to vector<1x1024x1024xf32>
    tpu.vector_store %arg4[%swap3A_1258, %swap3A_1259, %swap3A_1260], %swap3A_1263 {strides = array<i32>} : memref<4x1024x1024xf32, #tpu.memory_space<vmem>>, vector<1x1024x1024xf32>,
    %dma_start3A_1264 = arith.constant 2 : i32
    %dma_start3A_1265 = arith.constant 2 : i32
    %dma_start3A_1266 = tpu.memref_slice %arg8[%dma_start3A_1265] : memref<4x!tpu.dma_semaphore, #tpu.memory_space<semaphore_mem>> -> memref<1x!tpu.dma_semaphore, #tpu.memory_space<semaphore_mem>>
    %dma_start3A_1267 = tpu.memref_squeeze %dma_start3A_1266 : memref<1x!tpu.dma_semaphore, #tpu.memory_space<semaphore_mem>> -> memref<!tpu.dma_semaphore, #tpu.memory_space<semaphore_mem>>
    %dma_start3A_1268 = arith.constant 20480 : i32
    %dma_start3A_1269 = arith.constant 0 : i32
    %dma_start3A_1270 = tpu.memref_slice %arg3[%dma_start3A_1268, %dma_start3A_1269] : memref<32768x1024xf32, #tpu.memory_space<any>> -> memref<1024x1024xf32, #tpu.memory_space<any>>
    %dma_start3A_1271 = arith.constant 0 : i32
    %dma_start3A_1272 = arith.constant 0 : i32
    %dma_start3A_1273 = tpu.memref_slice %arg4[%dma_start3A_1264, %dma_start3A_1271, %dma_start3A_1272] : memref<4x1024x1024xf32, #tpu.memory_space<vmem>> -> memref<1x1024x1024xf32, #tpu.memory_space<vmem>>
    %dma_start3A_1274 = tpu.memref_squeeze %dma_start3A_1273 : memref<1x1024x1024xf32, #tpu.memory_space<vmem>> -> memref<1024x1024xf32, #tpu.memory_space<vmem>>
    tpu.enqueue_dma source(%dma_start3A_1274 : memref<1024x1024xf32, #tpu.memory_space<vmem>>) target(%dma_start3A_1270 : memref<1024x1024xf32, #tpu.memory_space<any>>) target_semaphore(%dma_start3A_1267 : memref<!tpu.dma_semaphore, #tpu.memory_space<semaphore_mem>>)
    %dma_wait3A_1275 = arith.constant 1 : i32
    %dma_wait3A_1276 = arith.constant 1 : i32
    %dma_wait3A_1277 = tpu.memref_slice %arg8[%dma_wait3A_1276] : memref<4x!tpu.dma_semaphore, #tpu.memory_space<semaphore_mem>> -> memref<1x!tpu.dma_semaphore, #tpu.memory_space<semaphore_mem>>
    %dma_wait3A_1278 = tpu.memref_squeeze %dma_wait3A_1277 : memref<1x!tpu.dma_semaphore, #tpu.memory_space<semaphore_mem>> -> memref<!tpu.dma_semaphore, #tpu.memory_space<semaphore_mem>>
    %dma_wait3A_1279 = arith.constant 12288 : i32
    %dma_wait3A_1280 = arith.constant 0 : i32
    %dma_wait3A_1281 = tpu.memref_slice %arg3[%dma_wait3A_1279, %dma_wait3A_1280] : memref<32768x1024xf32, #tpu.memory_space<any>> -> memref<1024x1024xf32, #tpu.memory_space<any>>
    %dma_wait3A_1282 = arith.constant 0 : i32
    %dma_wait3A_1283 = arith.constant 0 : i32
    %dma_wait3A_1284 = tpu.memref_slice %arg4[%dma_wait3A_1275, %dma_wait3A_1282, %dma_wait3A_1283] : memref<4x1024x1024xf32, #tpu.memory_space<vmem>> -> memref<1x1024x1024xf32, #tpu.memory_space<vmem>>
    %dma_wait3A_1285 = tpu.memref_squeeze %dma_wait3A_1284 : memref<1x1024x1024xf32, #tpu.memory_space<vmem>> -> memref<1024x1024xf32, #tpu.memory_space<vmem>>
    tpu.wait_dma2 semaphore(%dma_wait3A_1278 : memref<!tpu.dma_semaphore, #tpu.memory_space<semaphore_mem>>) src(%dma_wait3A_1285 : memref<1024x1024xf32, #tpu.memory_space<vmem>>) dst(%dma_wait3A_1281 : memref<1024x1024xf32, #tpu.memory_space<any>>)
    %dma_start3A_1286 = arith.constant 1 : i32
    %dma_start3A_1287 = arith.constant 1 : i32
    %dma_start3A_1288 = tpu.memref_slice %arg6[%dma_start3A_1287] : memref<4x!tpu.dma_semaphore, #tpu.memory_space<semaphore_mem>> -> memref<1x!tpu.dma_semaphore, #tpu.memory_space<semaphore_mem>>
    %dma_start3A_1289 = tpu.memref_squeeze %dma_start3A_1288 : memref<1x!tpu.dma_semaphore, #tpu.memory_space<semaphore_mem>> -> memref<!tpu.dma_semaphore, #tpu.memory_space<semaphore_mem>>
    %dma_start3A_1290 = arith.constant 0 : i32
    %dma_start3A_1291 = arith.constant 0 : i32
    %dma_start3A_1292 = tpu.memref_slice %arg4[%dma_start3A_1286, %dma_start3A_1290, %dma_start3A_1291] : memref<4x1024x1024xf32, #tpu.memory_space<vmem>> -> memref<1x1024x1024xf32, #tpu.memory_space<vmem>>
    %dma_start3A_1293 = tpu.memref_squeeze %dma_start3A_1292 : memref<1x1024x1024xf32, #tpu.memory_space<vmem>> -> memref<1024x1024xf32, #tpu.memory_space<vmem>>
    %dma_start3A_1294 = arith.constant 13312 : i32
    %dma_start3A_1295 = arith.constant 0 : i32
    %dma_start3A_1296 = tpu.memref_slice %arg1[%dma_start3A_1294, %dma_start3A_1295] : memref<32768x1024xf32, #tpu.memory_space<any>> -> memref<1024x1024xf32, #tpu.memory_space<any>>
    tpu.enqueue_dma source(%dma_start3A_1296 : memref<1024x1024xf32, #tpu.memory_space<any>>) target(%dma_start3A_1293 : memref<1024x1024xf32, #tpu.memory_space<vmem>>) target_semaphore(%dma_start3A_1289 : memref<!tpu.dma_semaphore, #tpu.memory_space<semaphore_mem>>)
    %dma_wait3A_1297 = arith.constant 3 : i32
    %dma_wait3A_1298 = arith.constant 3 : i32
    %dma_wait3A_1299 = tpu.memref_slice %arg6[%dma_wait3A_1298] : memref<4x!tpu.dma_semaphore, #tpu.memory_space<semaphore_mem>> -> memref<1x!tpu.dma_semaphore, #tpu.memory_space<semaphore_mem>>
    %dma_wait3A_1300 = tpu.memref_squeeze %dma_wait3A_1299 : memref<1x!tpu.dma_semaphore, #tpu.memory_space<semaphore_mem>> -> memref<!tpu.dma_semaphore, #tpu.memory_space<semaphore_mem>>
    %dma_wait3A_1301 = arith.constant 0 : i32
    %dma_wait3A_1302 = arith.constant 0 : i32
    %dma_wait3A_1303 = tpu.memref_slice %arg4[%dma_wait3A_1297, %dma_wait3A_1301, %dma_wait3A_1302] : memref<4x1024x1024xf32, #tpu.memory_space<vmem>> -> memref<1x1024x1024xf32, #tpu.memory_space<vmem>>
    %dma_wait3A_1304 = tpu.memref_squeeze %dma_wait3A_1303 : memref<1x1024x1024xf32, #tpu.memory_space<vmem>> -> memref<1024x1024xf32, #tpu.memory_space<vmem>>
    %dma_wait3A_1305 = arith.constant 28672 : i32
    %dma_wait3A_1306 = arith.constant 0 : i32
    %dma_wait3A_1307 = tpu.memref_slice %arg1[%dma_wait3A_1305, %dma_wait3A_1306] : memref<32768x1024xf32, #tpu.memory_space<any>> -> memref<1024x1024xf32, #tpu.memory_space<any>>
    tpu.wait_dma2 semaphore(%dma_wait3A_1300 : memref<!tpu.dma_semaphore, #tpu.memory_space<semaphore_mem>>) src(%dma_wait3A_1307 : memref<1024x1024xf32, #tpu.memory_space<any>>) dst(%dma_wait3A_1304 : memref<1024x1024xf32, #tpu.memory_space<vmem>>)
    %get3A_1308 = arith.constant 3 : index
    %get3A_1309 = arith.constant 0 : index
    %get3A_1310 = arith.constant 0 : index
    %get3A_1311 = vector.load %arg4[%get3A_1308, %get3A_1309, %get3A_1310] : memref<4x1024x1024xf32, #tpu.memory_space<vmem>>, vector<1x1024x1024xf32>
    %get3A_1312 = vector.shape_cast %get3A_1311 : vector<1x1024x1024xf32> to vector<1024x1024xf32>
    %get3A_1313 = arith.constant 0 : index
    %get3A_1314 = arith.constant 0 : index
    %get3A_1315 = arith.constant 0 : index
    %get3A_1316 = vector.load %arg5[%get3A_1313, %get3A_1314, %get3A_1315] : memref<2x1024x1024xf32, #tpu.memory_space<vmem>>, vector<1x1024x1024xf32>
    %get3A_1317 = vector.shape_cast %get3A_1316 : vector<1x1024x1024xf32> to vector<1024x1024xf32>
    %add3A_1318 = arith.addf %get3A_1312, %get3A_1317 : vector<1024x1024xf32>
    %swap3A_1319 = arith.constant 3 : index
    %swap3A_1320 = arith.constant 0 : index
    %swap3A_1321 = arith.constant 0 : index
    %swap3A_1322 = vector.load %arg4[%swap3A_1319, %swap3A_1320, %swap3A_1321] : memref<4x1024x1024xf32, #tpu.memory_space<vmem>>, vector<1x1024x1024xf32>
    %swap3A_1323 = vector.shape_cast %swap3A_1322 : vector<1x1024x1024xf32> to vector<1024x1024xf32>
    %swap3A_1324 = vector.shape_cast %add3A_1318 : vector<1024x1024xf32> to vector<1x1024x1024xf32>
    tpu.vector_store %arg4[%swap3A_1319, %swap3A_1320, %swap3A_1321], %swap3A_1324 {strides = array<i32>} : memref<4x1024x1024xf32, #tpu.memory_space<vmem>>, vector<1x1024x1024xf32>,
    %dma_start3A_1325 = arith.constant 3 : i32
    %dma_start3A_1326 = arith.constant 3 : i32
    %dma_start3A_1327 = tpu.memref_slice %arg8[%dma_start3A_1326] : memref<4x!tpu.dma_semaphore, #tpu.memory_space<semaphore_mem>> -> memref<1x!tpu.dma_semaphore, #tpu.memory_space<semaphore_mem>>
    %dma_start3A_1328 = tpu.memref_squeeze %dma_start3A_1327 : memref<1x!tpu.dma_semaphore, #tpu.memory_space<semaphore_mem>> -> memref<!tpu.dma_semaphore, #tpu.memory_space<semaphore_mem>>
    %dma_start3A_1329 = arith.constant 28672 : i32
    %dma_start3A_1330 = arith.constant 0 : i32
    %dma_start3A_1331 = tpu.memref_slice %arg3[%dma_start3A_1329, %dma_start3A_1330] : memref<32768x1024xf32, #tpu.memory_space<any>> -> memref<1024x1024xf32, #tpu.memory_space<any>>
    %dma_start3A_1332 = arith.constant 0 : i32
    %dma_start3A_1333 = arith.constant 0 : i32
    %dma_start3A_1334 = tpu.memref_slice %arg4[%dma_start3A_1325, %dma_start3A_1332, %dma_start3A_1333] : memref<4x1024x1024xf32, #tpu.memory_space<vmem>> -> memref<1x1024x1024xf32, #tpu.memory_space<vmem>>
    %dma_start3A_1335 = tpu.memref_squeeze %dma_start3A_1334 : memref<1x1024x1024xf32, #tpu.memory_space<vmem>> -> memref<1024x1024xf32, #tpu.memory_space<vmem>>
    tpu.enqueue_dma source(%dma_start3A_1335 : memref<1024x1024xf32, #tpu.memory_space<vmem>>) target(%dma_start3A_1331 : memref<1024x1024xf32, #tpu.memory_space<any>>) target_semaphore(%dma_start3A_1328 : memref<!tpu.dma_semaphore, #tpu.memory_space<semaphore_mem>>)
    %dma_start3A_1336 = arith.constant 0 : i32
    %dma_start3A_1337 = arith.constant 0 : i32
    %dma_start3A_1338 = tpu.memref_slice %arg7[%dma_start3A_1337] : memref<2x!tpu.dma_semaphore, #tpu.memory_space<semaphore_mem>> -> memref<1x!tpu.dma_semaphore, #tpu.memory_space<semaphore_mem>>
    %dma_start3A_1339 = tpu.memref_squeeze %dma_start3A_1338 : memref<1x!tpu.dma_semaphore, #tpu.memory_space<semaphore_mem>> -> memref<!tpu.dma_semaphore, #tpu.memory_space<semaphore_mem>>
    %dma_start3A_1340 = arith.constant 0 : i32
    %dma_start3A_1341 = arith.constant 0 : i32
    %dma_start3A_1342 = tpu.memref_slice %arg5[%dma_start3A_1336, %dma_start3A_1340, %dma_start3A_1341] : memref<2x1024x1024xf32, #tpu.memory_space<vmem>> -> memref<1x1024x1024xf32, #tpu.memory_space<vmem>>
    %dma_start3A_1343 = tpu.memref_squeeze %dma_start3A_1342 : memref<1x1024x1024xf32, #tpu.memory_space<vmem>> -> memref<1024x1024xf32, #tpu.memory_space<vmem>>
    %dma_start3A_1344 = arith.constant 6144 : i32
    %dma_start3A_1345 = arith.constant 0 : i32
    %dma_start3A_1346 = tpu.memref_slice %arg2[%dma_start3A_1344, %dma_start3A_1345] : memref<8192x1024xf32, #tpu.memory_space<any>> -> memref<1024x1024xf32, #tpu.memory_space<any>>
    tpu.enqueue_dma source(%dma_start3A_1346 : memref<1024x1024xf32, #tpu.memory_space<any>>) target(%dma_start3A_1343 : memref<1024x1024xf32, #tpu.memory_space<vmem>>) target_semaphore(%dma_start3A_1339 : memref<!tpu.dma_semaphore, #tpu.memory_space<semaphore_mem>>)
    %dma_wait3A_1347 = arith.constant 2 : i32
    %dma_wait3A_1348 = arith.constant 2 : i32
    %dma_wait3A_1349 = tpu.memref_slice %arg8[%dma_wait3A_1348] : memref<4x!tpu.dma_semaphore, #tpu.memory_space<semaphore_mem>> -> memref<1x!tpu.dma_semaphore, #tpu.memory_space<semaphore_mem>>
    %dma_wait3A_1350 = tpu.memref_squeeze %dma_wait3A_1349 : memref<1x!tpu.dma_semaphore, #tpu.memory_space<semaphore_mem>> -> memref<!tpu.dma_semaphore, #tpu.memory_space<semaphore_mem>>
    %dma_wait3A_1351 = arith.constant 20480 : i32
    %dma_wait3A_1352 = arith.constant 0 : i32
    %dma_wait3A_1353 = tpu.memref_slice %arg3[%dma_wait3A_1351, %dma_wait3A_1352] : memref<32768x1024xf32, #tpu.memory_space<any>> -> memref<1024x1024xf32, #tpu.memory_space<any>>
    %dma_wait3A_1354 = arith.constant 0 : i32
    %dma_wait3A_1355 = arith.constant 0 : i32
    %dma_wait3A_1356 = tpu.memref_slice %arg4[%dma_wait3A_1347, %dma_wait3A_1354, %dma_wait3A_1355] : memref<4x1024x1024xf32, #tpu.memory_space<vmem>> -> memref<1x1024x1024xf32, #tpu.memory_space<vmem>>
    %dma_wait3A_1357 = tpu.memref_squeeze %dma_wait3A_1356 : memref<1x1024x1024xf32, #tpu.memory_space<vmem>> -> memref<1024x1024xf32, #tpu.memory_space<vmem>>
    tpu.wait_dma2 semaphore(%dma_wait3A_1350 : memref<!tpu.dma_semaphore, #tpu.memory_space<semaphore_mem>>) src(%dma_wait3A_1357 : memref<1024x1024xf32, #tpu.memory_space<vmem>>) dst(%dma_wait3A_1353 : memref<1024x1024xf32, #tpu.memory_space<any>>)
    %dma_start3A_1358 = arith.constant 2 : i32
    %dma_start3A_1359 = arith.constant 2 : i32
    %dma_start3A_1360 = tpu.memref_slice %arg6[%dma_start3A_1359] : memref<4x!tpu.dma_semaphore, #tpu.memory_space<semaphore_mem>> -> memref<1x!tpu.dma_semaphore, #tpu.memory_space<semaphore_mem>>
    %dma_start3A_1361 = tpu.memref_squeeze %dma_start3A_1360 : memref<1x!tpu.dma_semaphore, #tpu.memory_space<semaphore_mem>> -> memref<!tpu.dma_semaphore, #tpu.memory_space<semaphore_mem>>
    %dma_start3A_1362 = arith.constant 0 : i32
    %dma_start3A_1363 = arith.constant 0 : i32
    %dma_start3A_1364 = tpu.memref_slice %arg4[%dma_start3A_1358, %dma_start3A_1362, %dma_start3A_1363] : memref<4x1024x1024xf32, #tpu.memory_space<vmem>> -> memref<1x1024x1024xf32, #tpu.memory_space<vmem>>
    %dma_start3A_1365 = tpu.memref_squeeze %dma_start3A_1364 : memref<1x1024x1024xf32, #tpu.memory_space<vmem>> -> memref<1024x1024xf32, #tpu.memory_space<vmem>>
    %dma_start3A_1366 = arith.constant 21504 : i32
    %dma_start3A_1367 = arith.constant 0 : i32
    %dma_start3A_1368 = tpu.memref_slice %arg1[%dma_start3A_1366, %dma_start3A_1367] : memref<32768x1024xf32, #tpu.memory_space<any>> -> memref<1024x1024xf32, #tpu.memory_space<any>>
    tpu.enqueue_dma source(%dma_start3A_1368 : memref<1024x1024xf32, #tpu.memory_space<any>>) target(%dma_start3A_1365 : memref<1024x1024xf32, #tpu.memory_space<vmem>>) target_semaphore(%dma_start3A_1361 : memref<!tpu.dma_semaphore, #tpu.memory_space<semaphore_mem>>)
    %dma_wait3A_1369 = arith.constant 0 : i32
    %dma_wait3A_1370 = arith.constant 0 : i32
    %dma_wait3A_1371 = tpu.memref_slice %arg6[%dma_wait3A_1370] : memref<4x!tpu.dma_semaphore, #tpu.memory_space<semaphore_mem>> -> memref<1x!tpu.dma_semaphore, #tpu.memory_space<semaphore_mem>>
    %dma_wait3A_1372 = tpu.memref_squeeze %dma_wait3A_1371 : memref<1x!tpu.dma_semaphore, #tpu.memory_space<semaphore_mem>> -> memref<!tpu.dma_semaphore, #tpu.memory_space<semaphore_mem>>
    %dma_wait3A_1373 = arith.constant 0 : i32
    %dma_wait3A_1374 = arith.constant 0 : i32
    %dma_wait3A_1375 = tpu.memref_slice %arg4[%dma_wait3A_1369, %dma_wait3A_1373, %dma_wait3A_1374] : memref<4x1024x1024xf32, #tpu.memory_space<vmem>> -> memref<1x1024x1024xf32, #tpu.memory_space<vmem>>
    %dma_wait3A_1376 = tpu.memref_squeeze %dma_wait3A_1375 : memref<1x1024x1024xf32, #tpu.memory_space<vmem>> -> memref<1024x1024xf32, #tpu.memory_space<vmem>>
    %dma_wait3A_1377 = arith.constant 5120 : i32
    %dma_wait3A_1378 = arith.constant 0 : i32
    %dma_wait3A_1379 = tpu.memref_slice %arg1[%dma_wait3A_1377, %dma_wait3A_1378] : memref<32768x1024xf32, #tpu.memory_space<any>> -> memref<1024x1024xf32, #tpu.memory_space<any>>
    tpu.wait_dma2 semaphore(%dma_wait3A_1372 : memref<!tpu.dma_semaphore, #tpu.memory_space<semaphore_mem>>) src(%dma_wait3A_1379 : memref<1024x1024xf32, #tpu.memory_space<any>>) dst(%dma_wait3A_1376 : memref<1024x1024xf32, #tpu.memory_space<vmem>>)
    %dma_wait3A_1380 = arith.constant 1 : i32
    %dma_wait3A_1381 = arith.constant 1 : i32
    %dma_wait3A_1382 = tpu.memref_slice %arg7[%dma_wait3A_1381] : memref<2x!tpu.dma_semaphore, #tpu.memory_space<semaphore_mem>> -> memref<1x!tpu.dma_semaphore, #tpu.memory_space<semaphore_mem>>
    %dma_wait3A_1383 = tpu.memref_squeeze %dma_wait3A_1382 : memref<1x!tpu.dma_semaphore, #tpu.memory_space<semaphore_mem>> -> memref<!tpu.dma_semaphore, #tpu.memory_space<semaphore_mem>>
    %dma_wait3A_1384 = arith.constant 0 : i32
    %dma_wait3A_1385 = arith.constant 0 : i32
    %dma_wait3A_1386 = tpu.memref_slice %arg5[%dma_wait3A_1380, %dma_wait3A_1384, %dma_wait3A_1385] : memref<2x1024x1024xf32, #tpu.memory_space<vmem>> -> memref<1x1024x1024xf32, #tpu.memory_space<vmem>>
    %dma_wait3A_1387 = tpu.memref_squeeze %dma_wait3A_1386 : memref<1x1024x1024xf32, #tpu.memory_space<vmem>> -> memref<1024x1024xf32, #tpu.memory_space<vmem>>
    %dma_wait3A_1388 = arith.constant 5120 : i32
    %dma_wait3A_1389 = arith.constant 0 : i32
    %dma_wait3A_1390 = tpu.memref_slice %arg2[%dma_wait3A_1388, %dma_wait3A_1389] : memref<8192x1024xf32, #tpu.memory_space<any>> -> memref<1024x1024xf32, #tpu.memory_space<any>>
    tpu.wait_dma2 semaphore(%dma_wait3A_1383 : memref<!tpu.dma_semaphore, #tpu.memory_space<semaphore_mem>>) src(%dma_wait3A_1390 : memref<1024x1024xf32, #tpu.memory_space<any>>) dst(%dma_wait3A_1387 : memref<1024x1024xf32, #tpu.memory_space<vmem>>)
    %get3A_1391 = arith.constant 0 : index
    %get3A_1392 = arith.constant 0 : index
    %get3A_1393 = arith.constant 0 : index
    %get3A_1394 = vector.load %arg4[%get3A_1391, %get3A_1392, %get3A_1393] : memref<4x1024x1024xf32, #tpu.memory_space<vmem>>, vector<1x1024x1024xf32>
    %get3A_1395 = vector.shape_cast %get3A_1394 : vector<1x1024x1024xf32> to vector<1024x1024xf32>
    %get3A_1396 = arith.constant 1 : index
    %get3A_1397 = arith.constant 0 : index
    %get3A_1398 = arith.constant 0 : index
    %get3A_1399 = vector.load %arg5[%get3A_1396, %get3A_1397, %get3A_1398] : memref<2x1024x1024xf32, #tpu.memory_space<vmem>>, vector<1x1024x1024xf32>
    %get3A_1400 = vector.shape_cast %get3A_1399 : vector<1x1024x1024xf32> to vector<1024x1024xf32>
    %add3A_1401 = arith.addf %get3A_1395, %get3A_1400 : vector<1024x1024xf32>
    %swap3A_1402 = arith.constant 0 : index
    %swap3A_1403 = arith.constant 0 : index
    %swap3A_1404 = arith.constant 0 : index
    %swap3A_1405 = vector.load %arg4[%swap3A_1402, %swap3A_1403, %swap3A_1404] : memref<4x1024x1024xf32, #tpu.memory_space<vmem>>, vector<1x1024x1024xf32>
    %swap3A_1406 = vector.shape_cast %swap3A_1405 : vector<1x1024x1024xf32> to vector<1024x1024xf32>
    %swap3A_1407 = vector.shape_cast %add3A_1401 : vector<1024x1024xf32> to vector<1x1024x1024xf32>
    tpu.vector_store %arg4[%swap3A_1402, %swap3A_1403, %swap3A_1404], %swap3A_1407 {strides = array<i32>} : memref<4x1024x1024xf32, #tpu.memory_space<vmem>>, vector<1x1024x1024xf32>,
    %dma_start3A_1408 = arith.constant 0 : i32
    %dma_start3A_1409 = arith.constant 0 : i32
    %dma_start3A_1410 = tpu.memref_slice %arg8[%dma_start3A_1409] : memref<4x!tpu.dma_semaphore, #tpu.memory_space<semaphore_mem>> -> memref<1x!tpu.dma_semaphore, #tpu.memory_space<semaphore_mem>>
    %dma_start3A_1411 = tpu.memref_squeeze %dma_start3A_1410 : memref<1x!tpu.dma_semaphore, #tpu.memory_space<semaphore_mem>> -> memref<!tpu.dma_semaphore, #tpu.memory_space<semaphore_mem>>
    %dma_start3A_1412 = arith.constant 5120 : i32
    %dma_start3A_1413 = arith.constant 0 : i32
    %dma_start3A_1414 = tpu.memref_slice %arg3[%dma_start3A_1412, %dma_start3A_1413] : memref<32768x1024xf32, #tpu.memory_space<any>> -> memref<1024x1024xf32, #tpu.memory_space<any>>
    %dma_start3A_1415 = arith.constant 0 : i32
    %dma_start3A_1416 = arith.constant 0 : i32
    %dma_start3A_1417 = tpu.memref_slice %arg4[%dma_start3A_1408, %dma_start3A_1415, %dma_start3A_1416] : memref<4x1024x1024xf32, #tpu.memory_space<vmem>> -> memref<1x1024x1024xf32, #tpu.memory_space<vmem>>
    %dma_start3A_1418 = tpu.memref_squeeze %dma_start3A_1417 : memref<1x1024x1024xf32, #tpu.memory_space<vmem>> -> memref<1024x1024xf32, #tpu.memory_space<vmem>>
    tpu.enqueue_dma source(%dma_start3A_1418 : memref<1024x1024xf32, #tpu.memory_space<vmem>>) target(%dma_start3A_1414 : memref<1024x1024xf32, #tpu.memory_space<any>>) target_semaphore(%dma_start3A_1411 : memref<!tpu.dma_semaphore, #tpu.memory_space<semaphore_mem>>)
    %dma_wait3A_1419 = arith.constant 3 : i32
    %dma_wait3A_1420 = arith.constant 3 : i32
    %dma_wait3A_1421 = tpu.memref_slice %arg8[%dma_wait3A_1420] : memref<4x!tpu.dma_semaphore, #tpu.memory_space<semaphore_mem>> -> memref<1x!tpu.dma_semaphore, #tpu.memory_space<semaphore_mem>>
    %dma_wait3A_1422 = tpu.memref_squeeze %dma_wait3A_1421 : memref<1x!tpu.dma_semaphore, #tpu.memory_space<semaphore_mem>> -> memref<!tpu.dma_semaphore, #tpu.memory_space<semaphore_mem>>
    %dma_wait3A_1423 = arith.constant 28672 : i32
    %dma_wait3A_1424 = arith.constant 0 : i32
    %dma_wait3A_1425 = tpu.memref_slice %arg3[%dma_wait3A_1423, %dma_wait3A_1424] : memref<32768x1024xf32, #tpu.memory_space<any>> -> memref<1024x1024xf32, #tpu.memory_space<any>>
    %dma_wait3A_1426 = arith.constant 0 : i32
    %dma_wait3A_1427 = arith.constant 0 : i32
    %dma_wait3A_1428 = tpu.memref_slice %arg4[%dma_wait3A_1419, %dma_wait3A_1426, %dma_wait3A_1427] : memref<4x1024x1024xf32, #tpu.memory_space<vmem>> -> memref<1x1024x1024xf32, #tpu.memory_space<vmem>>
    %dma_wait3A_1429 = tpu.memref_squeeze %dma_wait3A_1428 : memref<1x1024x1024xf32, #tpu.memory_space<vmem>> -> memref<1024x1024xf32, #tpu.memory_space<vmem>>
    tpu.wait_dma2 semaphore(%dma_wait3A_1422 : memref<!tpu.dma_semaphore, #tpu.memory_space<semaphore_mem>>) src(%dma_wait3A_1429 : memref<1024x1024xf32, #tpu.memory_space<vmem>>) dst(%dma_wait3A_1425 : memref<1024x1024xf32, #tpu.memory_space<any>>)
    %dma_start3A_1430 = arith.constant 3 : i32
    %dma_start3A_1431 = arith.constant 3 : i32
    %dma_start3A_1432 = tpu.memref_slice %arg6[%dma_start3A_1431] : memref<4x!tpu.dma_semaphore, #tpu.memory_space<semaphore_mem>> -> memref<1x!tpu.dma_semaphore, #tpu.memory_space<semaphore_mem>>
    %dma_start3A_1433 = tpu.memref_squeeze %dma_start3A_1432 : memref<1x!tpu.dma_semaphore, #tpu.memory_space<semaphore_mem>> -> memref<!tpu.dma_semaphore, #tpu.memory_space<semaphore_mem>>
    %dma_start3A_1434 = arith.constant 0 : i32
    %dma_start3A_1435 = arith.constant 0 : i32
    %dma_start3A_1436 = tpu.memref_slice %arg4[%dma_start3A_1430, %dma_start3A_1434, %dma_start3A_1435] : memref<4x1024x1024xf32, #tpu.memory_space<vmem>> -> memref<1x1024x1024xf32, #tpu.memory_space<vmem>>
    %dma_start3A_1437 = tpu.memref_squeeze %dma_start3A_1436 : memref<1x1024x1024xf32, #tpu.memory_space<vmem>> -> memref<1024x1024xf32, #tpu.memory_space<vmem>>
    %dma_start3A_1438 = arith.constant 29696 : i32
    %dma_start3A_1439 = arith.constant 0 : i32
    %dma_start3A_1440 = tpu.memref_slice %arg1[%dma_start3A_1438, %dma_start3A_1439] : memref<32768x1024xf32, #tpu.memory_space<any>> -> memref<1024x1024xf32, #tpu.memory_space<any>>
    tpu.enqueue_dma source(%dma_start3A_1440 : memref<1024x1024xf32, #tpu.memory_space<any>>) target(%dma_start3A_1437 : memref<1024x1024xf32, #tpu.memory_space<vmem>>) target_semaphore(%dma_start3A_1433 : memref<!tpu.dma_semaphore, #tpu.memory_space<semaphore_mem>>)
    %dma_wait3A_1441 = arith.constant 1 : i32
    %dma_wait3A_1442 = arith.constant 1 : i32
    %dma_wait3A_1443 = tpu.memref_slice %arg6[%dma_wait3A_1442] : memref<4x!tpu.dma_semaphore, #tpu.memory_space<semaphore_mem>> -> memref<1x!tpu.dma_semaphore, #tpu.memory_space<semaphore_mem>>
    %dma_wait3A_1444 = tpu.memref_squeeze %dma_wait3A_1443 : memref<1x!tpu.dma_semaphore, #tpu.memory_space<semaphore_mem>> -> memref<!tpu.dma_semaphore, #tpu.memory_space<semaphore_mem>>
    %dma_wait3A_1445 = arith.constant 0 : i32
    %dma_wait3A_1446 = arith.constant 0 : i32
    %dma_wait3A_1447 = tpu.memref_slice %arg4[%dma_wait3A_1441, %dma_wait3A_1445, %dma_wait3A_1446] : memref<4x1024x1024xf32, #tpu.memory_space<vmem>> -> memref<1x1024x1024xf32, #tpu.memory_space<vmem>>
    %dma_wait3A_1448 = tpu.memref_squeeze %dma_wait3A_1447 : memref<1x1024x1024xf32, #tpu.memory_space<vmem>> -> memref<1024x1024xf32, #tpu.memory_space<vmem>>
    %dma_wait3A_1449 = arith.constant 13312 : i32
    %dma_wait3A_1450 = arith.constant 0 : i32
    %dma_wait3A_1451 = tpu.memref_slice %arg1[%dma_wait3A_1449, %dma_wait3A_1450] : memref<32768x1024xf32, #tpu.memory_space<any>> -> memref<1024x1024xf32, #tpu.memory_space<any>>
    tpu.wait_dma2 semaphore(%dma_wait3A_1444 : memref<!tpu.dma_semaphore, #tpu.memory_space<semaphore_mem>>) src(%dma_wait3A_1451 : memref<1024x1024xf32, #tpu.memory_space<any>>) dst(%dma_wait3A_1448 : memref<1024x1024xf32, #tpu.memory_space<vmem>>)
    %get3A_1452 = arith.constant 1 : index
    %get3A_1453 = arith.constant 0 : index
    %get3A_1454 = arith.constant 0 : index
    %get3A_1455 = vector.load %arg4[%get3A_1452, %get3A_1453, %get3A_1454] : memref<4x1024x1024xf32, #tpu.memory_space<vmem>>, vector<1x1024x1024xf32>
    %get3A_1456 = vector.shape_cast %get3A_1455 : vector<1x1024x1024xf32> to vector<1024x1024xf32>
    %get3A_1457 = arith.constant 1 : index
    %get3A_1458 = arith.constant 0 : index
    %get3A_1459 = arith.constant 0 : index
    %get3A_1460 = vector.load %arg5[%get3A_1457, %get3A_1458, %get3A_1459] : memref<2x1024x1024xf32, #tpu.memory_space<vmem>>, vector<1x1024x1024xf32>
    %get3A_1461 = vector.shape_cast %get3A_1460 : vector<1x1024x1024xf32> to vector<1024x1024xf32>
    %add3A_1462 = arith.addf %get3A_1456, %get3A_1461 : vector<1024x1024xf32>
    %swap3A_1463 = arith.constant 1 : index
    %swap3A_1464 = arith.constant 0 : index
    %swap3A_1465 = arith.constant 0 : index
    %swap3A_1466 = vector.load %arg4[%swap3A_1463, %swap3A_1464, %swap3A_1465] : memref<4x1024x1024xf32, #tpu.memory_space<vmem>>, vector<1x1024x1024xf32>
    %swap3A_1467 = vector.shape_cast %swap3A_1466 : vector<1x1024x1024xf32> to vector<1024x1024xf32>
    %swap3A_1468 = vector.shape_cast %add3A_1462 : vector<1024x1024xf32> to vector<1x1024x1024xf32>
    tpu.vector_store %arg4[%swap3A_1463, %swap3A_1464, %swap3A_1465], %swap3A_1468 {strides = array<i32>} : memref<4x1024x1024xf32, #tpu.memory_space<vmem>>, vector<1x1024x1024xf32>,
    %dma_start3A_1469 = arith.constant 1 : i32
    %dma_start3A_1470 = arith.constant 1 : i32
    %dma_start3A_1471 = tpu.memref_slice %arg8[%dma_start3A_1470] : memref<4x!tpu.dma_semaphore, #tpu.memory_space<semaphore_mem>> -> memref<1x!tpu.dma_semaphore, #tpu.memory_space<semaphore_mem>>
    %dma_start3A_1472 = tpu.memref_squeeze %dma_start3A_1471 : memref<1x!tpu.dma_semaphore, #tpu.memory_space<semaphore_mem>> -> memref<!tpu.dma_semaphore, #tpu.memory_space<semaphore_mem>>
    %dma_start3A_1473 = arith.constant 13312 : i32
    %dma_start3A_1474 = arith.constant 0 : i32
    %dma_start3A_1475 = tpu.memref_slice %arg3[%dma_start3A_1473, %dma_start3A_1474] : memref<32768x1024xf32, #tpu.memory_space<any>> -> memref<1024x1024xf32, #tpu.memory_space<any>>
    %dma_start3A_1476 = arith.constant 0 : i32
    %dma_start3A_1477 = arith.constant 0 : i32
    %dma_start3A_1478 = tpu.memref_slice %arg4[%dma_start3A_1469, %dma_start3A_1476, %dma_start3A_1477] : memref<4x1024x1024xf32, #tpu.memory_space<vmem>> -> memref<1x1024x1024xf32, #tpu.memory_space<vmem>>
    %dma_start3A_1479 = tpu.memref_squeeze %dma_start3A_1478 : memref<1x1024x1024xf32, #tpu.memory_space<vmem>> -> memref<1024x1024xf32, #tpu.memory_space<vmem>>
    tpu.enqueue_dma source(%dma_start3A_1479 : memref<1024x1024xf32, #tpu.memory_space<vmem>>) target(%dma_start3A_1475 : memref<1024x1024xf32, #tpu.memory_space<any>>) target_semaphore(%dma_start3A_1472 : memref<!tpu.dma_semaphore, #tpu.memory_space<semaphore_mem>>)
    %dma_wait3A_1480 = arith.constant 0 : i32
    %dma_wait3A_1481 = arith.constant 0 : i32
    %dma_wait3A_1482 = tpu.memref_slice %arg8[%dma_wait3A_1481] : memref<4x!tpu.dma_semaphore, #tpu.memory_space<semaphore_mem>> -> memref<1x!tpu.dma_semaphore, #tpu.memory_space<semaphore_mem>>
    %dma_wait3A_1483 = tpu.memref_squeeze %dma_wait3A_1482 : memref<1x!tpu.dma_semaphore, #tpu.memory_space<semaphore_mem>> -> memref<!tpu.dma_semaphore, #tpu.memory_space<semaphore_mem>>
    %dma_wait3A_1484 = arith.constant 5120 : i32
    %dma_wait3A_1485 = arith.constant 0 : i32
    %dma_wait3A_1486 = tpu.memref_slice %arg3[%dma_wait3A_1484, %dma_wait3A_1485] : memref<32768x1024xf32, #tpu.memory_space<any>> -> memref<1024x1024xf32, #tpu.memory_space<any>>
    %dma_wait3A_1487 = arith.constant 0 : i32
    %dma_wait3A_1488 = arith.constant 0 : i32
    %dma_wait3A_1489 = tpu.memref_slice %arg4[%dma_wait3A_1480, %dma_wait3A_1487, %dma_wait3A_1488] : memref<4x1024x1024xf32, #tpu.memory_space<vmem>> -> memref<1x1024x1024xf32, #tpu.memory_space<vmem>>
    %dma_wait3A_1490 = tpu.memref_squeeze %dma_wait3A_1489 : memref<1x1024x1024xf32, #tpu.memory_space<vmem>> -> memref<1024x1024xf32, #tpu.memory_space<vmem>>
    tpu.wait_dma2 semaphore(%dma_wait3A_1483 : memref<!tpu.dma_semaphore, #tpu.memory_space<semaphore_mem>>) src(%dma_wait3A_1490 : memref<1024x1024xf32, #tpu.memory_space<vmem>>) dst(%dma_wait3A_1486 : memref<1024x1024xf32, #tpu.memory_space<any>>)
    %dma_start3A_1491 = arith.constant 0 : i32
    %dma_start3A_1492 = arith.constant 0 : i32
    %dma_start3A_1493 = tpu.memref_slice %arg6[%dma_start3A_1492] : memref<4x!tpu.dma_semaphore, #tpu.memory_space<semaphore_mem>> -> memref<1x!tpu.dma_semaphore, #tpu.memory_space<semaphore_mem>>
    %dma_start3A_1494 = tpu.memref_squeeze %dma_start3A_1493 : memref<1x!tpu.dma_semaphore, #tpu.memory_space<semaphore_mem>> -> memref<!tpu.dma_semaphore, #tpu.memory_space<semaphore_mem>>
    %dma_start3A_1495 = arith.constant 0 : i32
    %dma_start3A_1496 = arith.constant 0 : i32
    %dma_start3A_1497 = tpu.memref_slice %arg4[%dma_start3A_1491, %dma_start3A_1495, %dma_start3A_1496] : memref<4x1024x1024xf32, #tpu.memory_space<vmem>> -> memref<1x1024x1024xf32, #tpu.memory_space<vmem>>
    %dma_start3A_1498 = tpu.memref_squeeze %dma_start3A_1497 : memref<1x1024x1024xf32, #tpu.memory_space<vmem>> -> memref<1024x1024xf32, #tpu.memory_space<vmem>>
    %dma_start3A_1499 = arith.constant 6144 : i32
    %dma_start3A_1500 = arith.constant 0 : i32
    %dma_start3A_1501 = tpu.memref_slice %arg1[%dma_start3A_1499, %dma_start3A_1500] : memref<32768x1024xf32, #tpu.memory_space<any>> -> memref<1024x1024xf32, #tpu.memory_space<any>>
    tpu.enqueue_dma source(%dma_start3A_1501 : memref<1024x1024xf32, #tpu.memory_space<any>>) target(%dma_start3A_1498 : memref<1024x1024xf32, #tpu.memory_space<vmem>>) target_semaphore(%dma_start3A_1494 : memref<!tpu.dma_semaphore, #tpu.memory_space<semaphore_mem>>)
    %dma_wait3A_1502 = arith.constant 2 : i32
    %dma_wait3A_1503 = arith.constant 2 : i32
    %dma_wait3A_1504 = tpu.memref_slice %arg6[%dma_wait3A_1503] : memref<4x!tpu.dma_semaphore, #tpu.memory_space<semaphore_mem>> -> memref<1x!tpu.dma_semaphore, #tpu.memory_space<semaphore_mem>>
    %dma_wait3A_1505 = tpu.memref_squeeze %dma_wait3A_1504 : memref<1x!tpu.dma_semaphore, #tpu.memory_space<semaphore_mem>> -> memref<!tpu.dma_semaphore, #tpu.memory_space<semaphore_mem>>
    %dma_wait3A_1506 = arith.constant 0 : i32
    %dma_wait3A_1507 = arith.constant 0 : i32
    %dma_wait3A_1508 = tpu.memref_slice %arg4[%dma_wait3A_1502, %dma_wait3A_1506, %dma_wait3A_1507] : memref<4x1024x1024xf32, #tpu.memory_space<vmem>> -> memref<1x1024x1024xf32, #tpu.memory_space<vmem>>
    %dma_wait3A_1509 = tpu.memref_squeeze %dma_wait3A_1508 : memref<1x1024x1024xf32, #tpu.memory_space<vmem>> -> memref<1024x1024xf32, #tpu.memory_space<vmem>>
    %dma_wait3A_1510 = arith.constant 21504 : i32
    %dma_wait3A_1511 = arith.constant 0 : i32
    %dma_wait3A_1512 = tpu.memref_slice %arg1[%dma_wait3A_1510, %dma_wait3A_1511] : memref<32768x1024xf32, #tpu.memory_space<any>> -> memref<1024x1024xf32, #tpu.memory_space<any>>
    tpu.wait_dma2 semaphore(%dma_wait3A_1505 : memref<!tpu.dma_semaphore, #tpu.memory_space<semaphore_mem>>) src(%dma_wait3A_1512 : memref<1024x1024xf32, #tpu.memory_space<any>>) dst(%dma_wait3A_1509 : memref<1024x1024xf32, #tpu.memory_space<vmem>>)
    %get3A_1513 = arith.constant 2 : index
    %get3A_1514 = arith.constant 0 : index
    %get3A_1515 = arith.constant 0 : index
    %get3A_1516 = vector.load %arg4[%get3A_1513, %get3A_1514, %get3A_1515] : memref<4x1024x1024xf32, #tpu.memory_space<vmem>>, vector<1x1024x1024xf32>
    %get3A_1517 = vector.shape_cast %get3A_1516 : vector<1x1024x1024xf32> to vector<1024x1024xf32>
    %get3A_1518 = arith.constant 1 : index
    %get3A_1519 = arith.constant 0 : index
    %get3A_1520 = arith.constant 0 : index
    %get3A_1521 = vector.load %arg5[%get3A_1518, %get3A_1519, %get3A_1520] : memref<2x1024x1024xf32, #tpu.memory_space<vmem>>, vector<1x1024x1024xf32>
    %get3A_1522 = vector.shape_cast %get3A_1521 : vector<1x1024x1024xf32> to vector<1024x1024xf32>
    %add3A_1523 = arith.addf %get3A_1517, %get3A_1522 : vector<1024x1024xf32>
    %swap3A_1524 = arith.constant 2 : index
    %swap3A_1525 = arith.constant 0 : index
    %swap3A_1526 = arith.constant 0 : index
    %swap3A_1527 = vector.load %arg4[%swap3A_1524, %swap3A_1525, %swap3A_1526] : memref<4x1024x1024xf32, #tpu.memory_space<vmem>>, vector<1x1024x1024xf32>
    %swap3A_1528 = vector.shape_cast %swap3A_1527 : vector<1x1024x1024xf32> to vector<1024x1024xf32>
    %swap3A_1529 = vector.shape_cast %add3A_1523 : vector<1024x1024xf32> to vector<1x1024x1024xf32>
    tpu.vector_store %arg4[%swap3A_1524, %swap3A_1525, %swap3A_1526], %swap3A_1529 {strides = array<i32>} : memref<4x1024x1024xf32, #tpu.memory_space<vmem>>, vector<1x1024x1024xf32>,
    %dma_start3A_1530 = arith.constant 2 : i32
    %dma_start3A_1531 = arith.constant 2 : i32
    %dma_start3A_1532 = tpu.memref_slice %arg8[%dma_start3A_1531] : memref<4x!tpu.dma_semaphore, #tpu.memory_space<semaphore_mem>> -> memref<1x!tpu.dma_semaphore, #tpu.memory_space<semaphore_mem>>
    %dma_start3A_1533 = tpu.memref_squeeze %dma_start3A_1532 : memref<1x!tpu.dma_semaphore, #tpu.memory_space<semaphore_mem>> -> memref<!tpu.dma_semaphore, #tpu.memory_space<semaphore_mem>>
    %dma_start3A_1534 = arith.constant 21504 : i32
    %dma_start3A_1535 = arith.constant 0 : i32
    %dma_start3A_1536 = tpu.memref_slice %arg3[%dma_start3A_1534, %dma_start3A_1535] : memref<32768x1024xf32, #tpu.memory_space<any>> -> memref<1024x1024xf32, #tpu.memory_space<any>>
    %dma_start3A_1537 = arith.constant 0 : i32
    %dma_start3A_1538 = arith.constant 0 : i32
    %dma_start3A_1539 = tpu.memref_slice %arg4[%dma_start3A_1530, %dma_start3A_1537, %dma_start3A_1538] : memref<4x1024x1024xf32, #tpu.memory_space<vmem>> -> memref<1x1024x1024xf32, #tpu.memory_space<vmem>>
    %dma_start3A_1540 = tpu.memref_squeeze %dma_start3A_1539 : memref<1x1024x1024xf32, #tpu.memory_space<vmem>> -> memref<1024x1024xf32, #tpu.memory_space<vmem>>
    tpu.enqueue_dma source(%dma_start3A_1540 : memref<1024x1024xf32, #tpu.memory_space<vmem>>) target(%dma_start3A_1536 : memref<1024x1024xf32, #tpu.memory_space<any>>) target_semaphore(%dma_start3A_1533 : memref<!tpu.dma_semaphore, #tpu.memory_space<semaphore_mem>>)
    %dma_wait3A_1541 = arith.constant 1 : i32
    %dma_wait3A_1542 = arith.constant 1 : i32
    %dma_wait3A_1543 = tpu.memref_slice %arg8[%dma_wait3A_1542] : memref<4x!tpu.dma_semaphore, #tpu.memory_space<semaphore_mem>> -> memref<1x!tpu.dma_semaphore, #tpu.memory_space<semaphore_mem>>
    %dma_wait3A_1544 = tpu.memref_squeeze %dma_wait3A_1543 : memref<1x!tpu.dma_semaphore, #tpu.memory_space<semaphore_mem>> -> memref<!tpu.dma_semaphore, #tpu.memory_space<semaphore_mem>>
    %dma_wait3A_1545 = arith.constant 13312 : i32
    %dma_wait3A_1546 = arith.constant 0 : i32
    %dma_wait3A_1547 = tpu.memref_slice %arg3[%dma_wait3A_1545, %dma_wait3A_1546] : memref<32768x1024xf32, #tpu.memory_space<any>> -> memref<1024x1024xf32, #tpu.memory_space<any>>
    %dma_wait3A_1548 = arith.constant 0 : i32
    %dma_wait3A_1549 = arith.constant 0 : i32
    %dma_wait3A_1550 = tpu.memref_slice %arg4[%dma_wait3A_1541, %dma_wait3A_1548, %dma_wait3A_1549] : memref<4x1024x1024xf32, #tpu.memory_space<vmem>> -> memref<1x1024x1024xf32, #tpu.memory_space<vmem>>
    %dma_wait3A_1551 = tpu.memref_squeeze %dma_wait3A_1550 : memref<1x1024x1024xf32, #tpu.memory_space<vmem>> -> memref<1024x1024xf32, #tpu.memory_space<vmem>>
    tpu.wait_dma2 semaphore(%dma_wait3A_1544 : memref<!tpu.dma_semaphore, #tpu.memory_space<semaphore_mem>>) src(%dma_wait3A_1551 : memref<1024x1024xf32, #tpu.memory_space<vmem>>) dst(%dma_wait3A_1547 : memref<1024x1024xf32, #tpu.memory_space<any>>)
    %dma_start3A_1552 = arith.constant 1 : i32
    %dma_start3A_1553 = arith.constant 1 : i32
    %dma_start3A_1554 = tpu.memref_slice %arg6[%dma_start3A_1553] : memref<4x!tpu.dma_semaphore, #tpu.memory_space<semaphore_mem>> -> memref<1x!tpu.dma_semaphore, #tpu.memory_space<semaphore_mem>>
    %dma_start3A_1555 = tpu.memref_squeeze %dma_start3A_1554 : memref<1x!tpu.dma_semaphore, #tpu.memory_space<semaphore_mem>> -> memref<!tpu.dma_semaphore, #tpu.memory_space<semaphore_mem>>
    %dma_start3A_1556 = arith.constant 0 : i32
    %dma_start3A_1557 = arith.constant 0 : i32
    %dma_start3A_1558 = tpu.memref_slice %arg4[%dma_start3A_1552, %dma_start3A_1556, %dma_start3A_1557] : memref<4x1024x1024xf32, #tpu.memory_space<vmem>> -> memref<1x1024x1024xf32, #tpu.memory_space<vmem>>
    %dma_start3A_1559 = tpu.memref_squeeze %dma_start3A_1558 : memref<1x1024x1024xf32, #tpu.memory_space<vmem>> -> memref<1024x1024xf32, #tpu.memory_space<vmem>>
    %dma_start3A_1560 = arith.constant 14336 : i32
    %dma_start3A_1561 = arith.constant 0 : i32
    %dma_start3A_1562 = tpu.memref_slice %arg1[%dma_start3A_1560, %dma_start3A_1561] : memref<32768x1024xf32, #tpu.memory_space<any>> -> memref<1024x1024xf32, #tpu.memory_space<any>>
    tpu.enqueue_dma source(%dma_start3A_1562 : memref<1024x1024xf32, #tpu.memory_space<any>>) target(%dma_start3A_1559 : memref<1024x1024xf32, #tpu.memory_space<vmem>>) target_semaphore(%dma_start3A_1555 : memref<!tpu.dma_semaphore, #tpu.memory_space<semaphore_mem>>)
    %dma_wait3A_1563 = arith.constant 3 : i32
    %dma_wait3A_1564 = arith.constant 3 : i32
    %dma_wait3A_1565 = tpu.memref_slice %arg6[%dma_wait3A_1564] : memref<4x!tpu.dma_semaphore, #tpu.memory_space<semaphore_mem>> -> memref<1x!tpu.dma_semaphore, #tpu.memory_space<semaphore_mem>>
    %dma_wait3A_1566 = tpu.memref_squeeze %dma_wait3A_1565 : memref<1x!tpu.dma_semaphore, #tpu.memory_space<semaphore_mem>> -> memref<!tpu.dma_semaphore, #tpu.memory_space<semaphore_mem>>
    %dma_wait3A_1567 = arith.constant 0 : i32
    %dma_wait3A_1568 = arith.constant 0 : i32
    %dma_wait3A_1569 = tpu.memref_slice %arg4[%dma_wait3A_1563, %dma_wait3A_1567, %dma_wait3A_1568] : memref<4x1024x1024xf32, #tpu.memory_space<vmem>> -> memref<1x1024x1024xf32, #tpu.memory_space<vmem>>
    %dma_wait3A_1570 = tpu.memref_squeeze %dma_wait3A_1569 : memref<1x1024x1024xf32, #tpu.memory_space<vmem>> -> memref<1024x1024xf32, #tpu.memory_space<vmem>>
    %dma_wait3A_1571 = arith.constant 29696 : i32
    %dma_wait3A_1572 = arith.constant 0 : i32
    %dma_wait3A_1573 = tpu.memref_slice %arg1[%dma_wait3A_1571, %dma_wait3A_1572] : memref<32768x1024xf32, #tpu.memory_space<any>> -> memref<1024x1024xf32, #tpu.memory_space<any>>
    tpu.wait_dma2 semaphore(%dma_wait3A_1566 : memref<!tpu.dma_semaphore, #tpu.memory_space<semaphore_mem>>) src(%dma_wait3A_1573 : memref<1024x1024xf32, #tpu.memory_space<any>>) dst(%dma_wait3A_1570 : memref<1024x1024xf32, #tpu.memory_space<vmem>>)
    %get3A_1574 = arith.constant 3 : index
    %get3A_1575 = arith.constant 0 : index
    %get3A_1576 = arith.constant 0 : index
    %get3A_1577 = vector.load %arg4[%get3A_1574, %get3A_1575, %get3A_1576] : memref<4x1024x1024xf32, #tpu.memory_space<vmem>>, vector<1x1024x1024xf32>
    %get3A_1578 = vector.shape_cast %get3A_1577 : vector<1x1024x1024xf32> to vector<1024x1024xf32>
    %get3A_1579 = arith.constant 1 : index
    %get3A_1580 = arith.constant 0 : index
    %get3A_1581 = arith.constant 0 : index
    %get3A_1582 = vector.load %arg5[%get3A_1579, %get3A_1580, %get3A_1581] : memref<2x1024x1024xf32, #tpu.memory_space<vmem>>, vector<1x1024x1024xf32>
    %get3A_1583 = vector.shape_cast %get3A_1582 : vector<1x1024x1024xf32> to vector<1024x1024xf32>
    %add3A_1584 = arith.addf %get3A_1578, %get3A_1583 : vector<1024x1024xf32>
    %swap3A_1585 = arith.constant 3 : index
    %swap3A_1586 = arith.constant 0 : index
    %swap3A_1587 = arith.constant 0 : index
    %swap3A_1588 = vector.load %arg4[%swap3A_1585, %swap3A_1586, %swap3A_1587] : memref<4x1024x1024xf32, #tpu.memory_space<vmem>>, vector<1x1024x1024xf32>
    %swap3A_1589 = vector.shape_cast %swap3A_1588 : vector<1x1024x1024xf32> to vector<1024x1024xf32>
    %swap3A_1590 = vector.shape_cast %add3A_1584 : vector<1024x1024xf32> to vector<1x1024x1024xf32>
    tpu.vector_store %arg4[%swap3A_1585, %swap3A_1586, %swap3A_1587], %swap3A_1590 {strides = array<i32>} : memref<4x1024x1024xf32, #tpu.memory_space<vmem>>, vector<1x1024x1024xf32>,
    %dma_start3A_1591 = arith.constant 3 : i32
    %dma_start3A_1592 = arith.constant 3 : i32
    %dma_start3A_1593 = tpu.memref_slice %arg8[%dma_start3A_1592] : memref<4x!tpu.dma_semaphore, #tpu.memory_space<semaphore_mem>> -> memref<1x!tpu.dma_semaphore, #tpu.memory_space<semaphore_mem>>
    %dma_start3A_1594 = tpu.memref_squeeze %dma_start3A_1593 : memref<1x!tpu.dma_semaphore, #tpu.memory_space<semaphore_mem>> -> memref<!tpu.dma_semaphore, #tpu.memory_space<semaphore_mem>>
    %dma_start3A_1595 = arith.constant 29696 : i32
    %dma_start3A_1596 = arith.constant 0 : i32
    %dma_start3A_1597 = tpu.memref_slice %arg3[%dma_start3A_1595, %dma_start3A_1596] : memref<32768x1024xf32, #tpu.memory_space<any>> -> memref<1024x1024xf32, #tpu.memory_space<any>>
    %dma_start3A_1598 = arith.constant 0 : i32
    %dma_start3A_1599 = arith.constant 0 : i32
    %dma_start3A_1600 = tpu.memref_slice %arg4[%dma_start3A_1591, %dma_start3A_1598, %dma_start3A_1599] : memref<4x1024x1024xf32, #tpu.memory_space<vmem>> -> memref<1x1024x1024xf32, #tpu.memory_space<vmem>>
    %dma_start3A_1601 = tpu.memref_squeeze %dma_start3A_1600 : memref<1x1024x1024xf32, #tpu.memory_space<vmem>> -> memref<1024x1024xf32, #tpu.memory_space<vmem>>
    tpu.enqueue_dma source(%dma_start3A_1601 : memref<1024x1024xf32, #tpu.memory_space<vmem>>) target(%dma_start3A_1597 : memref<1024x1024xf32, #tpu.memory_space<any>>) target_semaphore(%dma_start3A_1594 : memref<!tpu.dma_semaphore, #tpu.memory_space<semaphore_mem>>)
    %dma_wait3A_1602 = arith.constant 2 : i32
    %dma_wait3A_1603 = arith.constant 2 : i32
    %dma_wait3A_1604 = tpu.memref_slice %arg8[%dma_wait3A_1603] : memref<4x!tpu.dma_semaphore, #tpu.memory_space<semaphore_mem>> -> memref<1x!tpu.dma_semaphore, #tpu.memory_space<semaphore_mem>>
    %dma_wait3A_1605 = tpu.memref_squeeze %dma_wait3A_1604 : memref<1x!tpu.dma_semaphore, #tpu.memory_space<semaphore_mem>> -> memref<!tpu.dma_semaphore, #tpu.memory_space<semaphore_mem>>
    %dma_wait3A_1606 = arith.constant 21504 : i32
    %dma_wait3A_1607 = arith.constant 0 : i32
    %dma_wait3A_1608 = tpu.memref_slice %arg3[%dma_wait3A_1606, %dma_wait3A_1607] : memref<32768x1024xf32, #tpu.memory_space<any>> -> memref<1024x1024xf32, #tpu.memory_space<any>>
    %dma_wait3A_1609 = arith.constant 0 : i32
    %dma_wait3A_1610 = arith.constant 0 : i32
    %dma_wait3A_1611 = tpu.memref_slice %arg4[%dma_wait3A_1602, %dma_wait3A_1609, %dma_wait3A_1610] : memref<4x1024x1024xf32, #tpu.memory_space<vmem>> -> memref<1x1024x1024xf32, #tpu.memory_space<vmem>>
    %dma_wait3A_1612 = tpu.memref_squeeze %dma_wait3A_1611 : memref<1x1024x1024xf32, #tpu.memory_space<vmem>> -> memref<1024x1024xf32, #tpu.memory_space<vmem>>
    tpu.wait_dma2 semaphore(%dma_wait3A_1605 : memref<!tpu.dma_semaphore, #tpu.memory_space<semaphore_mem>>) src(%dma_wait3A_1612 : memref<1024x1024xf32, #tpu.memory_space<vmem>>) dst(%dma_wait3A_1608 : memref<1024x1024xf32, #tpu.memory_space<any>>)
    %dma_start3A_1613 = arith.constant 2 : i32
    %dma_start3A_1614 = arith.constant 2 : i32
    %dma_start3A_1615 = tpu.memref_slice %arg6[%dma_start3A_1614] : memref<4x!tpu.dma_semaphore, #tpu.memory_space<semaphore_mem>> -> memref<1x!tpu.dma_semaphore, #tpu.memory_space<semaphore_mem>>
    %dma_start3A_1616 = tpu.memref_squeeze %dma_start3A_1615 : memref<1x!tpu.dma_semaphore, #tpu.memory_space<semaphore_mem>> -> memref<!tpu.dma_semaphore, #tpu.memory_space<semaphore_mem>>
    %dma_start3A_1617 = arith.constant 0 : i32
    %dma_start3A_1618 = arith.constant 0 : i32
    %dma_start3A_1619 = tpu.memref_slice %arg4[%dma_start3A_1613, %dma_start3A_1617, %dma_start3A_1618] : memref<4x1024x1024xf32, #tpu.memory_space<vmem>> -> memref<1x1024x1024xf32, #tpu.memory_space<vmem>>
    %dma_start3A_1620 = tpu.memref_squeeze %dma_start3A_1619 : memref<1x1024x1024xf32, #tpu.memory_space<vmem>> -> memref<1024x1024xf32, #tpu.memory_space<vmem>>
    %dma_start3A_1621 = arith.constant 22528 : i32
    %dma_start3A_1622 = arith.constant 0 : i32
    %dma_start3A_1623 = tpu.memref_slice %arg1[%dma_start3A_1621, %dma_start3A_1622] : memref<32768x1024xf32, #tpu.memory_space<any>> -> memref<1024x1024xf32, #tpu.memory_space<any>>
    tpu.enqueue_dma source(%dma_start3A_1623 : memref<1024x1024xf32, #tpu.memory_space<any>>) target(%dma_start3A_1620 : memref<1024x1024xf32, #tpu.memory_space<vmem>>) target_semaphore(%dma_start3A_1616 : memref<!tpu.dma_semaphore, #tpu.memory_space<semaphore_mem>>)
    %dma_wait3A_1624 = arith.constant 0 : i32
    %dma_wait3A_1625 = arith.constant 0 : i32
    %dma_wait3A_1626 = tpu.memref_slice %arg6[%dma_wait3A_1625] : memref<4x!tpu.dma_semaphore, #tpu.memory_space<semaphore_mem>> -> memref<1x!tpu.dma_semaphore, #tpu.memory_space<semaphore_mem>>
    %dma_wait3A_1627 = tpu.memref_squeeze %dma_wait3A_1626 : memref<1x!tpu.dma_semaphore, #tpu.memory_space<semaphore_mem>> -> memref<!tpu.dma_semaphore, #tpu.memory_space<semaphore_mem>>
    %dma_wait3A_1628 = arith.constant 0 : i32
    %dma_wait3A_1629 = arith.constant 0 : i32
    %dma_wait3A_1630 = tpu.memref_slice %arg4[%dma_wait3A_1624, %dma_wait3A_1628, %dma_wait3A_1629] : memref<4x1024x1024xf32, #tpu.memory_space<vmem>> -> memref<1x1024x1024xf32, #tpu.memory_space<vmem>>
    %dma_wait3A_1631 = tpu.memref_squeeze %dma_wait3A_1630 : memref<1x1024x1024xf32, #tpu.memory_space<vmem>> -> memref<1024x1024xf32, #tpu.memory_space<vmem>>
    %dma_wait3A_1632 = arith.constant 6144 : i32
    %dma_wait3A_1633 = arith.constant 0 : i32
    %dma_wait3A_1634 = tpu.memref_slice %arg1[%dma_wait3A_1632, %dma_wait3A_1633] : memref<32768x1024xf32, #tpu.memory_space<any>> -> memref<1024x1024xf32, #tpu.memory_space<any>>
    tpu.wait_dma2 semaphore(%dma_wait3A_1627 : memref<!tpu.dma_semaphore, #tpu.memory_space<semaphore_mem>>) src(%dma_wait3A_1634 : memref<1024x1024xf32, #tpu.memory_space<any>>) dst(%dma_wait3A_1631 : memref<1024x1024xf32, #tpu.memory_space<vmem>>)
    %dma_wait3A_1635 = arith.constant 0 : i32
    %dma_wait3A_1636 = arith.constant 0 : i32
    %dma_wait3A_1637 = tpu.memref_slice %arg7[%dma_wait3A_1636] : memref<2x!tpu.dma_semaphore, #tpu.memory_space<semaphore_mem>> -> memref<1x!tpu.dma_semaphore, #tpu.memory_space<semaphore_mem>>
    %dma_wait3A_1638 = tpu.memref_squeeze %dma_wait3A_1637 : memref<1x!tpu.dma_semaphore, #tpu.memory_space<semaphore_mem>> -> memref<!tpu.dma_semaphore, #tpu.memory_space<semaphore_mem>>
    %dma_wait3A_1639 = arith.constant 0 : i32
    %dma_wait3A_1640 = arith.constant 0 : i32
    %dma_wait3A_1641 = tpu.memref_slice %arg5[%dma_wait3A_1635, %dma_wait3A_1639, %dma_wait3A_1640] : memref<2x1024x1024xf32, #tpu.memory_space<vmem>> -> memref<1x1024x1024xf32, #tpu.memory_space<vmem>>
    %dma_wait3A_1642 = tpu.memref_squeeze %dma_wait3A_1641 : memref<1x1024x1024xf32, #tpu.memory_space<vmem>> -> memref<1024x1024xf32, #tpu.memory_space<vmem>>
    %dma_wait3A_1643 = arith.constant 6144 : i32
    %dma_wait3A_1644 = arith.constant 0 : i32
    %dma_wait3A_1645 = tpu.memref_slice %arg2[%dma_wait3A_1643, %dma_wait3A_1644] : memref<8192x1024xf32, #tpu.memory_space<any>> -> memref<1024x1024xf32, #tpu.memory_space<any>>
    tpu.wait_dma2 semaphore(%dma_wait3A_1638 : memref<!tpu.dma_semaphore, #tpu.memory_space<semaphore_mem>>) src(%dma_wait3A_1645 : memref<1024x1024xf32, #tpu.memory_space<any>>) dst(%dma_wait3A_1642 : memref<1024x1024xf32, #tpu.memory_space<vmem>>)
    %get3A_1646 = arith.constant 0 : index
    %get3A_1647 = arith.constant 0 : index
    %get3A_1648 = arith.constant 0 : index
    %get3A_1649 = vector.load %arg4[%get3A_1646, %get3A_1647, %get3A_1648] : memref<4x1024x1024xf32, #tpu.memory_space<vmem>>, vector<1x1024x1024xf32>
    %get3A_1650 = vector.shape_cast %get3A_1649 : vector<1x1024x1024xf32> to vector<1024x1024xf32>
    %get3A_1651 = arith.constant 0 : index
    %get3A_1652 = arith.constant 0 : index
    %get3A_1653 = arith.constant 0 : index
    %get3A_1654 = vector.load %arg5[%get3A_1651, %get3A_1652, %get3A_1653] : memref<2x1024x1024xf32, #tpu.memory_space<vmem>>, vector<1x1024x1024xf32>
    %get3A_1655 = vector.shape_cast %get3A_1654 : vector<1x1024x1024xf32> to vector<1024x1024xf32>
    %add3A_1656 = arith.addf %get3A_1650, %get3A_1655 : vector<1024x1024xf32>
    %swap3A_1657 = arith.constant 0 : index
    %swap3A_1658 = arith.constant 0 : index
    %swap3A_1659 = arith.constant 0 : index
    %swap3A_1660 = vector.load %arg4[%swap3A_1657, %swap3A_1658, %swap3A_1659] : memref<4x1024x1024xf32, #tpu.memory_space<vmem>>, vector<1x1024x1024xf32>
    %swap3A_1661 = vector.shape_cast %swap3A_1660 : vector<1x1024x1024xf32> to vector<1024x1024xf32>
    %swap3A_1662 = vector.shape_cast %add3A_1656 : vector<1024x1024xf32> to vector<1x1024x1024xf32>
    tpu.vector_store %arg4[%swap3A_1657, %swap3A_1658, %swap3A_1659], %swap3A_1662 {strides = array<i32>} : memref<4x1024x1024xf32, #tpu.memory_space<vmem>>, vector<1x1024x1024xf32>,
    %dma_start3A_1663 = arith.constant 0 : i32
    %dma_start3A_1664 = arith.constant 0 : i32
    %dma_start3A_1665 = tpu.memref_slice %arg8[%dma_start3A_1664] : memref<4x!tpu.dma_semaphore, #tpu.memory_space<semaphore_mem>> -> memref<1x!tpu.dma_semaphore, #tpu.memory_space<semaphore_mem>>
    %dma_start3A_1666 = tpu.memref_squeeze %dma_start3A_1665 : memref<1x!tpu.dma_semaphore, #tpu.memory_space<semaphore_mem>> -> memref<!tpu.dma_semaphore, #tpu.memory_space<semaphore_mem>>
    %dma_start3A_1667 = arith.constant 6144 : i32
    %dma_start3A_1668 = arith.constant 0 : i32
    %dma_start3A_1669 = tpu.memref_slice %arg3[%dma_start3A_1667, %dma_start3A_1668] : memref<32768x1024xf32, #tpu.memory_space<any>> -> memref<1024x1024xf32, #tpu.memory_space<any>>
    %dma_start3A_1670 = arith.constant 0 : i32
    %dma_start3A_1671 = arith.constant 0 : i32
    %dma_start3A_1672 = tpu.memref_slice %arg4[%dma_start3A_1663, %dma_start3A_1670, %dma_start3A_1671] : memref<4x1024x1024xf32, #tpu.memory_space<vmem>> -> memref<1x1024x1024xf32, #tpu.memory_space<vmem>>
    %dma_start3A_1673 = tpu.memref_squeeze %dma_start3A_1672 : memref<1x1024x1024xf32, #tpu.memory_space<vmem>> -> memref<1024x1024xf32, #tpu.memory_space<vmem>>
    tpu.enqueue_dma source(%dma_start3A_1673 : memref<1024x1024xf32, #tpu.memory_space<vmem>>) target(%dma_start3A_1669 : memref<1024x1024xf32, #tpu.memory_space<any>>) target_semaphore(%dma_start3A_1666 : memref<!tpu.dma_semaphore, #tpu.memory_space<semaphore_mem>>)
    %dma_wait3A_1674 = arith.constant 3 : i32
    %dma_wait3A_1675 = arith.constant 3 : i32
    %dma_wait3A_1676 = tpu.memref_slice %arg8[%dma_wait3A_1675] : memref<4x!tpu.dma_semaphore, #tpu.memory_space<semaphore_mem>> -> memref<1x!tpu.dma_semaphore, #tpu.memory_space<semaphore_mem>>
    %dma_wait3A_1677 = tpu.memref_squeeze %dma_wait3A_1676 : memref<1x!tpu.dma_semaphore, #tpu.memory_space<semaphore_mem>> -> memref<!tpu.dma_semaphore, #tpu.memory_space<semaphore_mem>>
    %dma_wait3A_1678 = arith.constant 29696 : i32
    %dma_wait3A_1679 = arith.constant 0 : i32
    %dma_wait3A_1680 = tpu.memref_slice %arg3[%dma_wait3A_1678, %dma_wait3A_1679] : memref<32768x1024xf32, #tpu.memory_space<any>> -> memref<1024x1024xf32, #tpu.memory_space<any>>
    %dma_wait3A_1681 = arith.constant 0 : i32
    %dma_wait3A_1682 = arith.constant 0 : i32
    %dma_wait3A_1683 = tpu.memref_slice %arg4[%dma_wait3A_1674, %dma_wait3A_1681, %dma_wait3A_1682] : memref<4x1024x1024xf32, #tpu.memory_space<vmem>> -> memref<1x1024x1024xf32, #tpu.memory_space<vmem>>
    %dma_wait3A_1684 = tpu.memref_squeeze %dma_wait3A_1683 : memref<1x1024x1024xf32, #tpu.memory_space<vmem>> -> memref<1024x1024xf32, #tpu.memory_space<vmem>>
    tpu.wait_dma2 semaphore(%dma_wait3A_1677 : memref<!tpu.dma_semaphore, #tpu.memory_space<semaphore_mem>>) src(%dma_wait3A_1684 : memref<1024x1024xf32, #tpu.memory_space<vmem>>) dst(%dma_wait3A_1680 : memref<1024x1024xf32, #tpu.memory_space<any>>)
    %dma_start3A_1685 = arith.constant 3 : i32
    %dma_start3A_1686 = arith.constant 3 : i32
    %dma_start3A_1687 = tpu.memref_slice %arg6[%dma_start3A_1686] : memref<4x!tpu.dma_semaphore, #tpu.memory_space<semaphore_mem>> -> memref<1x!tpu.dma_semaphore, #tpu.memory_space<semaphore_mem>>
    %dma_start3A_1688 = tpu.memref_squeeze %dma_start3A_1687 : memref<1x!tpu.dma_semaphore, #tpu.memory_space<semaphore_mem>> -> memref<!tpu.dma_semaphore, #tpu.memory_space<semaphore_mem>>
    %dma_start3A_1689 = arith.constant 0 : i32
    %dma_start3A_1690 = arith.constant 0 : i32
    %dma_start3A_1691 = tpu.memref_slice %arg4[%dma_start3A_1685, %dma_start3A_1689, %dma_start3A_1690] : memref<4x1024x1024xf32, #tpu.memory_space<vmem>> -> memref<1x1024x1024xf32, #tpu.memory_space<vmem>>
    %dma_start3A_1692 = tpu.memref_squeeze %dma_start3A_1691 : memref<1x1024x1024xf32, #tpu.memory_space<vmem>> -> memref<1024x1024xf32, #tpu.memory_space<vmem>>
    %dma_start3A_1693 = arith.constant 30720 : i32
    %dma_start3A_1694 = arith.constant 0 : i32
    %dma_start3A_1695 = tpu.memref_slice %arg1[%dma_start3A_1693, %dma_start3A_1694] : memref<32768x1024xf32, #tpu.memory_space<any>> -> memref<1024x1024xf32, #tpu.memory_space<any>>
    tpu.enqueue_dma source(%dma_start3A_1695 : memref<1024x1024xf32, #tpu.memory_space<any>>) target(%dma_start3A_1692 : memref<1024x1024xf32, #tpu.memory_space<vmem>>) target_semaphore(%dma_start3A_1688 : memref<!tpu.dma_semaphore, #tpu.memory_space<semaphore_mem>>)
    %dma_wait3A_1696 = arith.constant 1 : i32
    %dma_wait3A_1697 = arith.constant 1 : i32
    %dma_wait3A_1698 = tpu.memref_slice %arg6[%dma_wait3A_1697] : memref<4x!tpu.dma_semaphore, #tpu.memory_space<semaphore_mem>> -> memref<1x!tpu.dma_semaphore, #tpu.memory_space<semaphore_mem>>
    %dma_wait3A_1699 = tpu.memref_squeeze %dma_wait3A_1698 : memref<1x!tpu.dma_semaphore, #tpu.memory_space<semaphore_mem>> -> memref<!tpu.dma_semaphore, #tpu.memory_space<semaphore_mem>>
    %dma_wait3A_1700 = arith.constant 0 : i32
    %dma_wait3A_1701 = arith.constant 0 : i32
    %dma_wait3A_1702 = tpu.memref_slice %arg4[%dma_wait3A_1696, %dma_wait3A_1700, %dma_wait3A_1701] : memref<4x1024x1024xf32, #tpu.memory_space<vmem>> -> memref<1x1024x1024xf32, #tpu.memory_space<vmem>>
    %dma_wait3A_1703 = tpu.memref_squeeze %dma_wait3A_1702 : memref<1x1024x1024xf32, #tpu.memory_space<vmem>> -> memref<1024x1024xf32, #tpu.memory_space<vmem>>
    %dma_wait3A_1704 = arith.constant 14336 : i32
    %dma_wait3A_1705 = arith.constant 0 : i32
    %dma_wait3A_1706 = tpu.memref_slice %arg1[%dma_wait3A_1704, %dma_wait3A_1705] : memref<32768x1024xf32, #tpu.memory_space<any>> -> memref<1024x1024xf32, #tpu.memory_space<any>>
    tpu.wait_dma2 semaphore(%dma_wait3A_1699 : memref<!tpu.dma_semaphore, #tpu.memory_space<semaphore_mem>>) src(%dma_wait3A_1706 : memref<1024x1024xf32, #tpu.memory_space<any>>) dst(%dma_wait3A_1703 : memref<1024x1024xf32, #tpu.memory_space<vmem>>)
    %get3A_1707 = arith.constant 1 : index
    %get3A_1708 = arith.constant 0 : index
    %get3A_1709 = arith.constant 0 : index
    %get3A_1710 = vector.load %arg4[%get3A_1707, %get3A_1708, %get3A_1709] : memref<4x1024x1024xf32, #tpu.memory_space<vmem>>, vector<1x1024x1024xf32>
    %get3A_1711 = vector.shape_cast %get3A_1710 : vector<1x1024x1024xf32> to vector<1024x1024xf32>
    %get3A_1712 = arith.constant 0 : index
    %get3A_1713 = arith.constant 0 : index
    %get3A_1714 = arith.constant 0 : index
    %get3A_1715 = vector.load %arg5[%get3A_1712, %get3A_1713, %get3A_1714] : memref<2x1024x1024xf32, #tpu.memory_space<vmem>>, vector<1x1024x1024xf32>
    %get3A_1716 = vector.shape_cast %get3A_1715 : vector<1x1024x1024xf32> to vector<1024x1024xf32>
    %add3A_1717 = arith.addf %get3A_1711, %get3A_1716 : vector<1024x1024xf32>
    %swap3A_1718 = arith.constant 1 : index
    %swap3A_1719 = arith.constant 0 : index
    %swap3A_1720 = arith.constant 0 : index
    %swap3A_1721 = vector.load %arg4[%swap3A_1718, %swap3A_1719, %swap3A_1720] : memref<4x1024x1024xf32, #tpu.memory_space<vmem>>, vector<1x1024x1024xf32>
    %swap3A_1722 = vector.shape_cast %swap3A_1721 : vector<1x1024x1024xf32> to vector<1024x1024xf32>
    %swap3A_1723 = vector.shape_cast %add3A_1717 : vector<1024x1024xf32> to vector<1x1024x1024xf32>
    tpu.vector_store %arg4[%swap3A_1718, %swap3A_1719, %swap3A_1720], %swap3A_1723 {strides = array<i32>} : memref<4x1024x1024xf32, #tpu.memory_space<vmem>>, vector<1x1024x1024xf32>,
    %dma_start3A_1724 = arith.constant 1 : i32
    %dma_start3A_1725 = arith.constant 1 : i32
    %dma_start3A_1726 = tpu.memref_slice %arg8[%dma_start3A_1725] : memref<4x!tpu.dma_semaphore, #tpu.memory_space<semaphore_mem>> -> memref<1x!tpu.dma_semaphore, #tpu.memory_space<semaphore_mem>>
    %dma_start3A_1727 = tpu.memref_squeeze %dma_start3A_1726 : memref<1x!tpu.dma_semaphore, #tpu.memory_space<semaphore_mem>> -> memref<!tpu.dma_semaphore, #tpu.memory_space<semaphore_mem>>
    %dma_start3A_1728 = arith.constant 14336 : i32
    %dma_start3A_1729 = arith.constant 0 : i32
    %dma_start3A_1730 = tpu.memref_slice %arg3[%dma_start3A_1728, %dma_start3A_1729] : memref<32768x1024xf32, #tpu.memory_space<any>> -> memref<1024x1024xf32, #tpu.memory_space<any>>
    %dma_start3A_1731 = arith.constant 0 : i32
    %dma_start3A_1732 = arith.constant 0 : i32
    %dma_start3A_1733 = tpu.memref_slice %arg4[%dma_start3A_1724, %dma_start3A_1731, %dma_start3A_1732] : memref<4x1024x1024xf32, #tpu.memory_space<vmem>> -> memref<1x1024x1024xf32, #tpu.memory_space<vmem>>
    %dma_start3A_1734 = tpu.memref_squeeze %dma_start3A_1733 : memref<1x1024x1024xf32, #tpu.memory_space<vmem>> -> memref<1024x1024xf32, #tpu.memory_space<vmem>>
    tpu.enqueue_dma source(%dma_start3A_1734 : memref<1024x1024xf32, #tpu.memory_space<vmem>>) target(%dma_start3A_1730 : memref<1024x1024xf32, #tpu.memory_space<any>>) target_semaphore(%dma_start3A_1727 : memref<!tpu.dma_semaphore, #tpu.memory_space<semaphore_mem>>)
    %dma_wait3A_1735 = arith.constant 0 : i32
    %dma_wait3A_1736 = arith.constant 0 : i32
    %dma_wait3A_1737 = tpu.memref_slice %arg8[%dma_wait3A_1736] : memref<4x!tpu.dma_semaphore, #tpu.memory_space<semaphore_mem>> -> memref<1x!tpu.dma_semaphore, #tpu.memory_space<semaphore_mem>>
    %dma_wait3A_1738 = tpu.memref_squeeze %dma_wait3A_1737 : memref<1x!tpu.dma_semaphore, #tpu.memory_space<semaphore_mem>> -> memref<!tpu.dma_semaphore, #tpu.memory_space<semaphore_mem>>
    %dma_wait3A_1739 = arith.constant 6144 : i32
    %dma_wait3A_1740 = arith.constant 0 : i32
    %dma_wait3A_1741 = tpu.memref_slice %arg3[%dma_wait3A_1739, %dma_wait3A_1740] : memref<32768x1024xf32, #tpu.memory_space<any>> -> memref<1024x1024xf32, #tpu.memory_space<any>>
    %dma_wait3A_1742 = arith.constant 0 : i32
    %dma_wait3A_1743 = arith.constant 0 : i32
    %dma_wait3A_1744 = tpu.memref_slice %arg4[%dma_wait3A_1735, %dma_wait3A_1742, %dma_wait3A_1743] : memref<4x1024x1024xf32, #tpu.memory_space<vmem>> -> memref<1x1024x1024xf32, #tpu.memory_space<vmem>>
    %dma_wait3A_1745 = tpu.memref_squeeze %dma_wait3A_1744 : memref<1x1024x1024xf32, #tpu.memory_space<vmem>> -> memref<1024x1024xf32, #tpu.memory_space<vmem>>
    tpu.wait_dma2 semaphore(%dma_wait3A_1738 : memref<!tpu.dma_semaphore, #tpu.memory_space<semaphore_mem>>) src(%dma_wait3A_1745 : memref<1024x1024xf32, #tpu.memory_space<vmem>>) dst(%dma_wait3A_1741 : memref<1024x1024xf32, #tpu.memory_space<any>>)
    %dma_wait3A_1746 = arith.constant 2 : i32
    %dma_wait3A_1747 = arith.constant 2 : i32
    %dma_wait3A_1748 = tpu.memref_slice %arg6[%dma_wait3A_1747] : memref<4x!tpu.dma_semaphore, #tpu.memory_space<semaphore_mem>> -> memref<1x!tpu.dma_semaphore, #tpu.memory_space<semaphore_mem>>
    %dma_wait3A_1749 = tpu.memref_squeeze %dma_wait3A_1748 : memref<1x!tpu.dma_semaphore, #tpu.memory_space<semaphore_mem>> -> memref<!tpu.dma_semaphore, #tpu.memory_space<semaphore_mem>>
    %dma_wait3A_1750 = arith.constant 0 : i32
    %dma_wait3A_1751 = arith.constant 0 : i32
    %dma_wait3A_1752 = tpu.memref_slice %arg4[%dma_wait3A_1746, %dma_wait3A_1750, %dma_wait3A_1751] : memref<4x1024x1024xf32, #tpu.memory_space<vmem>> -> memref<1x1024x1024xf32, #tpu.memory_space<vmem>>
    %dma_wait3A_1753 = tpu.memref_squeeze %dma_wait3A_1752 : memref<1x1024x1024xf32, #tpu.memory_space<vmem>> -> memref<1024x1024xf32, #tpu.memory_space<vmem>>
    %dma_wait3A_1754 = arith.constant 22528 : i32
    %dma_wait3A_1755 = arith.constant 0 : i32
    %dma_wait3A_1756 = tpu.memref_slice %arg1[%dma_wait3A_1754, %dma_wait3A_1755] : memref<32768x1024xf32, #tpu.memory_space<any>> -> memref<1024x1024xf32, #tpu.memory_space<any>>
    tpu.wait_dma2 semaphore(%dma_wait3A_1749 : memref<!tpu.dma_semaphore, #tpu.memory_space<semaphore_mem>>) src(%dma_wait3A_1756 : memref<1024x1024xf32, #tpu.memory_space<any>>) dst(%dma_wait3A_1753 : memref<1024x1024xf32, #tpu.memory_space<vmem>>)
    %get3A_1757 = arith.constant 2 : index
    %get3A_1758 = arith.constant 0 : index
    %get3A_1759 = arith.constant 0 : index
    %get3A_1760 = vector.load %arg4[%get3A_1757, %get3A_1758, %get3A_1759] : memref<4x1024x1024xf32, #tpu.memory_space<vmem>>, vector<1x1024x1024xf32>
    %get3A_1761 = vector.shape_cast %get3A_1760 : vector<1x1024x1024xf32> to vector<1024x1024xf32>
    %get3A_1762 = arith.constant 0 : index
    %get3A_1763 = arith.constant 0 : index
    %get3A_1764 = arith.constant 0 : index
    %get3A_1765 = vector.load %arg5[%get3A_1762, %get3A_1763, %get3A_1764] : memref<2x1024x1024xf32, #tpu.memory_space<vmem>>, vector<1x1024x1024xf32>
    %get3A_1766 = vector.shape_cast %get3A_1765 : vector<1x1024x1024xf32> to vector<1024x1024xf32>
    %add3A_1767 = arith.addf %get3A_1761, %get3A_1766 : vector<1024x1024xf32>
    %swap3A_1768 = arith.constant 2 : index
    %swap3A_1769 = arith.constant 0 : index
    %swap3A_1770 = arith.constant 0 : index
    %swap3A_1771 = vector.load %arg4[%swap3A_1768, %swap3A_1769, %swap3A_1770] : memref<4x1024x1024xf32, #tpu.memory_space<vmem>>, vector<1x1024x1024xf32>
    %swap3A_1772 = vector.shape_cast %swap3A_1771 : vector<1x1024x1024xf32> to vector<1024x1024xf32>
    %swap3A_1773 = vector.shape_cast %add3A_1767 : vector<1024x1024xf32> to vector<1x1024x1024xf32>
    tpu.vector_store %arg4[%swap3A_1768, %swap3A_1769, %swap3A_1770], %swap3A_1773 {strides = array<i32>} : memref<4x1024x1024xf32, #tpu.memory_space<vmem>>, vector<1x1024x1024xf32>,
    %dma_start3A_1774 = arith.constant 2 : i32
    %dma_start3A_1775 = arith.constant 2 : i32
    %dma_start3A_1776 = tpu.memref_slice %arg8[%dma_start3A_1775] : memref<4x!tpu.dma_semaphore, #tpu.memory_space<semaphore_mem>> -> memref<1x!tpu.dma_semaphore, #tpu.memory_space<semaphore_mem>>
    %dma_start3A_1777 = tpu.memref_squeeze %dma_start3A_1776 : memref<1x!tpu.dma_semaphore, #tpu.memory_space<semaphore_mem>> -> memref<!tpu.dma_semaphore, #tpu.memory_space<semaphore_mem>>
    %dma_start3A_1778 = arith.constant 22528 : i32
    %dma_start3A_1779 = arith.constant 0 : i32
    %dma_start3A_1780 = tpu.memref_slice %arg3[%dma_start3A_1778, %dma_start3A_1779] : memref<32768x1024xf32, #tpu.memory_space<any>> -> memref<1024x1024xf32, #tpu.memory_space<any>>
    %dma_start3A_1781 = arith.constant 0 : i32
    %dma_start3A_1782 = arith.constant 0 : i32
    %dma_start3A_1783 = tpu.memref_slice %arg4[%dma_start3A_1774, %dma_start3A_1781, %dma_start3A_1782] : memref<4x1024x1024xf32, #tpu.memory_space<vmem>> -> memref<1x1024x1024xf32, #tpu.memory_space<vmem>>
    %dma_start3A_1784 = tpu.memref_squeeze %dma_start3A_1783 : memref<1x1024x1024xf32, #tpu.memory_space<vmem>> -> memref<1024x1024xf32, #tpu.memory_space<vmem>>
    tpu.enqueue_dma source(%dma_start3A_1784 : memref<1024x1024xf32, #tpu.memory_space<vmem>>) target(%dma_start3A_1780 : memref<1024x1024xf32, #tpu.memory_space<any>>) target_semaphore(%dma_start3A_1777 : memref<!tpu.dma_semaphore, #tpu.memory_space<semaphore_mem>>)
    %dma_wait3A_1785 = arith.constant 1 : i32
    %dma_wait3A_1786 = arith.constant 1 : i32
    %dma_wait3A_1787 = tpu.memref_slice %arg8[%dma_wait3A_1786] : memref<4x!tpu.dma_semaphore, #tpu.memory_space<semaphore_mem>> -> memref<1x!tpu.dma_semaphore, #tpu.memory_space<semaphore_mem>>
    %dma_wait3A_1788 = tpu.memref_squeeze %dma_wait3A_1787 : memref<1x!tpu.dma_semaphore, #tpu.memory_space<semaphore_mem>> -> memref<!tpu.dma_semaphore, #tpu.memory_space<semaphore_mem>>
    %dma_wait3A_1789 = arith.constant 14336 : i32
    %dma_wait3A_1790 = arith.constant 0 : i32
    %dma_wait3A_1791 = tpu.memref_slice %arg3[%dma_wait3A_1789, %dma_wait3A_1790] : memref<32768x1024xf32, #tpu.memory_space<any>> -> memref<1024x1024xf32, #tpu.memory_space<any>>
    %dma_wait3A_1792 = arith.constant 0 : i32
    %dma_wait3A_1793 = arith.constant 0 : i32
    %dma_wait3A_1794 = tpu.memref_slice %arg4[%dma_wait3A_1785, %dma_wait3A_1792, %dma_wait3A_1793] : memref<4x1024x1024xf32, #tpu.memory_space<vmem>> -> memref<1x1024x1024xf32, #tpu.memory_space<vmem>>
    %dma_wait3A_1795 = tpu.memref_squeeze %dma_wait3A_1794 : memref<1x1024x1024xf32, #tpu.memory_space<vmem>> -> memref<1024x1024xf32, #tpu.memory_space<vmem>>
    tpu.wait_dma2 semaphore(%dma_wait3A_1788 : memref<!tpu.dma_semaphore, #tpu.memory_space<semaphore_mem>>) src(%dma_wait3A_1795 : memref<1024x1024xf32, #tpu.memory_space<vmem>>) dst(%dma_wait3A_1791 : memref<1024x1024xf32, #tpu.memory_space<any>>)
    %dma_wait3A_1796 = arith.constant 3 : i32
    %dma_wait3A_1797 = arith.constant 3 : i32
    %dma_wait3A_1798 = tpu.memref_slice %arg6[%dma_wait3A_1797] : memref<4x!tpu.dma_semaphore, #tpu.memory_space<semaphore_mem>> -> memref<1x!tpu.dma_semaphore, #tpu.memory_space<semaphore_mem>>
    %dma_wait3A_1799 = tpu.memref_squeeze %dma_wait3A_1798 : memref<1x!tpu.dma_semaphore, #tpu.memory_space<semaphore_mem>> -> memref<!tpu.dma_semaphore, #tpu.memory_space<semaphore_mem>>
    %dma_wait3A_1800 = arith.constant 0 : i32
    %dma_wait3A_1801 = arith.constant 0 : i32
    %dma_wait3A_1802 = tpu.memref_slice %arg4[%dma_wait3A_1796, %dma_wait3A_1800, %dma_wait3A_1801] : memref<4x1024x1024xf32, #tpu.memory_space<vmem>> -> memref<1x1024x1024xf32, #tpu.memory_space<vmem>>
    %dma_wait3A_1803 = tpu.memref_squeeze %dma_wait3A_1802 : memref<1x1024x1024xf32, #tpu.memory_space<vmem>> -> memref<1024x1024xf32, #tpu.memory_space<vmem>>
    %dma_wait3A_1804 = arith.constant 30720 : i32
    %dma_wait3A_1805 = arith.constant 0 : i32
    %dma_wait3A_1806 = tpu.memref_slice %arg1[%dma_wait3A_1804, %dma_wait3A_1805] : memref<32768x1024xf32, #tpu.memory_space<any>> -> memref<1024x1024xf32, #tpu.memory_space<any>>
    tpu.wait_dma2 semaphore(%dma_wait3A_1799 : memref<!tpu.dma_semaphore, #tpu.memory_space<semaphore_mem>>) src(%dma_wait3A_1806 : memref<1024x1024xf32, #tpu.memory_space<any>>) dst(%dma_wait3A_1803 : memref<1024x1024xf32, #tpu.memory_space<vmem>>)
    %get3A_1807 = arith.constant 3 : index
    %get3A_1808 = arith.constant 0 : index
    %get3A_1809 = arith.constant 0 : index
    %get3A_1810 = vector.load %arg4[%get3A_1807, %get3A_1808, %get3A_1809] : memref<4x1024x1024xf32, #tpu.memory_space<vmem>>, vector<1x1024x1024xf32>
    %get3A_1811 = vector.shape_cast %get3A_1810 : vector<1x1024x1024xf32> to vector<1024x1024xf32>
    %get3A_1812 = arith.constant 0 : index
    %get3A_1813 = arith.constant 0 : index
    %get3A_1814 = arith.constant 0 : index
    %get3A_1815 = vector.load %arg5[%get3A_1812, %get3A_1813, %get3A_1814] : memref<2x1024x1024xf32, #tpu.memory_space<vmem>>, vector<1x1024x1024xf32>
    %get3A_1816 = vector.shape_cast %get3A_1815 : vector<1x1024x1024xf32> to vector<1024x1024xf32>
    %add3A_1817 = arith.addf %get3A_1811, %get3A_1816 : vector<1024x1024xf32>
    %swap3A_1818 = arith.constant 3 : index
    %swap3A_1819 = arith.constant 0 : index
    %swap3A_1820 = arith.constant 0 : index
    %swap3A_1821 = vector.load %arg4[%swap3A_1818, %swap3A_1819, %swap3A_1820] : memref<4x1024x1024xf32, #tpu.memory_space<vmem>>, vector<1x1024x1024xf32>
    %swap3A_1822 = vector.shape_cast %swap3A_1821 : vector<1x1024x1024xf32> to vector<1024x1024xf32>
    %swap3A_1823 = vector.shape_cast %add3A_1817 : vector<1024x1024xf32> to vector<1x1024x1024xf32>
    tpu.vector_store %arg4[%swap3A_1818, %swap3A_1819, %swap3A_1820], %swap3A_1823 {strides = array<i32>} : memref<4x1024x1024xf32, #tpu.memory_space<vmem>>, vector<1x1024x1024xf32>,
    %dma_start3A_1824 = arith.constant 3 : i32
    %dma_start3A_1825 = arith.constant 3 : i32
    %dma_start3A_1826 = tpu.memref_slice %arg8[%dma_start3A_1825] : memref<4x!tpu.dma_semaphore, #tpu.memory_space<semaphore_mem>> -> memref<1x!tpu.dma_semaphore, #tpu.memory_space<semaphore_mem>>
    %dma_start3A_1827 = tpu.memref_squeeze %dma_start3A_1826 : memref<1x!tpu.dma_semaphore, #tpu.memory_space<semaphore_mem>> -> memref<!tpu.dma_semaphore, #tpu.memory_space<semaphore_mem>>
    %dma_start3A_1828 = arith.constant 30720 : i32
    %dma_start3A_1829 = arith.constant 0 : i32
    %dma_start3A_1830 = tpu.memref_slice %arg3[%dma_start3A_1828, %dma_start3A_1829] : memref<32768x1024xf32, #tpu.memory_space<any>> -> memref<1024x1024xf32, #tpu.memory_space<any>>
    %dma_start3A_1831 = arith.constant 0 : i32
    %dma_start3A_1832 = arith.constant 0 : i32
    %dma_start3A_1833 = tpu.memref_slice %arg4[%dma_start3A_1824, %dma_start3A_1831, %dma_start3A_1832] : memref<4x1024x1024xf32, #tpu.memory_space<vmem>> -> memref<1x1024x1024xf32, #tpu.memory_space<vmem>>
    %dma_start3A_1834 = tpu.memref_squeeze %dma_start3A_1833 : memref<1x1024x1024xf32, #tpu.memory_space<vmem>> -> memref<1024x1024xf32, #tpu.memory_space<vmem>>
    tpu.enqueue_dma source(%dma_start3A_1834 : memref<1024x1024xf32, #tpu.memory_space<vmem>>) target(%dma_start3A_1830 : memref<1024x1024xf32, #tpu.memory_space<any>>) target_semaphore(%dma_start3A_1827 : memref<!tpu.dma_semaphore, #tpu.memory_space<semaphore_mem>>)
    %dma_wait3A_1835 = arith.constant 2 : i32
    %dma_wait3A_1836 = arith.constant 2 : i32
    %dma_wait3A_1837 = tpu.memref_slice %arg8[%dma_wait3A_1836] : memref<4x!tpu.dma_semaphore, #tpu.memory_space<semaphore_mem>> -> memref<1x!tpu.dma_semaphore, #tpu.memory_space<semaphore_mem>>
    %dma_wait3A_1838 = tpu.memref_squeeze %dma_wait3A_1837 : memref<1x!tpu.dma_semaphore, #tpu.memory_space<semaphore_mem>> -> memref<!tpu.dma_semaphore, #tpu.memory_space<semaphore_mem>>
    %dma_wait3A_1839 = arith.constant 22528 : i32
    %dma_wait3A_1840 = arith.constant 0 : i32
    %dma_wait3A_1841 = tpu.memref_slice %arg3[%dma_wait3A_1839, %dma_wait3A_1840] : memref<32768x1024xf32, #tpu.memory_space<any>> -> memref<1024x1024xf32, #tpu.memory_space<any>>
    %dma_wait3A_1842 = arith.constant 0 : i32
    %dma_wait3A_1843 = arith.constant 0 : i32
    %dma_wait3A_1844 = tpu.memref_slice %arg4[%dma_wait3A_1835, %dma_wait3A_1842, %dma_wait3A_1843] : memref<4x1024x1024xf32, #tpu.memory_space<vmem>> -> memref<1x1024x1024xf32, #tpu.memory_space<vmem>>
    %dma_wait3A_1845 = tpu.memref_squeeze %dma_wait3A_1844 : memref<1x1024x1024xf32, #tpu.memory_space<vmem>> -> memref<1024x1024xf32, #tpu.memory_space<vmem>>
    tpu.wait_dma2 semaphore(%dma_wait3A_1838 : memref<!tpu.dma_semaphore, #tpu.memory_space<semaphore_mem>>) src(%dma_wait3A_1845 : memref<1024x1024xf32, #tpu.memory_space<vmem>>) dst(%dma_wait3A_1841 : memref<1024x1024xf32, #tpu.memory_space<any>>)
    %dma_wait3A_1846 = arith.constant 3 : i32
    %dma_wait3A_1847 = arith.constant 3 : i32
    %dma_wait3A_1848 = tpu.memref_slice %arg8[%dma_wait3A_1847] : memref<4x!tpu.dma_semaphore, #tpu.memory_space<semaphore_mem>> -> memref<1x!tpu.dma_semaphore, #tpu.memory_space<semaphore_mem>>
    %dma_wait3A_1849 = tpu.memref_squeeze %dma_wait3A_1848 : memref<1x!tpu.dma_semaphore, #tpu.memory_space<semaphore_mem>> -> memref<!tpu.dma_semaphore, #tpu.memory_space<semaphore_mem>>
    %dma_wait3A_1850 = arith.constant 30720 : i32
    %dma_wait3A_1851 = arith.constant 0 : i32
    %dma_wait3A_1852 = tpu.memref_slice %arg3[%dma_wait3A_1850, %dma_wait3A_1851] : memref<32768x1024xf32, #tpu.memory_space<any>> -> memref<1024x1024xf32, #tpu.memory_space<any>>
    %dma_wait3A_1853 = arith.constant 0 : i32
    %dma_wait3A_1854 = arith.constant 0 : i32
    %dma_wait3A_1855 = tpu.memref_slice %arg4[%dma_wait3A_1846, %dma_wait3A_1853, %dma_wait3A_1854] : memref<4x1024x1024xf32, #tpu.memory_space<vmem>> -> memref<1x1024x1024xf32, #tpu.memory_space<vmem>>
    %dma_wait3A_1856 = tpu.memref_squeeze %dma_wait3A_1855 : memref<1x1024x1024xf32, #tpu.memory_space<vmem>> -> memref<1024x1024xf32, #tpu.memory_space<vmem>>
    tpu.wait_dma2 semaphore(%dma_wait3A_1849 : memref<!tpu.dma_semaphore, #tpu.memory_space<semaphore_mem>>) src(%dma_wait3A_1856 : memref<1024x1024xf32, #tpu.memory_space<vmem>>) dst(%dma_wait3A_1852 : memref<1024x1024xf32, #tpu.memory_space<any>>)
    return
  }
}

</mosaic_0001>

<sc_bundles>
// kernel: kernel.4.cloned.1.call-start
scs
__scs_entry_jumppad:
0x0: {  	(pc) =	sbr.rel $0x88, $3  }
0x1: {  	(tag) =	ssettag $0x0;
	lr =	simm.s32 $0x1  }
0x2: {  	[smem:$0x3F9F] =	sst lr;
	_ =	strace $0xD0000000  }
0x3: {  	_ = 	snop  }
0x4: {  	_ = 	snop  }
0x5: {  	_ = 	snop  }
0x6: {  	_ = 	snop  }
0x7: {  	_ = 	snop  }
__scs_overlays_trampoline_lowered:
0x8: {  	[smem:$0x3FAE] =	sst s0  }
0x9: {  	[smem:$0x3FAF] =	sst s1  }
0xa: {  	[smem:$0x3FB0] =	sst s2  }
0xb: {  	[smem:$0x3FB1] =	sst s3  }
0xc: {  	[smem:$0x3FB2] =	sst s4  }
0xd: {  	[smem:$0x3FB3] =	sst s5  }
0xe: {  	[smem:$0x3FB4] =	sst s6  }
0xf: {  	[smem:$0x3FB5] =	sst s7  }
0x10: {  	[smem:$0x3FB6] =	sst s8  }
0x11: {  	[smem:$0x3FB7] =	sst s9;
	s0 =	simm.s32 @!p0 $0x0  }
0x12: {  	s1 =	sld [smem:$0x3F9D];
	s0 =	simm.s32 @p0 $0x1  }
0x13: {  	[smem:$0x3FB8] =	sst s0;
	s0 =	simm.s32 @!p1 $0x0  }
0x14: {  	s2 =	sld [smem:$0x3F9C];
	s0 =	simm.s32 @p1 $0x1  }
0x15: {  	[smem:$0x3FB9] =	sst s0;
	s0 =	simm.s32 @!p2 $0x0  }
0x16: {  	s3 =	sld [smem:$0x3FDB];
	s0 =	simm.s32 @p2 $0x1  }
0x17: {  	s4 =	simm.s32 $0x1BF5;
	[smem:$0x3FBB] =	sst s0  }
0x18: {  	s0 =	sld [smem:$0x3F9E];
	_ =	swait.ge [sflag:s4], $0x0  }
0x19: {  	s7 =	sld [smem:$0x3F9F]  }
0x1a: {  	s8 =	sadd.s32 $0xFFFFE003, lr  }
0x1b: {  	s9 =	sadd.s32 $0xFFFFFEF7, lr;
	s5 =	simm.s32 $0xFFFFFFFF;
	p2 =	slt.u32 s8, $0xFFFFF086  }
0x1c: {  	p1 =	slt.u32 s9, $0xF7A;
	s5 =	simm.s32 @!p2 $0x0  }
0x1d: {  	s5 =	simm.s32 @p1 $0x1;
	p0 =	seq.s32 s7, s2  }
0x1e: {  	s7 =	smul.u32 @!p0 $0xF7A, s2;
	p2 =	seq.s32 @!p0 s5, $0x0  }
0x1f: {  	s9 =	smul.u32 $0xF7A, s1;
	s8 =	simm.s32 @!p0 $0x1BF5;
	p2 =	por !p2, p0  }
0x20: {  	[sflag:s8] =	ssyncset.s32 @!p0 $0xFFFFF086;
	s6 =	sadd.s32 @!p0 s3, s7;
	s7 =	simm.s32 @!p0 $0x108  }
0x21: {  	s3 =	sadd.s32 s3, s9;
	s6 =	sadd.s32 @!p0 $0x88, s6;
	s7 =	simm.s32 @p2 $0x1082  }
0x22: {  	[simem:s7], [sflag:s8] =	dma.local @!p0 [hbm:s6], $0xF7A  }
0x23: {  	s9 =	sor.u32 $0xD0000000, s2;
	s6 =	simm.s32 $0x108;
	_ =	swait.ge @!p0 [sflag:s8], $0x0  }
0x24: {  	s3 =	sadd.s32 $0x88, s3;
	s6 =	simm.s32 @!p1 $0x1082;
	[sflag:s4] =	ssyncset.s32 $0xFFFFF086  }
0x25: {  	[simem:s6], [sflag:s4] =	dma.local [hbm:s3], $0xF7A  }
0x26: {  	[smem:$0x3F9F] =	sst s1;
	(tag) =	ssettag s2;
	_ =	strace s9  }
0x27: {  	s1 =	sld [smem:$0x3FAF]  }
0x28: {  	s2 =	sld [smem:$0x3FB0]  }
0x29: {  	s4 =	sld [smem:$0x3FB2]  }
0x2a: {  	p0 =	seq.s32 s5, $0x0;
	s5 =	sld [smem:$0x3FB3]  }
0x2b: {  	s6 =	sld [smem:$0x3FB4]  }
0x2c: {  	s7 =	sld [smem:$0x3FB5]  }
0x2d: {  	s3 =	simm.s32 $0x108;
	s8 =	sld [smem:$0x3FB6]  }
0x2e: {  	s3 =	simm.s32 @!p0 $0x1082;
	s9 =	sld [smem:$0x3FB7]  }
0x2f: {  	lr =	sadd.s32 s0, s3;
	s0 =	sld [smem:$0x3FAE]  }
0x30: {  	s3 =	sld [smem:$0x3FB1]  }
0x31: {  	[smem:$0x3FBA] =	sst s10  }
0x32: {  	s10 =	sld [smem:$0x3FB8];
	_ =	sdelay $0x3  }
0x33: {  	p0 =	seq.s32 s10, $0x1;
	s10 =	sld [smem:$0x3FBA];
	_ =	sdelay $0x3  }
0x34: {  	[smem:$0x3FBA] =	sst s10  }
0x35: {  	s10 =	sld [smem:$0x3FB9];
	_ =	sdelay $0x3  }
0x36: {  	p1 =	seq.s32 s10, $0x1;
	s10 =	sld [smem:$0x3FBA];
	_ =	sdelay $0x3  }
0x37: {  	[smem:$0x3FBA] =	sst s10  }
0x38: {  	s10 =	sld [smem:$0x3FBB]  }
0x39: {  	_ = 	snop;
	(pc) =	sbr.ind lr, $3  }
0x3a: {  	_ = 	snop  }
0x3b: {  	_ = 	snop  }
0x3c: {  	p2 =	seq.s32 s10, $0x1;
	s10 =	sld [smem:$0x3FBA]  }
0x3d: {  	_ =	shalt  }
0x3e: {  	_ =	shalt  }
0x3f: {  	_ =	shalt  }
0x40: {  	_ =	shalt  }
0x41: {  	_ =	shalt  }
0x42: {  	_ =	shalt  }
0x43: {  	_ =	shalt  }
0x44: {  	_ =	shalt  }
0x45: {  	_ =	shalt  }
0x46: {  	_ =	shalt  }
0x47: {  	_ =	shalt  }
0x48: {  	_ =	shalt  }
0x49: {  	_ =	shalt  }
0x4a: {  	_ =	shalt  }
0x4b: {  	_ =	shalt  }
0x4c: {  	_ =	shalt  }
0x4d: {  	_ =	shalt  }
0x4e: {  	_ =	shalt  }
0x4f: {  	_ =	shalt  }
0x50: {  	_ =	shalt  }
0x51: {  	_ =	shalt  }
0x52: {  	_ =	shalt  }
0x53: {  	_ =	shalt  }
0x54: {  	_ =	shalt  }
0x55: {  	_ =	shalt  }
0x56: {  	_ =	shalt  }
0x57: {  	_ =	shalt  }
0x58: {  	_ =	shalt  }
0x59: {  	_ =	shalt  }
0x5a: {  	_ =	shalt  }
0x5b: {  	_ =	shalt  }
0x5c: {  	_ =	shalt  }
0x5d: {  	_ =	shalt  }
0x5e: {  	_ =	shalt  }
0x5f: {  	_ =	shalt  }
0x60: {  	_ =	shalt  }
0x61: {  	_ =	shalt  }
0x62: {  	_ =	shalt  }
0x63: {  	_ =	shalt  }
0x64: {  	_ =	shalt  }
0x65: {  	_ =	shalt  }
0x66: {  	_ =	shalt  }
0x67: {  	_ =	shalt  }
0x68: {  	_ =	shalt  }
0x69: {  	_ =	shalt  }
0x6a: {  	_ =	shalt  }
0x6b: {  	_ =	shalt  }
0x6c: {  	_ =	shalt  }
0x6d: {  	_ =	shalt  }
0x6e: {  	_ =	shalt  }
0x6f: {  	_ =	shalt  }
0x70: {  	_ =	shalt  }
0x71: {  	_ =	shalt  }
0x72: {  	_ =	shalt  }
0x73: {  	_ =	shalt  }
0x74: {  	_ =	shalt  }
0x75: {  	_ =	shalt  }
0x76: {  	_ =	shalt  }
0x77: {  	_ =	shalt  }
0x78: {  	_ =	shalt  }
0x79: {  	_ =	shalt  }
0x7a: {  	_ =	shalt  }
0x7b: {  	_ =	shalt  }
0x7c: {  	_ =	shalt  }
0x7d: {  	_ =	shalt  }
0x7e: {  	_ =	shalt  }
0x7f: {  	_ =	shalt  }
0x80: {  	_ =	shalt  }
0x81: {  	_ =	shalt  }
0x82: {  	_ =	shalt  }
0x83: {  	_ =	shalt  }
0x84: {  	_ =	shalt  }
0x85: {  	_ =	shalt  }
0x86: {  	_ =	shalt  }
0x87: {  	_ =	shalt  }
.Lfunc_end0:
.L_simem_size_0:
called_computation_lowered:
.L_overlay_start_0:
0x88: {  	s2 =	sld [smem:$0x3FD9]  }
0x89: {  	s3 =	sld [smem:$0x3FFE];
	_ =	sdelay $0x1  }
0x8a: {  	s1 =	srdreg.scid  }
0x8b: {  	s0 =	sand.u32 $0x1, s1  }
0x8c: {  	s18 =	sshll.u32 s0, $0xA;
	s2 =	sadd.s32 s3, s2  }
0x8d: {  	s2 =	sadd.s32 s2, s18  }
0x8e: {  	[smem:$0x3FC6] =	sst s2  }
0x8f: {  	_ = 	snop  }
0x90: {  	s2 =	sld [smem:$0x3FC9]  }
0x91: {  	s19 =	sld [smem:$0x3FC8]  }
0x92: {  	s4 =	sld [smem:$0x3FD0];
	(tm) =	ssettm $0x1  }
0x93: {  	s5 =	sld [smem:$0x3FFB];
	_ =	sdelay $0x3  }
0x94: {  	_ =	strace s5  }
0x95: {  	s5 =	sld [smem:$0x3FFC];
	_ =	sdelay $0x3  }
0x96: {  	_ =	strace s5  }
0x97: {  	s5 =	sld [smem:$0x3FFD];
	_ =	sdelay $0x3  }
0x98: {  	_ =	strace s5  }
0x99: {  	_ =	strace $0x8FFFFFFF  }
0x9a: {  	s20 =	sld [smem:$0x3FDB];
	_ =	sdelay $0x1  }
0x9b: {  	s6 =	simm.s32 $_scs_section_size  }
0x9c: {  	s7 =	simm.s32 $_size__tile_overlayer_lowered;
	s8 =	simm.s32 $_tile_overlayer_lowered  }
0x9d: {  	s23 =	simm.s32 $0x1BFF;
	s22 =	sshll.u32 s8, $0x1;
	s5 =	sadd.s32 s6, s20  }
0x9e: {  	s9 =	simm.s32 $0x0;
	s21 =	sshll.u32 s7, $0x1;
	s7 =	sadd.s32 s22, s5  }
0x9f: {  	[timem:s9], [sflag:s23] =	dma.local [hbm:s7], s21  }
0xa0: {  	_ =	swait.ge [sflag:s23], s21  }
0xa1: {  	s6 =	ssub.s32 $0x0, s21;
	[sflag:s23] =	ssyncset.done $0x0  }
0xa2: {  	[sflag:s23] =	ssyncadd.s32 s6;
	_ =	sdelay $0x1  }
0xa3: {  	s24 =	simm.s32 $0x1B8B  }
0xa4: {  	_ =	swait.ge [sflag:s24], $0x1  }
0xa5: {  	[sflag:s24] =	ssyncset.done $0x0  }
0xa6: {  	s25 =	simm.s32 $0x1B8E;
	[sflag:s24] =	ssyncadd.s32 $0xFFFFFFFF  }
0xa7: {  	s26 =	simm.s32 $execute0_lowered;
	[smem:$0x3FD2] =	sst s25  }
0xa8: {  	s6 =	sshll.u32 s26, $0x1;
	_ =	strace $0x80000046;
	[dreg:$0x1] =	wrdreg $0xFFFFFFFF  }
0xa9: {  	s28 =	simm.s32 $_size_execute0_lowered;
	s5 =	sadd.s32 s5, s6;
	[dreg:$0x0] =	wrdreg $0x0  }
0xaa: {  	s6 =	sshll.u32 s28, $0x1;
	[dreg:$0x2] =	wrdreg s5  }
0xab: {  	[dreg:$0x3] =	wrdreg s6  }
0xac: {  	[dreg:$0x4] =	wrdreg $0xC0  }
0xad: {  	_ =	task [dreg:s9], $0x5FFFF  }
0xae: {  	[dreg:$0x1] =	wrdreg $0xFFFFFFFF  }
0xaf: {  	[dreg:$0x0] =	wrdreg $0x60  }
0xb0: {  	[dreg:$0x2] =	wrdreg s2  }
0xb1: {  	[dreg:$0x3] =	wrdreg s19  }
0xb2: {  	[dreg:$0x4] =	wrdreg s4  }
0xb3: {  	[dreg:$0x5] =	wrdreg $0x9  }
0xb4: {  	_ =	task.clear_ibuf [dreg:s9], $0x6FFFF;
	_ =	strace $0x90000046  }
0xb5: {  	s29 =	simm.s32 $0x9;
	_ =	strace $0x80000048  }
0xb6: {  	_ =	swait.ge [sflag:s29], $0x1  }
0xb7: {  	[sflag:s29] =	ssyncadd.s32 $0xFFFFFFFF  }
0xb8: {  	_ =	strace $0x90000048  }
0xb9: {  	_ =	sfence  }
0xba: {  	s30 =	sld [smem:$0x0];
	_ =	sdelay $0x2  }
0xbb: {  	s31 =	sshll.u32 s1, $0xD;
	s1 =	sshrl.u32 s1, $0x2  }
0xbc: {  	s3 =	sand.u32 $0x4000, s31;
	s1 =	sadd.s32 s1, s30  }
0xbd: {  	s0 =	sor.u32 s3, s0;
	s1 =	sshll.u32 s1, $0x11  }
0xbe: {  	s0 =	sor.u32 s1, s0  }
0xbf: {  	s0 =	sadd.s32 $0x8F2B, s0  }
0xc0: {  	[sflag:s0] =	ssyncadd.remote.s32 $0x1  }
0xc1: {  	_ =	sfence.sel $0xFFFF  }
0xc2: {  	[dreg:$0x0] =	wrdreg $0xFFFFFFFF;
	(pc) =	sbr.abs _section_cstart, $3  }
0xc3: {  	[dreg:$0x1] =	wrdreg $0xFFFFFFFF  }
0xc4: {  	_ =	task.clear_ibuf [dreg:s9], $0x2FFFF;
	_ =	strace $0x9FFFFFFF  }
0xc5: {  	(tm) =	ssettm $0x7FFFFFFF  }
tec
execute0_lowered:
.L_overlay_start_1:
0x0: {  	(tag) =	ssettag $0x1  }
0x1: {  	s4 =	srdreg.scid  }
0x2: {  	s5 =	stileid.u32;
	s4 =	sand.u32 $0x1, s4  }
0x3: {  	s0 =	rddreg [dreg:$0x0];
	s5 =	sshll.u32 s5, $0xD;
	s6 =	sshll.u32 s4, $0xC  }
0x4: {  	s1 =	rddreg [dreg:$0x1];
	s5 =	sor.u32 s6, s5  }
0x5: {  	s3 =	rddreg [dreg:$0x2];
	s2 =	simm.s32 $0x0;
	s7 =	sor.u32 $0xE0000, s5  }
0x6: {  	[smem:$0x7FF] =	sst s2;
	s8 =	sor.u32 $0xE0800, s5;
	s9 =	sadd.s32 s1, s7  }
0x7: {  	_ =	strace $0x80000047;
	s1 =	sadd.s32 s1, s8;
	[dreg:$0x4] =	wrdreg s9  }
0x8: {  	s12 =	sor.u32 $0x2E0000, s5;
	s10 =	sadd.s32 s0, s7;
	[dreg:$0x5] =	wrdreg s1  }
0x9: {  	s29 =	simm.s32 $0x4000;
	s13 =	sadd.s32 s0, s12;
	[dreg:$0x6] =	wrdreg s10  }
0xa: {  	s14 =	sor.u32 $0x3E0000, s5;
	s7 =	sadd.s32 s3, s7;
	[dreg:$0x8] =	wrdreg s13  }
0xb: {  	s30 =	simm.s32 $0x2;
	s15 =	sadd.s32 s0, s14;
	[dreg:$0x9] =	wrdreg s7  }
0xc: {  	s31 =	simm.s32 $0x7;
	s16 =	sadd.s32 s0, s8;
	[dreg:$0xa] =	wrdreg s15  }
0xd: {  	s18 =	sor.u32 $0x1E0800, s5;
	s17 =	sadd.s32 s3, s12;
	[dreg:$0xc] =	wrdreg s16  }
0xe: {  	s4 =	ssub.s32 $0x2, s4;
	s19 =	sadd.s32 s0, s18;
	[dreg:$0xd] =	wrdreg s17  }
0xf: {  	s21 =	sor.u32 $0x2E0800, s5;
	s20 =	sadd.s32 s3, s14;
	[dreg:$0xe] =	wrdreg s19  }
0x10: {  	s28 =	sshrl.u32 s4, $0x1;
	s22 =	sadd.s32 s0, s21;
	[dreg:$0xf] =	wrdreg s20  }
0x11: {  	s4 =	ssub.s32 s4, s28;
	s23 =	sadd.s32 s3, s8;
	[dreg:$0x10] =	wrdreg s22  }
0x12: {  	s11 =	sor.u32 $0x1E0000, s5;
	s24 =	sadd.s32 s3, s18;
	[dreg:$0x11] =	wrdreg s23  }
0x13: {  	s5 =	sor.u32 $0x3E0800, s5;
	s25 =	sadd.s32 s3, s21;
	[dreg:$0x13] =	wrdreg s24  }
0x14: {  	s26 =	sadd.s32 s3, s5;
	s28 =	smax.u32 s4, $0x1;
	[dreg:$0x14] =	wrdreg s25  }
0x15: {  	s4 =	simm.s32 $0xA;
	s9 =	sadd.s32 s0, s11;
	[dreg:$0x15] =	wrdreg s26  }
0x16: {  	s1 =	sadd.s32 s3, s11;
	s0 =	sadd.s32 s0, s5;
	[dreg:$0x16] =	wrdreg s28  }
0x17: {  	s26 =	simm.s32 $0x1;
	s22 =	simm.s32 $0x4;
	[dreg:$0x7] =	wrdreg s9  }
0x18: {  	s23 =	simm.s32 $0x9;
	s5 =	simm.s32 $0x0;
	[dreg:$0xb] =	wrdreg s1  }
0x19: {  	[dreg:$0x12] =	wrdreg s0;
	s0 =	simm.s32 $0x3;
	s1 =	simm.s32 $0x8  }
.LBB2_1:
0x1a: {  	s3 =	rddreg [dreg:$0x4];
	s6 =	simm.s32 $0x10000  }
0x1b: {  	[tilespmem:s6], [sflag:$0x5] =	stream.linear.gather [hbm4b:s3+s2], $0x4000, $0x38;
	[tilespmem:$0x18000] =	vst v63  }
0x1c: {  	s10 =	rddreg [dreg:$0x5];
	s11 =	simm.s32 $0x14000  }
0x1d: {  	[tilespmem:s11], [sflag:$0x6] =	stream.linear.gather [hbm4b:s10+s2], $0x4000, $0x38;
	[tilespmem:$0x18000] =	vst v63  }
0x1e: {  	s12 =	rddreg [dreg:$0x6]  }
0x1f: {  	[tilespmem:s2], [sflag:$0x1] =	stream.linear.gather [hbm4b:s12+s2], $0x4000, $0x38;
	[tilespmem:$0x18000] =	vst v63  }
0x20: {  	s13 =	rddreg [dreg:$0x7]  }
0x21: {  	[tilespmem:s29], [sflag:$0x2] =	stream.linear.gather [hbm4b:s13+s2], $0x4000, $0x38;
	[tilespmem:$0x18000] =	vst v63  }
0x22: {  	s14 =	rddreg [dreg:$0x8];
	s15 =	simm.s32 $0x8000  }
0x23: {  	[tilespmem:s15], [sflag:$0x3] =	stream.linear.gather [hbm4b:s14+s2], $0x4000, $0x38;
	[tilespmem:$0x18000] =	vst v63  }
0x24: {  	_ =	swait.ge [sflag:s26], $0x4000  }
0x25: {  	s16 =	sand.u32 $0x2000, s2;
	[sflag:s26] =	ssyncset.done $0x0  }
0x26: {  	s7 =	sand.u32 $0x380, s2;
	s17 =	simm.s32 $0x5;
	[sflag:s26] =	ssyncadd.s32 $0xFFFFC000  }
0x27: {  	s8 =	sand.u32 $0x1C00, s2;
	s7 =	sor.u32 s7, s16;
	_ =	swait.ge [sflag:s17], $0x4000  }
0x28: {  	s18 =	sor.u32 $0x70, s8;
	s9 =	sor.u32 $0x10000, s7;
	[sflag:s17] =	ssyncset.done $0x0  }
0x29: {  	s10 =	sor.u32 s18, s9;
	[sflag:s17] =	ssyncadd.s32 $0xFFFFC000  }
0x2a: {  	s19 =	sor.u32 $0x10, s8;
	s11 =	sor.u32 s8, s9;
	v1 =	vld [tilespmem:s10+$0x0]  }
0x2b: {  	s12 =	sor.u32 $0x20, s8;
	s13 =	sor.u32 s19, s9;
	v5 =	vld [tilespmem:s11+$0x0]  }
0x2c: {  	s21 =	sor.u32 $0x30, s8;
	s20 =	sor.u32 s12, s9;
	v6 =	vld [tilespmem:s13+$0x0]  }
0x2d: {  	s24 =	sor.u32 $0x40, s8;
	s14 =	sor.u32 s21, s9;
	v0 =	vld [tilespmem:s20+$0x0]  }
0x2e: {  	s25 =	sor.u32 s24, s9;
	s15 =	sor.u32 $0x50, s8;
	v4 =	vld [tilespmem:s14+$0x0]  }
0x2f: {  	s28 =	sor.u32 s15, s9;
	v3 =	vld [tilespmem:s25+$0x0]  }
0x30: {  	s16 =	sor.u32 $0x60, s8;
	s6 =	sor.u32 s18, s7;
	v2 =	vld [tilespmem:s28+$0x0]  }
0x31: {  	s29 =	sor.u32 s19, s7;
	s8 =	sor.u32 s8, s7;
	s9 =	sor.u32 s16, s9;
	[tilespmem:s6+$0x0] =	vst.add.f32.msk $0xffff, v1  }
0x32: {  	s14 =	sor.u32 s12, s7;
	s13 =	sor.u32 s21, s7;
	s12 =	sor.u32 s24, s7;
	v1 =	vld [tilespmem:s9+$0x0]  }
0x33: {  	s11 =	sor.u32 s15, s7;
	s10 =	sor.u32 s16, s7;
	s7 =	simm.s32 $0x400;
	[tilespmem:s8+$0x0] =	vst.add.f32.msk $0xffff, v5  }
0x34: {  	s6 =	simm.s32 $0x0;
	[tilespmem:s29+$0x0] =	vst.add.f32.msk $0xffff, v6;
	s8 =	simm.s32 $0x10;
	s9 =	simm.s32 $0x80  }
.LBB2_2:
0x35: {  	s15 =	sand.u32 $0x2000, s9;
	s16 =	sand.u32 $0x380, s8;
	s6 =	sadd.s32 $0x8, s6;
	[tilespmem:s14+$0x0] =	vst.add.f32.msk $0xffff, v0  }
0x36: {  	s14 =	sand.u32 $0x1C00, s7;
	s15 =	sor.u32 s16, s15;
	p0 =	slt.u32 s6, $0x3F8;
	[tilespmem:s13+$0x0] =	vst.add.f32.msk $0xffff, v4  }
0x37: {  	s16 =	sor.u32 $0x10, s14;
	s17 =	sor.u32 $0x70, s14;
	s13 =	sor.u32 $0x10000, s15;
	[tilespmem:s12+$0x0] =	vst.add.f32.msk $0xffff, v3  }
0x38: {  	s18 =	sor.u32 $0x30, s14;
	s12 =	sor.u32 $0x20, s14;
	s19 =	sor.u32 s17, s13;
	[tilespmem:s11+$0x0] =	vst.add.f32.msk $0xffff, v2  }
0x39: {  	s20 =	sor.u32 $0x50, s14;
	s21 =	sor.u32 $0x60, s14;
	s11 =	sor.u32 $0x40, s14;
	v2 =	vld [tilespmem:s19+$0x0]  }
0x3a: {  	s28 =	sor.u32 s16, s13;
	s3 =	sor.u32 s12, s13;
	s19 =	sor.u32 s14, s13;
	[tilespmem:s10+$0x0] =	vst.add.f32.msk $0xffff, v1  }
0x3b: {  	s25 =	sor.u32 s20, s13;
	s24 =	sor.u32 s11, s13;
	v5 =	vld [tilespmem:s19+$0x0];
	s19 =	sor.u32 s18, s13  }
0x3c: {  	s29 =	sor.u32 s14, s15;
	s16 =	sor.u32 s16, s15;
	v6 =	vld [tilespmem:s28+$0x0];
	s28 =	sor.u32 s21, s13  }
0x3d: {  	s14 =	sor.u32 s12, s15;
	s13 =	sor.u32 s18, s15;
	v0 =	vld [tilespmem:s3+$0x0];
	s3 =	sor.u32 s17, s15  }
0x3e: {  	s12 =	sor.u32 s11, s15;
	s11 =	sor.u32 s20, s15;
	s10 =	sor.u32 s21, s15;
	[tilespmem:s3+$0x0] =	vst.add.f32.msk $0xffff, v2  }
0x3f: {  	v4 =	vld [tilespmem:s19+$0x0]  }
.Ltmp0:
0x40: {  	v3 =	vld [tilespmem:s24+$0x0];
	(pc) =	sbr.rel @p0 .LBB2_2-.Ltmp0, $4  }
0x41: {  	v2 =	vld [tilespmem:s25+$0x0]  }
0x42: {  	v1 =	vld [tilespmem:s28+$0x0]  }
0x43: {  	[tilespmem:s29+$0x0] =	vst.add.f32.msk $0xffff, v5  }
0x44: {  	s7 =	sadd.s32 $0x400, s7;
	s8 =	sadd.s32 $0x10, s8;
	s9 =	sadd.s32 $0x80, s9;
	[tilespmem:s16+$0x0] =	vst.add.f32.msk $0xffff, v6  }
0x45: {  	[tilespmem:s14+$0x0] =	vst.add.f32.msk $0xffff, v0  }
0x46: {  	[tilespmem:s13+$0x0] =	vst.add.f32.msk $0xffff, v4  }
0x47: {  	[tilespmem:s12+$0x0] =	vst.add.f32.msk $0xffff, v3  }
0x48: {  	[tilespmem:s11+$0x0] =	vst.add.f32.msk $0xffff, v2  }
0x49: {  	[tilespmem:s10+$0x0] =	vst.add.f32.msk $0xffff, v1  }
0x4a: {  	s3 =	simm.s32 $0x0;
	s7 =	simm.s32 $0xC000;
	s6 =	rddreg [dreg:$0x9]  }
0x4b: {  	[hbm4b:s6+s3] =	stream.linear.scatter [tilespmem:s3], [sflag:$0x7], $0x4000, $0x38;
	[tilespmem:$0x18000] =	vst v63  }
0x4c: {  	s12 =	sand.u32 $0x2000, s3;
	s13 =	sand.u32 $0x380, s3;
	s11 =	rddreg [dreg:$0xa]  }
0x4d: {  	[tilespmem:s7], [sflag:$0x4] =	stream.linear.gather [hbm4b:s11+s3], $0x4000, $0x38;
	[tilespmem:$0x18000] =	vst v63  }
0x4e: {  	s6 =	sor.u32 s13, s12;
	s3 =	sand.u32 $0x1C00, s3;
	_ =	swait.ge [sflag:s30], $0x4000  }
0x4f: {  	s7 =	sor.u32 $0x10000, s6;
	s8 =	sor.u32 $0x70, s3;
	[sflag:s30] =	ssyncset.done $0x0  }
0x50: {  	s9 =	sor.u32 s8, s7;
	[sflag:s30] =	ssyncadd.s32 $0xFFFFC000  }
0x51: {  	s14 =	sor.u32 $0x10, s3;
	s16 =	sor.u32 s3, s7;
	v1 =	vld [tilespmem:s9+$0x0]  }
0x52: {  	s17 =	sor.u32 $0x20, s3;
	s18 =	sor.u32 s14, s7;
	v5 =	vld [tilespmem:s16+$0x0]  }
0x53: {  	s20 =	sor.u32 $0x30, s3;
	s19 =	sor.u32 s17, s7;
	v6 =	vld [tilespmem:s18+$0x0]  }
0x54: {  	s21 =	sor.u32 $0x40, s3;
	s24 =	sor.u32 s20, s7;
	v0 =	vld [tilespmem:s19+$0x0]  }
0x55: {  	s25 =	sor.u32 s21, s7;
	s16 =	sor.u32 $0x50, s3;
	v2 =	vld [tilespmem:s24+$0x0]  }
0x56: {  	s15 =	sor.u32 $0x4000, s6;
	v3 =	vld [tilespmem:s25+$0x0];
	s29 =	sor.u32 s16, s7  }
0x57: {  	s28 =	sor.u32 $0x60, s3;
	s6 =	sor.u32 s8, s15;
	v4 =	vld [tilespmem:s29+$0x0]  }
0x58: {  	s13 =	sor.u32 s20, s15;
	s12 =	sor.u32 s21, s15;
	s7 =	sor.u32 s28, s7;
	[tilespmem:s6+$0x0] =	vst.add.f32.msk $0xffff, v1  }
0x59: {  	s10 =	sor.u32 s28, s15;
	s8 =	simm.s32 $0x10;
	s3 =	sor.u32 s3, s15;
	v1 =	vld [tilespmem:s7+$0x0]  }
0x5a: {  	s9 =	sor.u32 s14, s15;
	s14 =	sor.u32 s17, s15;
	s11 =	sor.u32 s16, s15;
	[tilespmem:s3+$0x0] =	vst.add.f32.msk $0xffff, v5  }
0x5b: {  	s6 =	simm.s32 $0x0;
	[tilespmem:s9+$0x0] =	vst.add.f32.msk $0xffff, v6;
	s7 =	simm.s32 $0x400;
	s9 =	simm.s32 $0x80  }
.LBB2_4:
0x5c: {  	s3 =	sand.u32 $0x2000, s9;
	s15 =	sand.u32 $0x380, s8;
	s6 =	sadd.s32 $0x8, s6;
	[tilespmem:s14+$0x0] =	vst.add.f32.msk $0xffff, v0  }
0x5d: {  	s14 =	sand.u32 $0x1C00, s7;
	s3 =	sor.u32 s15, s3;
	p0 =	slt.u32 s6, $0x3F8;
	[tilespmem:s13+$0x0] =	vst.add.f32.msk $0xffff, v2  }
0x5e: {  	s15 =	sor.u32 $0x10, s14;
	s16 =	sor.u32 $0x70, s14;
	s13 =	sor.u32 $0x10000, s3;
	[tilespmem:s12+$0x0] =	vst.add.f32.msk $0xffff, v3  }
0x5f: {  	s17 =	sor.u32 $0x30, s14;
	s12 =	sor.u32 $0x20, s14;
	s18 =	sor.u32 s16, s13;
	[tilespmem:s11+$0x0] =	vst.add.f32.msk $0xffff, v4  }
0x60: {  	s19 =	sor.u32 $0x50, s14;
	s20 =	sor.u32 $0x60, s14;
	s11 =	sor.u32 $0x40, s14;
	v2 =	vld [tilespmem:s18+$0x0]  }
0x61: {  	s21 =	sor.u32 s15, s13;
	s24 =	sor.u32 s12, s13;
	s18 =	sor.u32 s14, s13;
	[tilespmem:s10+$0x0] =	vst.add.f32.msk $0xffff, v1  }
0x62: {  	s25 =	sor.u32 s19, s13;
	s10 =	sor.u32 s17, s13;
	v5 =	vld [tilespmem:s18+$0x0];
	s18 =	sor.u32 s11, s13  }
0x63: {  	s3 =	sor.u32 $0x4000, s3;
	v6 =	vld [tilespmem:s21+$0x0];
	s21 =	sor.u32 s20, s13  }
0x64: {  	s28 =	sor.u32 s14, s3;
	s15 =	sor.u32 s15, s3;
	s16 =	sor.u32 s16, s3;
	v0 =	vld [tilespmem:s24+$0x0]  }
0x65: {  	s14 =	sor.u32 s12, s3;
	s12 =	sor.u32 s11, s3;
	s13 =	sor.u32 s17, s3;
	[tilespmem:s16+$0x0] =	vst.add.f32.msk $0xffff, v2  }
0x66: {  	s11 =	sor.u32 s19, s3;
	v2 =	vld [tilespmem:s10+$0x0];
	s10 =	sor.u32 s20, s3  }
.Ltmp1:
0x67: {  	v3 =	vld [tilespmem:s18+$0x0];
	(pc) =	sbr.rel @p0 .LBB2_4-.Ltmp1, $4  }
0x68: {  	v4 =	vld [tilespmem:s25+$0x0]  }
0x69: {  	v1 =	vld [tilespmem:s21+$0x0]  }
0x6a: {  	[tilespmem:s28+$0x0] =	vst.add.f32.msk $0xffff, v5  }
0x6b: {  	s7 =	sadd.s32 $0x400, s7;
	s8 =	sadd.s32 $0x10, s8;
	s9 =	sadd.s32 $0x80, s9;
	[tilespmem:s15+$0x0] =	vst.add.f32.msk $0xffff, v6  }
0x6c: {  	[tilespmem:s14+$0x0] =	vst.add.f32.msk $0xffff, v0  }
0x6d: {  	[tilespmem:s13+$0x0] =	vst.add.f32.msk $0xffff, v2  }
0x6e: {  	[tilespmem:s12+$0x0] =	vst.add.f32.msk $0xffff, v3  }
0x6f: {  	[tilespmem:s11+$0x0] =	vst.add.f32.msk $0xffff, v4  }
0x70: {  	[tilespmem:s10+$0x0] =	vst.add.f32.msk $0xffff, v1  }
0x71: {  	s3 =	simm.s32 $0x0;
	s29 =	simm.s32 $0x4000;
	s6 =	rddreg [dreg:$0xb]  }
0x72: {  	[hbm4b:s6+s3] =	stream.linear.scatter [tilespmem:s29], [sflag:$0x8], $0x4000, $0x38;
	[tilespmem:$0x18000] =	vst v63  }
0x73: {  	_ =	swait.ge [sflag:s31], $0x4000  }
0x74: {  	s7 =	sand.u32 $0x380, s3;
	[sflag:s31] =	ssyncset.done $0x0  }
0x75: {  	s10 =	sand.u32 $0x2000, s3;
	s9 =	rddreg [dreg:$0xc];
	[sflag:s31] =	ssyncadd.s32 $0xFFFFC000  }
0x76: {  	[tilespmem:s3], [sflag:$0x1] =	stream.linear.gather [hbm4b:s9+s3], $0x4000, $0x38;
	[tilespmem:$0x18000] =	vst v63  }
0x77: {  	s6 =	sor.u32 s7, s10;
	s3 =	sand.u32 $0x1C00, s3;
	_ =	swait.ge [sflag:s0], $0x4000  }
0x78: {  	s7 =	sor.u32 $0x10000, s6;
	s8 =	sor.u32 $0x70, s3;
	[sflag:s0] =	ssyncset.done $0x0  }
0x79: {  	s9 =	sor.u32 s8, s7;
	[sflag:s0] =	ssyncadd.s32 $0xFFFFC000  }
0x7a: {  	s11 =	sor.u32 $0x10, s3;
	s13 =	sor.u32 s3, s7;
	v1 =	vld [tilespmem:s9+$0x0]  }
0x7b: {  	s14 =	sor.u32 $0x20, s3;
	s17 =	sor.u32 s11, s7;
	v5 =	vld [tilespmem:s13+$0x0]  }
0x7c: {  	s19 =	sor.u32 $0x30, s3;
	s18 =	sor.u32 s14, s7;
	v6 =	vld [tilespmem:s17+$0x0]  }
0x7d: {  	s20 =	sor.u32 $0x40, s3;
	s21 =	sor.u32 s19, s7;
	v0 =	vld [tilespmem:s18+$0x0]  }
0x7e: {  	s16 =	sor.u32 $0x50, s3;
	s24 =	sor.u32 s20, s7;
	v2 =	vld [tilespmem:s21+$0x0]  }
0x7f: {  	s15 =	sor.u32 $0x8000, s6;
	s28 =	sor.u32 s16, s7;
	v3 =	vld [tilespmem:s24+$0x0]  }
0x80: {  	s25 =	sor.u32 $0x60, s3;
	s6 =	sor.u32 s8, s15;
	v4 =	vld [tilespmem:s28+$0x0]  }
0x81: {  	s3 =	sor.u32 s3, s15;
	s7 =	sor.u32 s25, s7;
	s14 =	sor.u32 s14, s15;
	[tilespmem:s6+$0x0] =	vst.add.f32.msk $0xffff, v1  }
0x82: {  	s12 =	sor.u32 s20, s15;
	s10 =	sor.u32 s25, s15;
	s8 =	simm.s32 $0x10;
	v1 =	vld [tilespmem:s7+$0x0]  }
0x83: {  	s9 =	sor.u32 s11, s15;
	s13 =	sor.u32 s19, s15;
	s11 =	sor.u32 s16, s15;
	[tilespmem:s3+$0x0] =	vst.add.f32.msk $0xffff, v5  }
0x84: {  	s6 =	simm.s32 $0x0;
	[tilespmem:s9+$0x0] =	vst.add.f32.msk $0xffff, v6;
	s7 =	simm.s32 $0x400;
	s9 =	simm.s32 $0x80  }
.LBB2_6:
0x85: {  	s3 =	sand.u32 $0x2000, s9;
	s15 =	sand.u32 $0x380, s8;
	s6 =	sadd.s32 $0x8, s6;
	[tilespmem:s14+$0x0] =	vst.add.f32.msk $0xffff, v0  }
0x86: {  	s14 =	sand.u32 $0x1C00, s7;
	s3 =	sor.u32 s15, s3;
	p0 =	slt.u32 s6, $0x3F8;
	[tilespmem:s13+$0x0] =	vst.add.f32.msk $0xffff, v2  }
0x87: {  	s15 =	sor.u32 $0x10, s14;
	s16 =	sor.u32 $0x70, s14;
	s13 =	sor.u32 $0x10000, s3;
	[tilespmem:s12+$0x0] =	vst.add.f32.msk $0xffff, v3  }
0x88: {  	s17 =	sor.u32 $0x30, s14;
	s12 =	sor.u32 $0x20, s14;
	s18 =	sor.u32 s16, s13;
	[tilespmem:s11+$0x0] =	vst.add.f32.msk $0xffff, v4  }
0x89: {  	s19 =	sor.u32 $0x50, s14;
	s20 =	sor.u32 $0x60, s14;
	s11 =	sor.u32 $0x40, s14;
	v2 =	vld [tilespmem:s18+$0x0]  }
0x8a: {  	s21 =	sor.u32 s15, s13;
	s24 =	sor.u32 s12, s13;
	s18 =	sor.u32 s14, s13;
	[tilespmem:s10+$0x0] =	vst.add.f32.msk $0xffff, v1  }
0x8b: {  	s25 =	sor.u32 s19, s13;
	s10 =	sor.u32 s17, s13;
	v5 =	vld [tilespmem:s18+$0x0];
	s18 =	sor.u32 s11, s13  }
0x8c: {  	s3 =	sor.u32 $0x8000, s3;
	v6 =	vld [tilespmem:s21+$0x0];
	s21 =	sor.u32 s20, s13  }
0x8d: {  	s28 =	sor.u32 s14, s3;
	s15 =	sor.u32 s15, s3;
	s16 =	sor.u32 s16, s3;
	v0 =	vld [tilespmem:s24+$0x0]  }
0x8e: {  	s14 =	sor.u32 s12, s3;
	s12 =	sor.u32 s11, s3;
	s13 =	sor.u32 s17, s3;
	[tilespmem:s16+$0x0] =	vst.add.f32.msk $0xffff, v2  }
0x8f: {  	s11 =	sor.u32 s19, s3;
	v2 =	vld [tilespmem:s10+$0x0];
	s10 =	sor.u32 s20, s3  }
.Ltmp2:
0x90: {  	v3 =	vld [tilespmem:s18+$0x0];
	(pc) =	sbr.rel @p0 .LBB2_6-.Ltmp2, $4  }
0x91: {  	v4 =	vld [tilespmem:s25+$0x0]  }
0x92: {  	v1 =	vld [tilespmem:s21+$0x0]  }
0x93: {  	[tilespmem:s28+$0x0] =	vst.add.f32.msk $0xffff, v5  }
0x94: {  	s7 =	sadd.s32 $0x400, s7;
	s8 =	sadd.s32 $0x10, s8;
	s9 =	sadd.s32 $0x80, s9;
	[tilespmem:s15+$0x0] =	vst.add.f32.msk $0xffff, v6  }
0x95: {  	[tilespmem:s14+$0x0] =	vst.add.f32.msk $0xffff, v0  }
0x96: {  	[tilespmem:s13+$0x0] =	vst.add.f32.msk $0xffff, v2  }
0x97: {  	[tilespmem:s12+$0x0] =	vst.add.f32.msk $0xffff, v3  }
0x98: {  	[tilespmem:s11+$0x0] =	vst.add.f32.msk $0xffff, v4  }
0x99: {  	[tilespmem:s10+$0x0] =	vst.add.f32.msk $0xffff, v1  }
0x9a: {  	s3 =	simm.s32 $0x0;
	s7 =	simm.s32 $0x8000;
	s6 =	rddreg [dreg:$0xd]  }
0x9b: {  	[hbm4b:s6+s3] =	stream.linear.scatter [tilespmem:s7], [sflag:$0x9], $0x4000, $0x38;
	[tilespmem:$0x18000] =	vst v63  }
0x9c: {  	_ =	swait.ge [sflag:s1], $0x4000  }
0x9d: {  	s12 =	sand.u32 $0x2000, s3;
	[sflag:s1] =	ssyncset.done $0x0  }
0x9e: {  	s13 =	sand.u32 $0x380, s3;
	s11 =	rddreg [dreg:$0xe];
	[sflag:s1] =	ssyncadd.s32 $0xFFFFC000  }
0x9f: {  	[tilespmem:s29], [sflag:$0x2] =	stream.linear.gather [hbm4b:s11+s3], $0x4000, $0x38;
	[tilespmem:$0x18000] =	vst v63  }
0xa0: {  	s6 =	sor.u32 s13, s12;
	s3 =	sand.u32 $0x1C00, s3;
	_ =	swait.ge [sflag:s22], $0x4000  }
0xa1: {  	s7 =	sor.u32 $0x10000, s6;
	s8 =	sor.u32 $0x70, s3;
	[sflag:s22] =	ssyncset.done $0x0  }
0xa2: {  	s9 =	sor.u32 s8, s7;
	[sflag:s22] =	ssyncadd.s32 $0xFFFFC000  }
0xa3: {  	s14 =	sor.u32 $0x10, s3;
	s16 =	sor.u32 s3, s7;
	v1 =	vld [tilespmem:s9+$0x0]  }
0xa4: {  	s17 =	sor.u32 $0x20, s3;
	s18 =	sor.u32 s14, s7;
	v5 =	vld [tilespmem:s16+$0x0]  }
0xa5: {  	s20 =	sor.u32 $0x30, s3;
	s19 =	sor.u32 s17, s7;
	v6 =	vld [tilespmem:s18+$0x0]  }
0xa6: {  	s21 =	sor.u32 $0x40, s3;
	s24 =	sor.u32 s20, s7;
	v0 =	vld [tilespmem:s19+$0x0]  }
0xa7: {  	s25 =	sor.u32 s21, s7;
	s16 =	sor.u32 $0x50, s3;
	v2 =	vld [tilespmem:s24+$0x0]  }
0xa8: {  	s15 =	sor.u32 $0xC000, s6;
	v3 =	vld [tilespmem:s25+$0x0];
	s29 =	sor.u32 s16, s7  }
0xa9: {  	s28 =	sor.u32 $0x60, s3;
	s6 =	sor.u32 s8, s15;
	v4 =	vld [tilespmem:s29+$0x0]  }
0xaa: {  	s13 =	sor.u32 s20, s15;
	s12 =	sor.u32 s21, s15;
	s7 =	sor.u32 s28, s7;
	[tilespmem:s6+$0x0] =	vst.add.f32.msk $0xffff, v1  }
0xab: {  	s10 =	sor.u32 s28, s15;
	s8 =	simm.s32 $0x10;
	s3 =	sor.u32 s3, s15;
	v1 =	vld [tilespmem:s7+$0x0]  }
0xac: {  	s9 =	sor.u32 s14, s15;
	s14 =	sor.u32 s17, s15;
	s11 =	sor.u32 s16, s15;
	[tilespmem:s3+$0x0] =	vst.add.f32.msk $0xffff, v5  }
0xad: {  	s6 =	simm.s32 $0x0;
	[tilespmem:s9+$0x0] =	vst.add.f32.msk $0xffff, v6;
	s7 =	simm.s32 $0x400;
	s9 =	simm.s32 $0x80  }
.LBB2_8:
0xae: {  	s3 =	sand.u32 $0x2000, s9;
	s15 =	sand.u32 $0x380, s8;
	s6 =	sadd.s32 $0x8, s6;
	[tilespmem:s14+$0x0] =	vst.add.f32.msk $0xffff, v0  }
0xaf: {  	s14 =	sand.u32 $0x1C00, s7;
	s3 =	sor.u32 s15, s3;
	p0 =	slt.u32 s6, $0x3F8;
	[tilespmem:s13+$0x0] =	vst.add.f32.msk $0xffff, v2  }
0xb0: {  	s15 =	sor.u32 $0x10, s14;
	s16 =	sor.u32 $0x70, s14;
	s13 =	sor.u32 $0x10000, s3;
	[tilespmem:s12+$0x0] =	vst.add.f32.msk $0xffff, v3  }
0xb1: {  	s17 =	sor.u32 $0x30, s14;
	s12 =	sor.u32 $0x20, s14;
	s18 =	sor.u32 s16, s13;
	[tilespmem:s11+$0x0] =	vst.add.f32.msk $0xffff, v4  }
0xb2: {  	s19 =	sor.u32 $0x50, s14;
	s20 =	sor.u32 $0x60, s14;
	s11 =	sor.u32 $0x40, s14;
	v2 =	vld [tilespmem:s18+$0x0]  }
0xb3: {  	s21 =	sor.u32 s15, s13;
	s24 =	sor.u32 s12, s13;
	s18 =	sor.u32 s14, s13;
	[tilespmem:s10+$0x0] =	vst.add.f32.msk $0xffff, v1  }
0xb4: {  	s25 =	sor.u32 s19, s13;
	s10 =	sor.u32 s17, s13;
	v5 =	vld [tilespmem:s18+$0x0];
	s18 =	sor.u32 s11, s13  }
0xb5: {  	s3 =	sor.u32 $0xC000, s3;
	v6 =	vld [tilespmem:s21+$0x0];
	s21 =	sor.u32 s20, s13  }
0xb6: {  	s28 =	sor.u32 s14, s3;
	s15 =	sor.u32 s15, s3;
	s16 =	sor.u32 s16, s3;
	v0 =	vld [tilespmem:s24+$0x0]  }
0xb7: {  	s14 =	sor.u32 s12, s3;
	s12 =	sor.u32 s11, s3;
	s13 =	sor.u32 s17, s3;
	[tilespmem:s16+$0x0] =	vst.add.f32.msk $0xffff, v2  }
0xb8: {  	s11 =	sor.u32 s19, s3;
	v2 =	vld [tilespmem:s10+$0x0];
	s10 =	sor.u32 s20, s3  }
.Ltmp3:
0xb9: {  	v3 =	vld [tilespmem:s18+$0x0];
	(pc) =	sbr.rel @p0 .LBB2_8-.Ltmp3, $4  }
0xba: {  	v4 =	vld [tilespmem:s25+$0x0]  }
0xbb: {  	v1 =	vld [tilespmem:s21+$0x0]  }
0xbc: {  	[tilespmem:s28+$0x0] =	vst.add.f32.msk $0xffff, v5  }
0xbd: {  	s7 =	sadd.s32 $0x400, s7;
	s8 =	sadd.s32 $0x10, s8;
	s9 =	sadd.s32 $0x80, s9;
	[tilespmem:s15+$0x0] =	vst.add.f32.msk $0xffff, v6  }
0xbe: {  	[tilespmem:s14+$0x0] =	vst.add.f32.msk $0xffff, v0  }
0xbf: {  	[tilespmem:s13+$0x0] =	vst.add.f32.msk $0xffff, v2  }
0xc0: {  	[tilespmem:s12+$0x0] =	vst.add.f32.msk $0xffff, v3  }
0xc1: {  	[tilespmem:s11+$0x0] =	vst.add.f32.msk $0xffff, v4  }
0xc2: {  	[tilespmem:s10+$0x0] =	vst.add.f32.msk $0xffff, v1  }
0xc3: {  	s3 =	simm.s32 $0x0;
	s7 =	simm.s32 $0xC000;
	s6 =	rddreg [dreg:$0xf]  }
0xc4: {  	[hbm4b:s6+s3] =	stream.linear.scatter [tilespmem:s7], [sflag:$0xA], $0x4000, $0x38;
	[tilespmem:$0x18000] =	vst v63  }
0xc5: {  	_ =	swait.ge [sflag:s23], $0x4000  }
0xc6: {  	[sflag:s23] =	ssyncset.done $0x0  }
0xc7: {  	s29 =	simm.s32 $0x8000;
	s28 =	rddreg [dreg:$0x10];
	[sflag:s23] =	ssyncadd.s32 $0xFFFFC000  }
0xc8: {  	[tilespmem:s29], [sflag:$0x3] =	stream.linear.gather [hbm4b:s28+s3], $0x4000, $0x38;
	[tilespmem:$0x18000] =	vst v63  }
0xc9: {  	_ =	swait.ge [sflag:s26], $0x4000  }
0xca: {  	s9 =	simm.s32 $0x6;
	[sflag:s26] =	ssyncset.done $0x0  }
0xcb: {  	s8 =	sand.u32 $0x2000, s3;
	s10 =	sand.u32 $0x380, s3;
	[sflag:s26] =	ssyncadd.s32 $0xFFFFC000  }
0xcc: {  	s7 =	sor.u32 s10, s8;
	s3 =	sand.u32 $0x1C00, s3;
	_ =	swait.ge [sflag:s9], $0x4000  }
0xcd: {  	s8 =	sor.u32 $0x14000, s7;
	s11 =	sor.u32 $0x70, s3;
	[sflag:s9] =	ssyncset.done $0x0  }
0xce: {  	s13 =	sor.u32 s11, s8;
	[sflag:s9] =	ssyncadd.s32 $0xFFFFC000  }
0xcf: {  	s14 =	sor.u32 $0x10, s3;
	s17 =	sor.u32 s3, s8;
	v1 =	vld [tilespmem:s13+$0x0]  }
0xd0: {  	s18 =	sor.u32 $0x20, s3;
	s19 =	sor.u32 s14, s8;
	v5 =	vld [tilespmem:s17+$0x0]  }
0xd1: {  	s21 =	sor.u32 $0x30, s3;
	s20 =	sor.u32 s18, s8;
	v6 =	vld [tilespmem:s19+$0x0]  }
0xd2: {  	s24 =	sor.u32 $0x40, s3;
	s25 =	sor.u32 s21, s8;
	v0 =	vld [tilespmem:s20+$0x0]  }
0xd3: {  	s15 =	sor.u32 $0x50, s3;
	s28 =	sor.u32 s24, s8;
	v4 =	vld [tilespmem:s25+$0x0]  }
0xd4: {  	s29 =	sor.u32 s15, s8;
	v2 =	vld [tilespmem:s28+$0x0]  }
0xd5: {  	s16 =	sor.u32 $0x60, s3;
	s6 =	sor.u32 s11, s7;
	v3 =	vld [tilespmem:s29+$0x0]  }
0xd6: {  	s3 =	sor.u32 s3, s7;
	s8 =	sor.u32 s16, s8;
	s12 =	sor.u32 s24, s7;
	[tilespmem:s6+$0x0] =	vst.add.f32.msk $0xffff, v1  }
0xd7: {  	s11 =	sor.u32 s15, s7;
	s10 =	sor.u32 s16, s7;
	s9 =	sor.u32 s14, s7;
	v1 =	vld [tilespmem:s8+$0x0]  }
0xd8: {  	s14 =	sor.u32 s18, s7;
	s13 =	sor.u32 s21, s7;
	s7 =	simm.s32 $0x400;
	[tilespmem:s3+$0x0] =	vst.add.f32.msk $0xffff, v5  }
0xd9: {  	s6 =	simm.s32 $0x0;
	[tilespmem:s9+$0x0] =	vst.add.f32.msk $0xffff, v6;
	s8 =	simm.s32 $0x10;
	s9 =	simm.s32 $0x80  }
.LBB2_10:
0xda: {  	s3 =	sand.u32 $0x2000, s9;
	s15 =	sand.u32 $0x380, s8;
	s6 =	sadd.s32 $0x8, s6;
	[tilespmem:s14+$0x0] =	vst.add.f32.msk $0xffff, v0  }
0xdb: {  	s14 =	sand.u32 $0x1C00, s7;
	s3 =	sor.u32 s15, s3;
	p0 =	slt.u32 s6, $0x3F8;
	[tilespmem:s13+$0x0] =	vst.add.f32.msk $0xffff, v4  }
0xdc: {  	s15 =	sor.u32 $0x10, s14;
	s16 =	sor.u32 $0x70, s14;
	s13 =	sor.u32 $0x14000, s3;
	[tilespmem:s12+$0x0] =	vst.add.f32.msk $0xffff, v2  }
0xdd: {  	s17 =	sor.u32 $0x30, s14;
	s12 =	sor.u32 $0x20, s14;
	s18 =	sor.u32 s16, s13;
	[tilespmem:s11+$0x0] =	vst.add.f32.msk $0xffff, v3  }
0xde: {  	s19 =	sor.u32 $0x50, s14;
	s20 =	sor.u32 $0x60, s14;
	s11 =	sor.u32 $0x40, s14;
	v2 =	vld [tilespmem:s18+$0x0]  }
0xdf: {  	s21 =	sor.u32 s15, s13;
	s24 =	sor.u32 s12, s13;
	s18 =	sor.u32 s14, s13;
	[tilespmem:s10+$0x0] =	vst.add.f32.msk $0xffff, v1  }
0xe0: {  	s28 =	sor.u32 s19, s13;
	s25 =	sor.u32 s11, s13;
	v5 =	vld [tilespmem:s18+$0x0];
	s18 =	sor.u32 s17, s13  }
0xe1: {  	s29 =	sor.u32 s14, s3;
	s15 =	sor.u32 s15, s3;
	v6 =	vld [tilespmem:s21+$0x0];
	s21 =	sor.u32 s20, s13  }
0xe2: {  	s16 =	sor.u32 s16, s3;
	s14 =	sor.u32 s12, s3;
	s13 =	sor.u32 s17, s3;
	v0 =	vld [tilespmem:s24+$0x0]  }
0xe3: {  	s12 =	sor.u32 s11, s3;
	s11 =	sor.u32 s19, s3;
	s10 =	sor.u32 s20, s3;
	[tilespmem:s16+$0x0] =	vst.add.f32.msk $0xffff, v2  }
0xe4: {  	v4 =	vld [tilespmem:s18+$0x0]  }
.Ltmp4:
0xe5: {  	v2 =	vld [tilespmem:s25+$0x0];
	(pc) =	sbr.rel @p0 .LBB2_10-.Ltmp4, $4  }
0xe6: {  	v3 =	vld [tilespmem:s28+$0x0]  }
0xe7: {  	v1 =	vld [tilespmem:s21+$0x0]  }
0xe8: {  	[tilespmem:s29+$0x0] =	vst.add.f32.msk $0xffff, v5  }
0xe9: {  	s7 =	sadd.s32 $0x400, s7;
	s8 =	sadd.s32 $0x10, s8;
	s9 =	sadd.s32 $0x80, s9;
	[tilespmem:s15+$0x0] =	vst.add.f32.msk $0xffff, v6  }
0xea: {  	[tilespmem:s14+$0x0] =	vst.add.f32.msk $0xffff, v0  }
0xeb: {  	[tilespmem:s13+$0x0] =	vst.add.f32.msk $0xffff, v4  }
0xec: {  	[tilespmem:s12+$0x0] =	vst.add.f32.msk $0xffff, v2  }
0xed: {  	[tilespmem:s11+$0x0] =	vst.add.f32.msk $0xffff, v3  }
0xee: {  	[tilespmem:s10+$0x0] =	vst.add.f32.msk $0xffff, v1  }
0xef: {  	s3 =	simm.s32 $0x0;
	s6 =	rddreg [dreg:$0x11]  }
0xf0: {  	[hbm4b:s6+s3] =	stream.linear.scatter [tilespmem:s3], [sflag:$0x7], $0x4000, $0x38;
	[tilespmem:$0x18000] =	vst v63  }
0xf1: {  	_ =	swait.ge [sflag:s4], $0x4000  }
0xf2: {  	s7 =	simm.s32 $0xC000;
	s12 =	sand.u32 $0x2000, s3;
	[sflag:s4] =	ssyncset.done $0x0  }
0xf3: {  	s13 =	sand.u32 $0x380, s3;
	s11 =	rddreg [dreg:$0x12];
	[sflag:s4] =	ssyncadd.s32 $0xFFFFC000  }
0xf4: {  	[tilespmem:s7], [sflag:$0x4] =	stream.linear.gather [hbm4b:s11+s3], $0x4000, $0x38;
	[tilespmem:$0x18000] =	vst v63  }
0xf5: {  	s6 =	sor.u32 s13, s12;
	s3 =	sand.u32 $0x1C00, s3;
	_ =	swait.ge [sflag:s30], $0x4000  }
0xf6: {  	s7 =	sor.u32 $0x14000, s6;
	s8 =	sor.u32 $0x70, s3;
	[sflag:s30] =	ssyncset.done $0x0  }
0xf7: {  	s9 =	sor.u32 s8, s7;
	[sflag:s30] =	ssyncadd.s32 $0xFFFFC000  }
0xf8: {  	s14 =	sor.u32 $0x10, s3;
	s16 =	sor.u32 s3, s7;
	v1 =	vld [tilespmem:s9+$0x0]  }
0xf9: {  	s17 =	sor.u32 $0x20, s3;
	s18 =	sor.u32 s14, s7;
	v5 =	vld [tilespmem:s16+$0x0]  }
0xfa: {  	s20 =	sor.u32 $0x30, s3;
	s19 =	sor.u32 s17, s7;
	v6 =	vld [tilespmem:s18+$0x0]  }
0xfb: {  	s21 =	sor.u32 $0x40, s3;
	s24 =	sor.u32 s20, s7;
	v0 =	vld [tilespmem:s19+$0x0]  }
0xfc: {  	s25 =	sor.u32 s21, s7;
	s16 =	sor.u32 $0x50, s3;
	v2 =	vld [tilespmem:s24+$0x0]  }
0xfd: {  	s15 =	sor.u32 $0x4000, s6;
	v3 =	vld [tilespmem:s25+$0x0];
	s29 =	sor.u32 s16, s7  }
0xfe: {  	s28 =	sor.u32 $0x60, s3;
	s6 =	sor.u32 s8, s15;
	v4 =	vld [tilespmem:s29+$0x0]  }
0xff: {  	s13 =	sor.u32 s20, s15;
	s12 =	sor.u32 s21, s15;
	s7 =	sor.u32 s28, s7;
	[tilespmem:s6+$0x0] =	vst.add.f32.msk $0xffff, v1  }
0x100: {  	s10 =	sor.u32 s28, s15;
	s8 =	simm.s32 $0x10;
	s3 =	sor.u32 s3, s15;
	v1 =	vld [tilespmem:s7+$0x0]  }
0x101: {  	s9 =	sor.u32 s14, s15;
	s14 =	sor.u32 s17, s15;
	s11 =	sor.u32 s16, s15;
	[tilespmem:s3+$0x0] =	vst.add.f32.msk $0xffff, v5  }
0x102: {  	s6 =	simm.s32 $0x0;
	[tilespmem:s9+$0x0] =	vst.add.f32.msk $0xffff, v6;
	s7 =	simm.s32 $0x400;
	s9 =	simm.s32 $0x80  }
.LBB2_12:
0x103: {  	s3 =	sand.u32 $0x2000, s9;
	s15 =	sand.u32 $0x380, s8;
	s6 =	sadd.s32 $0x8, s6;
	[tilespmem:s14+$0x0] =	vst.add.f32.msk $0xffff, v0  }
0x104: {  	s14 =	sand.u32 $0x1C00, s7;
	s3 =	sor.u32 s15, s3;
	p0 =	slt.u32 s6, $0x3F8;
	[tilespmem:s13+$0x0] =	vst.add.f32.msk $0xffff, v2  }
0x105: {  	s15 =	sor.u32 $0x10, s14;
	s16 =	sor.u32 $0x70, s14;
	s13 =	sor.u32 $0x14000, s3;
	[tilespmem:s12+$0x0] =	vst.add.f32.msk $0xffff, v3  }
0x106: {  	s17 =	sor.u32 $0x30, s14;
	s12 =	sor.u32 $0x20, s14;
	s18 =	sor.u32 s16, s13;
	[tilespmem:s11+$0x0] =	vst.add.f32.msk $0xffff, v4  }
0x107: {  	s19 =	sor.u32 $0x50, s14;
	s20 =	sor.u32 $0x60, s14;
	s11 =	sor.u32 $0x40, s14;
	v2 =	vld [tilespmem:s18+$0x0]  }
0x108: {  	s21 =	sor.u32 s15, s13;
	s24 =	sor.u32 s12, s13;
	s18 =	sor.u32 s14, s13;
	[tilespmem:s10+$0x0] =	vst.add.f32.msk $0xffff, v1  }
0x109: {  	s25 =	sor.u32 s19, s13;
	s10 =	sor.u32 s17, s13;
	v5 =	vld [tilespmem:s18+$0x0];
	s18 =	sor.u32 s11, s13  }
0x10a: {  	s3 =	sor.u32 $0x4000, s3;
	v6 =	vld [tilespmem:s21+$0x0];
	s21 =	sor.u32 s20, s13  }
0x10b: {  	s28 =	sor.u32 s14, s3;
	s15 =	sor.u32 s15, s3;
	s16 =	sor.u32 s16, s3;
	v0 =	vld [tilespmem:s24+$0x0]  }
0x10c: {  	s14 =	sor.u32 s12, s3;
	s12 =	sor.u32 s11, s3;
	s13 =	sor.u32 s17, s3;
	[tilespmem:s16+$0x0] =	vst.add.f32.msk $0xffff, v2  }
0x10d: {  	s11 =	sor.u32 s19, s3;
	v2 =	vld [tilespmem:s10+$0x0];
	s10 =	sor.u32 s20, s3  }
.Ltmp5:
0x10e: {  	v3 =	vld [tilespmem:s18+$0x0];
	(pc) =	sbr.rel @p0 .LBB2_12-.Ltmp5, $4  }
0x10f: {  	v4 =	vld [tilespmem:s25+$0x0]  }
0x110: {  	v1 =	vld [tilespmem:s21+$0x0]  }
0x111: {  	[tilespmem:s28+$0x0] =	vst.add.f32.msk $0xffff, v5  }
0x112: {  	s7 =	sadd.s32 $0x400, s7;
	s8 =	sadd.s32 $0x10, s8;
	s9 =	sadd.s32 $0x80, s9;
	[tilespmem:s15+$0x0] =	vst.add.f32.msk $0xffff, v6  }
0x113: {  	[tilespmem:s14+$0x0] =	vst.add.f32.msk $0xffff, v0  }
0x114: {  	[tilespmem:s13+$0x0] =	vst.add.f32.msk $0xffff, v2  }
0x115: {  	[tilespmem:s12+$0x0] =	vst.add.f32.msk $0xffff, v3  }
0x116: {  	[tilespmem:s11+$0x0] =	vst.add.f32.msk $0xffff, v4  }
0x117: {  	[tilespmem:s10+$0x0] =	vst.add.f32.msk $0xffff, v1  }
0x118: {  	s3 =	simm.s32 $0x0;
	s29 =	simm.s32 $0x4000;
	s6 =	rddreg [dreg:$0x13]  }
0x119: {  	[hbm4b:s6+s3] =	stream.linear.scatter [tilespmem:s29], [sflag:$0x8], $0x4000, $0x38;
	[tilespmem:$0x18000] =	vst v63  }
0x11a: {  	_ =	swait.ge [sflag:s31], $0x4000  }
0x11b: {  	[sflag:s31] =	ssyncset.done $0x0  }
0x11c: {  	s7 =	sand.u32 $0x380, s3;
	s10 =	sand.u32 $0x2000, s3;
	[sflag:s31] =	ssyncadd.s32 $0xFFFFC000  }
0x11d: {  	s6 =	sor.u32 s7, s10;
	s3 =	sand.u32 $0x1C00, s3;
	_ =	swait.ge [sflag:s0], $0x4000  }
0x11e: {  	s7 =	sor.u32 $0x14000, s6;
	s8 =	sor.u32 $0x70, s3;
	[sflag:s0] =	ssyncset.done $0x0  }
0x11f: {  	s9 =	sor.u32 s8, s7;
	[sflag:s0] =	ssyncadd.s32 $0xFFFFC000  }
0x120: {  	s11 =	sor.u32 $0x10, s3;
	s13 =	sor.u32 s3, s7;
	v1 =	vld [tilespmem:s9+$0x0]  }
0x121: {  	s14 =	sor.u32 $0x20, s3;
	s17 =	sor.u32 s11, s7;
	v5 =	vld [tilespmem:s13+$0x0]  }
0x122: {  	s19 =	sor.u32 $0x30, s3;
	s18 =	sor.u32 s14, s7;
	v6 =	vld [tilespmem:s17+$0x0]  }
0x123: {  	s20 =	sor.u32 $0x40, s3;
	s21 =	sor.u32 s19, s7;
	v0 =	vld [tilespmem:s18+$0x0]  }
0x124: {  	s16 =	sor.u32 $0x50, s3;
	s24 =	sor.u32 s20, s7;
	v2 =	vld [tilespmem:s21+$0x0]  }
0x125: {  	s15 =	sor.u32 $0x8000, s6;
	s28 =	sor.u32 s16, s7;
	v3 =	vld [tilespmem:s24+$0x0]  }
0x126: {  	s25 =	sor.u32 $0x60, s3;
	s6 =	sor.u32 s8, s15;
	v4 =	vld [tilespmem:s28+$0x0]  }
0x127: {  	s7 =	sor.u32 s25, s7;
	s3 =	sor.u32 s3, s15;
	s14 =	sor.u32 s14, s15;
	[tilespmem:s6+$0x0] =	vst.add.f32.msk $0xffff, v1  }
0x128: {  	s12 =	sor.u32 s20, s15;
	s10 =	sor.u32 s25, s15;
	s8 =	simm.s32 $0x10;
	v1 =	vld [tilespmem:s7+$0x0]  }
0x129: {  	s9 =	sor.u32 s11, s15;
	s13 =	sor.u32 s19, s15;
	s11 =	sor.u32 s16, s15;
	[tilespmem:s3+$0x0] =	vst.add.f32.msk $0xffff, v5  }
0x12a: {  	s6 =	simm.s32 $0x0;
	[tilespmem:s9+$0x0] =	vst.add.f32.msk $0xffff, v6;
	s7 =	simm.s32 $0x400;
	s9 =	simm.s32 $0x80  }
.LBB2_14:
0x12b: {  	s3 =	sand.u32 $0x2000, s9;
	s15 =	sand.u32 $0x380, s8;
	s6 =	sadd.s32 $0x8, s6;
	[tilespmem:s14+$0x0] =	vst.add.f32.msk $0xffff, v0  }
0x12c: {  	s14 =	sand.u32 $0x1C00, s7;
	s3 =	sor.u32 s15, s3;
	p0 =	slt.u32 s6, $0x3F8;
	[tilespmem:s13+$0x0] =	vst.add.f32.msk $0xffff, v2  }
0x12d: {  	s15 =	sor.u32 $0x10, s14;
	s16 =	sor.u32 $0x70, s14;
	s13 =	sor.u32 $0x14000, s3;
	[tilespmem:s12+$0x0] =	vst.add.f32.msk $0xffff, v3  }
0x12e: {  	s17 =	sor.u32 $0x30, s14;
	s12 =	sor.u32 $0x20, s14;
	s18 =	sor.u32 s16, s13;
	[tilespmem:s11+$0x0] =	vst.add.f32.msk $0xffff, v4  }
0x12f: {  	s19 =	sor.u32 $0x50, s14;
	s20 =	sor.u32 $0x60, s14;
	s11 =	sor.u32 $0x40, s14;
	v2 =	vld [tilespmem:s18+$0x0]  }
0x130: {  	s21 =	sor.u32 s15, s13;
	s24 =	sor.u32 s12, s13;
	s18 =	sor.u32 s14, s13;
	[tilespmem:s10+$0x0] =	vst.add.f32.msk $0xffff, v1  }
0x131: {  	s25 =	sor.u32 s19, s13;
	s10 =	sor.u32 s17, s13;
	v5 =	vld [tilespmem:s18+$0x0];
	s18 =	sor.u32 s11, s13  }
0x132: {  	s3 =	sor.u32 $0x8000, s3;
	v6 =	vld [tilespmem:s21+$0x0];
	s21 =	sor.u32 s20, s13  }
0x133: {  	s28 =	sor.u32 s14, s3;
	s15 =	sor.u32 s15, s3;
	s16 =	sor.u32 s16, s3;
	v0 =	vld [tilespmem:s24+$0x0]  }
0x134: {  	s14 =	sor.u32 s12, s3;
	s12 =	sor.u32 s11, s3;
	s13 =	sor.u32 s17, s3;
	[tilespmem:s16+$0x0] =	vst.add.f32.msk $0xffff, v2  }
0x135: {  	s11 =	sor.u32 s19, s3;
	v2 =	vld [tilespmem:s10+$0x0];
	s10 =	sor.u32 s20, s3  }
.Ltmp6:
0x136: {  	v3 =	vld [tilespmem:s18+$0x0];
	(pc) =	sbr.rel @p0 .LBB2_14-.Ltmp6, $4  }
0x137: {  	v4 =	vld [tilespmem:s25+$0x0]  }
0x138: {  	v1 =	vld [tilespmem:s21+$0x0]  }
0x139: {  	[tilespmem:s28+$0x0] =	vst.add.f32.msk $0xffff, v5  }
0x13a: {  	s7 =	sadd.s32 $0x400, s7;
	s8 =	sadd.s32 $0x10, s8;
	s9 =	sadd.s32 $0x80, s9;
	[tilespmem:s15+$0x0] =	vst.add.f32.msk $0xffff, v6  }
0x13b: {  	[tilespmem:s14+$0x0] =	vst.add.f32.msk $0xffff, v0  }
0x13c: {  	[tilespmem:s13+$0x0] =	vst.add.f32.msk $0xffff, v2  }
0x13d: {  	[tilespmem:s12+$0x0] =	vst.add.f32.msk $0xffff, v3  }
0x13e: {  	[tilespmem:s11+$0x0] =	vst.add.f32.msk $0xffff, v4  }
0x13f: {  	[tilespmem:s10+$0x0] =	vst.add.f32.msk $0xffff, v1  }
0x140: {  	s3 =	simm.s32 $0x0;
	s7 =	simm.s32 $0x8000;
	s6 =	rddreg [dreg:$0x14]  }
0x141: {  	[hbm4b:s6+s3] =	stream.linear.scatter [tilespmem:s7], [sflag:$0x9], $0x4000, $0x38;
	[tilespmem:$0x18000] =	vst v63  }
0x142: {  	_ =	swait.ge [sflag:s1], $0x4000  }
0x143: {  	[sflag:s1] =	ssyncset.done $0x0  }
0x144: {  	s9 =	sand.u32 $0x2000, s3;
	s10 =	sand.u32 $0x380, s3;
	[sflag:s1] =	ssyncadd.s32 $0xFFFFC000  }
0x145: {  	s6 =	sor.u32 s10, s9;
	s3 =	sand.u32 $0x1C00, s3;
	_ =	swait.ge [sflag:s22], $0x4000  }
0x146: {  	s7 =	sor.u32 $0x14000, s6;
	s8 =	sor.u32 $0x70, s3;
	[sflag:s22] =	ssyncset.done $0x0  }
0x147: {  	s9 =	sor.u32 s8, s7;
	[sflag:s22] =	ssyncadd.s32 $0xFFFFC000  }
0x148: {  	s11 =	sor.u32 $0x10, s3;
	s13 =	sor.u32 s3, s7;
	v1 =	vld [tilespmem:s9+$0x0]  }
0x149: {  	s14 =	sor.u32 $0x20, s3;
	s17 =	sor.u32 s11, s7;
	v5 =	vld [tilespmem:s13+$0x0]  }
0x14a: {  	s19 =	sor.u32 $0x30, s3;
	s18 =	sor.u32 s14, s7;
	v6 =	vld [tilespmem:s17+$0x0]  }
0x14b: {  	s20 =	sor.u32 $0x40, s3;
	s21 =	sor.u32 s19, s7;
	v0 =	vld [tilespmem:s18+$0x0]  }
0x14c: {  	s16 =	sor.u32 $0x50, s3;
	s24 =	sor.u32 s20, s7;
	v2 =	vld [tilespmem:s21+$0x0]  }
0x14d: {  	s15 =	sor.u32 $0xC000, s6;
	s28 =	sor.u32 s16, s7;
	v3 =	vld [tilespmem:s24+$0x0]  }
0x14e: {  	s25 =	sor.u32 $0x60, s3;
	s6 =	sor.u32 s8, s15;
	v4 =	vld [tilespmem:s28+$0x0]  }
0x14f: {  	s7 =	sor.u32 s25, s7;
	s3 =	sor.u32 s3, s15;
	s14 =	sor.u32 s14, s15;
	[tilespmem:s6+$0x0] =	vst.add.f32.msk $0xffff, v1  }
0x150: {  	s12 =	sor.u32 s20, s15;
	s10 =	sor.u32 s25, s15;
	s8 =	simm.s32 $0x10;
	v1 =	vld [tilespmem:s7+$0x0]  }
0x151: {  	s9 =	sor.u32 s11, s15;
	s13 =	sor.u32 s19, s15;
	s11 =	sor.u32 s16, s15;
	[tilespmem:s3+$0x0] =	vst.add.f32.msk $0xffff, v5  }
0x152: {  	s6 =	simm.s32 $0x0;
	[tilespmem:s9+$0x0] =	vst.add.f32.msk $0xffff, v6;
	s7 =	simm.s32 $0x400;
	s9 =	simm.s32 $0x80  }
.LBB2_16:
0x153: {  	s3 =	sand.u32 $0x2000, s9;
	s15 =	sand.u32 $0x380, s8;
	s6 =	sadd.s32 $0x8, s6;
	[tilespmem:s14+$0x0] =	vst.add.f32.msk $0xffff, v0  }
0x154: {  	s14 =	sand.u32 $0x1C00, s7;
	s3 =	sor.u32 s15, s3;
	p0 =	slt.u32 s6, $0x3F8;
	[tilespmem:s13+$0x0] =	vst.add.f32.msk $0xffff, v2  }
0x155: {  	s15 =	sor.u32 $0x10, s14;
	s16 =	sor.u32 $0x70, s14;
	s13 =	sor.u32 $0x14000, s3;
	[tilespmem:s12+$0x0] =	vst.add.f32.msk $0xffff, v3  }
0x156: {  	s17 =	sor.u32 $0x30, s14;
	s12 =	sor.u32 $0x20, s14;
	s18 =	sor.u32 s16, s13;
	[tilespmem:s11+$0x0] =	vst.add.f32.msk $0xffff, v4  }
0x157: {  	s19 =	sor.u32 $0x50, s14;
	s20 =	sor.u32 $0x60, s14;
	s11 =	sor.u32 $0x40, s14;
	v2 =	vld [tilespmem:s18+$0x0]  }
0x158: {  	s21 =	sor.u32 s15, s13;
	s24 =	sor.u32 s12, s13;
	s18 =	sor.u32 s14, s13;
	[tilespmem:s10+$0x0] =	vst.add.f32.msk $0xffff, v1  }
0x159: {  	s25 =	sor.u32 s19, s13;
	s10 =	sor.u32 s17, s13;
	v5 =	vld [tilespmem:s18+$0x0];
	s18 =	sor.u32 s11, s13  }
0x15a: {  	s3 =	sor.u32 $0xC000, s3;
	v6 =	vld [tilespmem:s21+$0x0];
	s21 =	sor.u32 s20, s13  }
0x15b: {  	s28 =	sor.u32 s14, s3;
	s15 =	sor.u32 s15, s3;
	s16 =	sor.u32 s16, s3;
	v0 =	vld [tilespmem:s24+$0x0]  }
0x15c: {  	s14 =	sor.u32 s12, s3;
	s12 =	sor.u32 s11, s3;
	s13 =	sor.u32 s17, s3;
	[tilespmem:s16+$0x0] =	vst.add.f32.msk $0xffff, v2  }
0x15d: {  	s11 =	sor.u32 s19, s3;
	v2 =	vld [tilespmem:s10+$0x0];
	s10 =	sor.u32 s20, s3  }
.Ltmp7:
0x15e: {  	v3 =	vld [tilespmem:s18+$0x0];
	(pc) =	sbr.rel @p0 .LBB2_16-.Ltmp7, $4  }
0x15f: {  	v4 =	vld [tilespmem:s25+$0x0]  }
0x160: {  	v1 =	vld [tilespmem:s21+$0x0]  }
0x161: {  	[tilespmem:s28+$0x0] =	vst.add.f32.msk $0xffff, v5  }
0x162: {  	s7 =	sadd.s32 $0x400, s7;
	s8 =	sadd.s32 $0x10, s8;
	s9 =	sadd.s32 $0x80, s9;
	[tilespmem:s15+$0x0] =	vst.add.f32.msk $0xffff, v6  }
0x163: {  	[tilespmem:s14+$0x0] =	vst.add.f32.msk $0xffff, v0  }
0x164: {  	[tilespmem:s13+$0x0] =	vst.add.f32.msk $0xffff, v2  }
0x165: {  	[tilespmem:s12+$0x0] =	vst.add.f32.msk $0xffff, v3  }
0x166: {  	[tilespmem:s11+$0x0] =	vst.add.f32.msk $0xffff, v4  }
0x167: {  	[tilespmem:s10+$0x0] =	vst.add.f32.msk $0xffff, v1  }
0x168: {  	s6 =	simm.s32 $0xC000;
	s3 =	rddreg [dreg:$0x15]  }
0x169: {  	[hbm4b:s3+s2] =	stream.linear.scatter [tilespmem:s6], [sflag:$0xA], $0x4000, $0x38;
	[tilespmem:$0x18000] =	vst v63  }
0x16a: {  	_ =	swait.ge [sflag:s23], $0x4000  }
0x16b: {  	[sflag:s23] =	ssyncset.done $0x0  }
0x16c: {  	[sflag:s23] =	ssyncadd.s32 $0xFFFFC000  }
0x16d: {  	_ =	swait.ge [sflag:s4], $0x4000  }
0x16e: {  	s5 =	sadd.s32 $0x1, s5;
	s28 =	rddreg [dreg:$0x16]  }
0x16f: {  	p0 =	sne.s32 s5, s28  }
.Ltmp8:
0x170: {  	_ = 	snop;
	(pc) =	sbr.rel @p0 .LBB2_1-.Ltmp8, $3  }
0x171: {  	_ =	sdelay $0x1  }
0x172: {  	[sflag:s4] =	ssyncset.done $0x0  }
0x173: {  	[sflag:s4] =	ssyncadd.s32 $0xFFFFC000  }
0x174: {  	_ =	sfence.sel $0x180000  }
0x175: {  	[bflag:$0x0] =	sbarrier.arrive $0xFFFF  }
0x176: {  	_ =	strace $0x90000047  }
0x177: {  	s0 =	stileid.u32;
	[bflag:$0x2] =	sbarrier.arrive $0xFFFF  }
0x178: {  	p0 =	sne.s32 s0, $0x0;
	s0 =	rddreg [dreg:$0x3]  }
0x179: {  	s0 =	sadd.s32 @!p0 $0x100000, s0  }
0x17a: {  	[sflag:s0] =	ssyncadd.tile.s32 @!p0 $0x1;
	_ =	shalt  }
.Lfunc_end2:
_tile_overlayer_lowered:
.L_overlay_start_2:
0x17b: {  	(tag) =	ssettag $0x2  }
0x17c: {  	s0 =	rddreg [dreg:$0x0];
	s2 =	stileid.u32  }
0x17d: {  	s1 =	rddreg [dreg:$0x1];
	p0 =	sne.s32 s2, $0x0  }
0x17e: {  	s3 =	rddreg [dreg:$0x2];
	[bflag:$0x3] =	sbarrier.arrive $0xFFFF;
	s2 =	simm.s32 @!p0 $0x1C0B  }
0x17f: {  	[timem:s3], [sflag:s2] =	dma.local @!p0 [hbm:s0], s1  }
0x180: {  	s0 =	simm.s32 @!p0 $0xB  }
0x181: {  	_ =	swait.ge @!p0 [sflag:s0], s1  }
0x182: {  	s1 =	ssub.s32 @!p0 $0x0, s1;
	[sflag:s0] =	ssyncset.done @!p0 $0x0  }
0x183: {  	[sflag:s0] =	ssyncadd.s32 @!p0 s1  }
0x184: {  	[bflag:$0x3] =	sbarrier.arrive $0xFFFF  }
0x185: {  	_ =	shalt  }

</sc_bundles>
